<compile_context>
chip_gen: v7x
topology: tpu7x:2x2x1
jax: 0.10.2.dev20260603
libtpu: 0.0.44.dev20260713+nightly
codegen_flags: <defaults>
</compile_context>

<pallas_src>
import functools

import jax
import jax.numpy as jnp
from jax import lax
from jax.experimental import pallas as pl
from jax.experimental.pallas import tpu as pltpu
from jax.experimental.pallas import tpu_sc as plsc

_EPS = 1e-12
_BIG_I32 = 2**31 - 1

_Q_SC = 2304
_NW = 32


def _safe_div(a, b):
    b_safe = jnp.where(jnp.abs(b) < _EPS, jnp.where(b < 0, -_EPS, _EPS), b)
    return a / b_safe


def _ericson(px, py, pz, ax, ay, az, bx, by, bz, cx, cy, cz):
    abx = bx - ax
    aby = by - ay
    abz = bz - az
    acx = cx - ax
    acy = cy - ay
    acz = cz - az

    apx = px - ax
    apy = py - ay
    apz = pz - az
    d1 = abx * apx + aby * apy + abz * apz
    d2 = acx * apx + acy * apy + acz * apz

    bpx = px - bx
    bpy = py - by
    bpz = pz - bz
    d3 = abx * bpx + aby * bpy + abz * bpz
    d4 = acx * bpx + acy * bpy + acz * bpz

    cpx = px - cx
    cpy = py - cy
    cpz = pz - cz
    d5 = abx * cpx + aby * cpy + abz * cpz
    d6 = acx * cpx + acy * cpy + acz * cpz

    vc = d1 * d4 - d3 * d2
    vb = d5 * d2 - d1 * d6
    va = d3 * d6 - d5 * d4

    v_ab = _safe_div(d1, d1 - d3)
    w_ac = _safe_div(d2, d2 - d6)
    w_bc = _safe_div(d4 - d3, (d4 - d3) + (d5 - d6))
    denom = _safe_div(jnp.ones_like(va), va + vb + vc)
    v_in = vb * denom
    w_in = vc * denom

    cond_a = (d1 <= 0) & (d2 <= 0)
    cond_b = (d3 >= 0) & (d4 <= d3)
    cond_ab = (vc <= 0) & (d1 >= 0) & (d3 <= 0)
    cond_c = (d6 >= 0) & (d5 <= d6)
    cond_ac = (vb <= 0) & (d2 >= 0) & (d6 <= 0)
    cond_bc = (va <= 0) & ((d4 - d3) >= 0) & ((d5 - d6) >= 0)

    u = 1.0 - v_in - w_in
    v = v_in
    w = w_in

    zero = jnp.zeros_like(u)
    one = jnp.ones_like(u)
    u = jnp.where(cond_bc, zero, u)
    v = jnp.where(cond_bc, 1.0 - w_bc, v)
    w = jnp.where(cond_bc, w_bc, w)
    u = jnp.where(cond_ac, 1.0 - w_ac, u)
    v = jnp.where(cond_ac, zero, v)
    w = jnp.where(cond_ac, w_ac, w)
    u = jnp.where(cond_c, zero, u)
    v = jnp.where(cond_c, zero, v)
    w = jnp.where(cond_c, one, w)
    u = jnp.where(cond_ab, 1.0 - v_ab, u)
    v = jnp.where(cond_ab, v_ab, v)
    w = jnp.where(cond_ab, zero, w)
    u = jnp.where(cond_b, zero, u)
    v = jnp.where(cond_b, one, v)
    w = jnp.where(cond_b, zero, w)
    u = jnp.where(cond_a, one, u)
    v = jnp.where(cond_a, zero, v)
    w = jnp.where(cond_a, zero, w)

    clx = u * ax + v * bx + w * cx
    cly = u * ay + v * by + w * cy
    clz = u * az + v * bz + w * cz
    dx = px - clx
    dy = py - cly
    dz = pz - clz
    dist = dx * dx + dy * dy + dz * dz
    return dist, u, v, w, clx, cly, clz




def _tc_kernel(tri_ref, pts_ref, d_ref, cp_ref, idx_ref, bc_ref, *, F, FT, CQ):
    px = pts_ref[:, 0:1]
    py = pts_ref[:, 1:2]
    pz = pts_ref[:, 2:3]

    best_d = jnp.full((CQ, 1), jnp.inf, jnp.float32)
    best_idx = jnp.zeros((CQ, 1), jnp.int32)
    best_u = jnp.zeros((CQ, 1), jnp.float32)
    best_v = jnp.zeros((CQ, 1), jnp.float32)
    best_w = jnp.zeros((CQ, 1), jnp.float32)
    best_cx = jnp.zeros((CQ, 1), jnp.float32)
    best_cy = jnp.zeros((CQ, 1), jnp.float32)
    best_cz = jnp.zeros((CQ, 1), jnp.float32)

    lane = lax.broadcasted_iota(jnp.int32, (1, FT), 1)

    for t in range(F // FT):
        s = slice(t * FT, (t + 1) * FT)
        dist, u, v, w, clx, cly, clz = _ericson(
            px, py, pz,
            tri_ref[0:1, s], tri_ref[1:2, s], tri_ref[2:3, s],
            tri_ref[3:4, s], tri_ref[4:5, s], tri_ref[5:6, s],
            tri_ref[6:7, s], tri_ref[7:8, s], tri_ref[8:9, s],
        )

        dmin = jnp.min(dist, axis=1, keepdims=True)
        at_min = dist == dmin
        idx_t = jnp.min(jnp.where(at_min, lane, _BIG_I32), axis=1, keepdims=True)
        sel = lane == idx_t

        def pick(val):
            return jnp.sum(jnp.where(sel, val, 0.0), axis=1, keepdims=True)

        u_t, v_t, w_t = pick(u), pick(v), pick(w)
        cx_t, cy_t, cz_t = pick(clx), pick(cly), pick(clz)

        better = dmin < best_d
        best_d = jnp.where(better, dmin, best_d)
        best_idx = jnp.where(better, idx_t + t * FT, best_idx)
        best_u = jnp.where(better, u_t, best_u)
        best_v = jnp.where(better, v_t, best_v)
        best_w = jnp.where(better, w_t, best_w)
        best_cx = jnp.where(better, cx_t, best_cx)
        best_cy = jnp.where(better, cy_t, best_cy)
        best_cz = jnp.where(better, cz_t, best_cz)

    d_ref[:, :] = best_d
    idx_ref[:, :] = best_idx
    cp_ref[:, :] = jnp.concatenate([best_cx, best_cy, best_cz], axis=1)
    bc_ref[:, :] = jnp.concatenate([best_u, best_v, best_w], axis=1)


def _tc_query(tri9, pts, CQ=256, FT=512):
    F = tri9.shape[1]
    Q = pts.shape[0]
    out_shape = [
        jax.ShapeDtypeStruct((Q, 1), jnp.float32),
        jax.ShapeDtypeStruct((Q, 3), jnp.float32),
        jax.ShapeDtypeStruct((Q, 1), jnp.int32),
        jax.ShapeDtypeStruct((Q, 3), jnp.float32),
    ]
    grid = (Q // CQ,)
    d, cp, idx, bc = pl.pallas_call(
        functools.partial(_tc_kernel, F=F, FT=FT, CQ=CQ),
        grid=grid,
        in_specs=[
            pl.BlockSpec((9, F), lambda i: (0, 0)),
            pl.BlockSpec((CQ, 3), lambda i: (i, 0)),
        ],
        out_specs=[
            pl.BlockSpec((CQ, 1), lambda i: (i, 0)),
            pl.BlockSpec((CQ, 3), lambda i: (i, 0)),
            pl.BlockSpec((CQ, 1), lambda i: (i, 0)),
            pl.BlockSpec((CQ, 3), lambda i: (i, 0)),
        ],
        out_shape=out_shape,
    )(tri9, pts)
    return d[:, 0], cp, idx[:, 0], bc




def _take16(x, perm):
    return lax.gather(
        x, perm[:, None],
        dimension_numbers=lax.GatherDimensionNumbers(
            offset_dims=(), collapsed_slice_dims=(0,), start_index_map=(0,)),
        slice_sizes=(1,),
        mode=lax.GatherScatterMode.PROMISE_IN_BOUNDS,
    )


def _sc_body(tri_hbm, px_hbm, py_hbm, pz_hbm,
             d_hbm, i_hbm, u_hbm, v_hbm, w_hbm, cx_hbm, cy_hbm, cz_hbm,
             tri_v, px_v, py_v, pz_v,
             do_v, io_v, uo_v, vo_v, wo_v, cxo_v, cyo_v, czo_v,
             *, F, CH):
    wid = lax.axis_index("s") * 2 + lax.axis_index("c")
    base = wid * CH

    pltpu.sync_copy(tri_hbm, tri_v)
    pltpu.sync_copy(px_hbm.at[pl.ds(base, CH)], px_v)
    pltpu.sync_copy(py_hbm.at[pl.ds(base, CH)], py_v)
    pltpu.sync_copy(pz_hbm.at[pl.ds(base, CH)], pz_v)

    lane = lax.iota(jnp.int32, 16)

    def point_body(i, carry):
        iv = jnp.full((16,), i, jnp.int32)
        px = plsc.load_gather(px_v, [iv])
        py = plsc.load_gather(py_v, [iv])
        pz = plsc.load_gather(pz_v, [iv])

        init = (
            jnp.full((16,), jnp.inf, jnp.float32),
            jnp.zeros((16,), jnp.int32),
            jnp.zeros((16,), jnp.float32),
            jnp.zeros((16,), jnp.float32),
            jnp.zeros((16,), jnp.float32),
            jnp.zeros((16,), jnp.float32),
            jnp.zeros((16,), jnp.float32),
            jnp.zeros((16,), jnp.float32),
        )

        def tri_body(t, c):
            bd, bi, bu, bv, bw, bx_, by_, bz_ = c
            o = t * 16
            dist, u, v, w, clx, cly, clz = _ericson(
                px, py, pz,
                tri_v[pl.ds(o, 16)],
                tri_v[pl.ds(F + o, 16)],
                tri_v[pl.ds(2 * F + o, 16)],
                tri_v[pl.ds(3 * F + o, 16)],
                tri_v[pl.ds(4 * F + o, 16)],
                tri_v[pl.ds(5 * F + o, 16)],
                tri_v[pl.ds(6 * F + o, 16)],
                tri_v[pl.ds(7 * F + o, 16)],
                tri_v[pl.ds(8 * F + o, 16)],
            )
            tidx = lane + o
            better = dist < bd
            return (
                jnp.where(better, dist, bd),
                jnp.where(better, tidx, bi),
                jnp.where(better, u, bu),
                jnp.where(better, v, bv),
                jnp.where(better, w, bw),
                jnp.where(better, clx, bx_),
                jnp.where(better, cly, by_),
                jnp.where(better, clz, bz_),
            )

        bd, bi, bu, bv, bw, bcx, bcy, bcz = lax.fori_loop(
            0, F // 16, tri_body, init)

        for s in (8, 4, 2, 1):
            perm = lane ^ s
            d2 = _take16(bd, perm)
            i2 = _take16(bi, perm)
            u2 = _take16(bu, perm)
            v2 = _take16(bv, perm)
            w2 = _take16(bw, perm)
            x2 = _take16(bcx, perm)
            y2 = _take16(bcy, perm)
            z2 = _take16(bcz, perm)
            better = (d2 < bd) | ((d2 == bd) & (i2 < bi))
            bd = jnp.where(better, d2, bd)
            bi = jnp.where(better, i2, bi)
            bu = jnp.where(better, u2, bu)
            bv = jnp.where(better, v2, bv)
            bw = jnp.where(better, w2, bw)
            bcx = jnp.where(better, x2, bcx)
            bcy = jnp.where(better, y2, bcy)
            bcz = jnp.where(better, z2, bcz)

        lane0 = lane == jnp.zeros((16,), jnp.int32)
        plsc.store_scatter(do_v, [iv], bd, mask=lane0)
        plsc.store_scatter(io_v, [iv], bi, mask=lane0)
        plsc.store_scatter(uo_v, [iv], bu, mask=lane0)
        plsc.store_scatter(vo_v, [iv], bv, mask=lane0)
        plsc.store_scatter(wo_v, [iv], bw, mask=lane0)
        plsc.store_scatter(cxo_v, [iv], bcx, mask=lane0)
        plsc.store_scatter(cyo_v, [iv], bcy, mask=lane0)
        plsc.store_scatter(czo_v, [iv], bcz, mask=lane0)
        return carry

    lax.fori_loop(0, CH, point_body, 0)

    pltpu.sync_copy(do_v, d_hbm.at[pl.ds(base, CH)])
    pltpu.sync_copy(io_v, i_hbm.at[pl.ds(base, CH)])
    pltpu.sync_copy(uo_v, u_hbm.at[pl.ds(base, CH)])
    pltpu.sync_copy(vo_v, v_hbm.at[pl.ds(base, CH)])
    pltpu.sync_copy(wo_v, w_hbm.at[pl.ds(base, CH)])
    pltpu.sync_copy(cxo_v, cx_hbm.at[pl.ds(base, CH)])
    pltpu.sync_copy(cyo_v, cy_hbm.at[pl.ds(base, CH)])
    pltpu.sync_copy(czo_v, cz_hbm.at[pl.ds(base, CH)])


def _sc_query(tri9, pts):
    F = tri9.shape[1]
    Q = pts.shape[0]
    CH = Q // _NW
    tri_flat = tri9.reshape(9 * F)
    px, py, pz = pts[:, 0], pts[:, 1], pts[:, 2]

    f32 = jnp.float32
    call = pl.kernel(
        functools.partial(_sc_body, F=F, CH=CH),
        out_type=[
            jax.ShapeDtypeStruct((Q,), f32),
            jax.ShapeDtypeStruct((Q,), jnp.int32),
            jax.ShapeDtypeStruct((Q,), f32),
            jax.ShapeDtypeStruct((Q,), f32),
            jax.ShapeDtypeStruct((Q,), f32),
            jax.ShapeDtypeStruct((Q,), f32),
            jax.ShapeDtypeStruct((Q,), f32),
            jax.ShapeDtypeStruct((Q,), f32),
        ],
        mesh=plsc.VectorSubcoreMesh(core_axis_name="c", subcore_axis_name="s", num_cores=2),
        compiler_params=pltpu.CompilerParams(needs_layout_passes=False),
        scratch_types=[
            pltpu.VMEM((9 * F,), f32),
            pltpu.VMEM((CH,), f32),
            pltpu.VMEM((CH,), f32),
            pltpu.VMEM((CH,), f32),
            pltpu.VMEM((CH,), f32),
            pltpu.VMEM((CH,), jnp.int32),
            pltpu.VMEM((CH,), f32),
            pltpu.VMEM((CH,), f32),
            pltpu.VMEM((CH,), f32),
            pltpu.VMEM((CH,), f32),
            pltpu.VMEM((CH,), f32),
            pltpu.VMEM((CH,), f32),
        ],
    )
    d, idx, u, v, w, cx, cy, cz = call(tri_flat, px, py, pz)
    cp = jnp.stack([cx, cy, cz], axis=1)
    bc = jnp.stack([u, v, w], axis=1)
    return d, cp, idx, bc




def _query_one(tris, pts):
    F = tris.shape[0]
    Q = pts.shape[0]
    tri9 = tris.reshape(F, 9).T

    q_sc = _Q_SC if Q - _Q_SC >= 256 else 0
    q_tc = Q - q_sc
    if q_sc == 0:
        return _tc_query(tri9, pts)
    d_sc, cp_sc, idx_sc, bc_sc = _sc_query(tri9, pts[q_tc:])
    d_tc, cp_tc, idx_tc, bc_tc = _tc_query(tri9, pts[:q_tc])
    d = jnp.concatenate([d_tc, d_sc])
    cp = jnp.concatenate([cp_tc, cp_sc])
    idx = jnp.concatenate([idx_tc, idx_sc])
    bc = jnp.concatenate([bc_tc, bc_sc])
    return d, cp, idx, bc


def kernel(triangles, points):
    B = triangles.shape[0]
    ds, cps, idxs, bcs = [], [], [], []
    for b in range(B):
        d, cp, idx, bc = _query_one(triangles[b], points[b])
        ds.append(d)
        cps.append(cp)
        idxs.append(idx)
        bcs.append(bc)
    distances = jnp.stack(ds)
    closest_points = jnp.stack(cps)
    closest_faces = jnp.stack(idxs).astype(jnp.int64)
    closest_bcs = jnp.stack(bcs)
    return distances, closest_points, closest_faces, closest_bcs

# --- scband reference (transcript-rebuilt; emitter-appended) ---
"""Pipeline reference for scband-bvh-11751030522280 (READ-ONLY COPY).

The authoritative reference and input builder live on the scoring server;
editing this copy changes nothing except your own understanding.
"""

import jax, jax.numpy as jnp
import numpy as np


def _safe_div(a, b):
    eps = 1e-12
    b_safe = jnp.where(jnp.abs(b) < eps, jnp.where(b < 0, -eps, eps), b)
    return a / b_safe


def _point_triangle(p, a, b, c):
    # p: [Cq,1,3], a/b/c: [1,F,3]. Ericson closest-point-on-triangle.
    ab = b - a
    ac = c - a
    ap = p - a
    d1 = jnp.sum(ab * ap, -1)
    d2 = jnp.sum(ac * ap, -1)
    bp = p - b
    d3 = jnp.sum(ab * bp, -1)
    d4 = jnp.sum(ac * bp, -1)
    cp_ = p - c
    d5 = jnp.sum(ab * cp_, -1)
    d6 = jnp.sum(ac * cp_, -1)
    vc = d1 * d4 - d3 * d2
    vb = d5 * d2 - d1 * d6
    va = d3 * d6 - d5 * d4

    v_ab = _safe_div(d1, d1 - d3)
    w_ac = _safe_div(d2, d2 - d6)
    w_bc = _safe_div(d4 - d3, (d4 - d3) + (d5 - d6))
    denom = _safe_div(jnp.ones_like(va), va + vb + vc)
    v_in = vb * denom
    w_in = vc * denom

    cond_a = (d1 <= 0) & (d2 <= 0)
    cond_b = (d3 >= 0) & (d4 <= d3)
    cond_ab = (vc <= 0) & (d1 >= 0) & (d3 <= 0)
    cond_c = (d6 >= 0) & (d5 <= d6)
    cond_ac = (vb <= 0) & (d2 >= 0) & (d6 <= 0)
    cond_bc = (va <= 0) & ((d4 - d3) >= 0) & ((d5 - d6) >= 0)

    # default: interior of triangle
    u = 1.0 - v_in - w_in
    v = v_in
    w = w_in

    def sel(cond, uu, vv, ww, u, v, w):
        return (jnp.where(cond, uu, u), jnp.where(cond, vv, v), jnp.where(cond, ww, w))

    # apply in reverse priority so earlier regions override later ones
    u, v, w = sel(cond_bc, jnp.zeros_like(u), 1.0 - w_bc, w_bc, u, v, w)
    u, v, w = sel(cond_ac, 1.0 - w_ac, jnp.zeros_like(u), w_ac, u, v, w)
    u, v, w = sel(cond_c, 0.0, 0.0, 1.0, u, v, w)
    u, v, w = sel(cond_ab, 1.0 - v_ab, v_ab, jnp.zeros_like(u), u, v, w)
    u, v, w = sel(cond_b, 0.0, 1.0, 0.0, u, v, w)
    u, v, w = sel(cond_a, 1.0, 0.0, 0.0, u, v, w)

    closest = u[..., None] * a + v[..., None] * b + w[..., None] * c
    diff = p - closest
    dist = jnp.sum(diff * diff, -1)
    bc = jnp.stack([u, v, w], -1)
    return dist, closest, bc


def _query_one_batch(tris, pts, chunk=256):
    # tris: [F,3,3], pts: [Q,3]
    a = tris[:, 0][None]
    b = tris[:, 1][None]
    c = tris[:, 2][None]
    Q = pts.shape[0]
    F = tris.shape[0]
    pts_ch = pts.reshape(Q // chunk, chunk, 3)

    def body(pc):
        d, cpnt, bc = _point_triangle(pc[:, None, :], a, b, c)  # [Cq,F], [Cq,F,3], [Cq,F,3]
        idx = jnp.argmin(d, axis=1)
        dmin = jnp.take_along_axis(d, idx[:, None], axis=1)[:, 0]
        idx3 = jnp.broadcast_to(idx[:, None, None], (idx.shape[0], 1, 3))
        cp_min = jnp.take_along_axis(cpnt, idx3, axis=1)[:, 0]
        bc_min = jnp.take_along_axis(bc, idx3, axis=1)[:, 0]
        return dmin, cp_min, idx, bc_min

    d, cp, idx, bc = jax.lax.map(body, pts_ch)
    return d.reshape(Q), cp.reshape(Q, 3), idx.reshape(Q).astype(jnp.int64), bc.reshape(Q, 3)


def setup_inputs(seed: int = 0) -> dict:
    key = jax.random.key(seed)
    k1, k2 = jax.random.split(key)
    B, F, Q = 1, 4096, 8192
    triangles = jax.random.normal(k1, (B, F, 3, 3), dtype=jnp.float32)
    points = jax.random.normal(k2, (B, Q, 3), dtype=jnp.float32)
    return {"triangles": triangles, "points": points}


def reference(triangles, points):
    # Brute-force exact nearest-triangle query (same math/outputs as the BVH CUDA kernel):
    # returns (squared distances [B,Q], closest points [B,Q,3],
    #          closest face indices [B,Q], barycentric coords [B,Q,3])
    distances, closest_points, closest_faces, closest_bcs = jax.vmap(
        lambda t, p: _query_one_batch(t, p)
    )(triangles, points)
    return distances, closest_points, closest_faces, closest_bcs

if __name__ == "__main__":
    import jax
    _d = setup_inputs()
    print(jax.jit(kernel)(*tuple(_d.values())))

</pallas_src>

<mosaic_0001>
#map = affine_map<(d0, d1) -> (0)>
module attributes {stable_mosaic.version = 14 : i64} {
  func.func @_sc_body(%arg0: i32, %arg1: i32, %arg2: memref<36864xf32, #tpu.memory_space<hbm>>, %arg3: memref<2304xf32, #tpu.memory_space<hbm>>, %arg4: memref<2304xf32, #tpu.memory_space<hbm>>, %arg5: memref<2304xf32, #tpu.memory_space<hbm>>, %arg6: memref<2304xf32, #tpu.memory_space<hbm>>, %arg7: memref<2304xi32, #tpu.memory_space<hbm>>, %arg8: memref<2304xf32, #tpu.memory_space<hbm>>, %arg9: memref<2304xf32, #tpu.memory_space<hbm>>, %arg10: memref<2304xf32, #tpu.memory_space<hbm>>, %arg11: memref<2304xf32, #tpu.memory_space<hbm>>, %arg12: memref<2304xf32, #tpu.memory_space<hbm>>, %arg13: memref<2304xf32, #tpu.memory_space<hbm>>, %arg14: memref<36864xf32, #tpu.memory_space<vmem>>, %arg15: memref<72xf32, #tpu.memory_space<vmem>>, %arg16: memref<72xf32, #tpu.memory_space<vmem>>, %arg17: memref<72xf32, #tpu.memory_space<vmem>>, %arg18: memref<72xf32, #tpu.memory_space<vmem>>, %arg19: memref<72xi32, #tpu.memory_space<vmem>>, %arg20: memref<72xf32, #tpu.memory_space<vmem>>, %arg21: memref<72xf32, #tpu.memory_space<vmem>>, %arg22: memref<72xf32, #tpu.memory_space<vmem>>, %arg23: memref<72xf32, #tpu.memory_space<vmem>>, %arg24: memref<72xf32, #tpu.memory_space<vmem>>, %arg25: memref<72xf32, #tpu.memory_space<vmem>>) attributes {dimension_semantics = [#tpu.dimension_semantics<core_parallel>, #tpu.dimension_semantics<subcore_parallel>], iteration_bounds = array<i64: 2, 16>, scalar_prefetch = 0 : i64, scratch_operands = 12 : i64, tpu.core_type = #tpu.core_type<sc_vector_subcore>, window_params = [{transform_indices = #map}, {transform_indices = #map}, {transform_indices = #map}, {transform_indices = #map}, {transform_indices = #map}, {transform_indices = #map}, {transform_indices = #map}, {transform_indices = #map}, {transform_indices = #map}, {transform_indices = #map}, {transform_indices = #map}, {transform_indices = #map}]} {
    %mul3A = arith.constant 2 : i32
    %mul3A_0 = arith.muli %arg1, %mul3A : i32
    %add3A = arith.addi %mul3A_0, %arg0 : i32
    %mul3A_1 = arith.constant 72 : i32
    %mul3A_2 = arith.muli %add3A, %mul3A_1 : i32
    "tpu.region"() ({
      %run_scoped3A = tpu.sem_alloc : memref<!tpu.dma_semaphore, #tpu.memory_space<semaphore_mem>>
      tpu.enqueue_dma source(%arg2 : memref<36864xf32, #tpu.memory_space<hbm>>) target(%arg14 : memref<36864xf32, #tpu.memory_space<vmem>>) target_semaphore(%run_scoped3A : memref<!tpu.dma_semaphore, #tpu.memory_space<semaphore_mem>>)
      tpu.wait_dma2 semaphore(%run_scoped3A : memref<!tpu.dma_semaphore, #tpu.memory_space<semaphore_mem>>) src(%arg2 : memref<36864xf32, #tpu.memory_space<hbm>>) dst(%arg14 : memref<36864xf32, #tpu.memory_space<vmem>>)
      tpu.yield
    }) : () -> ()
    "tpu.region"() ({
      %run_scoped3A = tpu.sem_alloc : memref<!tpu.dma_semaphore, #tpu.memory_space<semaphore_mem>>
      %dma_start3A = tpu.memref_slice %arg3[%mul3A_2] : memref<2304xf32, #tpu.memory_space<hbm>> -> memref<72xf32, #tpu.memory_space<hbm>>
      %dma_start3A_8 = tpu.memref_slice %arg3[%mul3A_2] : memref<2304xf32, #tpu.memory_space<hbm>> -> memref<72xf32, #tpu.memory_space<hbm>>
      tpu.enqueue_dma source(%dma_start3A_8 : memref<72xf32, #tpu.memory_space<hbm>>) target(%arg15 : memref<72xf32, #tpu.memory_space<vmem>>) target_semaphore(%run_scoped3A : memref<!tpu.dma_semaphore, #tpu.memory_space<semaphore_mem>>)
      %dma_wait3A = tpu.memref_slice %arg3[%mul3A_2] : memref<2304xf32, #tpu.memory_space<hbm>> -> memref<72xf32, #tpu.memory_space<hbm>>
      %dma_wait3A_9 = tpu.memref_slice %arg3[%mul3A_2] : memref<2304xf32, #tpu.memory_space<hbm>> -> memref<72xf32, #tpu.memory_space<hbm>>
      tpu.wait_dma2 semaphore(%run_scoped3A : memref<!tpu.dma_semaphore, #tpu.memory_space<semaphore_mem>>) src(%dma_wait3A_9 : memref<72xf32, #tpu.memory_space<hbm>>) dst(%arg15 : memref<72xf32, #tpu.memory_space<vmem>>)
      tpu.yield
    }) : () -> ()
    "tpu.region"() ({
      %run_scoped3A = tpu.sem_alloc : memref<!tpu.dma_semaphore, #tpu.memory_space<semaphore_mem>>
      %dma_start3A = tpu.memref_slice %arg4[%mul3A_2] : memref<2304xf32, #tpu.memory_space<hbm>> -> memref<72xf32, #tpu.memory_space<hbm>>
      %dma_start3A_8 = tpu.memref_slice %arg4[%mul3A_2] : memref<2304xf32, #tpu.memory_space<hbm>> -> memref<72xf32, #tpu.memory_space<hbm>>
      tpu.enqueue_dma source(%dma_start3A_8 : memref<72xf32, #tpu.memory_space<hbm>>) target(%arg16 : memref<72xf32, #tpu.memory_space<vmem>>) target_semaphore(%run_scoped3A : memref<!tpu.dma_semaphore, #tpu.memory_space<semaphore_mem>>)
      %dma_wait3A = tpu.memref_slice %arg4[%mul3A_2] : memref<2304xf32, #tpu.memory_space<hbm>> -> memref<72xf32, #tpu.memory_space<hbm>>
      %dma_wait3A_9 = tpu.memref_slice %arg4[%mul3A_2] : memref<2304xf32, #tpu.memory_space<hbm>> -> memref<72xf32, #tpu.memory_space<hbm>>
      tpu.wait_dma2 semaphore(%run_scoped3A : memref<!tpu.dma_semaphore, #tpu.memory_space<semaphore_mem>>) src(%dma_wait3A_9 : memref<72xf32, #tpu.memory_space<hbm>>) dst(%arg16 : memref<72xf32, #tpu.memory_space<vmem>>)
      tpu.yield
    }) : () -> ()
    "tpu.region"() ({
      %run_scoped3A = tpu.sem_alloc : memref<!tpu.dma_semaphore, #tpu.memory_space<semaphore_mem>>
      %dma_start3A = tpu.memref_slice %arg5[%mul3A_2] : memref<2304xf32, #tpu.memory_space<hbm>> -> memref<72xf32, #tpu.memory_space<hbm>>
      %dma_start3A_8 = tpu.memref_slice %arg5[%mul3A_2] : memref<2304xf32, #tpu.memory_space<hbm>> -> memref<72xf32, #tpu.memory_space<hbm>>
      tpu.enqueue_dma source(%dma_start3A_8 : memref<72xf32, #tpu.memory_space<hbm>>) target(%arg17 : memref<72xf32, #tpu.memory_space<vmem>>) target_semaphore(%run_scoped3A : memref<!tpu.dma_semaphore, #tpu.memory_space<semaphore_mem>>)
      %dma_wait3A = tpu.memref_slice %arg5[%mul3A_2] : memref<2304xf32, #tpu.memory_space<hbm>> -> memref<72xf32, #tpu.memory_space<hbm>>
      %dma_wait3A_9 = tpu.memref_slice %arg5[%mul3A_2] : memref<2304xf32, #tpu.memory_space<hbm>> -> memref<72xf32, #tpu.memory_space<hbm>>
      tpu.wait_dma2 semaphore(%run_scoped3A : memref<!tpu.dma_semaphore, #tpu.memory_space<semaphore_mem>>) src(%dma_wait3A_9 : memref<72xf32, #tpu.memory_space<hbm>>) dst(%arg17 : memref<72xf32, #tpu.memory_space<vmem>>)
      tpu.yield
    }) : () -> ()
    %iota3A = tpu.iota {dimensions = array<i32: 0>} : vector<16xi32>
    %scan3A = arith.constant 0 : i32
    %scan3A_3 = arith.constant 0 : i32
    %scan3A_4 = arith.constant 72 : i32
    %scan3A_5 = arith.addi %scan3A_3, %scan3A_4 : i32
    %scan3A_6 = arith.constant 1 : i32
    scf.for %scan3A_8 = %scan3A_3 to %scan3A_5 step %scan3A_6  : i32 {
      %broadcast_in_dim3A = vector.broadcast %scan3A_8 : i32 to vector<16xi32>
      %gather3A = tpu.vector_load_idx %arg15[%broadcast_in_dim3A] : memref<72xf32, #tpu.memory_space<vmem>>[vector<16xi32>], vector<16xf32>,
      %gather3A_9 = tpu.vector_load_idx %arg16[%broadcast_in_dim3A] : memref<72xf32, #tpu.memory_space<vmem>>[vector<16xi32>], vector<16xf32>,
      %gather3A_10 = tpu.vector_load_idx %arg17[%broadcast_in_dim3A] : memref<72xf32, #tpu.memory_space<vmem>>[vector<16xi32>], vector<16xf32>,
      %broadcast_in_dim3A_11 = arith.constant 0x7F800000 : f32
      %broadcast_in_dim3A_12 = vector.broadcast %broadcast_in_dim3A_11 : f32 to vector<16xf32>
      %broadcast_in_dim3A_13 = arith.constant 0 : i32
      %broadcast_in_dim3A_14 = vector.broadcast %broadcast_in_dim3A_13 : i32 to vector<16xi32>
      %broadcast_in_dim3A_15 = arith.constant 0.000000e+00 : f32
      %broadcast_in_dim3A_16 = vector.broadcast %broadcast_in_dim3A_15 : f32 to vector<16xf32>
      %broadcast_in_dim3A_17 = arith.constant 0.000000e+00 : f32
      %broadcast_in_dim3A_18 = vector.broadcast %broadcast_in_dim3A_17 : f32 to vector<16xf32>
      %broadcast_in_dim3A_19 = arith.constant 0.000000e+00 : f32
      %broadcast_in_dim3A_20 = vector.broadcast %broadcast_in_dim3A_19 : f32 to vector<16xf32>
      %broadcast_in_dim3A_21 = arith.constant 0.000000e+00 : f32
      %broadcast_in_dim3A_22 = vector.broadcast %broadcast_in_dim3A_21 : f32 to vector<16xf32>
      %broadcast_in_dim3A_23 = arith.constant 0.000000e+00 : f32
      %broadcast_in_dim3A_24 = vector.broadcast %broadcast_in_dim3A_23 : f32 to vector<16xf32>
      %broadcast_in_dim3A_25 = arith.constant 0.000000e+00 : f32
      %broadcast_in_dim3A_26 = vector.broadcast %broadcast_in_dim3A_25 : f32 to vector<16xf32>
      %scan3A_27 = arith.constant 0 : i32
      %scan3A_28 = arith.constant 256 : i32
      %scan3A_29 = arith.addi %scan3A_27, %scan3A_28 : i32
      %scan3A_30 = arith.constant 1 : i32
      %scan3A_31:8 = scf.for %scan3A_190 = %scan3A_27 to %scan3A_29 step %scan3A_30 iter_args(%scan3A_191 = %broadcast_in_dim3A_12, %scan3A_192 = %broadcast_in_dim3A_14, %scan3A_193 = %broadcast_in_dim3A_16, %scan3A_194 = %broadcast_in_dim3A_18, %scan3A_195 = %broadcast_in_dim3A_20, %scan3A_196 = %broadcast_in_dim3A_22, %scan3A_197 = %broadcast_in_dim3A_24, %scan3A_198 = %broadcast_in_dim3A_26) -> (vector<16xf32>, vector<16xi32>, vector<16xf32>, vector<16xf32>, vector<16xf32>, vector<16xf32>, vector<16xf32>, vector<16xf32>)  : i32 {
        %mul3A_199 = arith.constant 16 : i32
        %mul3A_200 = arith.muli %scan3A_190, %mul3A_199 : i32
        %get3A = arith.index_cast %mul3A_200 : i32 to index
        %get3A_201 = tpu.vector_load %arg14[%get3A] {strides = array<i32>} : memref<36864xf32, #tpu.memory_space<vmem>>, vector<16xf32>,
        %add3A_202 = arith.constant 4096 : i32
        %add3A_203 = arith.addi %add3A_202, %mul3A_200 : i32
        %get3A_204 = arith.index_cast %add3A_203 : i32 to index
        %get3A_205 = tpu.vector_load %arg14[%get3A_204] {strides = array<i32>} : memref<36864xf32, #tpu.memory_space<vmem>>, vector<16xf32>,
        %add3A_206 = arith.constant 8192 : i32
        %add3A_207 = arith.addi %add3A_206, %mul3A_200 : i32
        %get3A_208 = arith.index_cast %add3A_207 : i32 to index
        %get3A_209 = tpu.vector_load %arg14[%get3A_208] {strides = array<i32>} : memref<36864xf32, #tpu.memory_space<vmem>>, vector<16xf32>,
        %add3A_210 = arith.constant 12288 : i32
        %add3A_211 = arith.addi %add3A_210, %mul3A_200 : i32
        %get3A_212 = arith.index_cast %add3A_211 : i32 to index
        %get3A_213 = tpu.vector_load %arg14[%get3A_212] {strides = array<i32>} : memref<36864xf32, #tpu.memory_space<vmem>>, vector<16xf32>,
        %add3A_214 = arith.constant 16384 : i32
        %add3A_215 = arith.addi %add3A_214, %mul3A_200 : i32
        %get3A_216 = arith.index_cast %add3A_215 : i32 to index
        %get3A_217 = tpu.vector_load %arg14[%get3A_216] {strides = array<i32>} : memref<36864xf32, #tpu.memory_space<vmem>>, vector<16xf32>,
        %add3A_218 = arith.constant 20480 : i32
        %add3A_219 = arith.addi %add3A_218, %mul3A_200 : i32
        %get3A_220 = arith.index_cast %add3A_219 : i32 to index
        %get3A_221 = tpu.vector_load %arg14[%get3A_220] {strides = array<i32>} : memref<36864xf32, #tpu.memory_space<vmem>>, vector<16xf32>,
        %add3A_222 = arith.constant 24576 : i32
        %add3A_223 = arith.addi %add3A_222, %mul3A_200 : i32
        %get3A_224 = arith.index_cast %add3A_223 : i32 to index
        %get3A_225 = tpu.vector_load %arg14[%get3A_224] {strides = array<i32>} : memref<36864xf32, #tpu.memory_space<vmem>>, vector<16xf32>,
        %add3A_226 = arith.constant 28672 : i32
        %add3A_227 = arith.addi %add3A_226, %mul3A_200 : i32
        %get3A_228 = arith.index_cast %add3A_227 : i32 to index
        %get3A_229 = tpu.vector_load %arg14[%get3A_228] {strides = array<i32>} : memref<36864xf32, #tpu.memory_space<vmem>>, vector<16xf32>,
        %add3A_230 = arith.constant 32768 : i32
        %add3A_231 = arith.addi %add3A_230, %mul3A_200 : i32
        %get3A_232 = arith.index_cast %add3A_231 : i32 to index
        %get3A_233 = tpu.vector_load %arg14[%get3A_232] {strides = array<i32>} : memref<36864xf32, #tpu.memory_space<vmem>>, vector<16xf32>,
        %sub3A = arith.subf %get3A_213, %get3A_201 : vector<16xf32>
        %sub3A_234 = arith.subf %get3A_217, %get3A_205 : vector<16xf32>
        %sub3A_235 = arith.subf %get3A_221, %get3A_209 : vector<16xf32>
        %sub3A_236 = arith.subf %get3A_225, %get3A_201 : vector<16xf32>
        %sub3A_237 = arith.subf %get3A_229, %get3A_205 : vector<16xf32>
        %sub3A_238 = arith.subf %get3A_233, %get3A_209 : vector<16xf32>
        %sub3A_239 = arith.subf %gather3A, %get3A_201 : vector<16xf32>
        %sub3A_240 = arith.subf %gather3A_9, %get3A_205 : vector<16xf32>
        %sub3A_241 = arith.subf %gather3A_10, %get3A_209 : vector<16xf32>
        %mul3A_242 = arith.mulf %sub3A, %sub3A_239 : vector<16xf32>
        %mul3A_243 = arith.mulf %sub3A_234, %sub3A_240 : vector<16xf32>
        %add3A_244 = arith.addf %mul3A_242, %mul3A_243 : vector<16xf32>
        %mul3A_245 = arith.mulf %sub3A_235, %sub3A_241 : vector<16xf32>
        %add3A_246 = arith.addf %add3A_244, %mul3A_245 : vector<16xf32>
        %mul3A_247 = arith.mulf %sub3A_236, %sub3A_239 : vector<16xf32>
        %mul3A_248 = arith.mulf %sub3A_237, %sub3A_240 : vector<16xf32>
        %add3A_249 = arith.addf %mul3A_247, %mul3A_248 : vector<16xf32>
        %mul3A_250 = arith.mulf %sub3A_238, %sub3A_241 : vector<16xf32>
        %add3A_251 = arith.addf %add3A_249, %mul3A_250 : vector<16xf32>
        %sub3A_252 = arith.subf %gather3A, %get3A_213 : vector<16xf32>
        %sub3A_253 = arith.subf %gather3A_9, %get3A_217 : vector<16xf32>
        %sub3A_254 = arith.subf %gather3A_10, %get3A_221 : vector<16xf32>
        %mul3A_255 = arith.mulf %sub3A, %sub3A_252 : vector<16xf32>
        %mul3A_256 = arith.mulf %sub3A_234, %sub3A_253 : vector<16xf32>
        %add3A_257 = arith.addf %mul3A_255, %mul3A_256 : vector<16xf32>
        %mul3A_258 = arith.mulf %sub3A_235, %sub3A_254 : vector<16xf32>
        %add3A_259 = arith.addf %add3A_257, %mul3A_258 : vector<16xf32>
        %mul3A_260 = arith.mulf %sub3A_236, %sub3A_252 : vector<16xf32>
        %mul3A_261 = arith.mulf %sub3A_237, %sub3A_253 : vector<16xf32>
        %add3A_262 = arith.addf %mul3A_260, %mul3A_261 : vector<16xf32>
        %mul3A_263 = arith.mulf %sub3A_238, %sub3A_254 : vector<16xf32>
        %add3A_264 = arith.addf %add3A_262, %mul3A_263 : vector<16xf32>
        %sub3A_265 = arith.subf %gather3A, %get3A_225 : vector<16xf32>
        %sub3A_266 = arith.subf %gather3A_9, %get3A_229 : vector<16xf32>
        %sub3A_267 = arith.subf %gather3A_10, %get3A_233 : vector<16xf32>
        %mul3A_268 = arith.mulf %sub3A, %sub3A_265 : vector<16xf32>
        %mul3A_269 = arith.mulf %sub3A_234, %sub3A_266 : vector<16xf32>
        %add3A_270 = arith.addf %mul3A_268, %mul3A_269 : vector<16xf32>
        %mul3A_271 = arith.mulf %sub3A_235, %sub3A_267 : vector<16xf32>
        %add3A_272 = arith.addf %add3A_270, %mul3A_271 : vector<16xf32>
        %mul3A_273 = arith.mulf %sub3A_236, %sub3A_265 : vector<16xf32>
        %mul3A_274 = arith.mulf %sub3A_237, %sub3A_266 : vector<16xf32>
        %add3A_275 = arith.addf %mul3A_273, %mul3A_274 : vector<16xf32>
        %mul3A_276 = arith.mulf %sub3A_238, %sub3A_267 : vector<16xf32>
        %add3A_277 = arith.addf %add3A_275, %mul3A_276 : vector<16xf32>
        %mul3A_278 = arith.mulf %add3A_246, %add3A_264 : vector<16xf32>
        %mul3A_279 = arith.mulf %add3A_259, %add3A_251 : vector<16xf32>
        %sub3A_280 = arith.subf %mul3A_278, %mul3A_279 : vector<16xf32>
        %mul3A_281 = arith.mulf %add3A_272, %add3A_251 : vector<16xf32>
        %mul3A_282 = arith.mulf %add3A_246, %add3A_277 : vector<16xf32>
        %sub3A_283 = arith.subf %mul3A_281, %mul3A_282 : vector<16xf32>
        %mul3A_284 = arith.mulf %add3A_259, %add3A_277 : vector<16xf32>
        %mul3A_285 = arith.mulf %add3A_272, %add3A_264 : vector<16xf32>
        %sub3A_286 = arith.subf %mul3A_284, %mul3A_285 : vector<16xf32>
        %sub3A_287 = arith.subf %add3A_246, %add3A_259 : vector<16xf32>
        %abs3A = math.absf %sub3A_287 : vector<16xf32>
        %lt3A_288 = arith.constant 9.99999996E-13 : f32
        %lt3A_289 = vector.broadcast %lt3A_288 : f32 to vector<16xf32>
        %lt3A_290 = arith.cmpf olt, %abs3A, %lt3A_289 : vector<16xf32>
        %lt3A_291 = arith.constant 0.000000e+00 : f32
        %lt3A_292 = vector.broadcast %lt3A_291 : f32 to vector<16xf32>
        %lt3A_293 = arith.cmpf olt, %sub3A_287, %lt3A_292 : vector<16xf32>
        %jit3A = arith.constant -9.99999996E-13 : f32
        %jit3A_294 = arith.constant 9.99999996E-13 : f32
        %broadcast_in_dim3A_295 = vector.broadcast %jit3A : f32 to vector<16xf32>
        %broadcast_in_dim3A_296 = vector.broadcast %jit3A_294 : f32 to vector<16xf32>
        %select_n3A_297 = arith.select %lt3A_293, %broadcast_in_dim3A_295, %broadcast_in_dim3A_296 : vector<16xi1>, vector<16xf32>
        %select_n3A_298 = arith.select %lt3A_290, %select_n3A_297, %sub3A_287 : vector<16xi1>, vector<16xf32>
        %div3A = arith.divf %add3A_246, %select_n3A_298 : vector<16xf32>
        %sub3A_299 = arith.subf %add3A_251, %add3A_277 : vector<16xf32>
        %abs3A_300 = math.absf %sub3A_299 : vector<16xf32>
        %lt3A_301 = arith.constant 9.99999996E-13 : f32
        %lt3A_302 = vector.broadcast %lt3A_301 : f32 to vector<16xf32>
        %lt3A_303 = arith.cmpf olt, %abs3A_300, %lt3A_302 : vector<16xf32>
        %lt3A_304 = arith.constant 0.000000e+00 : f32
        %lt3A_305 = vector.broadcast %lt3A_304 : f32 to vector<16xf32>
        %lt3A_306 = arith.cmpf olt, %sub3A_299, %lt3A_305 : vector<16xf32>
        %jit3A_307 = arith.constant -9.99999996E-13 : f32
        %jit3A_308 = arith.constant 9.99999996E-13 : f32
        %broadcast_in_dim3A_309 = vector.broadcast %jit3A_307 : f32 to vector<16xf32>
        %broadcast_in_dim3A_310 = vector.broadcast %jit3A_308 : f32 to vector<16xf32>
        %select_n3A_311 = arith.select %lt3A_306, %broadcast_in_dim3A_309, %broadcast_in_dim3A_310 : vector<16xi1>, vector<16xf32>
        %select_n3A_312 = arith.select %lt3A_303, %select_n3A_311, %sub3A_299 : vector<16xi1>, vector<16xf32>
        %div3A_313 = arith.divf %add3A_251, %select_n3A_312 : vector<16xf32>
        %sub3A_314 = arith.subf %add3A_264, %add3A_259 : vector<16xf32>
        %sub3A_315 = arith.subf %add3A_264, %add3A_259 : vector<16xf32>
        %sub3A_316 = arith.subf %add3A_272, %add3A_277 : vector<16xf32>
        %add3A_317 = arith.addf %sub3A_315, %sub3A_316 : vector<16xf32>
        %abs3A_318 = math.absf %add3A_317 : vector<16xf32>
        %lt3A_319 = arith.constant 9.99999996E-13 : f32
        %lt3A_320 = vector.broadcast %lt3A_319 : f32 to vector<16xf32>
        %lt3A_321 = arith.cmpf olt, %abs3A_318, %lt3A_320 : vector<16xf32>
        %lt3A_322 = arith.constant 0.000000e+00 : f32
        %lt3A_323 = vector.broadcast %lt3A_322 : f32 to vector<16xf32>
        %lt3A_324 = arith.cmpf olt, %add3A_317, %lt3A_323 : vector<16xf32>
        %jit3A_325 = arith.constant -9.99999996E-13 : f32
        %jit3A_326 = arith.constant 9.99999996E-13 : f32
        %broadcast_in_dim3A_327 = vector.broadcast %jit3A_325 : f32 to vector<16xf32>
        %broadcast_in_dim3A_328 = vector.broadcast %jit3A_326 : f32 to vector<16xf32>
        %select_n3A_329 = arith.select %lt3A_324, %broadcast_in_dim3A_327, %broadcast_in_dim3A_328 : vector<16xi1>, vector<16xf32>
        %select_n3A_330 = arith.select %lt3A_321, %select_n3A_329, %add3A_317 : vector<16xi1>, vector<16xf32>
        %div3A_331 = arith.divf %sub3A_314, %select_n3A_330 : vector<16xf32>
        %broadcast_in_dim3A_332 = arith.constant 1.000000e+00 : f32
        %broadcast_in_dim3A_333 = vector.broadcast %broadcast_in_dim3A_332 : f32 to vector<16xf32>
        %add3A_334 = arith.addf %sub3A_286, %sub3A_283 : vector<16xf32>
        %add3A_335 = arith.addf %add3A_334, %sub3A_280 : vector<16xf32>
        %abs3A_336 = math.absf %add3A_335 : vector<16xf32>
        %lt3A_337 = arith.constant 9.99999996E-13 : f32
        %lt3A_338 = vector.broadcast %lt3A_337 : f32 to vector<16xf32>
        %lt3A_339 = arith.cmpf olt, %abs3A_336, %lt3A_338 : vector<16xf32>
        %lt3A_340 = arith.constant 0.000000e+00 : f32
        %lt3A_341 = vector.broadcast %lt3A_340 : f32 to vector<16xf32>
        %lt3A_342 = arith.cmpf olt, %add3A_335, %lt3A_341 : vector<16xf32>
        %jit3A_343 = arith.constant -9.99999996E-13 : f32
        %jit3A_344 = arith.constant 9.99999996E-13 : f32
        %broadcast_in_dim3A_345 = vector.broadcast %jit3A_343 : f32 to vector<16xf32>
        %broadcast_in_dim3A_346 = vector.broadcast %jit3A_344 : f32 to vector<16xf32>
        %select_n3A_347 = arith.select %lt3A_342, %broadcast_in_dim3A_345, %broadcast_in_dim3A_346 : vector<16xi1>, vector<16xf32>
        %select_n3A_348 = arith.select %lt3A_339, %select_n3A_347, %add3A_335 : vector<16xi1>, vector<16xf32>
        %div3A_349 = arith.divf %broadcast_in_dim3A_333, %select_n3A_348 : vector<16xf32>
        %mul3A_350 = arith.mulf %sub3A_283, %div3A_349 : vector<16xf32>
        %mul3A_351 = arith.mulf %sub3A_280, %div3A_349 : vector<16xf32>
        %le3A = arith.constant 0.000000e+00 : f32
        %le3A_352 = vector.broadcast %le3A : f32 to vector<16xf32>
        %le3A_353 = arith.cmpf ole, %add3A_246, %le3A_352 : vector<16xf32>
        %le3A_354 = arith.constant 0.000000e+00 : f32
        %le3A_355 = vector.broadcast %le3A_354 : f32 to vector<16xf32>
        %le3A_356 = arith.cmpf ole, %add3A_251, %le3A_355 : vector<16xf32>
        %and3A_357 = arith.andi %le3A_353, %le3A_356 : vector<16xi1>
        %ge3A = arith.constant 0.000000e+00 : f32
        %ge3A_358 = vector.broadcast %ge3A : f32 to vector<16xf32>
        %ge3A_359 = arith.cmpf oge, %add3A_259, %ge3A_358 : vector<16xf32>
        %le3A_360 = arith.cmpf ole, %add3A_264, %add3A_259 : vector<16xf32>
        %and3A_361 = arith.andi %ge3A_359, %le3A_360 : vector<16xi1>
        %le3A_362 = arith.constant 0.000000e+00 : f32
        %le3A_363 = vector.broadcast %le3A_362 : f32 to vector<16xf32>
        %le3A_364 = arith.cmpf ole, %sub3A_280, %le3A_363 : vector<16xf32>
        %ge3A_365 = arith.constant 0.000000e+00 : f32
        %ge3A_366 = vector.broadcast %ge3A_365 : f32 to vector<16xf32>
        %ge3A_367 = arith.cmpf oge, %add3A_246, %ge3A_366 : vector<16xf32>
        %and3A_368 = arith.andi %le3A_364, %ge3A_367 : vector<16xi1>
        %le3A_369 = arith.constant 0.000000e+00 : f32
        %le3A_370 = vector.broadcast %le3A_369 : f32 to vector<16xf32>
        %le3A_371 = arith.cmpf ole, %add3A_259, %le3A_370 : vector<16xf32>
        %and3A_372 = arith.andi %and3A_368, %le3A_371 : vector<16xi1>
        %ge3A_373 = arith.constant 0.000000e+00 : f32
        %ge3A_374 = vector.broadcast %ge3A_373 : f32 to vector<16xf32>
        %ge3A_375 = arith.cmpf oge, %add3A_277, %ge3A_374 : vector<16xf32>
        %le3A_376 = arith.cmpf ole, %add3A_272, %add3A_277 : vector<16xf32>
        %and3A_377 = arith.andi %ge3A_375, %le3A_376 : vector<16xi1>
        %le3A_378 = arith.constant 0.000000e+00 : f32
        %le3A_379 = vector.broadcast %le3A_378 : f32 to vector<16xf32>
        %le3A_380 = arith.cmpf ole, %sub3A_283, %le3A_379 : vector<16xf32>
        %ge3A_381 = arith.constant 0.000000e+00 : f32
        %ge3A_382 = vector.broadcast %ge3A_381 : f32 to vector<16xf32>
        %ge3A_383 = arith.cmpf oge, %add3A_251, %ge3A_382 : vector<16xf32>
        %and3A_384 = arith.andi %le3A_380, %ge3A_383 : vector<16xi1>
        %le3A_385 = arith.constant 0.000000e+00 : f32
        %le3A_386 = vector.broadcast %le3A_385 : f32 to vector<16xf32>
        %le3A_387 = arith.cmpf ole, %add3A_277, %le3A_386 : vector<16xf32>
        %and3A_388 = arith.andi %and3A_384, %le3A_387 : vector<16xi1>
        %le3A_389 = arith.constant 0.000000e+00 : f32
        %le3A_390 = vector.broadcast %le3A_389 : f32 to vector<16xf32>
        %le3A_391 = arith.cmpf ole, %sub3A_286, %le3A_390 : vector<16xf32>
        %sub3A_392 = arith.subf %add3A_264, %add3A_259 : vector<16xf32>
        %ge3A_393 = arith.constant 0.000000e+00 : f32
        %ge3A_394 = vector.broadcast %ge3A_393 : f32 to vector<16xf32>
        %ge3A_395 = arith.cmpf oge, %sub3A_392, %ge3A_394 : vector<16xf32>
        %and3A_396 = arith.andi %le3A_391, %ge3A_395 : vector<16xi1>
        %sub3A_397 = arith.subf %add3A_272, %add3A_277 : vector<16xf32>
        %ge3A_398 = arith.constant 0.000000e+00 : f32
        %ge3A_399 = vector.broadcast %ge3A_398 : f32 to vector<16xf32>
        %ge3A_400 = arith.cmpf oge, %sub3A_397, %ge3A_399 : vector<16xf32>
        %and3A_401 = arith.andi %and3A_396, %ge3A_400 : vector<16xi1>
        %sub3A_402 = arith.constant 1.000000e+00 : f32
        %sub3A_403 = vector.broadcast %sub3A_402 : f32 to vector<16xf32>
        %sub3A_404 = arith.subf %sub3A_403, %mul3A_350 : vector<16xf32>
        %sub3A_405 = arith.subf %sub3A_404, %mul3A_351 : vector<16xf32>
        %broadcast_in_dim3A_406 = arith.constant 0.000000e+00 : f32
        %broadcast_in_dim3A_407 = vector.broadcast %broadcast_in_dim3A_406 : f32 to vector<16xf32>
        %broadcast_in_dim3A_408 = arith.constant 1.000000e+00 : f32
        %broadcast_in_dim3A_409 = vector.broadcast %broadcast_in_dim3A_408 : f32 to vector<16xf32>
        %select_n3A_410 = arith.select %and3A_401, %broadcast_in_dim3A_407, %sub3A_405 : vector<16xi1>, vector<16xf32>
        %sub3A_411 = arith.constant 1.000000e+00 : f32
        %sub3A_412 = vector.broadcast %sub3A_411 : f32 to vector<16xf32>
        %sub3A_413 = arith.subf %sub3A_412, %div3A_331 : vector<16xf32>
        %select_n3A_414 = arith.select %and3A_401, %sub3A_413, %mul3A_350 : vector<16xi1>, vector<16xf32>
        %select_n3A_415 = arith.select %and3A_401, %div3A_331, %mul3A_351 : vector<16xi1>, vector<16xf32>
        %sub3A_416 = arith.constant 1.000000e+00 : f32
        %sub3A_417 = vector.broadcast %sub3A_416 : f32 to vector<16xf32>
        %sub3A_418 = arith.subf %sub3A_417, %div3A_313 : vector<16xf32>
        %select_n3A_419 = arith.select %and3A_388, %sub3A_418, %select_n3A_410 : vector<16xi1>, vector<16xf32>
        %select_n3A_420 = arith.select %and3A_388, %broadcast_in_dim3A_407, %select_n3A_414 : vector<16xi1>, vector<16xf32>
        %select_n3A_421 = arith.select %and3A_388, %div3A_313, %select_n3A_415 : vector<16xi1>, vector<16xf32>
        %select_n3A_422 = arith.select %and3A_377, %broadcast_in_dim3A_407, %select_n3A_419 : vector<16xi1>, vector<16xf32>
        %select_n3A_423 = arith.select %and3A_377, %broadcast_in_dim3A_407, %select_n3A_420 : vector<16xi1>, vector<16xf32>
        %select_n3A_424 = arith.select %and3A_377, %broadcast_in_dim3A_409, %select_n3A_421 : vector<16xi1>, vector<16xf32>
        %sub3A_425 = arith.constant 1.000000e+00 : f32
        %sub3A_426 = vector.broadcast %sub3A_425 : f32 to vector<16xf32>
        %sub3A_427 = arith.subf %sub3A_426, %div3A : vector<16xf32>
        %select_n3A_428 = arith.select %and3A_372, %sub3A_427, %select_n3A_422 : vector<16xi1>, vector<16xf32>
        %select_n3A_429 = arith.select %and3A_372, %div3A, %select_n3A_423 : vector<16xi1>, vector<16xf32>
        %select_n3A_430 = arith.select %and3A_372, %broadcast_in_dim3A_407, %select_n3A_424 : vector<16xi1>, vector<16xf32>
        %select_n3A_431 = arith.select %and3A_361, %broadcast_in_dim3A_407, %select_n3A_428 : vector<16xi1>, vector<16xf32>
        %select_n3A_432 = arith.select %and3A_361, %broadcast_in_dim3A_409, %select_n3A_429 : vector<16xi1>, vector<16xf32>
        %select_n3A_433 = arith.select %and3A_361, %broadcast_in_dim3A_407, %select_n3A_430 : vector<16xi1>, vector<16xf32>
        %select_n3A_434 = arith.select %and3A_357, %broadcast_in_dim3A_409, %select_n3A_431 : vector<16xi1>, vector<16xf32>
        %select_n3A_435 = arith.select %and3A_357, %broadcast_in_dim3A_407, %select_n3A_432 : vector<16xi1>, vector<16xf32>
        %select_n3A_436 = arith.select %and3A_357, %broadcast_in_dim3A_407, %select_n3A_433 : vector<16xi1>, vector<16xf32>
        %mul3A_437 = arith.mulf %select_n3A_434, %get3A_201 : vector<16xf32>
        %mul3A_438 = arith.mulf %select_n3A_435, %get3A_213 : vector<16xf32>
        %add3A_439 = arith.addf %mul3A_437, %mul3A_438 : vector<16xf32>
        %mul3A_440 = arith.mulf %select_n3A_436, %get3A_225 : vector<16xf32>
        %add3A_441 = arith.addf %add3A_439, %mul3A_440 : vector<16xf32>
        %mul3A_442 = arith.mulf %select_n3A_434, %get3A_205 : vector<16xf32>
        %mul3A_443 = arith.mulf %select_n3A_435, %get3A_217 : vector<16xf32>
        %add3A_444 = arith.addf %mul3A_442, %mul3A_443 : vector<16xf32>
        %mul3A_445 = arith.mulf %select_n3A_436, %get3A_229 : vector<16xf32>
        %add3A_446 = arith.addf %add3A_444, %mul3A_445 : vector<16xf32>
        %mul3A_447 = arith.mulf %select_n3A_434, %get3A_209 : vector<16xf32>
        %mul3A_448 = arith.mulf %select_n3A_435, %get3A_221 : vector<16xf32>
        %add3A_449 = arith.addf %mul3A_447, %mul3A_448 : vector<16xf32>
        %mul3A_450 = arith.mulf %select_n3A_436, %get3A_233 : vector<16xf32>
        %add3A_451 = arith.addf %add3A_449, %mul3A_450 : vector<16xf32>
        %sub3A_452 = arith.subf %gather3A, %add3A_441 : vector<16xf32>
        %sub3A_453 = arith.subf %gather3A_9, %add3A_446 : vector<16xf32>
        %sub3A_454 = arith.subf %gather3A_10, %add3A_451 : vector<16xf32>
        %mul3A_455 = arith.mulf %sub3A_452, %sub3A_452 : vector<16xf32>
        %mul3A_456 = arith.mulf %sub3A_453, %sub3A_453 : vector<16xf32>
        %add3A_457 = arith.addf %mul3A_455, %mul3A_456 : vector<16xf32>
        %mul3A_458 = arith.mulf %sub3A_454, %sub3A_454 : vector<16xf32>
        %add3A_459 = arith.addf %add3A_457, %mul3A_458 : vector<16xf32>
        %add3A_460 = vector.broadcast %mul3A_200 : i32 to vector<16xi32>
        %add3A_461 = arith.addi %iota3A, %add3A_460 : vector<16xi32>
        %lt3A_462 = arith.cmpf olt, %add3A_459, %scan3A_191 : vector<16xf32>
        %select_n3A_463 = arith.select %lt3A_462, %add3A_459, %scan3A_191 : vector<16xi1>, vector<16xf32>
        %select_n3A_464 = arith.select %lt3A_462, %add3A_461, %scan3A_192 : vector<16xi1>, vector<16xi32>
        %select_n3A_465 = arith.select %lt3A_462, %select_n3A_434, %scan3A_193 : vector<16xi1>, vector<16xf32>
        %select_n3A_466 = arith.select %lt3A_462, %select_n3A_435, %scan3A_194 : vector<16xi1>, vector<16xf32>
        %select_n3A_467 = arith.select %lt3A_462, %select_n3A_436, %scan3A_195 : vector<16xi1>, vector<16xf32>
        %select_n3A_468 = arith.select %lt3A_462, %add3A_441, %scan3A_196 : vector<16xi1>, vector<16xf32>
        %select_n3A_469 = arith.select %lt3A_462, %add3A_446, %scan3A_197 : vector<16xi1>, vector<16xf32>
        %select_n3A_470 = arith.select %lt3A_462, %add3A_451, %scan3A_198 : vector<16xi1>, vector<16xf32>
        scf.yield %select_n3A_463, %select_n3A_464, %select_n3A_465, %select_n3A_466, %select_n3A_467, %select_n3A_468, %select_n3A_469, %select_n3A_470 : vector<16xf32>, vector<16xi32>, vector<16xf32>, vector<16xf32>, vector<16xf32>, vector<16xf32>, vector<16xf32>, vector<16xf32>
      }
      %scan3A_32 = arith.constant 256 : i32
      %xor3A = arith.constant 8 : i32
      %xor3A_33 = vector.broadcast %xor3A : i32 to vector<16xi32>
      %xor3A_34 = arith.xori %iota3A, %xor3A_33 : vector<16xi32>
      %broadcast_in_dim3A_35 = vector.shape_cast %xor3A_34 : vector<16xi32> to vector<16x1xi32>
      %gather3A_36 = vector.shape_cast %broadcast_in_dim3A_35 : vector<16x1xi32> to vector<16xi32>
      %gather3A_37 = tpu.dynamic_gather %scan3A_31#0[%gather3A_36] in [0] : vector<16xf32>, vector<16xi32> -> vector<16xf32>
      %broadcast_in_dim3A_38 = vector.shape_cast %xor3A_34 : vector<16xi32> to vector<16x1xi32>
      %gather3A_39 = vector.shape_cast %broadcast_in_dim3A_38 : vector<16x1xi32> to vector<16xi32>
      %gather3A_40 = tpu.dynamic_gather %scan3A_31#1[%gather3A_39] in [0] : vector<16xi32>, vector<16xi32> -> vector<16xi32>
      %broadcast_in_dim3A_41 = vector.shape_cast %xor3A_34 : vector<16xi32> to vector<16x1xi32>
      %gather3A_42 = vector.shape_cast %broadcast_in_dim3A_41 : vector<16x1xi32> to vector<16xi32>
      %gather3A_43 = tpu.dynamic_gather %scan3A_31#2[%gather3A_42] in [0] : vector<16xf32>, vector<16xi32> -> vector<16xf32>
      %broadcast_in_dim3A_44 = vector.shape_cast %xor3A_34 : vector<16xi32> to vector<16x1xi32>
      %gather3A_45 = vector.shape_cast %broadcast_in_dim3A_44 : vector<16x1xi32> to vector<16xi32>
      %gather3A_46 = tpu.dynamic_gather %scan3A_31#3[%gather3A_45] in [0] : vector<16xf32>, vector<16xi32> -> vector<16xf32>
      %broadcast_in_dim3A_47 = vector.shape_cast %xor3A_34 : vector<16xi32> to vector<16x1xi32>
      %gather3A_48 = vector.shape_cast %broadcast_in_dim3A_47 : vector<16x1xi32> to vector<16xi32>
      %gather3A_49 = tpu.dynamic_gather %scan3A_31#4[%gather3A_48] in [0] : vector<16xf32>, vector<16xi32> -> vector<16xf32>
      %broadcast_in_dim3A_50 = vector.shape_cast %xor3A_34 : vector<16xi32> to vector<16x1xi32>
      %gather3A_51 = vector.shape_cast %broadcast_in_dim3A_50 : vector<16x1xi32> to vector<16xi32>
      %gather3A_52 = tpu.dynamic_gather %scan3A_31#5[%gather3A_51] in [0] : vector<16xf32>, vector<16xi32> -> vector<16xf32>
      %broadcast_in_dim3A_53 = vector.shape_cast %xor3A_34 : vector<16xi32> to vector<16x1xi32>
      %gather3A_54 = vector.shape_cast %broadcast_in_dim3A_53 : vector<16x1xi32> to vector<16xi32>
      %gather3A_55 = tpu.dynamic_gather %scan3A_31#6[%gather3A_54] in [0] : vector<16xf32>, vector<16xi32> -> vector<16xf32>
      %broadcast_in_dim3A_56 = vector.shape_cast %xor3A_34 : vector<16xi32> to vector<16x1xi32>
      %gather3A_57 = vector.shape_cast %broadcast_in_dim3A_56 : vector<16x1xi32> to vector<16xi32>
      %gather3A_58 = tpu.dynamic_gather %scan3A_31#7[%gather3A_57] in [0] : vector<16xf32>, vector<16xi32> -> vector<16xf32>
      %lt3A = arith.cmpf olt, %gather3A_37, %scan3A_31#0 : vector<16xf32>
      %eq3A = arith.cmpf oeq, %gather3A_37, %scan3A_31#0 : vector<16xf32>
      %lt3A_59 = arith.cmpi slt, %gather3A_40, %scan3A_31#1 : vector<16xi32>
      %and3A = arith.andi %eq3A, %lt3A_59 : vector<16xi1>
      %or3A = arith.ori %lt3A, %and3A : vector<16xi1>
      %select_n3A = arith.select %or3A, %gather3A_37, %scan3A_31#0 : vector<16xi1>, vector<16xf32>
      %select_n3A_60 = arith.select %or3A, %gather3A_40, %scan3A_31#1 : vector<16xi1>, vector<16xi32>
      %select_n3A_61 = arith.select %or3A, %gather3A_43, %scan3A_31#2 : vector<16xi1>, vector<16xf32>
      %select_n3A_62 = arith.select %or3A, %gather3A_46, %scan3A_31#3 : vector<16xi1>, vector<16xf32>
      %select_n3A_63 = arith.select %or3A, %gather3A_49, %scan3A_31#4 : vector<16xi1>, vector<16xf32>
      %select_n3A_64 = arith.select %or3A, %gather3A_52, %scan3A_31#5 : vector<16xi1>, vector<16xf32>
      %select_n3A_65 = arith.select %or3A, %gather3A_55, %scan3A_31#6 : vector<16xi1>, vector<16xf32>
      %select_n3A_66 = arith.select %or3A, %gather3A_58, %scan3A_31#7 : vector<16xi1>, vector<16xf32>
      %xor3A_67 = arith.constant 4 : i32
      %xor3A_68 = vector.broadcast %xor3A_67 : i32 to vector<16xi32>
      %xor3A_69 = arith.xori %iota3A, %xor3A_68 : vector<16xi32>
      %broadcast_in_dim3A_70 = vector.shape_cast %xor3A_69 : vector<16xi32> to vector<16x1xi32>
      %gather3A_71 = vector.shape_cast %broadcast_in_dim3A_70 : vector<16x1xi32> to vector<16xi32>
      %gather3A_72 = tpu.dynamic_gather %select_n3A[%gather3A_71] in [0] : vector<16xf32>, vector<16xi32> -> vector<16xf32>
      %broadcast_in_dim3A_73 = vector.shape_cast %xor3A_69 : vector<16xi32> to vector<16x1xi32>
      %gather3A_74 = vector.shape_cast %broadcast_in_dim3A_73 : vector<16x1xi32> to vector<16xi32>
      %gather3A_75 = tpu.dynamic_gather %select_n3A_60[%gather3A_74] in [0] : vector<16xi32>, vector<16xi32> -> vector<16xi32>
      %broadcast_in_dim3A_76 = vector.shape_cast %xor3A_69 : vector<16xi32> to vector<16x1xi32>
      %gather3A_77 = vector.shape_cast %broadcast_in_dim3A_76 : vector<16x1xi32> to vector<16xi32>
      %gather3A_78 = tpu.dynamic_gather %select_n3A_61[%gather3A_77] in [0] : vector<16xf32>, vector<16xi32> -> vector<16xf32>
      %broadcast_in_dim3A_79 = vector.shape_cast %xor3A_69 : vector<16xi32> to vector<16x1xi32>
      %gather3A_80 = vector.shape_cast %broadcast_in_dim3A_79 : vector<16x1xi32> to vector<16xi32>
      %gather3A_81 = tpu.dynamic_gather %select_n3A_62[%gather3A_80] in [0] : vector<16xf32>, vector<16xi32> -> vector<16xf32>
      %broadcast_in_dim3A_82 = vector.shape_cast %xor3A_69 : vector<16xi32> to vector<16x1xi32>
      %gather3A_83 = vector.shape_cast %broadcast_in_dim3A_82 : vector<16x1xi32> to vector<16xi32>
      %gather3A_84 = tpu.dynamic_gather %select_n3A_63[%gather3A_83] in [0] : vector<16xf32>, vector<16xi32> -> vector<16xf32>
      %broadcast_in_dim3A_85 = vector.shape_cast %xor3A_69 : vector<16xi32> to vector<16x1xi32>
      %gather3A_86 = vector.shape_cast %broadcast_in_dim3A_85 : vector<16x1xi32> to vector<16xi32>
      %gather3A_87 = tpu.dynamic_gather %select_n3A_64[%gather3A_86] in [0] : vector<16xf32>, vector<16xi32> -> vector<16xf32>
      %broadcast_in_dim3A_88 = vector.shape_cast %xor3A_69 : vector<16xi32> to vector<16x1xi32>
      %gather3A_89 = vector.shape_cast %broadcast_in_dim3A_88 : vector<16x1xi32> to vector<16xi32>
      %gather3A_90 = tpu.dynamic_gather %select_n3A_65[%gather3A_89] in [0] : vector<16xf32>, vector<16xi32> -> vector<16xf32>
      %broadcast_in_dim3A_91 = vector.shape_cast %xor3A_69 : vector<16xi32> to vector<16x1xi32>
      %gather3A_92 = vector.shape_cast %broadcast_in_dim3A_91 : vector<16x1xi32> to vector<16xi32>
      %gather3A_93 = tpu.dynamic_gather %select_n3A_66[%gather3A_92] in [0] : vector<16xf32>, vector<16xi32> -> vector<16xf32>
      %lt3A_94 = arith.cmpf olt, %gather3A_72, %select_n3A : vector<16xf32>
      %eq3A_95 = arith.cmpf oeq, %gather3A_72, %select_n3A : vector<16xf32>
      %lt3A_96 = arith.cmpi slt, %gather3A_75, %select_n3A_60 : vector<16xi32>
      %and3A_97 = arith.andi %eq3A_95, %lt3A_96 : vector<16xi1>
      %or3A_98 = arith.ori %lt3A_94, %and3A_97 : vector<16xi1>
      %select_n3A_99 = arith.select %or3A_98, %gather3A_72, %select_n3A : vector<16xi1>, vector<16xf32>
      %select_n3A_100 = arith.select %or3A_98, %gather3A_75, %select_n3A_60 : vector<16xi1>, vector<16xi32>
      %select_n3A_101 = arith.select %or3A_98, %gather3A_78, %select_n3A_61 : vector<16xi1>, vector<16xf32>
      %select_n3A_102 = arith.select %or3A_98, %gather3A_81, %select_n3A_62 : vector<16xi1>, vector<16xf32>
      %select_n3A_103 = arith.select %or3A_98, %gather3A_84, %select_n3A_63 : vector<16xi1>, vector<16xf32>
      %select_n3A_104 = arith.select %or3A_98, %gather3A_87, %select_n3A_64 : vector<16xi1>, vector<16xf32>
      %select_n3A_105 = arith.select %or3A_98, %gather3A_90, %select_n3A_65 : vector<16xi1>, vector<16xf32>
      %select_n3A_106 = arith.select %or3A_98, %gather3A_93, %select_n3A_66 : vector<16xi1>, vector<16xf32>
      %xor3A_107 = arith.constant 2 : i32
      %xor3A_108 = vector.broadcast %xor3A_107 : i32 to vector<16xi32>
      %xor3A_109 = arith.xori %iota3A, %xor3A_108 : vector<16xi32>
      %broadcast_in_dim3A_110 = vector.shape_cast %xor3A_109 : vector<16xi32> to vector<16x1xi32>
      %gather3A_111 = vector.shape_cast %broadcast_in_dim3A_110 : vector<16x1xi32> to vector<16xi32>
      %gather3A_112 = tpu.dynamic_gather %select_n3A_99[%gather3A_111] in [0] : vector<16xf32>, vector<16xi32> -> vector<16xf32>
      %broadcast_in_dim3A_113 = vector.shape_cast %xor3A_109 : vector<16xi32> to vector<16x1xi32>
      %gather3A_114 = vector.shape_cast %broadcast_in_dim3A_113 : vector<16x1xi32> to vector<16xi32>
      %gather3A_115 = tpu.dynamic_gather %select_n3A_100[%gather3A_114] in [0] : vector<16xi32>, vector<16xi32> -> vector<16xi32>
      %broadcast_in_dim3A_116 = vector.shape_cast %xor3A_109 : vector<16xi32> to vector<16x1xi32>
      %gather3A_117 = vector.shape_cast %broadcast_in_dim3A_116 : vector<16x1xi32> to vector<16xi32>
      %gather3A_118 = tpu.dynamic_gather %select_n3A_101[%gather3A_117] in [0] : vector<16xf32>, vector<16xi32> -> vector<16xf32>
      %broadcast_in_dim3A_119 = vector.shape_cast %xor3A_109 : vector<16xi32> to vector<16x1xi32>
      %gather3A_120 = vector.shape_cast %broadcast_in_dim3A_119 : vector<16x1xi32> to vector<16xi32>
      %gather3A_121 = tpu.dynamic_gather %select_n3A_102[%gather3A_120] in [0] : vector<16xf32>, vector<16xi32> -> vector<16xf32>
      %broadcast_in_dim3A_122 = vector.shape_cast %xor3A_109 : vector<16xi32> to vector<16x1xi32>
      %gather3A_123 = vector.shape_cast %broadcast_in_dim3A_122 : vector<16x1xi32> to vector<16xi32>
      %gather3A_124 = tpu.dynamic_gather %select_n3A_103[%gather3A_123] in [0] : vector<16xf32>, vector<16xi32> -> vector<16xf32>
      %broadcast_in_dim3A_125 = vector.shape_cast %xor3A_109 : vector<16xi32> to vector<16x1xi32>
      %gather3A_126 = vector.shape_cast %broadcast_in_dim3A_125 : vector<16x1xi32> to vector<16xi32>
      %gather3A_127 = tpu.dynamic_gather %select_n3A_104[%gather3A_126] in [0] : vector<16xf32>, vector<16xi32> -> vector<16xf32>
      %broadcast_in_dim3A_128 = vector.shape_cast %xor3A_109 : vector<16xi32> to vector<16x1xi32>
      %gather3A_129 = vector.shape_cast %broadcast_in_dim3A_128 : vector<16x1xi32> to vector<16xi32>
      %gather3A_130 = tpu.dynamic_gather %select_n3A_105[%gather3A_129] in [0] : vector<16xf32>, vector<16xi32> -> vector<16xf32>
      %broadcast_in_dim3A_131 = vector.shape_cast %xor3A_109 : vector<16xi32> to vector<16x1xi32>
      %gather3A_132 = vector.shape_cast %broadcast_in_dim3A_131 : vector<16x1xi32> to vector<16xi32>
      %gather3A_133 = tpu.dynamic_gather %select_n3A_106[%gather3A_132] in [0] : vector<16xf32>, vector<16xi32> -> vector<16xf32>
      %lt3A_134 = arith.cmpf olt, %gather3A_112, %select_n3A_99 : vector<16xf32>
      %eq3A_135 = arith.cmpf oeq, %gather3A_112, %select_n3A_99 : vector<16xf32>
      %lt3A_136 = arith.cmpi slt, %gather3A_115, %select_n3A_100 : vector<16xi32>
      %and3A_137 = arith.andi %eq3A_135, %lt3A_136 : vector<16xi1>
      %or3A_138 = arith.ori %lt3A_134, %and3A_137 : vector<16xi1>
      %select_n3A_139 = arith.select %or3A_138, %gather3A_112, %select_n3A_99 : vector<16xi1>, vector<16xf32>
      %select_n3A_140 = arith.select %or3A_138, %gather3A_115, %select_n3A_100 : vector<16xi1>, vector<16xi32>
      %select_n3A_141 = arith.select %or3A_138, %gather3A_118, %select_n3A_101 : vector<16xi1>, vector<16xf32>
      %select_n3A_142 = arith.select %or3A_138, %gather3A_121, %select_n3A_102 : vector<16xi1>, vector<16xf32>
      %select_n3A_143 = arith.select %or3A_138, %gather3A_124, %select_n3A_103 : vector<16xi1>, vector<16xf32>
      %select_n3A_144 = arith.select %or3A_138, %gather3A_127, %select_n3A_104 : vector<16xi1>, vector<16xf32>
      %select_n3A_145 = arith.select %or3A_138, %gather3A_130, %select_n3A_105 : vector<16xi1>, vector<16xf32>
      %select_n3A_146 = arith.select %or3A_138, %gather3A_133, %select_n3A_106 : vector<16xi1>, vector<16xf32>
      %xor3A_147 = arith.constant 1 : i32
      %xor3A_148 = vector.broadcast %xor3A_147 : i32 to vector<16xi32>
      %xor3A_149 = arith.xori %iota3A, %xor3A_148 : vector<16xi32>
      %broadcast_in_dim3A_150 = vector.shape_cast %xor3A_149 : vector<16xi32> to vector<16x1xi32>
      %gather3A_151 = vector.shape_cast %broadcast_in_dim3A_150 : vector<16x1xi32> to vector<16xi32>
      %gather3A_152 = tpu.dynamic_gather %select_n3A_139[%gather3A_151] in [0] : vector<16xf32>, vector<16xi32> -> vector<16xf32>
      %broadcast_in_dim3A_153 = vector.shape_cast %xor3A_149 : vector<16xi32> to vector<16x1xi32>
      %gather3A_154 = vector.shape_cast %broadcast_in_dim3A_153 : vector<16x1xi32> to vector<16xi32>
      %gather3A_155 = tpu.dynamic_gather %select_n3A_140[%gather3A_154] in [0] : vector<16xi32>, vector<16xi32> -> vector<16xi32>
      %broadcast_in_dim3A_156 = vector.shape_cast %xor3A_149 : vector<16xi32> to vector<16x1xi32>
      %gather3A_157 = vector.shape_cast %broadcast_in_dim3A_156 : vector<16x1xi32> to vector<16xi32>
      %gather3A_158 = tpu.dynamic_gather %select_n3A_141[%gather3A_157] in [0] : vector<16xf32>, vector<16xi32> -> vector<16xf32>
      %broadcast_in_dim3A_159 = vector.shape_cast %xor3A_149 : vector<16xi32> to vector<16x1xi32>
      %gather3A_160 = vector.shape_cast %broadcast_in_dim3A_159 : vector<16x1xi32> to vector<16xi32>
      %gather3A_161 = tpu.dynamic_gather %select_n3A_142[%gather3A_160] in [0] : vector<16xf32>, vector<16xi32> -> vector<16xf32>
      %broadcast_in_dim3A_162 = vector.shape_cast %xor3A_149 : vector<16xi32> to vector<16x1xi32>
      %gather3A_163 = vector.shape_cast %broadcast_in_dim3A_162 : vector<16x1xi32> to vector<16xi32>
      %gather3A_164 = tpu.dynamic_gather %select_n3A_143[%gather3A_163] in [0] : vector<16xf32>, vector<16xi32> -> vector<16xf32>
      %broadcast_in_dim3A_165 = vector.shape_cast %xor3A_149 : vector<16xi32> to vector<16x1xi32>
      %gather3A_166 = vector.shape_cast %broadcast_in_dim3A_165 : vector<16x1xi32> to vector<16xi32>
      %gather3A_167 = tpu.dynamic_gather %select_n3A_144[%gather3A_166] in [0] : vector<16xf32>, vector<16xi32> -> vector<16xf32>
      %broadcast_in_dim3A_168 = vector.shape_cast %xor3A_149 : vector<16xi32> to vector<16x1xi32>
      %gather3A_169 = vector.shape_cast %broadcast_in_dim3A_168 : vector<16x1xi32> to vector<16xi32>
      %gather3A_170 = tpu.dynamic_gather %select_n3A_145[%gather3A_169] in [0] : vector<16xf32>, vector<16xi32> -> vector<16xf32>
      %broadcast_in_dim3A_171 = vector.shape_cast %xor3A_149 : vector<16xi32> to vector<16x1xi32>
      %gather3A_172 = vector.shape_cast %broadcast_in_dim3A_171 : vector<16x1xi32> to vector<16xi32>
      %gather3A_173 = tpu.dynamic_gather %select_n3A_146[%gather3A_172] in [0] : vector<16xf32>, vector<16xi32> -> vector<16xf32>
      %lt3A_174 = arith.cmpf olt, %gather3A_152, %select_n3A_139 : vector<16xf32>
      %eq3A_175 = arith.cmpf oeq, %gather3A_152, %select_n3A_139 : vector<16xf32>
      %lt3A_176 = arith.cmpi slt, %gather3A_155, %select_n3A_140 : vector<16xi32>
      %and3A_177 = arith.andi %eq3A_175, %lt3A_176 : vector<16xi1>
      %or3A_178 = arith.ori %lt3A_174, %and3A_177 : vector<16xi1>
      %select_n3A_179 = arith.select %or3A_178, %gather3A_152, %select_n3A_139 : vector<16xi1>, vector<16xf32>
      %select_n3A_180 = arith.select %or3A_178, %gather3A_155, %select_n3A_140 : vector<16xi1>, vector<16xi32>
      %select_n3A_181 = arith.select %or3A_178, %gather3A_158, %select_n3A_141 : vector<16xi1>, vector<16xf32>
      %select_n3A_182 = arith.select %or3A_178, %gather3A_161, %select_n3A_142 : vector<16xi1>, vector<16xf32>
      %select_n3A_183 = arith.select %or3A_178, %gather3A_164, %select_n3A_143 : vector<16xi1>, vector<16xf32>
      %select_n3A_184 = arith.select %or3A_178, %gather3A_167, %select_n3A_144 : vector<16xi1>, vector<16xf32>
      %select_n3A_185 = arith.select %or3A_178, %gather3A_170, %select_n3A_145 : vector<16xi1>, vector<16xf32>
      %select_n3A_186 = arith.select %or3A_178, %gather3A_173, %select_n3A_146 : vector<16xi1>, vector<16xf32>
      %broadcast_in_dim3A_187 = arith.constant 0 : i32
      %broadcast_in_dim3A_188 = vector.broadcast %broadcast_in_dim3A_187 : i32 to vector<16xi32>
      %eq3A_189 = arith.cmpi eq, %iota3A, %broadcast_in_dim3A_188 : vector<16xi32>
      tpu.vector_store_idx %arg18[%broadcast_in_dim3A], %select_n3A_179 masked %eq3A_189 : memref<72xf32, #tpu.memory_space<vmem>>[vector<16xi32>], vector<16xf32>, vector<16xi1>
      tpu.vector_store_idx %arg19[%broadcast_in_dim3A], %select_n3A_180 masked %eq3A_189 : memref<72xi32, #tpu.memory_space<vmem>>[vector<16xi32>], vector<16xi32>, vector<16xi1>
      tpu.vector_store_idx %arg20[%broadcast_in_dim3A], %select_n3A_181 masked %eq3A_189 : memref<72xf32, #tpu.memory_space<vmem>>[vector<16xi32>], vector<16xf32>, vector<16xi1>
      tpu.vector_store_idx %arg21[%broadcast_in_dim3A], %select_n3A_182 masked %eq3A_189 : memref<72xf32, #tpu.memory_space<vmem>>[vector<16xi32>], vector<16xf32>, vector<16xi1>
      tpu.vector_store_idx %arg22[%broadcast_in_dim3A], %select_n3A_183 masked %eq3A_189 : memref<72xf32, #tpu.memory_space<vmem>>[vector<16xi32>], vector<16xf32>, vector<16xi1>
      tpu.vector_store_idx %arg23[%broadcast_in_dim3A], %select_n3A_184 masked %eq3A_189 : memref<72xf32, #tpu.memory_space<vmem>>[vector<16xi32>], vector<16xf32>, vector<16xi1>
      tpu.vector_store_idx %arg24[%broadcast_in_dim3A], %select_n3A_185 masked %eq3A_189 : memref<72xf32, #tpu.memory_space<vmem>>[vector<16xi32>], vector<16xf32>, vector<16xi1>
      tpu.vector_store_idx %arg25[%broadcast_in_dim3A], %select_n3A_186 masked %eq3A_189 : memref<72xf32, #tpu.memory_space<vmem>>[vector<16xi32>], vector<16xf32>, vector<16xi1>
    }
    %scan3A_7 = arith.constant 72 : i32
    "tpu.region"() ({
      %run_scoped3A = tpu.sem_alloc : memref<!tpu.dma_semaphore, #tpu.memory_space<semaphore_mem>>
      %dma_start3A = tpu.memref_slice %arg6[%mul3A_2] : memref<2304xf32, #tpu.memory_space<hbm>> -> memref<72xf32, #tpu.memory_space<hbm>>
      %dma_start3A_8 = tpu.memref_slice %arg6[%mul3A_2] : memref<2304xf32, #tpu.memory_space<hbm>> -> memref<72xf32, #tpu.memory_space<hbm>>
      tpu.enqueue_dma source(%arg18 : memref<72xf32, #tpu.memory_space<vmem>>) target(%dma_start3A_8 : memref<72xf32, #tpu.memory_space<hbm>>) target_semaphore(%run_scoped3A : memref<!tpu.dma_semaphore, #tpu.memory_space<semaphore_mem>>)
      %dma_wait3A = tpu.memref_slice %arg6[%mul3A_2] : memref<2304xf32, #tpu.memory_space<hbm>> -> memref<72xf32, #tpu.memory_space<hbm>>
      %dma_wait3A_9 = tpu.memref_slice %arg6[%mul3A_2] : memref<2304xf32, #tpu.memory_space<hbm>> -> memref<72xf32, #tpu.memory_space<hbm>>
      tpu.wait_dma2 semaphore(%run_scoped3A : memref<!tpu.dma_semaphore, #tpu.memory_space<semaphore_mem>>) src(%arg18 : memref<72xf32, #tpu.memory_space<vmem>>) dst(%dma_wait3A_9 : memref<72xf32, #tpu.memory_space<hbm>>)
      tpu.yield
    }) : () -> ()
    "tpu.region"() ({
      %run_scoped3A = tpu.sem_alloc : memref<!tpu.dma_semaphore, #tpu.memory_space<semaphore_mem>>
      %dma_start3A = tpu.memref_slice %arg7[%mul3A_2] : memref<2304xi32, #tpu.memory_space<hbm>> -> memref<72xi32, #tpu.memory_space<hbm>>
      %dma_start3A_8 = tpu.memref_slice %arg7[%mul3A_2] : memref<2304xi32, #tpu.memory_space<hbm>> -> memref<72xi32, #tpu.memory_space<hbm>>
      tpu.enqueue_dma source(%arg19 : memref<72xi32, #tpu.memory_space<vmem>>) target(%dma_start3A_8 : memref<72xi32, #tpu.memory_space<hbm>>) target_semaphore(%run_scoped3A : memref<!tpu.dma_semaphore, #tpu.memory_space<semaphore_mem>>)
      %dma_wait3A = tpu.memref_slice %arg7[%mul3A_2] : memref<2304xi32, #tpu.memory_space<hbm>> -> memref<72xi32, #tpu.memory_space<hbm>>
      %dma_wait3A_9 = tpu.memref_slice %arg7[%mul3A_2] : memref<2304xi32, #tpu.memory_space<hbm>> -> memref<72xi32, #tpu.memory_space<hbm>>
      tpu.wait_dma2 semaphore(%run_scoped3A : memref<!tpu.dma_semaphore, #tpu.memory_space<semaphore_mem>>) src(%arg19 : memref<72xi32, #tpu.memory_space<vmem>>) dst(%dma_wait3A_9 : memref<72xi32, #tpu.memory_space<hbm>>)
      tpu.yield
    }) : () -> ()
    "tpu.region"() ({
      %run_scoped3A = tpu.sem_alloc : memref<!tpu.dma_semaphore, #tpu.memory_space<semaphore_mem>>
      %dma_start3A = tpu.memref_slice %arg8[%mul3A_2] : memref<2304xf32, #tpu.memory_space<hbm>> -> memref<72xf32, #tpu.memory_space<hbm>>
      %dma_start3A_8 = tpu.memref_slice %arg8[%mul3A_2] : memref<2304xf32, #tpu.memory_space<hbm>> -> memref<72xf32, #tpu.memory_space<hbm>>
      tpu.enqueue_dma source(%arg20 : memref<72xf32, #tpu.memory_space<vmem>>) target(%dma_start3A_8 : memref<72xf32, #tpu.memory_space<hbm>>) target_semaphore(%run_scoped3A : memref<!tpu.dma_semaphore, #tpu.memory_space<semaphore_mem>>)
      %dma_wait3A = tpu.memref_slice %arg8[%mul3A_2] : memref<2304xf32, #tpu.memory_space<hbm>> -> memref<72xf32, #tpu.memory_space<hbm>>
      %dma_wait3A_9 = tpu.memref_slice %arg8[%mul3A_2] : memref<2304xf32, #tpu.memory_space<hbm>> -> memref<72xf32, #tpu.memory_space<hbm>>
      tpu.wait_dma2 semaphore(%run_scoped3A : memref<!tpu.dma_semaphore, #tpu.memory_space<semaphore_mem>>) src(%arg20 : memref<72xf32, #tpu.memory_space<vmem>>) dst(%dma_wait3A_9 : memref<72xf32, #tpu.memory_space<hbm>>)
      tpu.yield
    }) : () -> ()
    "tpu.region"() ({
      %run_scoped3A = tpu.sem_alloc : memref<!tpu.dma_semaphore, #tpu.memory_space<semaphore_mem>>
      %dma_start3A = tpu.memref_slice %arg9[%mul3A_2] : memref<2304xf32, #tpu.memory_space<hbm>> -> memref<72xf32, #tpu.memory_space<hbm>>
      %dma_start3A_8 = tpu.memref_slice %arg9[%mul3A_2] : memref<2304xf32, #tpu.memory_space<hbm>> -> memref<72xf32, #tpu.memory_space<hbm>>
      tpu.enqueue_dma source(%arg21 : memref<72xf32, #tpu.memory_space<vmem>>) target(%dma_start3A_8 : memref<72xf32, #tpu.memory_space<hbm>>) target_semaphore(%run_scoped3A : memref<!tpu.dma_semaphore, #tpu.memory_space<semaphore_mem>>)
      %dma_wait3A = tpu.memref_slice %arg9[%mul3A_2] : memref<2304xf32, #tpu.memory_space<hbm>> -> memref<72xf32, #tpu.memory_space<hbm>>
      %dma_wait3A_9 = tpu.memref_slice %arg9[%mul3A_2] : memref<2304xf32, #tpu.memory_space<hbm>> -> memref<72xf32, #tpu.memory_space<hbm>>
      tpu.wait_dma2 semaphore(%run_scoped3A : memref<!tpu.dma_semaphore, #tpu.memory_space<semaphore_mem>>) src(%arg21 : memref<72xf32, #tpu.memory_space<vmem>>) dst(%dma_wait3A_9 : memref<72xf32, #tpu.memory_space<hbm>>)
      tpu.yield
    }) : () -> ()
    "tpu.region"() ({
      %run_scoped3A = tpu.sem_alloc : memref<!tpu.dma_semaphore, #tpu.memory_space<semaphore_mem>>
      %dma_start3A = tpu.memref_slice %arg10[%mul3A_2] : memref<2304xf32, #tpu.memory_space<hbm>> -> memref<72xf32, #tpu.memory_space<hbm>>
      %dma_start3A_8 = tpu.memref_slice %arg10[%mul3A_2] : memref<2304xf32, #tpu.memory_space<hbm>> -> memref<72xf32, #tpu.memory_space<hbm>>
      tpu.enqueue_dma source(%arg22 : memref<72xf32, #tpu.memory_space<vmem>>) target(%dma_start3A_8 : memref<72xf32, #tpu.memory_space<hbm>>) target_semaphore(%run_scoped3A : memref<!tpu.dma_semaphore, #tpu.memory_space<semaphore_mem>>)
      %dma_wait3A = tpu.memref_slice %arg10[%mul3A_2] : memref<2304xf32, #tpu.memory_space<hbm>> -> memref<72xf32, #tpu.memory_space<hbm>>
      %dma_wait3A_9 = tpu.memref_slice %arg10[%mul3A_2] : memref<2304xf32, #tpu.memory_space<hbm>> -> memref<72xf32, #tpu.memory_space<hbm>>
      tpu.wait_dma2 semaphore(%run_scoped3A : memref<!tpu.dma_semaphore, #tpu.memory_space<semaphore_mem>>) src(%arg22 : memref<72xf32, #tpu.memory_space<vmem>>) dst(%dma_wait3A_9 : memref<72xf32, #tpu.memory_space<hbm>>)
      tpu.yield
    }) : () -> ()
    "tpu.region"() ({
      %run_scoped3A = tpu.sem_alloc : memref<!tpu.dma_semaphore, #tpu.memory_space<semaphore_mem>>
      %dma_start3A = tpu.memref_slice %arg11[%mul3A_2] : memref<2304xf32, #tpu.memory_space<hbm>> -> memref<72xf32, #tpu.memory_space<hbm>>
      %dma_start3A_8 = tpu.memref_slice %arg11[%mul3A_2] : memref<2304xf32, #tpu.memory_space<hbm>> -> memref<72xf32, #tpu.memory_space<hbm>>
      tpu.enqueue_dma source(%arg23 : memref<72xf32, #tpu.memory_space<vmem>>) target(%dma_start3A_8 : memref<72xf32, #tpu.memory_space<hbm>>) target_semaphore(%run_scoped3A : memref<!tpu.dma_semaphore, #tpu.memory_space<semaphore_mem>>)
      %dma_wait3A = tpu.memref_slice %arg11[%mul3A_2] : memref<2304xf32, #tpu.memory_space<hbm>> -> memref<72xf32, #tpu.memory_space<hbm>>
      %dma_wait3A_9 = tpu.memref_slice %arg11[%mul3A_2] : memref<2304xf32, #tpu.memory_space<hbm>> -> memref<72xf32, #tpu.memory_space<hbm>>
      tpu.wait_dma2 semaphore(%run_scoped3A : memref<!tpu.dma_semaphore, #tpu.memory_space<semaphore_mem>>) src(%arg23 : memref<72xf32, #tpu.memory_space<vmem>>) dst(%dma_wait3A_9 : memref<72xf32, #tpu.memory_space<hbm>>)
      tpu.yield
    }) : () -> ()
    "tpu.region"() ({
      %run_scoped3A = tpu.sem_alloc : memref<!tpu.dma_semaphore, #tpu.memory_space<semaphore_mem>>
      %dma_start3A = tpu.memref_slice %arg12[%mul3A_2] : memref<2304xf32, #tpu.memory_space<hbm>> -> memref<72xf32, #tpu.memory_space<hbm>>
      %dma_start3A_8 = tpu.memref_slice %arg12[%mul3A_2] : memref<2304xf32, #tpu.memory_space<hbm>> -> memref<72xf32, #tpu.memory_space<hbm>>
      tpu.enqueue_dma source(%arg24 : memref<72xf32, #tpu.memory_space<vmem>>) target(%dma_start3A_8 : memref<72xf32, #tpu.memory_space<hbm>>) target_semaphore(%run_scoped3A : memref<!tpu.dma_semaphore, #tpu.memory_space<semaphore_mem>>)
      %dma_wait3A = tpu.memref_slice %arg12[%mul3A_2] : memref<2304xf32, #tpu.memory_space<hbm>> -> memref<72xf32, #tpu.memory_space<hbm>>
      %dma_wait3A_9 = tpu.memref_slice %arg12[%mul3A_2] : memref<2304xf32, #tpu.memory_space<hbm>> -> memref<72xf32, #tpu.memory_space<hbm>>
      tpu.wait_dma2 semaphore(%run_scoped3A : memref<!tpu.dma_semaphore, #tpu.memory_space<semaphore_mem>>) src(%arg24 : memref<72xf32, #tpu.memory_space<vmem>>) dst(%dma_wait3A_9 : memref<72xf32, #tpu.memory_space<hbm>>)
      tpu.yield
    }) : () -> ()
    "tpu.region"() ({
      %run_scoped3A = tpu.sem_alloc : memref<!tpu.dma_semaphore, #tpu.memory_space<semaphore_mem>>
      %dma_start3A = tpu.memref_slice %arg13[%mul3A_2] : memref<2304xf32, #tpu.memory_space<hbm>> -> memref<72xf32, #tpu.memory_space<hbm>>
      %dma_start3A_8 = tpu.memref_slice %arg13[%mul3A_2] : memref<2304xf32, #tpu.memory_space<hbm>> -> memref<72xf32, #tpu.memory_space<hbm>>
      tpu.enqueue_dma source(%arg25 : memref<72xf32, #tpu.memory_space<vmem>>) target(%dma_start3A_8 : memref<72xf32, #tpu.memory_space<hbm>>) target_semaphore(%run_scoped3A : memref<!tpu.dma_semaphore, #tpu.memory_space<semaphore_mem>>)
      %dma_wait3A = tpu.memref_slice %arg13[%mul3A_2] : memref<2304xf32, #tpu.memory_space<hbm>> -> memref<72xf32, #tpu.memory_space<hbm>>
      %dma_wait3A_9 = tpu.memref_slice %arg13[%mul3A_2] : memref<2304xf32, #tpu.memory_space<hbm>> -> memref<72xf32, #tpu.memory_space<hbm>>
      tpu.wait_dma2 semaphore(%run_scoped3A : memref<!tpu.dma_semaphore, #tpu.memory_space<semaphore_mem>>) src(%arg25 : memref<72xf32, #tpu.memory_space<vmem>>) dst(%dma_wait3A_9 : memref<72xf32, #tpu.memory_space<hbm>>)
      tpu.yield
    }) : () -> ()
    return
  }
}

module attributes {stable_mosaic.version = 14 : i64} {
  func.func @_tc_kernel(%arg0: i32, %arg1: memref<9x4096xf32, #tpu.memory_space<vmem>>, %arg2: memref<256x3xf32, #tpu.memory_space<vmem>>, %arg3: memref<256x1xf32, #tpu.memory_space<vmem>>, %arg4: memref<256x3xf32, #tpu.memory_space<vmem>>, %arg5: memref<256x1xi32, #tpu.memory_space<vmem>>, %arg6: memref<256x3xf32, #tpu.memory_space<vmem>>) attributes {dimension_semantics = [#tpu.dimension_semantics<arbitrary>], iteration_bounds = array<i64: 23>, scalar_prefetch = 0 : i64, scratch_operands = 0 : i64, tpu.core_type = #tpu.core_type<tc>, window_params = [{pipeline_mode = #tpu.pipeline_mode<synchronous>, transform_indices = @transform_0, window_bounds = array<i64: 9, 4096>}, {transform_indices = @transform_1, window_bounds = array<i64: 256, 3>}, {transform_indices = @transform_2, window_bounds = array<i64: 256, 1>}, {transform_indices = @transform_3, window_bounds = array<i64: 256, 3>}, {transform_indices = @transform_4, window_bounds = array<i64: 256, 1>}, {transform_indices = @transform_5, window_bounds = array<i64: 256, 3>}]} {
    %get3A = arith.constant 0 : index
    %get3A_0 = arith.constant 0 : index
    %get3A_1 = vector.load %arg2[%get3A, %get3A_0] : memref<256x3xf32, #tpu.memory_space<vmem>>, vector<256x1xf32>
    %get3A_2 = arith.constant 0 : index
    %get3A_3 = arith.constant 1 : index
    %get3A_4 = vector.load %arg2[%get3A_2, %get3A_3] : memref<256x3xf32, #tpu.memory_space<vmem>>, vector<256x1xf32>
    %get3A_5 = arith.constant 0 : index
    %get3A_6 = arith.constant 2 : index
    %get3A_7 = vector.load %arg2[%get3A_5, %get3A_6] : memref<256x3xf32, #tpu.memory_space<vmem>>, vector<256x1xf32>
    %broadcast_in_dim3A = arith.constant 0x7F800000 : f32
    %broadcast_in_dim3A_8 = vector.broadcast %broadcast_in_dim3A : f32 to vector<256x1xf32>
    %broadcast_in_dim3A_9 = arith.constant 0 : i32
    %broadcast_in_dim3A_10 = vector.broadcast %broadcast_in_dim3A_9 : i32 to vector<256x1xi32>
    %broadcast_in_dim3A_11 = arith.constant 0.000000e+00 : f32
    %broadcast_in_dim3A_12 = vector.broadcast %broadcast_in_dim3A_11 : f32 to vector<256x1xf32>
    %broadcast_in_dim3A_13 = arith.constant 0.000000e+00 : f32
    %broadcast_in_dim3A_14 = vector.broadcast %broadcast_in_dim3A_13 : f32 to vector<256x1xf32>
    %broadcast_in_dim3A_15 = arith.constant 0.000000e+00 : f32
    %broadcast_in_dim3A_16 = vector.broadcast %broadcast_in_dim3A_15 : f32 to vector<256x1xf32>
    %broadcast_in_dim3A_17 = arith.constant 0.000000e+00 : f32
    %broadcast_in_dim3A_18 = vector.broadcast %broadcast_in_dim3A_17 : f32 to vector<256x1xf32>
    %broadcast_in_dim3A_19 = arith.constant 0.000000e+00 : f32
    %broadcast_in_dim3A_20 = vector.broadcast %broadcast_in_dim3A_19 : f32 to vector<256x1xf32>
    %broadcast_in_dim3A_21 = arith.constant 0.000000e+00 : f32
    %broadcast_in_dim3A_22 = vector.broadcast %broadcast_in_dim3A_21 : f32 to vector<256x1xf32>
    %iota3A = tpu.iota {dimensions = array<i32: 1>} : vector<1x512xi32>
    %get3A_23 = arith.constant 0 : index
    %get3A_24 = arith.constant 0 : index
    %get3A_25 = vector.load %arg1[%get3A_23, %get3A_24] : memref<9x4096xf32, #tpu.memory_space<vmem>>, vector<1x512xf32>
    %get3A_26 = arith.constant 1 : index
    %get3A_27 = arith.constant 0 : index
    %get3A_28 = vector.load %arg1[%get3A_26, %get3A_27] : memref<9x4096xf32, #tpu.memory_space<vmem>>, vector<1x512xf32>
    %get3A_29 = arith.constant 2 : index
    %get3A_30 = arith.constant 0 : index
    %get3A_31 = vector.load %arg1[%get3A_29, %get3A_30] : memref<9x4096xf32, #tpu.memory_space<vmem>>, vector<1x512xf32>
    %get3A_32 = arith.constant 3 : index
    %get3A_33 = arith.constant 0 : index
    %get3A_34 = vector.load %arg1[%get3A_32, %get3A_33] : memref<9x4096xf32, #tpu.memory_space<vmem>>, vector<1x512xf32>
    %get3A_35 = arith.constant 4 : index
    %get3A_36 = arith.constant 0 : index
    %get3A_37 = vector.load %arg1[%get3A_35, %get3A_36] : memref<9x4096xf32, #tpu.memory_space<vmem>>, vector<1x512xf32>
    %get3A_38 = arith.constant 5 : index
    %get3A_39 = arith.constant 0 : index
    %get3A_40 = vector.load %arg1[%get3A_38, %get3A_39] : memref<9x4096xf32, #tpu.memory_space<vmem>>, vector<1x512xf32>
    %get3A_41 = arith.constant 6 : index
    %get3A_42 = arith.constant 0 : index
    %get3A_43 = vector.load %arg1[%get3A_41, %get3A_42] : memref<9x4096xf32, #tpu.memory_space<vmem>>, vector<1x512xf32>
    %get3A_44 = arith.constant 7 : index
    %get3A_45 = arith.constant 0 : index
    %get3A_46 = vector.load %arg1[%get3A_44, %get3A_45] : memref<9x4096xf32, #tpu.memory_space<vmem>>, vector<1x512xf32>
    %get3A_47 = arith.constant 8 : index
    %get3A_48 = arith.constant 0 : index
    %get3A_49 = vector.load %arg1[%get3A_47, %get3A_48] : memref<9x4096xf32, #tpu.memory_space<vmem>>, vector<1x512xf32>
    %sub3A = arith.subf %get3A_34, %get3A_25 : vector<1x512xf32>
    %sub3A_50 = arith.subf %get3A_37, %get3A_28 : vector<1x512xf32>
    %sub3A_51 = arith.subf %get3A_40, %get3A_31 : vector<1x512xf32>
    %sub3A_52 = arith.subf %get3A_43, %get3A_25 : vector<1x512xf32>
    %sub3A_53 = arith.subf %get3A_46, %get3A_28 : vector<1x512xf32>
    %sub3A_54 = arith.subf %get3A_49, %get3A_31 : vector<1x512xf32>
    %sub3A_55 = vector.broadcast %get3A_1 : vector<256x1xf32> to vector<256x512xf32>
    %sub3A_56 = vector.broadcast %get3A_25 : vector<1x512xf32> to vector<256x512xf32>
    %sub3A_57 = arith.subf %sub3A_55, %sub3A_56 : vector<256x512xf32>
    %sub3A_58 = vector.broadcast %get3A_4 : vector<256x1xf32> to vector<256x512xf32>
    %sub3A_59 = vector.broadcast %get3A_28 : vector<1x512xf32> to vector<256x512xf32>
    %sub3A_60 = arith.subf %sub3A_58, %sub3A_59 : vector<256x512xf32>
    %sub3A_61 = vector.broadcast %get3A_7 : vector<256x1xf32> to vector<256x512xf32>
    %sub3A_62 = vector.broadcast %get3A_31 : vector<1x512xf32> to vector<256x512xf32>
    %sub3A_63 = arith.subf %sub3A_61, %sub3A_62 : vector<256x512xf32>
    %mul3A = vector.broadcast %sub3A : vector<1x512xf32> to vector<256x512xf32>
    %mul3A_64 = arith.mulf %mul3A, %sub3A_57 : vector<256x512xf32>
    %mul3A_65 = vector.broadcast %sub3A_50 : vector<1x512xf32> to vector<256x512xf32>
    %mul3A_66 = arith.mulf %mul3A_65, %sub3A_60 : vector<256x512xf32>
    %add3A = arith.addf %mul3A_64, %mul3A_66 : vector<256x512xf32>
    %mul3A_67 = vector.broadcast %sub3A_51 : vector<1x512xf32> to vector<256x512xf32>
    %mul3A_68 = arith.mulf %mul3A_67, %sub3A_63 : vector<256x512xf32>
    %add3A_69 = arith.addf %add3A, %mul3A_68 : vector<256x512xf32>
    %mul3A_70 = vector.broadcast %sub3A_52 : vector<1x512xf32> to vector<256x512xf32>
    %mul3A_71 = arith.mulf %mul3A_70, %sub3A_57 : vector<256x512xf32>
    %mul3A_72 = vector.broadcast %sub3A_53 : vector<1x512xf32> to vector<256x512xf32>
    %mul3A_73 = arith.mulf %mul3A_72, %sub3A_60 : vector<256x512xf32>
    %add3A_74 = arith.addf %mul3A_71, %mul3A_73 : vector<256x512xf32>
    %mul3A_75 = vector.broadcast %sub3A_54 : vector<1x512xf32> to vector<256x512xf32>
    %mul3A_76 = arith.mulf %mul3A_75, %sub3A_63 : vector<256x512xf32>
    %add3A_77 = arith.addf %add3A_74, %mul3A_76 : vector<256x512xf32>
    %sub3A_78 = vector.broadcast %get3A_1 : vector<256x1xf32> to vector<256x512xf32>
    %sub3A_79 = vector.broadcast %get3A_34 : vector<1x512xf32> to vector<256x512xf32>
    %sub3A_80 = arith.subf %sub3A_78, %sub3A_79 : vector<256x512xf32>
    %sub3A_81 = vector.broadcast %get3A_4 : vector<256x1xf32> to vector<256x512xf32>
    %sub3A_82 = vector.broadcast %get3A_37 : vector<1x512xf32> to vector<256x512xf32>
    %sub3A_83 = arith.subf %sub3A_81, %sub3A_82 : vector<256x512xf32>
    %sub3A_84 = vector.broadcast %get3A_7 : vector<256x1xf32> to vector<256x512xf32>
    %sub3A_85 = vector.broadcast %get3A_40 : vector<1x512xf32> to vector<256x512xf32>
    %sub3A_86 = arith.subf %sub3A_84, %sub3A_85 : vector<256x512xf32>
    %mul3A_87 = vector.broadcast %sub3A : vector<1x512xf32> to vector<256x512xf32>
    %mul3A_88 = arith.mulf %mul3A_87, %sub3A_80 : vector<256x512xf32>
    %mul3A_89 = vector.broadcast %sub3A_50 : vector<1x512xf32> to vector<256x512xf32>
    %mul3A_90 = arith.mulf %mul3A_89, %sub3A_83 : vector<256x512xf32>
    %add3A_91 = arith.addf %mul3A_88, %mul3A_90 : vector<256x512xf32>
    %mul3A_92 = vector.broadcast %sub3A_51 : vector<1x512xf32> to vector<256x512xf32>
    %mul3A_93 = arith.mulf %mul3A_92, %sub3A_86 : vector<256x512xf32>
    %add3A_94 = arith.addf %add3A_91, %mul3A_93 : vector<256x512xf32>
    %mul3A_95 = vector.broadcast %sub3A_52 : vector<1x512xf32> to vector<256x512xf32>
    %mul3A_96 = arith.mulf %mul3A_95, %sub3A_80 : vector<256x512xf32>
    %mul3A_97 = vector.broadcast %sub3A_53 : vector<1x512xf32> to vector<256x512xf32>
    %mul3A_98 = arith.mulf %mul3A_97, %sub3A_83 : vector<256x512xf32>
    %add3A_99 = arith.addf %mul3A_96, %mul3A_98 : vector<256x512xf32>
    %mul3A_100 = vector.broadcast %sub3A_54 : vector<1x512xf32> to vector<256x512xf32>
    %mul3A_101 = arith.mulf %mul3A_100, %sub3A_86 : vector<256x512xf32>
    %add3A_102 = arith.addf %add3A_99, %mul3A_101 : vector<256x512xf32>
    %sub3A_103 = vector.broadcast %get3A_1 : vector<256x1xf32> to vector<256x512xf32>
    %sub3A_104 = vector.broadcast %get3A_43 : vector<1x512xf32> to vector<256x512xf32>
    %sub3A_105 = arith.subf %sub3A_103, %sub3A_104 : vector<256x512xf32>
    %sub3A_106 = vector.broadcast %get3A_4 : vector<256x1xf32> to vector<256x512xf32>
    %sub3A_107 = vector.broadcast %get3A_46 : vector<1x512xf32> to vector<256x512xf32>
    %sub3A_108 = arith.subf %sub3A_106, %sub3A_107 : vector<256x512xf32>
    %sub3A_109 = vector.broadcast %get3A_7 : vector<256x1xf32> to vector<256x512xf32>
    %sub3A_110 = vector.broadcast %get3A_49 : vector<1x512xf32> to vector<256x512xf32>
    %sub3A_111 = arith.subf %sub3A_109, %sub3A_110 : vector<256x512xf32>
    %mul3A_112 = vector.broadcast %sub3A : vector<1x512xf32> to vector<256x512xf32>
    %mul3A_113 = arith.mulf %mul3A_112, %sub3A_105 : vector<256x512xf32>
    %mul3A_114 = vector.broadcast %sub3A_50 : vector<1x512xf32> to vector<256x512xf32>
    %mul3A_115 = arith.mulf %mul3A_114, %sub3A_108 : vector<256x512xf32>
    %add3A_116 = arith.addf %mul3A_113, %mul3A_115 : vector<256x512xf32>
    %mul3A_117 = vector.broadcast %sub3A_51 : vector<1x512xf32> to vector<256x512xf32>
    %mul3A_118 = arith.mulf %mul3A_117, %sub3A_111 : vector<256x512xf32>
    %add3A_119 = arith.addf %add3A_116, %mul3A_118 : vector<256x512xf32>
    %mul3A_120 = vector.broadcast %sub3A_52 : vector<1x512xf32> to vector<256x512xf32>
    %mul3A_121 = arith.mulf %mul3A_120, %sub3A_105 : vector<256x512xf32>
    %mul3A_122 = vector.broadcast %sub3A_53 : vector<1x512xf32> to vector<256x512xf32>
    %mul3A_123 = arith.mulf %mul3A_122, %sub3A_108 : vector<256x512xf32>
    %add3A_124 = arith.addf %mul3A_121, %mul3A_123 : vector<256x512xf32>
    %mul3A_125 = vector.broadcast %sub3A_54 : vector<1x512xf32> to vector<256x512xf32>
    %mul3A_126 = arith.mulf %mul3A_125, %sub3A_111 : vector<256x512xf32>
    %add3A_127 = arith.addf %add3A_124, %mul3A_126 : vector<256x512xf32>
    %mul3A_128 = arith.mulf %add3A_69, %add3A_102 : vector<256x512xf32>
    %mul3A_129 = arith.mulf %add3A_94, %add3A_77 : vector<256x512xf32>
    %sub3A_130 = arith.subf %mul3A_128, %mul3A_129 : vector<256x512xf32>
    %mul3A_131 = arith.mulf %add3A_119, %add3A_77 : vector<256x512xf32>
    %mul3A_132 = arith.mulf %add3A_69, %add3A_127 : vector<256x512xf32>
    %sub3A_133 = arith.subf %mul3A_131, %mul3A_132 : vector<256x512xf32>
    %mul3A_134 = arith.mulf %add3A_94, %add3A_127 : vector<256x512xf32>
    %mul3A_135 = arith.mulf %add3A_119, %add3A_102 : vector<256x512xf32>
    %sub3A_136 = arith.subf %mul3A_134, %mul3A_135 : vector<256x512xf32>
    %sub3A_137 = arith.subf %add3A_69, %add3A_94 : vector<256x512xf32>
    %abs3A = math.absf %sub3A_137 : vector<256x512xf32>
    %lt3A = arith.constant 9.99999996E-13 : f32
    %lt3A_138 = vector.broadcast %lt3A : f32 to vector<256x512xf32>
    %lt3A_139 = arith.cmpf olt, %abs3A, %lt3A_138 : vector<256x512xf32>
    %lt3A_140 = arith.constant 0.000000e+00 : f32
    %lt3A_141 = vector.broadcast %lt3A_140 : f32 to vector<256x512xf32>
    %lt3A_142 = arith.cmpf olt, %sub3A_137, %lt3A_141 : vector<256x512xf32>
    %jit3A = arith.constant -9.99999996E-13 : f32
    %jit3A_143 = arith.constant 9.99999996E-13 : f32
    %broadcast_in_dim3A_144 = vector.broadcast %jit3A : f32 to vector<256x512xf32>
    %broadcast_in_dim3A_145 = vector.broadcast %jit3A_143 : f32 to vector<256x512xf32>
    %select_n3A = arith.select %lt3A_142, %broadcast_in_dim3A_144, %broadcast_in_dim3A_145 : vector<256x512xi1>, vector<256x512xf32>
    %select_n3A_146 = arith.select %lt3A_139, %select_n3A, %sub3A_137 : vector<256x512xi1>, vector<256x512xf32>
    %div3A = arith.divf %add3A_69, %select_n3A_146 : vector<256x512xf32>
    %sub3A_147 = arith.subf %add3A_77, %add3A_127 : vector<256x512xf32>
    %abs3A_148 = math.absf %sub3A_147 : vector<256x512xf32>
    %lt3A_149 = arith.constant 9.99999996E-13 : f32
    %lt3A_150 = vector.broadcast %lt3A_149 : f32 to vector<256x512xf32>
    %lt3A_151 = arith.cmpf olt, %abs3A_148, %lt3A_150 : vector<256x512xf32>
    %lt3A_152 = arith.constant 0.000000e+00 : f32
    %lt3A_153 = vector.broadcast %lt3A_152 : f32 to vector<256x512xf32>
    %lt3A_154 = arith.cmpf olt, %sub3A_147, %lt3A_153 : vector<256x512xf32>
    %jit3A_155 = arith.constant -9.99999996E-13 : f32
    %jit3A_156 = arith.constant 9.99999996E-13 : f32
    %broadcast_in_dim3A_157 = vector.broadcast %jit3A_155 : f32 to vector<256x512xf32>
    %broadcast_in_dim3A_158 = vector.broadcast %jit3A_156 : f32 to vector<256x512xf32>
    %select_n3A_159 = arith.select %lt3A_154, %broadcast_in_dim3A_157, %broadcast_in_dim3A_158 : vector<256x512xi1>, vector<256x512xf32>
    %select_n3A_160 = arith.select %lt3A_151, %select_n3A_159, %sub3A_147 : vector<256x512xi1>, vector<256x512xf32>
    %div3A_161 = arith.divf %add3A_77, %select_n3A_160 : vector<256x512xf32>
    %sub3A_162 = arith.subf %add3A_102, %add3A_94 : vector<256x512xf32>
    %sub3A_163 = arith.subf %add3A_102, %add3A_94 : vector<256x512xf32>
    %sub3A_164 = arith.subf %add3A_119, %add3A_127 : vector<256x512xf32>
    %add3A_165 = arith.addf %sub3A_163, %sub3A_164 : vector<256x512xf32>
    %abs3A_166 = math.absf %add3A_165 : vector<256x512xf32>
    %lt3A_167 = arith.constant 9.99999996E-13 : f32
    %lt3A_168 = vector.broadcast %lt3A_167 : f32 to vector<256x512xf32>
    %lt3A_169 = arith.cmpf olt, %abs3A_166, %lt3A_168 : vector<256x512xf32>
    %lt3A_170 = arith.constant 0.000000e+00 : f32
    %lt3A_171 = vector.broadcast %lt3A_170 : f32 to vector<256x512xf32>
    %lt3A_172 = arith.cmpf olt, %add3A_165, %lt3A_171 : vector<256x512xf32>
    %jit3A_173 = arith.constant -9.99999996E-13 : f32
    %jit3A_174 = arith.constant 9.99999996E-13 : f32
    %broadcast_in_dim3A_175 = vector.broadcast %jit3A_173 : f32 to vector<256x512xf32>
    %broadcast_in_dim3A_176 = vector.broadcast %jit3A_174 : f32 to vector<256x512xf32>
    %select_n3A_177 = arith.select %lt3A_172, %broadcast_in_dim3A_175, %broadcast_in_dim3A_176 : vector<256x512xi1>, vector<256x512xf32>
    %select_n3A_178 = arith.select %lt3A_169, %select_n3A_177, %add3A_165 : vector<256x512xi1>, vector<256x512xf32>
    %div3A_179 = arith.divf %sub3A_162, %select_n3A_178 : vector<256x512xf32>
    %broadcast_in_dim3A_180 = arith.constant 1.000000e+00 : f32
    %broadcast_in_dim3A_181 = vector.broadcast %broadcast_in_dim3A_180 : f32 to vector<256x512xf32>
    %add3A_182 = arith.addf %sub3A_136, %sub3A_133 : vector<256x512xf32>
    %add3A_183 = arith.addf %add3A_182, %sub3A_130 : vector<256x512xf32>
    %abs3A_184 = math.absf %add3A_183 : vector<256x512xf32>
    %lt3A_185 = arith.constant 9.99999996E-13 : f32
    %lt3A_186 = vector.broadcast %lt3A_185 : f32 to vector<256x512xf32>
    %lt3A_187 = arith.cmpf olt, %abs3A_184, %lt3A_186 : vector<256x512xf32>
    %lt3A_188 = arith.constant 0.000000e+00 : f32
    %lt3A_189 = vector.broadcast %lt3A_188 : f32 to vector<256x512xf32>
    %lt3A_190 = arith.cmpf olt, %add3A_183, %lt3A_189 : vector<256x512xf32>
    %jit3A_191 = arith.constant -9.99999996E-13 : f32
    %jit3A_192 = arith.constant 9.99999996E-13 : f32
    %broadcast_in_dim3A_193 = vector.broadcast %jit3A_191 : f32 to vector<256x512xf32>
    %broadcast_in_dim3A_194 = vector.broadcast %jit3A_192 : f32 to vector<256x512xf32>
    %select_n3A_195 = arith.select %lt3A_190, %broadcast_in_dim3A_193, %broadcast_in_dim3A_194 : vector<256x512xi1>, vector<256x512xf32>
    %select_n3A_196 = arith.select %lt3A_187, %select_n3A_195, %add3A_183 : vector<256x512xi1>, vector<256x512xf32>
    %div3A_197 = arith.divf %broadcast_in_dim3A_181, %select_n3A_196 : vector<256x512xf32>
    %mul3A_198 = arith.mulf %sub3A_133, %div3A_197 : vector<256x512xf32>
    %mul3A_199 = arith.mulf %sub3A_130, %div3A_197 : vector<256x512xf32>
    %le3A = arith.constant 0.000000e+00 : f32
    %le3A_200 = vector.broadcast %le3A : f32 to vector<256x512xf32>
    %le3A_201 = arith.cmpf ole, %add3A_69, %le3A_200 : vector<256x512xf32>
    %le3A_202 = arith.constant 0.000000e+00 : f32
    %le3A_203 = vector.broadcast %le3A_202 : f32 to vector<256x512xf32>
    %le3A_204 = arith.cmpf ole, %add3A_77, %le3A_203 : vector<256x512xf32>
    %and3A = arith.andi %le3A_201, %le3A_204 : vector<256x512xi1>
    %ge3A = arith.constant 0.000000e+00 : f32
    %ge3A_205 = vector.broadcast %ge3A : f32 to vector<256x512xf32>
    %ge3A_206 = arith.cmpf oge, %add3A_94, %ge3A_205 : vector<256x512xf32>
    %le3A_207 = arith.cmpf ole, %add3A_102, %add3A_94 : vector<256x512xf32>
    %and3A_208 = arith.andi %ge3A_206, %le3A_207 : vector<256x512xi1>
    %le3A_209 = arith.constant 0.000000e+00 : f32
    %le3A_210 = vector.broadcast %le3A_209 : f32 to vector<256x512xf32>
    %le3A_211 = arith.cmpf ole, %sub3A_130, %le3A_210 : vector<256x512xf32>
    %ge3A_212 = arith.constant 0.000000e+00 : f32
    %ge3A_213 = vector.broadcast %ge3A_212 : f32 to vector<256x512xf32>
    %ge3A_214 = arith.cmpf oge, %add3A_69, %ge3A_213 : vector<256x512xf32>
    %and3A_215 = arith.andi %le3A_211, %ge3A_214 : vector<256x512xi1>
    %le3A_216 = arith.constant 0.000000e+00 : f32
    %le3A_217 = vector.broadcast %le3A_216 : f32 to vector<256x512xf32>
    %le3A_218 = arith.cmpf ole, %add3A_94, %le3A_217 : vector<256x512xf32>
    %and3A_219 = arith.andi %and3A_215, %le3A_218 : vector<256x512xi1>
    %ge3A_220 = arith.constant 0.000000e+00 : f32
    %ge3A_221 = vector.broadcast %ge3A_220 : f32 to vector<256x512xf32>
    %ge3A_222 = arith.cmpf oge, %add3A_127, %ge3A_221 : vector<256x512xf32>
    %le3A_223 = arith.cmpf ole, %add3A_119, %add3A_127 : vector<256x512xf32>
    %and3A_224 = arith.andi %ge3A_222, %le3A_223 : vector<256x512xi1>
    %le3A_225 = arith.constant 0.000000e+00 : f32
    %le3A_226 = vector.broadcast %le3A_225 : f32 to vector<256x512xf32>
    %le3A_227 = arith.cmpf ole, %sub3A_133, %le3A_226 : vector<256x512xf32>
    %ge3A_228 = arith.constant 0.000000e+00 : f32
    %ge3A_229 = vector.broadcast %ge3A_228 : f32 to vector<256x512xf32>
    %ge3A_230 = arith.cmpf oge, %add3A_77, %ge3A_229 : vector<256x512xf32>
    %and3A_231 = arith.andi %le3A_227, %ge3A_230 : vector<256x512xi1>
    %le3A_232 = arith.constant 0.000000e+00 : f32
    %le3A_233 = vector.broadcast %le3A_232 : f32 to vector<256x512xf32>
    %le3A_234 = arith.cmpf ole, %add3A_127, %le3A_233 : vector<256x512xf32>
    %and3A_235 = arith.andi %and3A_231, %le3A_234 : vector<256x512xi1>
    %le3A_236 = arith.constant 0.000000e+00 : f32
    %le3A_237 = vector.broadcast %le3A_236 : f32 to vector<256x512xf32>
    %le3A_238 = arith.cmpf ole, %sub3A_136, %le3A_237 : vector<256x512xf32>
    %sub3A_239 = arith.subf %add3A_102, %add3A_94 : vector<256x512xf32>
    %ge3A_240 = arith.constant 0.000000e+00 : f32
    %ge3A_241 = vector.broadcast %ge3A_240 : f32 to vector<256x512xf32>
    %ge3A_242 = arith.cmpf oge, %sub3A_239, %ge3A_241 : vector<256x512xf32>
    %and3A_243 = arith.andi %le3A_238, %ge3A_242 : vector<256x512xi1>
    %sub3A_244 = arith.subf %add3A_119, %add3A_127 : vector<256x512xf32>
    %ge3A_245 = arith.constant 0.000000e+00 : f32
    %ge3A_246 = vector.broadcast %ge3A_245 : f32 to vector<256x512xf32>
    %ge3A_247 = arith.cmpf oge, %sub3A_244, %ge3A_246 : vector<256x512xf32>
    %and3A_248 = arith.andi %and3A_243, %ge3A_247 : vector<256x512xi1>
    %sub3A_249 = arith.constant 1.000000e+00 : f32
    %sub3A_250 = vector.broadcast %sub3A_249 : f32 to vector<256x512xf32>
    %sub3A_251 = arith.subf %sub3A_250, %mul3A_198 : vector<256x512xf32>
    %sub3A_252 = arith.subf %sub3A_251, %mul3A_199 : vector<256x512xf32>
    %broadcast_in_dim3A_253 = arith.constant 0.000000e+00 : f32
    %broadcast_in_dim3A_254 = vector.broadcast %broadcast_in_dim3A_253 : f32 to vector<256x512xf32>
    %broadcast_in_dim3A_255 = arith.constant 1.000000e+00 : f32
    %broadcast_in_dim3A_256 = vector.broadcast %broadcast_in_dim3A_255 : f32 to vector<256x512xf32>
    %select_n3A_257 = arith.select %and3A_248, %broadcast_in_dim3A_254, %sub3A_252 : vector<256x512xi1>, vector<256x512xf32>
    %sub3A_258 = arith.constant 1.000000e+00 : f32
    %sub3A_259 = vector.broadcast %sub3A_258 : f32 to vector<256x512xf32>
    %sub3A_260 = arith.subf %sub3A_259, %div3A_179 : vector<256x512xf32>
    %select_n3A_261 = arith.select %and3A_248, %sub3A_260, %mul3A_198 : vector<256x512xi1>, vector<256x512xf32>
    %select_n3A_262 = arith.select %and3A_248, %div3A_179, %mul3A_199 : vector<256x512xi1>, vector<256x512xf32>
    %sub3A_263 = arith.constant 1.000000e+00 : f32
    %sub3A_264 = vector.broadcast %sub3A_263 : f32 to vector<256x512xf32>
    %sub3A_265 = arith.subf %sub3A_264, %div3A_161 : vector<256x512xf32>
    %select_n3A_266 = arith.select %and3A_235, %sub3A_265, %select_n3A_257 : vector<256x512xi1>, vector<256x512xf32>
    %select_n3A_267 = arith.select %and3A_235, %broadcast_in_dim3A_254, %select_n3A_261 : vector<256x512xi1>, vector<256x512xf32>
    %select_n3A_268 = arith.select %and3A_235, %div3A_161, %select_n3A_262 : vector<256x512xi1>, vector<256x512xf32>
    %select_n3A_269 = arith.select %and3A_224, %broadcast_in_dim3A_254, %select_n3A_266 : vector<256x512xi1>, vector<256x512xf32>
    %select_n3A_270 = arith.select %and3A_224, %broadcast_in_dim3A_254, %select_n3A_267 : vector<256x512xi1>, vector<256x512xf32>
    %select_n3A_271 = arith.select %and3A_224, %broadcast_in_dim3A_256, %select_n3A_268 : vector<256x512xi1>, vector<256x512xf32>
    %sub3A_272 = arith.constant 1.000000e+00 : f32
    %sub3A_273 = vector.broadcast %sub3A_272 : f32 to vector<256x512xf32>
    %sub3A_274 = arith.subf %sub3A_273, %div3A : vector<256x512xf32>
    %select_n3A_275 = arith.select %and3A_219, %sub3A_274, %select_n3A_269 : vector<256x512xi1>, vector<256x512xf32>
    %select_n3A_276 = arith.select %and3A_219, %div3A, %select_n3A_270 : vector<256x512xi1>, vector<256x512xf32>
    %select_n3A_277 = arith.select %and3A_219, %broadcast_in_dim3A_254, %select_n3A_271 : vector<256x512xi1>, vector<256x512xf32>
    %select_n3A_278 = arith.select %and3A_208, %broadcast_in_dim3A_254, %select_n3A_275 : vector<256x512xi1>, vector<256x512xf32>
    %select_n3A_279 = arith.select %and3A_208, %broadcast_in_dim3A_256, %select_n3A_276 : vector<256x512xi1>, vector<256x512xf32>
    %select_n3A_280 = arith.select %and3A_208, %broadcast_in_dim3A_254, %select_n3A_277 : vector<256x512xi1>, vector<256x512xf32>
    %select_n3A_281 = arith.select %and3A, %broadcast_in_dim3A_256, %select_n3A_278 : vector<256x512xi1>, vector<256x512xf32>
    %select_n3A_282 = arith.select %and3A, %broadcast_in_dim3A_254, %select_n3A_279 : vector<256x512xi1>, vector<256x512xf32>
    %select_n3A_283 = arith.select %and3A, %broadcast_in_dim3A_254, %select_n3A_280 : vector<256x512xi1>, vector<256x512xf32>
    %mul3A_284 = vector.broadcast %get3A_25 : vector<1x512xf32> to vector<256x512xf32>
    %mul3A_285 = arith.mulf %select_n3A_281, %mul3A_284 : vector<256x512xf32>
    %mul3A_286 = vector.broadcast %get3A_34 : vector<1x512xf32> to vector<256x512xf32>
    %mul3A_287 = arith.mulf %select_n3A_282, %mul3A_286 : vector<256x512xf32>
    %add3A_288 = arith.addf %mul3A_285, %mul3A_287 : vector<256x512xf32>
    %mul3A_289 = vector.broadcast %get3A_43 : vector<1x512xf32> to vector<256x512xf32>
    %mul3A_290 = arith.mulf %select_n3A_283, %mul3A_289 : vector<256x512xf32>
    %add3A_291 = arith.addf %add3A_288, %mul3A_290 : vector<256x512xf32>
    %mul3A_292 = vector.broadcast %get3A_28 : vector<1x512xf32> to vector<256x512xf32>
    %mul3A_293 = arith.mulf %select_n3A_281, %mul3A_292 : vector<256x512xf32>
    %mul3A_294 = vector.broadcast %get3A_37 : vector<1x512xf32> to vector<256x512xf32>
    %mul3A_295 = arith.mulf %select_n3A_282, %mul3A_294 : vector<256x512xf32>
    %add3A_296 = arith.addf %mul3A_293, %mul3A_295 : vector<256x512xf32>
    %mul3A_297 = vector.broadcast %get3A_46 : vector<1x512xf32> to vector<256x512xf32>
    %mul3A_298 = arith.mulf %select_n3A_283, %mul3A_297 : vector<256x512xf32>
    %add3A_299 = arith.addf %add3A_296, %mul3A_298 : vector<256x512xf32>
    %mul3A_300 = vector.broadcast %get3A_31 : vector<1x512xf32> to vector<256x512xf32>
    %mul3A_301 = arith.mulf %select_n3A_281, %mul3A_300 : vector<256x512xf32>
    %mul3A_302 = vector.broadcast %get3A_40 : vector<1x512xf32> to vector<256x512xf32>
    %mul3A_303 = arith.mulf %select_n3A_282, %mul3A_302 : vector<256x512xf32>
    %add3A_304 = arith.addf %mul3A_301, %mul3A_303 : vector<256x512xf32>
    %mul3A_305 = vector.broadcast %get3A_49 : vector<1x512xf32> to vector<256x512xf32>
    %mul3A_306 = arith.mulf %select_n3A_283, %mul3A_305 : vector<256x512xf32>
    %add3A_307 = arith.addf %add3A_304, %mul3A_306 : vector<256x512xf32>
    %sub3A_308 = vector.broadcast %get3A_1 : vector<256x1xf32> to vector<256x512xf32>
    %sub3A_309 = arith.subf %sub3A_308, %add3A_291 : vector<256x512xf32>
    %sub3A_310 = vector.broadcast %get3A_4 : vector<256x1xf32> to vector<256x512xf32>
    %sub3A_311 = arith.subf %sub3A_310, %add3A_299 : vector<256x512xf32>
    %sub3A_312 = vector.broadcast %get3A_7 : vector<256x1xf32> to vector<256x512xf32>
    %sub3A_313 = arith.subf %sub3A_312, %add3A_307 : vector<256x512xf32>
    %mul3A_314 = arith.mulf %sub3A_309, %sub3A_309 : vector<256x512xf32>
    %mul3A_315 = arith.mulf %sub3A_311, %sub3A_311 : vector<256x512xf32>
    %add3A_316 = arith.addf %mul3A_314, %mul3A_315 : vector<256x512xf32>
    %mul3A_317 = arith.mulf %sub3A_313, %sub3A_313 : vector<256x512xf32>
    %add3A_318 = arith.addf %add3A_316, %mul3A_317 : vector<256x512xf32>
    %reduce_min3A = arith.constant dense<0x7F800000> : vector<256xf32>
    %reduce_min3A_319 = vector.multi_reduction <minimumf>, %add3A_318, %reduce_min3A [1] : vector<256x512xf32> to vector<256xf32>
    %broadcast_in_dim3A_320 = vector.shape_cast %reduce_min3A_319 : vector<256xf32> to vector<256x1xf32>
    %eq3A = vector.broadcast %broadcast_in_dim3A_320 : vector<256x1xf32> to vector<256x512xf32>
    %eq3A_321 = arith.cmpf oeq, %add3A_318, %eq3A : vector<256x512xf32>
    %jit3A_322 = arith.constant 2147483647 : i32
    %broadcast_in_dim3A_323 = vector.shape_cast %iota3A : vector<1x512xi32> to vector<1x512xi32>
    %broadcast_in_dim3A_324 = vector.broadcast %broadcast_in_dim3A_323 : vector<1x512xi32> to vector<256x512xi32>
    %broadcast_in_dim3A_325 = vector.broadcast %jit3A_322 : i32 to vector<256x512xi32>
    %select_n3A_326 = arith.select %eq3A_321, %broadcast_in_dim3A_324, %broadcast_in_dim3A_325 : vector<256x512xi1>, vector<256x512xi32>
    %reduce_min3A_327 = arith.constant dense<2147483647> : vector<256xi32>
    %reduce_min3A_328 = vector.multi_reduction <minsi>, %select_n3A_326, %reduce_min3A_327 [1] : vector<256x512xi32> to vector<256xi32>
    %broadcast_in_dim3A_329 = vector.shape_cast %reduce_min3A_328 : vector<256xi32> to vector<256x1xi32>
    %eq3A_330 = vector.broadcast %iota3A : vector<1x512xi32> to vector<256x512xi32>
    %eq3A_331 = vector.broadcast %broadcast_in_dim3A_329 : vector<256x1xi32> to vector<256x512xi32>
    %eq3A_332 = arith.cmpi eq, %eq3A_330, %eq3A_331 : vector<256x512xi32>
    %jit3A_333 = arith.constant 0.000000e+00 : f32
    %broadcast_in_dim3A_334 = vector.broadcast %jit3A_333 : f32 to vector<256x512xf32>
    %select_n3A_335 = arith.select %eq3A_332, %select_n3A_281, %broadcast_in_dim3A_334 : vector<256x512xi1>, vector<256x512xf32>
    %reduce_sum3A = arith.constant dense<0.000000e+00> : vector<256xf32>
    %reduce_sum3A_336 = vector.multi_reduction <add>, %select_n3A_335, %reduce_sum3A [1] : vector<256x512xf32> to vector<256xf32>
    %broadcast_in_dim3A_337 = vector.shape_cast %reduce_sum3A_336 : vector<256xf32> to vector<256x1xf32>
    %jit3A_338 = arith.constant 0.000000e+00 : f32
    %broadcast_in_dim3A_339 = vector.broadcast %jit3A_338 : f32 to vector<256x512xf32>
    %select_n3A_340 = arith.select %eq3A_332, %select_n3A_282, %broadcast_in_dim3A_339 : vector<256x512xi1>, vector<256x512xf32>
    %reduce_sum3A_341 = arith.constant dense<0.000000e+00> : vector<256xf32>
    %reduce_sum3A_342 = vector.multi_reduction <add>, %select_n3A_340, %reduce_sum3A_341 [1] : vector<256x512xf32> to vector<256xf32>
    %broadcast_in_dim3A_343 = vector.shape_cast %reduce_sum3A_342 : vector<256xf32> to vector<256x1xf32>
    %jit3A_344 = arith.constant 0.000000e+00 : f32
    %broadcast_in_dim3A_345 = vector.broadcast %jit3A_344 : f32 to vector<256x512xf32>
    %select_n3A_346 = arith.select %eq3A_332, %select_n3A_283, %broadcast_in_dim3A_345 : vector<256x512xi1>, vector<256x512xf32>
    %reduce_sum3A_347 = arith.constant dense<0.000000e+00> : vector<256xf32>
    %reduce_sum3A_348 = vector.multi_reduction <add>, %select_n3A_346, %reduce_sum3A_347 [1] : vector<256x512xf32> to vector<256xf32>
    %broadcast_in_dim3A_349 = vector.shape_cast %reduce_sum3A_348 : vector<256xf32> to vector<256x1xf32>
    %jit3A_350 = arith.constant 0.000000e+00 : f32
    %broadcast_in_dim3A_351 = vector.broadcast %jit3A_350 : f32 to vector<256x512xf32>
    %select_n3A_352 = arith.select %eq3A_332, %add3A_291, %broadcast_in_dim3A_351 : vector<256x512xi1>, vector<256x512xf32>
    %reduce_sum3A_353 = arith.constant dense<0.000000e+00> : vector<256xf32>
    %reduce_sum3A_354 = vector.multi_reduction <add>, %select_n3A_352, %reduce_sum3A_353 [1] : vector<256x512xf32> to vector<256xf32>
    %broadcast_in_dim3A_355 = vector.shape_cast %reduce_sum3A_354 : vector<256xf32> to vector<256x1xf32>
    %jit3A_356 = arith.constant 0.000000e+00 : f32
    %broadcast_in_dim3A_357 = vector.broadcast %jit3A_356 : f32 to vector<256x512xf32>
    %select_n3A_358 = arith.select %eq3A_332, %add3A_299, %broadcast_in_dim3A_357 : vector<256x512xi1>, vector<256x512xf32>
    %reduce_sum3A_359 = arith.constant dense<0.000000e+00> : vector<256xf32>
    %reduce_sum3A_360 = vector.multi_reduction <add>, %select_n3A_358, %reduce_sum3A_359 [1] : vector<256x512xf32> to vector<256xf32>
    %broadcast_in_dim3A_361 = vector.shape_cast %reduce_sum3A_360 : vector<256xf32> to vector<256x1xf32>
    %jit3A_362 = arith.constant 0.000000e+00 : f32
    %broadcast_in_dim3A_363 = vector.broadcast %jit3A_362 : f32 to vector<256x512xf32>
    %select_n3A_364 = arith.select %eq3A_332, %add3A_307, %broadcast_in_dim3A_363 : vector<256x512xi1>, vector<256x512xf32>
    %reduce_sum3A_365 = arith.constant dense<0.000000e+00> : vector<256xf32>
    %reduce_sum3A_366 = vector.multi_reduction <add>, %select_n3A_364, %reduce_sum3A_365 [1] : vector<256x512xf32> to vector<256xf32>
    %broadcast_in_dim3A_367 = vector.shape_cast %reduce_sum3A_366 : vector<256xf32> to vector<256x1xf32>
    %lt3A_368 = arith.cmpf olt, %broadcast_in_dim3A_320, %broadcast_in_dim3A_8 : vector<256x1xf32>
    %select_n3A_369 = arith.select %lt3A_368, %broadcast_in_dim3A_320, %broadcast_in_dim3A_8 : vector<256x1xi1>, vector<256x1xf32>
    %add3A_370 = arith.constant 0 : i32
    %add3A_371 = vector.broadcast %add3A_370 : i32 to vector<256x1xi32>
    %add3A_372 = arith.addi %broadcast_in_dim3A_329, %add3A_371 : vector<256x1xi32>
    %select_n3A_373 = arith.select %lt3A_368, %add3A_372, %broadcast_in_dim3A_10 : vector<256x1xi1>, vector<256x1xi32>
    %select_n3A_374 = arith.select %lt3A_368, %broadcast_in_dim3A_337, %broadcast_in_dim3A_12 : vector<256x1xi1>, vector<256x1xf32>
    %select_n3A_375 = arith.select %lt3A_368, %broadcast_in_dim3A_343, %broadcast_in_dim3A_14 : vector<256x1xi1>, vector<256x1xf32>
    %select_n3A_376 = arith.select %lt3A_368, %broadcast_in_dim3A_349, %broadcast_in_dim3A_16 : vector<256x1xi1>, vector<256x1xf32>
    %select_n3A_377 = arith.select %lt3A_368, %broadcast_in_dim3A_355, %broadcast_in_dim3A_18 : vector<256x1xi1>, vector<256x1xf32>
    %select_n3A_378 = arith.select %lt3A_368, %broadcast_in_dim3A_361, %broadcast_in_dim3A_20 : vector<256x1xi1>, vector<256x1xf32>
    %select_n3A_379 = arith.select %lt3A_368, %broadcast_in_dim3A_367, %broadcast_in_dim3A_22 : vector<256x1xi1>, vector<256x1xf32>
    %get3A_380 = arith.constant 0 : index
    %get3A_381 = arith.constant 512 : index
    %get3A_382 = vector.load %arg1[%get3A_380, %get3A_381] : memref<9x4096xf32, #tpu.memory_space<vmem>>, vector<1x512xf32>
    %get3A_383 = arith.constant 1 : index
    %get3A_384 = arith.constant 512 : index
    %get3A_385 = vector.load %arg1[%get3A_383, %get3A_384] : memref<9x4096xf32, #tpu.memory_space<vmem>>, vector<1x512xf32>
    %get3A_386 = arith.constant 2 : index
    %get3A_387 = arith.constant 512 : index
    %get3A_388 = vector.load %arg1[%get3A_386, %get3A_387] : memref<9x4096xf32, #tpu.memory_space<vmem>>, vector<1x512xf32>
    %get3A_389 = arith.constant 3 : index
    %get3A_390 = arith.constant 512 : index
    %get3A_391 = vector.load %arg1[%get3A_389, %get3A_390] : memref<9x4096xf32, #tpu.memory_space<vmem>>, vector<1x512xf32>
    %get3A_392 = arith.constant 4 : index
    %get3A_393 = arith.constant 512 : index
    %get3A_394 = vector.load %arg1[%get3A_392, %get3A_393] : memref<9x4096xf32, #tpu.memory_space<vmem>>, vector<1x512xf32>
    %get3A_395 = arith.constant 5 : index
    %get3A_396 = arith.constant 512 : index
    %get3A_397 = vector.load %arg1[%get3A_395, %get3A_396] : memref<9x4096xf32, #tpu.memory_space<vmem>>, vector<1x512xf32>
    %get3A_398 = arith.constant 6 : index
    %get3A_399 = arith.constant 512 : index
    %get3A_400 = vector.load %arg1[%get3A_398, %get3A_399] : memref<9x4096xf32, #tpu.memory_space<vmem>>, vector<1x512xf32>
    %get3A_401 = arith.constant 7 : index
    %get3A_402 = arith.constant 512 : index
    %get3A_403 = vector.load %arg1[%get3A_401, %get3A_402] : memref<9x4096xf32, #tpu.memory_space<vmem>>, vector<1x512xf32>
    %get3A_404 = arith.constant 8 : index
    %get3A_405 = arith.constant 512 : index
    %get3A_406 = vector.load %arg1[%get3A_404, %get3A_405] : memref<9x4096xf32, #tpu.memory_space<vmem>>, vector<1x512xf32>
    %sub3A_407 = arith.subf %get3A_391, %get3A_382 : vector<1x512xf32>
    %sub3A_408 = arith.subf %get3A_394, %get3A_385 : vector<1x512xf32>
    %sub3A_409 = arith.subf %get3A_397, %get3A_388 : vector<1x512xf32>
    %sub3A_410 = arith.subf %get3A_400, %get3A_382 : vector<1x512xf32>
    %sub3A_411 = arith.subf %get3A_403, %get3A_385 : vector<1x512xf32>
    %sub3A_412 = arith.subf %get3A_406, %get3A_388 : vector<1x512xf32>
    %sub3A_413 = vector.broadcast %get3A_1 : vector<256x1xf32> to vector<256x512xf32>
    %sub3A_414 = vector.broadcast %get3A_382 : vector<1x512xf32> to vector<256x512xf32>
    %sub3A_415 = arith.subf %sub3A_413, %sub3A_414 : vector<256x512xf32>
    %sub3A_416 = vector.broadcast %get3A_4 : vector<256x1xf32> to vector<256x512xf32>
    %sub3A_417 = vector.broadcast %get3A_385 : vector<1x512xf32> to vector<256x512xf32>
    %sub3A_418 = arith.subf %sub3A_416, %sub3A_417 : vector<256x512xf32>
    %sub3A_419 = vector.broadcast %get3A_7 : vector<256x1xf32> to vector<256x512xf32>
    %sub3A_420 = vector.broadcast %get3A_388 : vector<1x512xf32> to vector<256x512xf32>
    %sub3A_421 = arith.subf %sub3A_419, %sub3A_420 : vector<256x512xf32>
    %mul3A_422 = vector.broadcast %sub3A_407 : vector<1x512xf32> to vector<256x512xf32>
    %mul3A_423 = arith.mulf %mul3A_422, %sub3A_415 : vector<256x512xf32>
    %mul3A_424 = vector.broadcast %sub3A_408 : vector<1x512xf32> to vector<256x512xf32>
    %mul3A_425 = arith.mulf %mul3A_424, %sub3A_418 : vector<256x512xf32>
    %add3A_426 = arith.addf %mul3A_423, %mul3A_425 : vector<256x512xf32>
    %mul3A_427 = vector.broadcast %sub3A_409 : vector<1x512xf32> to vector<256x512xf32>
    %mul3A_428 = arith.mulf %mul3A_427, %sub3A_421 : vector<256x512xf32>
    %add3A_429 = arith.addf %add3A_426, %mul3A_428 : vector<256x512xf32>
    %mul3A_430 = vector.broadcast %sub3A_410 : vector<1x512xf32> to vector<256x512xf32>
    %mul3A_431 = arith.mulf %mul3A_430, %sub3A_415 : vector<256x512xf32>
    %mul3A_432 = vector.broadcast %sub3A_411 : vector<1x512xf32> to vector<256x512xf32>
    %mul3A_433 = arith.mulf %mul3A_432, %sub3A_418 : vector<256x512xf32>
    %add3A_434 = arith.addf %mul3A_431, %mul3A_433 : vector<256x512xf32>
    %mul3A_435 = vector.broadcast %sub3A_412 : vector<1x512xf32> to vector<256x512xf32>
    %mul3A_436 = arith.mulf %mul3A_435, %sub3A_421 : vector<256x512xf32>
    %add3A_437 = arith.addf %add3A_434, %mul3A_436 : vector<256x512xf32>
    %sub3A_438 = vector.broadcast %get3A_1 : vector<256x1xf32> to vector<256x512xf32>
    %sub3A_439 = vector.broadcast %get3A_391 : vector<1x512xf32> to vector<256x512xf32>
    %sub3A_440 = arith.subf %sub3A_438, %sub3A_439 : vector<256x512xf32>
    %sub3A_441 = vector.broadcast %get3A_4 : vector<256x1xf32> to vector<256x512xf32>
    %sub3A_442 = vector.broadcast %get3A_394 : vector<1x512xf32> to vector<256x512xf32>
    %sub3A_443 = arith.subf %sub3A_441, %sub3A_442 : vector<256x512xf32>
    %sub3A_444 = vector.broadcast %get3A_7 : vector<256x1xf32> to vector<256x512xf32>
    %sub3A_445 = vector.broadcast %get3A_397 : vector<1x512xf32> to vector<256x512xf32>
    %sub3A_446 = arith.subf %sub3A_444, %sub3A_445 : vector<256x512xf32>
    %mul3A_447 = vector.broadcast %sub3A_407 : vector<1x512xf32> to vector<256x512xf32>
    %mul3A_448 = arith.mulf %mul3A_447, %sub3A_440 : vector<256x512xf32>
    %mul3A_449 = vector.broadcast %sub3A_408 : vector<1x512xf32> to vector<256x512xf32>
    %mul3A_450 = arith.mulf %mul3A_449, %sub3A_443 : vector<256x512xf32>
    %add3A_451 = arith.addf %mul3A_448, %mul3A_450 : vector<256x512xf32>
    %mul3A_452 = vector.broadcast %sub3A_409 : vector<1x512xf32> to vector<256x512xf32>
    %mul3A_453 = arith.mulf %mul3A_452, %sub3A_446 : vector<256x512xf32>
    %add3A_454 = arith.addf %add3A_451, %mul3A_453 : vector<256x512xf32>
    %mul3A_455 = vector.broadcast %sub3A_410 : vector<1x512xf32> to vector<256x512xf32>
    %mul3A_456 = arith.mulf %mul3A_455, %sub3A_440 : vector<256x512xf32>
    %mul3A_457 = vector.broadcast %sub3A_411 : vector<1x512xf32> to vector<256x512xf32>
    %mul3A_458 = arith.mulf %mul3A_457, %sub3A_443 : vector<256x512xf32>
    %add3A_459 = arith.addf %mul3A_456, %mul3A_458 : vector<256x512xf32>
    %mul3A_460 = vector.broadcast %sub3A_412 : vector<1x512xf32> to vector<256x512xf32>
    %mul3A_461 = arith.mulf %mul3A_460, %sub3A_446 : vector<256x512xf32>
    %add3A_462 = arith.addf %add3A_459, %mul3A_461 : vector<256x512xf32>
    %sub3A_463 = vector.broadcast %get3A_1 : vector<256x1xf32> to vector<256x512xf32>
    %sub3A_464 = vector.broadcast %get3A_400 : vector<1x512xf32> to vector<256x512xf32>
    %sub3A_465 = arith.subf %sub3A_463, %sub3A_464 : vector<256x512xf32>
    %sub3A_466 = vector.broadcast %get3A_4 : vector<256x1xf32> to vector<256x512xf32>
    %sub3A_467 = vector.broadcast %get3A_403 : vector<1x512xf32> to vector<256x512xf32>
    %sub3A_468 = arith.subf %sub3A_466, %sub3A_467 : vector<256x512xf32>
    %sub3A_469 = vector.broadcast %get3A_7 : vector<256x1xf32> to vector<256x512xf32>
    %sub3A_470 = vector.broadcast %get3A_406 : vector<1x512xf32> to vector<256x512xf32>
    %sub3A_471 = arith.subf %sub3A_469, %sub3A_470 : vector<256x512xf32>
    %mul3A_472 = vector.broadcast %sub3A_407 : vector<1x512xf32> to vector<256x512xf32>
    %mul3A_473 = arith.mulf %mul3A_472, %sub3A_465 : vector<256x512xf32>
    %mul3A_474 = vector.broadcast %sub3A_408 : vector<1x512xf32> to vector<256x512xf32>
    %mul3A_475 = arith.mulf %mul3A_474, %sub3A_468 : vector<256x512xf32>
    %add3A_476 = arith.addf %mul3A_473, %mul3A_475 : vector<256x512xf32>
    %mul3A_477 = vector.broadcast %sub3A_409 : vector<1x512xf32> to vector<256x512xf32>
    %mul3A_478 = arith.mulf %mul3A_477, %sub3A_471 : vector<256x512xf32>
    %add3A_479 = arith.addf %add3A_476, %mul3A_478 : vector<256x512xf32>
    %mul3A_480 = vector.broadcast %sub3A_410 : vector<1x512xf32> to vector<256x512xf32>
    %mul3A_481 = arith.mulf %mul3A_480, %sub3A_465 : vector<256x512xf32>
    %mul3A_482 = vector.broadcast %sub3A_411 : vector<1x512xf32> to vector<256x512xf32>
    %mul3A_483 = arith.mulf %mul3A_482, %sub3A_468 : vector<256x512xf32>
    %add3A_484 = arith.addf %mul3A_481, %mul3A_483 : vector<256x512xf32>
    %mul3A_485 = vector.broadcast %sub3A_412 : vector<1x512xf32> to vector<256x512xf32>
    %mul3A_486 = arith.mulf %mul3A_485, %sub3A_471 : vector<256x512xf32>
    %add3A_487 = arith.addf %add3A_484, %mul3A_486 : vector<256x512xf32>
    %mul3A_488 = arith.mulf %add3A_429, %add3A_462 : vector<256x512xf32>
    %mul3A_489 = arith.mulf %add3A_454, %add3A_437 : vector<256x512xf32>
    %sub3A_490 = arith.subf %mul3A_488, %mul3A_489 : vector<256x512xf32>
    %mul3A_491 = arith.mulf %add3A_479, %add3A_437 : vector<256x512xf32>
    %mul3A_492 = arith.mulf %add3A_429, %add3A_487 : vector<256x512xf32>
    %sub3A_493 = arith.subf %mul3A_491, %mul3A_492 : vector<256x512xf32>
    %mul3A_494 = arith.mulf %add3A_454, %add3A_487 : vector<256x512xf32>
    %mul3A_495 = arith.mulf %add3A_479, %add3A_462 : vector<256x512xf32>
    %sub3A_496 = arith.subf %mul3A_494, %mul3A_495 : vector<256x512xf32>
    %sub3A_497 = arith.subf %add3A_429, %add3A_454 : vector<256x512xf32>
    %abs3A_498 = math.absf %sub3A_497 : vector<256x512xf32>
    %lt3A_499 = arith.constant 9.99999996E-13 : f32
    %lt3A_500 = vector.broadcast %lt3A_499 : f32 to vector<256x512xf32>
    %lt3A_501 = arith.cmpf olt, %abs3A_498, %lt3A_500 : vector<256x512xf32>
    %lt3A_502 = arith.constant 0.000000e+00 : f32
    %lt3A_503 = vector.broadcast %lt3A_502 : f32 to vector<256x512xf32>
    %lt3A_504 = arith.cmpf olt, %sub3A_497, %lt3A_503 : vector<256x512xf32>
    %jit3A_505 = arith.constant -9.99999996E-13 : f32
    %jit3A_506 = arith.constant 9.99999996E-13 : f32
    %broadcast_in_dim3A_507 = vector.broadcast %jit3A_505 : f32 to vector<256x512xf32>
    %broadcast_in_dim3A_508 = vector.broadcast %jit3A_506 : f32 to vector<256x512xf32>
    %select_n3A_509 = arith.select %lt3A_504, %broadcast_in_dim3A_507, %broadcast_in_dim3A_508 : vector<256x512xi1>, vector<256x512xf32>
    %select_n3A_510 = arith.select %lt3A_501, %select_n3A_509, %sub3A_497 : vector<256x512xi1>, vector<256x512xf32>
    %div3A_511 = arith.divf %add3A_429, %select_n3A_510 : vector<256x512xf32>
    %sub3A_512 = arith.subf %add3A_437, %add3A_487 : vector<256x512xf32>
    %abs3A_513 = math.absf %sub3A_512 : vector<256x512xf32>
    %lt3A_514 = arith.constant 9.99999996E-13 : f32
    %lt3A_515 = vector.broadcast %lt3A_514 : f32 to vector<256x512xf32>
    %lt3A_516 = arith.cmpf olt, %abs3A_513, %lt3A_515 : vector<256x512xf32>
    %lt3A_517 = arith.constant 0.000000e+00 : f32
    %lt3A_518 = vector.broadcast %lt3A_517 : f32 to vector<256x512xf32>
    %lt3A_519 = arith.cmpf olt, %sub3A_512, %lt3A_518 : vector<256x512xf32>
    %jit3A_520 = arith.constant -9.99999996E-13 : f32
    %jit3A_521 = arith.constant 9.99999996E-13 : f32
    %broadcast_in_dim3A_522 = vector.broadcast %jit3A_520 : f32 to vector<256x512xf32>
    %broadcast_in_dim3A_523 = vector.broadcast %jit3A_521 : f32 to vector<256x512xf32>
    %select_n3A_524 = arith.select %lt3A_519, %broadcast_in_dim3A_522, %broadcast_in_dim3A_523 : vector<256x512xi1>, vector<256x512xf32>
    %select_n3A_525 = arith.select %lt3A_516, %select_n3A_524, %sub3A_512 : vector<256x512xi1>, vector<256x512xf32>
    %div3A_526 = arith.divf %add3A_437, %select_n3A_525 : vector<256x512xf32>
    %sub3A_527 = arith.subf %add3A_462, %add3A_454 : vector<256x512xf32>
    %sub3A_528 = arith.subf %add3A_462, %add3A_454 : vector<256x512xf32>
    %sub3A_529 = arith.subf %add3A_479, %add3A_487 : vector<256x512xf32>
    %add3A_530 = arith.addf %sub3A_528, %sub3A_529 : vector<256x512xf32>
    %abs3A_531 = math.absf %add3A_530 : vector<256x512xf32>
    %lt3A_532 = arith.constant 9.99999996E-13 : f32
    %lt3A_533 = vector.broadcast %lt3A_532 : f32 to vector<256x512xf32>
    %lt3A_534 = arith.cmpf olt, %abs3A_531, %lt3A_533 : vector<256x512xf32>
    %lt3A_535 = arith.constant 0.000000e+00 : f32
    %lt3A_536 = vector.broadcast %lt3A_535 : f32 to vector<256x512xf32>
    %lt3A_537 = arith.cmpf olt, %add3A_530, %lt3A_536 : vector<256x512xf32>
    %jit3A_538 = arith.constant -9.99999996E-13 : f32
    %jit3A_539 = arith.constant 9.99999996E-13 : f32
    %broadcast_in_dim3A_540 = vector.broadcast %jit3A_538 : f32 to vector<256x512xf32>
    %broadcast_in_dim3A_541 = vector.broadcast %jit3A_539 : f32 to vector<256x512xf32>
    %select_n3A_542 = arith.select %lt3A_537, %broadcast_in_dim3A_540, %broadcast_in_dim3A_541 : vector<256x512xi1>, vector<256x512xf32>
    %select_n3A_543 = arith.select %lt3A_534, %select_n3A_542, %add3A_530 : vector<256x512xi1>, vector<256x512xf32>
    %div3A_544 = arith.divf %sub3A_527, %select_n3A_543 : vector<256x512xf32>
    %broadcast_in_dim3A_545 = arith.constant 1.000000e+00 : f32
    %broadcast_in_dim3A_546 = vector.broadcast %broadcast_in_dim3A_545 : f32 to vector<256x512xf32>
    %add3A_547 = arith.addf %sub3A_496, %sub3A_493 : vector<256x512xf32>
    %add3A_548 = arith.addf %add3A_547, %sub3A_490 : vector<256x512xf32>
    %abs3A_549 = math.absf %add3A_548 : vector<256x512xf32>
    %lt3A_550 = arith.constant 9.99999996E-13 : f32
    %lt3A_551 = vector.broadcast %lt3A_550 : f32 to vector<256x512xf32>
    %lt3A_552 = arith.cmpf olt, %abs3A_549, %lt3A_551 : vector<256x512xf32>
    %lt3A_553 = arith.constant 0.000000e+00 : f32
    %lt3A_554 = vector.broadcast %lt3A_553 : f32 to vector<256x512xf32>
    %lt3A_555 = arith.cmpf olt, %add3A_548, %lt3A_554 : vector<256x512xf32>
    %jit3A_556 = arith.constant -9.99999996E-13 : f32
    %jit3A_557 = arith.constant 9.99999996E-13 : f32
    %broadcast_in_dim3A_558 = vector.broadcast %jit3A_556 : f32 to vector<256x512xf32>
    %broadcast_in_dim3A_559 = vector.broadcast %jit3A_557 : f32 to vector<256x512xf32>
    %select_n3A_560 = arith.select %lt3A_555, %broadcast_in_dim3A_558, %broadcast_in_dim3A_559 : vector<256x512xi1>, vector<256x512xf32>
    %select_n3A_561 = arith.select %lt3A_552, %select_n3A_560, %add3A_548 : vector<256x512xi1>, vector<256x512xf32>
    %div3A_562 = arith.divf %broadcast_in_dim3A_546, %select_n3A_561 : vector<256x512xf32>
    %mul3A_563 = arith.mulf %sub3A_493, %div3A_562 : vector<256x512xf32>
    %mul3A_564 = arith.mulf %sub3A_490, %div3A_562 : vector<256x512xf32>
    %le3A_565 = arith.constant 0.000000e+00 : f32
    %le3A_566 = vector.broadcast %le3A_565 : f32 to vector<256x512xf32>
    %le3A_567 = arith.cmpf ole, %add3A_429, %le3A_566 : vector<256x512xf32>
    %le3A_568 = arith.constant 0.000000e+00 : f32
    %le3A_569 = vector.broadcast %le3A_568 : f32 to vector<256x512xf32>
    %le3A_570 = arith.cmpf ole, %add3A_437, %le3A_569 : vector<256x512xf32>
    %and3A_571 = arith.andi %le3A_567, %le3A_570 : vector<256x512xi1>
    %ge3A_572 = arith.constant 0.000000e+00 : f32
    %ge3A_573 = vector.broadcast %ge3A_572 : f32 to vector<256x512xf32>
    %ge3A_574 = arith.cmpf oge, %add3A_454, %ge3A_573 : vector<256x512xf32>
    %le3A_575 = arith.cmpf ole, %add3A_462, %add3A_454 : vector<256x512xf32>
    %and3A_576 = arith.andi %ge3A_574, %le3A_575 : vector<256x512xi1>
    %le3A_577 = arith.constant 0.000000e+00 : f32
    %le3A_578 = vector.broadcast %le3A_577 : f32 to vector<256x512xf32>
    %le3A_579 = arith.cmpf ole, %sub3A_490, %le3A_578 : vector<256x512xf32>
    %ge3A_580 = arith.constant 0.000000e+00 : f32
    %ge3A_581 = vector.broadcast %ge3A_580 : f32 to vector<256x512xf32>
    %ge3A_582 = arith.cmpf oge, %add3A_429, %ge3A_581 : vector<256x512xf32>
    %and3A_583 = arith.andi %le3A_579, %ge3A_582 : vector<256x512xi1>
    %le3A_584 = arith.constant 0.000000e+00 : f32
    %le3A_585 = vector.broadcast %le3A_584 : f32 to vector<256x512xf32>
    %le3A_586 = arith.cmpf ole, %add3A_454, %le3A_585 : vector<256x512xf32>
    %and3A_587 = arith.andi %and3A_583, %le3A_586 : vector<256x512xi1>
    %ge3A_588 = arith.constant 0.000000e+00 : f32
    %ge3A_589 = vector.broadcast %ge3A_588 : f32 to vector<256x512xf32>
    %ge3A_590 = arith.cmpf oge, %add3A_487, %ge3A_589 : vector<256x512xf32>
    %le3A_591 = arith.cmpf ole, %add3A_479, %add3A_487 : vector<256x512xf32>
    %and3A_592 = arith.andi %ge3A_590, %le3A_591 : vector<256x512xi1>
    %le3A_593 = arith.constant 0.000000e+00 : f32
    %le3A_594 = vector.broadcast %le3A_593 : f32 to vector<256x512xf32>
    %le3A_595 = arith.cmpf ole, %sub3A_493, %le3A_594 : vector<256x512xf32>
    %ge3A_596 = arith.constant 0.000000e+00 : f32
    %ge3A_597 = vector.broadcast %ge3A_596 : f32 to vector<256x512xf32>
    %ge3A_598 = arith.cmpf oge, %add3A_437, %ge3A_597 : vector<256x512xf32>
    %and3A_599 = arith.andi %le3A_595, %ge3A_598 : vector<256x512xi1>
    %le3A_600 = arith.constant 0.000000e+00 : f32
    %le3A_601 = vector.broadcast %le3A_600 : f32 to vector<256x512xf32>
    %le3A_602 = arith.cmpf ole, %add3A_487, %le3A_601 : vector<256x512xf32>
    %and3A_603 = arith.andi %and3A_599, %le3A_602 : vector<256x512xi1>
    %le3A_604 = arith.constant 0.000000e+00 : f32
    %le3A_605 = vector.broadcast %le3A_604 : f32 to vector<256x512xf32>
    %le3A_606 = arith.cmpf ole, %sub3A_496, %le3A_605 : vector<256x512xf32>
    %sub3A_607 = arith.subf %add3A_462, %add3A_454 : vector<256x512xf32>
    %ge3A_608 = arith.constant 0.000000e+00 : f32
    %ge3A_609 = vector.broadcast %ge3A_608 : f32 to vector<256x512xf32>
    %ge3A_610 = arith.cmpf oge, %sub3A_607, %ge3A_609 : vector<256x512xf32>
    %and3A_611 = arith.andi %le3A_606, %ge3A_610 : vector<256x512xi1>
    %sub3A_612 = arith.subf %add3A_479, %add3A_487 : vector<256x512xf32>
    %ge3A_613 = arith.constant 0.000000e+00 : f32
    %ge3A_614 = vector.broadcast %ge3A_613 : f32 to vector<256x512xf32>
    %ge3A_615 = arith.cmpf oge, %sub3A_612, %ge3A_614 : vector<256x512xf32>
    %and3A_616 = arith.andi %and3A_611, %ge3A_615 : vector<256x512xi1>
    %sub3A_617 = arith.constant 1.000000e+00 : f32
    %sub3A_618 = vector.broadcast %sub3A_617 : f32 to vector<256x512xf32>
    %sub3A_619 = arith.subf %sub3A_618, %mul3A_563 : vector<256x512xf32>
    %sub3A_620 = arith.subf %sub3A_619, %mul3A_564 : vector<256x512xf32>
    %broadcast_in_dim3A_621 = arith.constant 0.000000e+00 : f32
    %broadcast_in_dim3A_622 = vector.broadcast %broadcast_in_dim3A_621 : f32 to vector<256x512xf32>
    %broadcast_in_dim3A_623 = arith.constant 1.000000e+00 : f32
    %broadcast_in_dim3A_624 = vector.broadcast %broadcast_in_dim3A_623 : f32 to vector<256x512xf32>
    %select_n3A_625 = arith.select %and3A_616, %broadcast_in_dim3A_622, %sub3A_620 : vector<256x512xi1>, vector<256x512xf32>
    %sub3A_626 = arith.constant 1.000000e+00 : f32
    %sub3A_627 = vector.broadcast %sub3A_626 : f32 to vector<256x512xf32>
    %sub3A_628 = arith.subf %sub3A_627, %div3A_544 : vector<256x512xf32>
    %select_n3A_629 = arith.select %and3A_616, %sub3A_628, %mul3A_563 : vector<256x512xi1>, vector<256x512xf32>
    %select_n3A_630 = arith.select %and3A_616, %div3A_544, %mul3A_564 : vector<256x512xi1>, vector<256x512xf32>
    %sub3A_631 = arith.constant 1.000000e+00 : f32
    %sub3A_632 = vector.broadcast %sub3A_631 : f32 to vector<256x512xf32>
    %sub3A_633 = arith.subf %sub3A_632, %div3A_526 : vector<256x512xf32>
    %select_n3A_634 = arith.select %and3A_603, %sub3A_633, %select_n3A_625 : vector<256x512xi1>, vector<256x512xf32>
    %select_n3A_635 = arith.select %and3A_603, %broadcast_in_dim3A_622, %select_n3A_629 : vector<256x512xi1>, vector<256x512xf32>
    %select_n3A_636 = arith.select %and3A_603, %div3A_526, %select_n3A_630 : vector<256x512xi1>, vector<256x512xf32>
    %select_n3A_637 = arith.select %and3A_592, %broadcast_in_dim3A_622, %select_n3A_634 : vector<256x512xi1>, vector<256x512xf32>
    %select_n3A_638 = arith.select %and3A_592, %broadcast_in_dim3A_622, %select_n3A_635 : vector<256x512xi1>, vector<256x512xf32>
    %select_n3A_639 = arith.select %and3A_592, %broadcast_in_dim3A_624, %select_n3A_636 : vector<256x512xi1>, vector<256x512xf32>
    %sub3A_640 = arith.constant 1.000000e+00 : f32
    %sub3A_641 = vector.broadcast %sub3A_640 : f32 to vector<256x512xf32>
    %sub3A_642 = arith.subf %sub3A_641, %div3A_511 : vector<256x512xf32>
    %select_n3A_643 = arith.select %and3A_587, %sub3A_642, %select_n3A_637 : vector<256x512xi1>, vector<256x512xf32>
    %select_n3A_644 = arith.select %and3A_587, %div3A_511, %select_n3A_638 : vector<256x512xi1>, vector<256x512xf32>
    %select_n3A_645 = arith.select %and3A_587, %broadcast_in_dim3A_622, %select_n3A_639 : vector<256x512xi1>, vector<256x512xf32>
    %select_n3A_646 = arith.select %and3A_576, %broadcast_in_dim3A_622, %select_n3A_643 : vector<256x512xi1>, vector<256x512xf32>
    %select_n3A_647 = arith.select %and3A_576, %broadcast_in_dim3A_624, %select_n3A_644 : vector<256x512xi1>, vector<256x512xf32>
    %select_n3A_648 = arith.select %and3A_576, %broadcast_in_dim3A_622, %select_n3A_645 : vector<256x512xi1>, vector<256x512xf32>
    %select_n3A_649 = arith.select %and3A_571, %broadcast_in_dim3A_624, %select_n3A_646 : vector<256x512xi1>, vector<256x512xf32>
    %select_n3A_650 = arith.select %and3A_571, %broadcast_in_dim3A_622, %select_n3A_647 : vector<256x512xi1>, vector<256x512xf32>
    %select_n3A_651 = arith.select %and3A_571, %broadcast_in_dim3A_622, %select_n3A_648 : vector<256x512xi1>, vector<256x512xf32>
    %mul3A_652 = vector.broadcast %get3A_382 : vector<1x512xf32> to vector<256x512xf32>
    %mul3A_653 = arith.mulf %select_n3A_649, %mul3A_652 : vector<256x512xf32>
    %mul3A_654 = vector.broadcast %get3A_391 : vector<1x512xf32> to vector<256x512xf32>
    %mul3A_655 = arith.mulf %select_n3A_650, %mul3A_654 : vector<256x512xf32>
    %add3A_656 = arith.addf %mul3A_653, %mul3A_655 : vector<256x512xf32>
    %mul3A_657 = vector.broadcast %get3A_400 : vector<1x512xf32> to vector<256x512xf32>
    %mul3A_658 = arith.mulf %select_n3A_651, %mul3A_657 : vector<256x512xf32>
    %add3A_659 = arith.addf %add3A_656, %mul3A_658 : vector<256x512xf32>
    %mul3A_660 = vector.broadcast %get3A_385 : vector<1x512xf32> to vector<256x512xf32>
    %mul3A_661 = arith.mulf %select_n3A_649, %mul3A_660 : vector<256x512xf32>
    %mul3A_662 = vector.broadcast %get3A_394 : vector<1x512xf32> to vector<256x512xf32>
    %mul3A_663 = arith.mulf %select_n3A_650, %mul3A_662 : vector<256x512xf32>
    %add3A_664 = arith.addf %mul3A_661, %mul3A_663 : vector<256x512xf32>
    %mul3A_665 = vector.broadcast %get3A_403 : vector<1x512xf32> to vector<256x512xf32>
    %mul3A_666 = arith.mulf %select_n3A_651, %mul3A_665 : vector<256x512xf32>
    %add3A_667 = arith.addf %add3A_664, %mul3A_666 : vector<256x512xf32>
    %mul3A_668 = vector.broadcast %get3A_388 : vector<1x512xf32> to vector<256x512xf32>
    %mul3A_669 = arith.mulf %select_n3A_649, %mul3A_668 : vector<256x512xf32>
    %mul3A_670 = vector.broadcast %get3A_397 : vector<1x512xf32> to vector<256x512xf32>
    %mul3A_671 = arith.mulf %select_n3A_650, %mul3A_670 : vector<256x512xf32>
    %add3A_672 = arith.addf %mul3A_669, %mul3A_671 : vector<256x512xf32>
    %mul3A_673 = vector.broadcast %get3A_406 : vector<1x512xf32> to vector<256x512xf32>
    %mul3A_674 = arith.mulf %select_n3A_651, %mul3A_673 : vector<256x512xf32>
    %add3A_675 = arith.addf %add3A_672, %mul3A_674 : vector<256x512xf32>
    %sub3A_676 = vector.broadcast %get3A_1 : vector<256x1xf32> to vector<256x512xf32>
    %sub3A_677 = arith.subf %sub3A_676, %add3A_659 : vector<256x512xf32>
    %sub3A_678 = vector.broadcast %get3A_4 : vector<256x1xf32> to vector<256x512xf32>
    %sub3A_679 = arith.subf %sub3A_678, %add3A_667 : vector<256x512xf32>
    %sub3A_680 = vector.broadcast %get3A_7 : vector<256x1xf32> to vector<256x512xf32>
    %sub3A_681 = arith.subf %sub3A_680, %add3A_675 : vector<256x512xf32>
    %mul3A_682 = arith.mulf %sub3A_677, %sub3A_677 : vector<256x512xf32>
    %mul3A_683 = arith.mulf %sub3A_679, %sub3A_679 : vector<256x512xf32>
    %add3A_684 = arith.addf %mul3A_682, %mul3A_683 : vector<256x512xf32>
    %mul3A_685 = arith.mulf %sub3A_681, %sub3A_681 : vector<256x512xf32>
    %add3A_686 = arith.addf %add3A_684, %mul3A_685 : vector<256x512xf32>
    %reduce_min3A_687 = arith.constant dense<0x7F800000> : vector<256xf32>
    %reduce_min3A_688 = vector.multi_reduction <minimumf>, %add3A_686, %reduce_min3A_687 [1] : vector<256x512xf32> to vector<256xf32>
    %broadcast_in_dim3A_689 = vector.shape_cast %reduce_min3A_688 : vector<256xf32> to vector<256x1xf32>
    %eq3A_690 = vector.broadcast %broadcast_in_dim3A_689 : vector<256x1xf32> to vector<256x512xf32>
    %eq3A_691 = arith.cmpf oeq, %add3A_686, %eq3A_690 : vector<256x512xf32>
    %jit3A_692 = arith.constant 2147483647 : i32
    %broadcast_in_dim3A_693 = vector.shape_cast %iota3A : vector<1x512xi32> to vector<1x512xi32>
    %broadcast_in_dim3A_694 = vector.broadcast %broadcast_in_dim3A_693 : vector<1x512xi32> to vector<256x512xi32>
    %broadcast_in_dim3A_695 = vector.broadcast %jit3A_692 : i32 to vector<256x512xi32>
    %select_n3A_696 = arith.select %eq3A_691, %broadcast_in_dim3A_694, %broadcast_in_dim3A_695 : vector<256x512xi1>, vector<256x512xi32>
    %reduce_min3A_697 = arith.constant dense<2147483647> : vector<256xi32>
    %reduce_min3A_698 = vector.multi_reduction <minsi>, %select_n3A_696, %reduce_min3A_697 [1] : vector<256x512xi32> to vector<256xi32>
    %broadcast_in_dim3A_699 = vector.shape_cast %reduce_min3A_698 : vector<256xi32> to vector<256x1xi32>
    %eq3A_700 = vector.broadcast %iota3A : vector<1x512xi32> to vector<256x512xi32>
    %eq3A_701 = vector.broadcast %broadcast_in_dim3A_699 : vector<256x1xi32> to vector<256x512xi32>
    %eq3A_702 = arith.cmpi eq, %eq3A_700, %eq3A_701 : vector<256x512xi32>
    %jit3A_703 = arith.constant 0.000000e+00 : f32
    %broadcast_in_dim3A_704 = vector.broadcast %jit3A_703 : f32 to vector<256x512xf32>
    %select_n3A_705 = arith.select %eq3A_702, %select_n3A_649, %broadcast_in_dim3A_704 : vector<256x512xi1>, vector<256x512xf32>
    %reduce_sum3A_706 = arith.constant dense<0.000000e+00> : vector<256xf32>
    %reduce_sum3A_707 = vector.multi_reduction <add>, %select_n3A_705, %reduce_sum3A_706 [1] : vector<256x512xf32> to vector<256xf32>
    %broadcast_in_dim3A_708 = vector.shape_cast %reduce_sum3A_707 : vector<256xf32> to vector<256x1xf32>
    %jit3A_709 = arith.constant 0.000000e+00 : f32
    %broadcast_in_dim3A_710 = vector.broadcast %jit3A_709 : f32 to vector<256x512xf32>
    %select_n3A_711 = arith.select %eq3A_702, %select_n3A_650, %broadcast_in_dim3A_710 : vector<256x512xi1>, vector<256x512xf32>
    %reduce_sum3A_712 = arith.constant dense<0.000000e+00> : vector<256xf32>
    %reduce_sum3A_713 = vector.multi_reduction <add>, %select_n3A_711, %reduce_sum3A_712 [1] : vector<256x512xf32> to vector<256xf32>
    %broadcast_in_dim3A_714 = vector.shape_cast %reduce_sum3A_713 : vector<256xf32> to vector<256x1xf32>
    %jit3A_715 = arith.constant 0.000000e+00 : f32
    %broadcast_in_dim3A_716 = vector.broadcast %jit3A_715 : f32 to vector<256x512xf32>
    %select_n3A_717 = arith.select %eq3A_702, %select_n3A_651, %broadcast_in_dim3A_716 : vector<256x512xi1>, vector<256x512xf32>
    %reduce_sum3A_718 = arith.constant dense<0.000000e+00> : vector<256xf32>
    %reduce_sum3A_719 = vector.multi_reduction <add>, %select_n3A_717, %reduce_sum3A_718 [1] : vector<256x512xf32> to vector<256xf32>
    %broadcast_in_dim3A_720 = vector.shape_cast %reduce_sum3A_719 : vector<256xf32> to vector<256x1xf32>
    %jit3A_721 = arith.constant 0.000000e+00 : f32
    %broadcast_in_dim3A_722 = vector.broadcast %jit3A_721 : f32 to vector<256x512xf32>
    %select_n3A_723 = arith.select %eq3A_702, %add3A_659, %broadcast_in_dim3A_722 : vector<256x512xi1>, vector<256x512xf32>
    %reduce_sum3A_724 = arith.constant dense<0.000000e+00> : vector<256xf32>
    %reduce_sum3A_725 = vector.multi_reduction <add>, %select_n3A_723, %reduce_sum3A_724 [1] : vector<256x512xf32> to vector<256xf32>
    %broadcast_in_dim3A_726 = vector.shape_cast %reduce_sum3A_725 : vector<256xf32> to vector<256x1xf32>
    %jit3A_727 = arith.constant 0.000000e+00 : f32
    %broadcast_in_dim3A_728 = vector.broadcast %jit3A_727 : f32 to vector<256x512xf32>
    %select_n3A_729 = arith.select %eq3A_702, %add3A_667, %broadcast_in_dim3A_728 : vector<256x512xi1>, vector<256x512xf32>
    %reduce_sum3A_730 = arith.constant dense<0.000000e+00> : vector<256xf32>
    %reduce_sum3A_731 = vector.multi_reduction <add>, %select_n3A_729, %reduce_sum3A_730 [1] : vector<256x512xf32> to vector<256xf32>
    %broadcast_in_dim3A_732 = vector.shape_cast %reduce_sum3A_731 : vector<256xf32> to vector<256x1xf32>
    %jit3A_733 = arith.constant 0.000000e+00 : f32
    %broadcast_in_dim3A_734 = vector.broadcast %jit3A_733 : f32 to vector<256x512xf32>
    %select_n3A_735 = arith.select %eq3A_702, %add3A_675, %broadcast_in_dim3A_734 : vector<256x512xi1>, vector<256x512xf32>
    %reduce_sum3A_736 = arith.constant dense<0.000000e+00> : vector<256xf32>
    %reduce_sum3A_737 = vector.multi_reduction <add>, %select_n3A_735, %reduce_sum3A_736 [1] : vector<256x512xf32> to vector<256xf32>
    %broadcast_in_dim3A_738 = vector.shape_cast %reduce_sum3A_737 : vector<256xf32> to vector<256x1xf32>
    %lt3A_739 = arith.cmpf olt, %broadcast_in_dim3A_689, %select_n3A_369 : vector<256x1xf32>
    %select_n3A_740 = arith.select %lt3A_739, %broadcast_in_dim3A_689, %select_n3A_369 : vector<256x1xi1>, vector<256x1xf32>
    %add3A_741 = arith.constant 512 : i32
    %add3A_742 = vector.broadcast %add3A_741 : i32 to vector<256x1xi32>
    %add3A_743 = arith.addi %broadcast_in_dim3A_699, %add3A_742 : vector<256x1xi32>
    %select_n3A_744 = arith.select %lt3A_739, %add3A_743, %select_n3A_373 : vector<256x1xi1>, vector<256x1xi32>
    %select_n3A_745 = arith.select %lt3A_739, %broadcast_in_dim3A_708, %select_n3A_374 : vector<256x1xi1>, vector<256x1xf32>
    %select_n3A_746 = arith.select %lt3A_739, %broadcast_in_dim3A_714, %select_n3A_375 : vector<256x1xi1>, vector<256x1xf32>
    %select_n3A_747 = arith.select %lt3A_739, %broadcast_in_dim3A_720, %select_n3A_376 : vector<256x1xi1>, vector<256x1xf32>
    %select_n3A_748 = arith.select %lt3A_739, %broadcast_in_dim3A_726, %select_n3A_377 : vector<256x1xi1>, vector<256x1xf32>
    %select_n3A_749 = arith.select %lt3A_739, %broadcast_in_dim3A_732, %select_n3A_378 : vector<256x1xi1>, vector<256x1xf32>
    %select_n3A_750 = arith.select %lt3A_739, %broadcast_in_dim3A_738, %select_n3A_379 : vector<256x1xi1>, vector<256x1xf32>
    %get3A_751 = arith.constant 0 : index
    %get3A_752 = arith.constant 1024 : index
    %get3A_753 = vector.load %arg1[%get3A_751, %get3A_752] : memref<9x4096xf32, #tpu.memory_space<vmem>>, vector<1x512xf32>
    %get3A_754 = arith.constant 1 : index
    %get3A_755 = arith.constant 1024 : index
    %get3A_756 = vector.load %arg1[%get3A_754, %get3A_755] : memref<9x4096xf32, #tpu.memory_space<vmem>>, vector<1x512xf32>
    %get3A_757 = arith.constant 2 : index
    %get3A_758 = arith.constant 1024 : index
    %get3A_759 = vector.load %arg1[%get3A_757, %get3A_758] : memref<9x4096xf32, #tpu.memory_space<vmem>>, vector<1x512xf32>
    %get3A_760 = arith.constant 3 : index
    %get3A_761 = arith.constant 1024 : index
    %get3A_762 = vector.load %arg1[%get3A_760, %get3A_761] : memref<9x4096xf32, #tpu.memory_space<vmem>>, vector<1x512xf32>
    %get3A_763 = arith.constant 4 : index
    %get3A_764 = arith.constant 1024 : index
    %get3A_765 = vector.load %arg1[%get3A_763, %get3A_764] : memref<9x4096xf32, #tpu.memory_space<vmem>>, vector<1x512xf32>
    %get3A_766 = arith.constant 5 : index
    %get3A_767 = arith.constant 1024 : index
    %get3A_768 = vector.load %arg1[%get3A_766, %get3A_767] : memref<9x4096xf32, #tpu.memory_space<vmem>>, vector<1x512xf32>
    %get3A_769 = arith.constant 6 : index
    %get3A_770 = arith.constant 1024 : index
    %get3A_771 = vector.load %arg1[%get3A_769, %get3A_770] : memref<9x4096xf32, #tpu.memory_space<vmem>>, vector<1x512xf32>
    %get3A_772 = arith.constant 7 : index
    %get3A_773 = arith.constant 1024 : index
    %get3A_774 = vector.load %arg1[%get3A_772, %get3A_773] : memref<9x4096xf32, #tpu.memory_space<vmem>>, vector<1x512xf32>
    %get3A_775 = arith.constant 8 : index
    %get3A_776 = arith.constant 1024 : index
    %get3A_777 = vector.load %arg1[%get3A_775, %get3A_776] : memref<9x4096xf32, #tpu.memory_space<vmem>>, vector<1x512xf32>
    %sub3A_778 = arith.subf %get3A_762, %get3A_753 : vector<1x512xf32>
    %sub3A_779 = arith.subf %get3A_765, %get3A_756 : vector<1x512xf32>
    %sub3A_780 = arith.subf %get3A_768, %get3A_759 : vector<1x512xf32>
    %sub3A_781 = arith.subf %get3A_771, %get3A_753 : vector<1x512xf32>
    %sub3A_782 = arith.subf %get3A_774, %get3A_756 : vector<1x512xf32>
    %sub3A_783 = arith.subf %get3A_777, %get3A_759 : vector<1x512xf32>
    %sub3A_784 = vector.broadcast %get3A_1 : vector<256x1xf32> to vector<256x512xf32>
    %sub3A_785 = vector.broadcast %get3A_753 : vector<1x512xf32> to vector<256x512xf32>
    %sub3A_786 = arith.subf %sub3A_784, %sub3A_785 : vector<256x512xf32>
    %sub3A_787 = vector.broadcast %get3A_4 : vector<256x1xf32> to vector<256x512xf32>
    %sub3A_788 = vector.broadcast %get3A_756 : vector<1x512xf32> to vector<256x512xf32>
    %sub3A_789 = arith.subf %sub3A_787, %sub3A_788 : vector<256x512xf32>
    %sub3A_790 = vector.broadcast %get3A_7 : vector<256x1xf32> to vector<256x512xf32>
    %sub3A_791 = vector.broadcast %get3A_759 : vector<1x512xf32> to vector<256x512xf32>
    %sub3A_792 = arith.subf %sub3A_790, %sub3A_791 : vector<256x512xf32>
    %mul3A_793 = vector.broadcast %sub3A_778 : vector<1x512xf32> to vector<256x512xf32>
    %mul3A_794 = arith.mulf %mul3A_793, %sub3A_786 : vector<256x512xf32>
    %mul3A_795 = vector.broadcast %sub3A_779 : vector<1x512xf32> to vector<256x512xf32>
    %mul3A_796 = arith.mulf %mul3A_795, %sub3A_789 : vector<256x512xf32>
    %add3A_797 = arith.addf %mul3A_794, %mul3A_796 : vector<256x512xf32>
    %mul3A_798 = vector.broadcast %sub3A_780 : vector<1x512xf32> to vector<256x512xf32>
    %mul3A_799 = arith.mulf %mul3A_798, %sub3A_792 : vector<256x512xf32>
    %add3A_800 = arith.addf %add3A_797, %mul3A_799 : vector<256x512xf32>
    %mul3A_801 = vector.broadcast %sub3A_781 : vector<1x512xf32> to vector<256x512xf32>
    %mul3A_802 = arith.mulf %mul3A_801, %sub3A_786 : vector<256x512xf32>
    %mul3A_803 = vector.broadcast %sub3A_782 : vector<1x512xf32> to vector<256x512xf32>
    %mul3A_804 = arith.mulf %mul3A_803, %sub3A_789 : vector<256x512xf32>
    %add3A_805 = arith.addf %mul3A_802, %mul3A_804 : vector<256x512xf32>
    %mul3A_806 = vector.broadcast %sub3A_783 : vector<1x512xf32> to vector<256x512xf32>
    %mul3A_807 = arith.mulf %mul3A_806, %sub3A_792 : vector<256x512xf32>
    %add3A_808 = arith.addf %add3A_805, %mul3A_807 : vector<256x512xf32>
    %sub3A_809 = vector.broadcast %get3A_1 : vector<256x1xf32> to vector<256x512xf32>
    %sub3A_810 = vector.broadcast %get3A_762 : vector<1x512xf32> to vector<256x512xf32>
    %sub3A_811 = arith.subf %sub3A_809, %sub3A_810 : vector<256x512xf32>
    %sub3A_812 = vector.broadcast %get3A_4 : vector<256x1xf32> to vector<256x512xf32>
    %sub3A_813 = vector.broadcast %get3A_765 : vector<1x512xf32> to vector<256x512xf32>
    %sub3A_814 = arith.subf %sub3A_812, %sub3A_813 : vector<256x512xf32>
    %sub3A_815 = vector.broadcast %get3A_7 : vector<256x1xf32> to vector<256x512xf32>
    %sub3A_816 = vector.broadcast %get3A_768 : vector<1x512xf32> to vector<256x512xf32>
    %sub3A_817 = arith.subf %sub3A_815, %sub3A_816 : vector<256x512xf32>
    %mul3A_818 = vector.broadcast %sub3A_778 : vector<1x512xf32> to vector<256x512xf32>
    %mul3A_819 = arith.mulf %mul3A_818, %sub3A_811 : vector<256x512xf32>
    %mul3A_820 = vector.broadcast %sub3A_779 : vector<1x512xf32> to vector<256x512xf32>
    %mul3A_821 = arith.mulf %mul3A_820, %sub3A_814 : vector<256x512xf32>
    %add3A_822 = arith.addf %mul3A_819, %mul3A_821 : vector<256x512xf32>
    %mul3A_823 = vector.broadcast %sub3A_780 : vector<1x512xf32> to vector<256x512xf32>
    %mul3A_824 = arith.mulf %mul3A_823, %sub3A_817 : vector<256x512xf32>
    %add3A_825 = arith.addf %add3A_822, %mul3A_824 : vector<256x512xf32>
    %mul3A_826 = vector.broadcast %sub3A_781 : vector<1x512xf32> to vector<256x512xf32>
    %mul3A_827 = arith.mulf %mul3A_826, %sub3A_811 : vector<256x512xf32>
    %mul3A_828 = vector.broadcast %sub3A_782 : vector<1x512xf32> to vector<256x512xf32>
    %mul3A_829 = arith.mulf %mul3A_828, %sub3A_814 : vector<256x512xf32>
    %add3A_830 = arith.addf %mul3A_827, %mul3A_829 : vector<256x512xf32>
    %mul3A_831 = vector.broadcast %sub3A_783 : vector<1x512xf32> to vector<256x512xf32>
    %mul3A_832 = arith.mulf %mul3A_831, %sub3A_817 : vector<256x512xf32>
    %add3A_833 = arith.addf %add3A_830, %mul3A_832 : vector<256x512xf32>
    %sub3A_834 = vector.broadcast %get3A_1 : vector<256x1xf32> to vector<256x512xf32>
    %sub3A_835 = vector.broadcast %get3A_771 : vector<1x512xf32> to vector<256x512xf32>
    %sub3A_836 = arith.subf %sub3A_834, %sub3A_835 : vector<256x512xf32>
    %sub3A_837 = vector.broadcast %get3A_4 : vector<256x1xf32> to vector<256x512xf32>
    %sub3A_838 = vector.broadcast %get3A_774 : vector<1x512xf32> to vector<256x512xf32>
    %sub3A_839 = arith.subf %sub3A_837, %sub3A_838 : vector<256x512xf32>
    %sub3A_840 = vector.broadcast %get3A_7 : vector<256x1xf32> to vector<256x512xf32>
    %sub3A_841 = vector.broadcast %get3A_777 : vector<1x512xf32> to vector<256x512xf32>
    %sub3A_842 = arith.subf %sub3A_840, %sub3A_841 : vector<256x512xf32>
    %mul3A_843 = vector.broadcast %sub3A_778 : vector<1x512xf32> to vector<256x512xf32>
    %mul3A_844 = arith.mulf %mul3A_843, %sub3A_836 : vector<256x512xf32>
    %mul3A_845 = vector.broadcast %sub3A_779 : vector<1x512xf32> to vector<256x512xf32>
    %mul3A_846 = arith.mulf %mul3A_845, %sub3A_839 : vector<256x512xf32>
    %add3A_847 = arith.addf %mul3A_844, %mul3A_846 : vector<256x512xf32>
    %mul3A_848 = vector.broadcast %sub3A_780 : vector<1x512xf32> to vector<256x512xf32>
    %mul3A_849 = arith.mulf %mul3A_848, %sub3A_842 : vector<256x512xf32>
    %add3A_850 = arith.addf %add3A_847, %mul3A_849 : vector<256x512xf32>
    %mul3A_851 = vector.broadcast %sub3A_781 : vector<1x512xf32> to vector<256x512xf32>
    %mul3A_852 = arith.mulf %mul3A_851, %sub3A_836 : vector<256x512xf32>
    %mul3A_853 = vector.broadcast %sub3A_782 : vector<1x512xf32> to vector<256x512xf32>
    %mul3A_854 = arith.mulf %mul3A_853, %sub3A_839 : vector<256x512xf32>
    %add3A_855 = arith.addf %mul3A_852, %mul3A_854 : vector<256x512xf32>
    %mul3A_856 = vector.broadcast %sub3A_783 : vector<1x512xf32> to vector<256x512xf32>
    %mul3A_857 = arith.mulf %mul3A_856, %sub3A_842 : vector<256x512xf32>
    %add3A_858 = arith.addf %add3A_855, %mul3A_857 : vector<256x512xf32>
    %mul3A_859 = arith.mulf %add3A_800, %add3A_833 : vector<256x512xf32>
    %mul3A_860 = arith.mulf %add3A_825, %add3A_808 : vector<256x512xf32>
    %sub3A_861 = arith.subf %mul3A_859, %mul3A_860 : vector<256x512xf32>
    %mul3A_862 = arith.mulf %add3A_850, %add3A_808 : vector<256x512xf32>
    %mul3A_863 = arith.mulf %add3A_800, %add3A_858 : vector<256x512xf32>
    %sub3A_864 = arith.subf %mul3A_862, %mul3A_863 : vector<256x512xf32>
    %mul3A_865 = arith.mulf %add3A_825, %add3A_858 : vector<256x512xf32>
    %mul3A_866 = arith.mulf %add3A_850, %add3A_833 : vector<256x512xf32>
    %sub3A_867 = arith.subf %mul3A_865, %mul3A_866 : vector<256x512xf32>
    %sub3A_868 = arith.subf %add3A_800, %add3A_825 : vector<256x512xf32>
    %abs3A_869 = math.absf %sub3A_868 : vector<256x512xf32>
    %lt3A_870 = arith.constant 9.99999996E-13 : f32
    %lt3A_871 = vector.broadcast %lt3A_870 : f32 to vector<256x512xf32>
    %lt3A_872 = arith.cmpf olt, %abs3A_869, %lt3A_871 : vector<256x512xf32>
    %lt3A_873 = arith.constant 0.000000e+00 : f32
    %lt3A_874 = vector.broadcast %lt3A_873 : f32 to vector<256x512xf32>
    %lt3A_875 = arith.cmpf olt, %sub3A_868, %lt3A_874 : vector<256x512xf32>
    %jit3A_876 = arith.constant -9.99999996E-13 : f32
    %jit3A_877 = arith.constant 9.99999996E-13 : f32
    %broadcast_in_dim3A_878 = vector.broadcast %jit3A_876 : f32 to vector<256x512xf32>
    %broadcast_in_dim3A_879 = vector.broadcast %jit3A_877 : f32 to vector<256x512xf32>
    %select_n3A_880 = arith.select %lt3A_875, %broadcast_in_dim3A_878, %broadcast_in_dim3A_879 : vector<256x512xi1>, vector<256x512xf32>
    %select_n3A_881 = arith.select %lt3A_872, %select_n3A_880, %sub3A_868 : vector<256x512xi1>, vector<256x512xf32>
    %div3A_882 = arith.divf %add3A_800, %select_n3A_881 : vector<256x512xf32>
    %sub3A_883 = arith.subf %add3A_808, %add3A_858 : vector<256x512xf32>
    %abs3A_884 = math.absf %sub3A_883 : vector<256x512xf32>
    %lt3A_885 = arith.constant 9.99999996E-13 : f32
    %lt3A_886 = vector.broadcast %lt3A_885 : f32 to vector<256x512xf32>
    %lt3A_887 = arith.cmpf olt, %abs3A_884, %lt3A_886 : vector<256x512xf32>
    %lt3A_888 = arith.constant 0.000000e+00 : f32
    %lt3A_889 = vector.broadcast %lt3A_888 : f32 to vector<256x512xf32>
    %lt3A_890 = arith.cmpf olt, %sub3A_883, %lt3A_889 : vector<256x512xf32>
    %jit3A_891 = arith.constant -9.99999996E-13 : f32
    %jit3A_892 = arith.constant 9.99999996E-13 : f32
    %broadcast_in_dim3A_893 = vector.broadcast %jit3A_891 : f32 to vector<256x512xf32>
    %broadcast_in_dim3A_894 = vector.broadcast %jit3A_892 : f32 to vector<256x512xf32>
    %select_n3A_895 = arith.select %lt3A_890, %broadcast_in_dim3A_893, %broadcast_in_dim3A_894 : vector<256x512xi1>, vector<256x512xf32>
    %select_n3A_896 = arith.select %lt3A_887, %select_n3A_895, %sub3A_883 : vector<256x512xi1>, vector<256x512xf32>
    %div3A_897 = arith.divf %add3A_808, %select_n3A_896 : vector<256x512xf32>
    %sub3A_898 = arith.subf %add3A_833, %add3A_825 : vector<256x512xf32>
    %sub3A_899 = arith.subf %add3A_833, %add3A_825 : vector<256x512xf32>
    %sub3A_900 = arith.subf %add3A_850, %add3A_858 : vector<256x512xf32>
    %add3A_901 = arith.addf %sub3A_899, %sub3A_900 : vector<256x512xf32>
    %abs3A_902 = math.absf %add3A_901 : vector<256x512xf32>
    %lt3A_903 = arith.constant 9.99999996E-13 : f32
    %lt3A_904 = vector.broadcast %lt3A_903 : f32 to vector<256x512xf32>
    %lt3A_905 = arith.cmpf olt, %abs3A_902, %lt3A_904 : vector<256x512xf32>
    %lt3A_906 = arith.constant 0.000000e+00 : f32
    %lt3A_907 = vector.broadcast %lt3A_906 : f32 to vector<256x512xf32>
    %lt3A_908 = arith.cmpf olt, %add3A_901, %lt3A_907 : vector<256x512xf32>
    %jit3A_909 = arith.constant -9.99999996E-13 : f32
    %jit3A_910 = arith.constant 9.99999996E-13 : f32
    %broadcast_in_dim3A_911 = vector.broadcast %jit3A_909 : f32 to vector<256x512xf32>
    %broadcast_in_dim3A_912 = vector.broadcast %jit3A_910 : f32 to vector<256x512xf32>
    %select_n3A_913 = arith.select %lt3A_908, %broadcast_in_dim3A_911, %broadcast_in_dim3A_912 : vector<256x512xi1>, vector<256x512xf32>
    %select_n3A_914 = arith.select %lt3A_905, %select_n3A_913, %add3A_901 : vector<256x512xi1>, vector<256x512xf32>
    %div3A_915 = arith.divf %sub3A_898, %select_n3A_914 : vector<256x512xf32>
    %broadcast_in_dim3A_916 = arith.constant 1.000000e+00 : f32
    %broadcast_in_dim3A_917 = vector.broadcast %broadcast_in_dim3A_916 : f32 to vector<256x512xf32>
    %add3A_918 = arith.addf %sub3A_867, %sub3A_864 : vector<256x512xf32>
    %add3A_919 = arith.addf %add3A_918, %sub3A_861 : vector<256x512xf32>
    %abs3A_920 = math.absf %add3A_919 : vector<256x512xf32>
    %lt3A_921 = arith.constant 9.99999996E-13 : f32
    %lt3A_922 = vector.broadcast %lt3A_921 : f32 to vector<256x512xf32>
    %lt3A_923 = arith.cmpf olt, %abs3A_920, %lt3A_922 : vector<256x512xf32>
    %lt3A_924 = arith.constant 0.000000e+00 : f32
    %lt3A_925 = vector.broadcast %lt3A_924 : f32 to vector<256x512xf32>
    %lt3A_926 = arith.cmpf olt, %add3A_919, %lt3A_925 : vector<256x512xf32>
    %jit3A_927 = arith.constant -9.99999996E-13 : f32
    %jit3A_928 = arith.constant 9.99999996E-13 : f32
    %broadcast_in_dim3A_929 = vector.broadcast %jit3A_927 : f32 to vector<256x512xf32>
    %broadcast_in_dim3A_930 = vector.broadcast %jit3A_928 : f32 to vector<256x512xf32>
    %select_n3A_931 = arith.select %lt3A_926, %broadcast_in_dim3A_929, %broadcast_in_dim3A_930 : vector<256x512xi1>, vector<256x512xf32>
    %select_n3A_932 = arith.select %lt3A_923, %select_n3A_931, %add3A_919 : vector<256x512xi1>, vector<256x512xf32>
    %div3A_933 = arith.divf %broadcast_in_dim3A_917, %select_n3A_932 : vector<256x512xf32>
    %mul3A_934 = arith.mulf %sub3A_864, %div3A_933 : vector<256x512xf32>
    %mul3A_935 = arith.mulf %sub3A_861, %div3A_933 : vector<256x512xf32>
    %le3A_936 = arith.constant 0.000000e+00 : f32
    %le3A_937 = vector.broadcast %le3A_936 : f32 to vector<256x512xf32>
    %le3A_938 = arith.cmpf ole, %add3A_800, %le3A_937 : vector<256x512xf32>
    %le3A_939 = arith.constant 0.000000e+00 : f32
    %le3A_940 = vector.broadcast %le3A_939 : f32 to vector<256x512xf32>
    %le3A_941 = arith.cmpf ole, %add3A_808, %le3A_940 : vector<256x512xf32>
    %and3A_942 = arith.andi %le3A_938, %le3A_941 : vector<256x512xi1>
    %ge3A_943 = arith.constant 0.000000e+00 : f32
    %ge3A_944 = vector.broadcast %ge3A_943 : f32 to vector<256x512xf32>
    %ge3A_945 = arith.cmpf oge, %add3A_825, %ge3A_944 : vector<256x512xf32>
    %le3A_946 = arith.cmpf ole, %add3A_833, %add3A_825 : vector<256x512xf32>
    %and3A_947 = arith.andi %ge3A_945, %le3A_946 : vector<256x512xi1>
    %le3A_948 = arith.constant 0.000000e+00 : f32
    %le3A_949 = vector.broadcast %le3A_948 : f32 to vector<256x512xf32>
    %le3A_950 = arith.cmpf ole, %sub3A_861, %le3A_949 : vector<256x512xf32>
    %ge3A_951 = arith.constant 0.000000e+00 : f32
    %ge3A_952 = vector.broadcast %ge3A_951 : f32 to vector<256x512xf32>
    %ge3A_953 = arith.cmpf oge, %add3A_800, %ge3A_952 : vector<256x512xf32>
    %and3A_954 = arith.andi %le3A_950, %ge3A_953 : vector<256x512xi1>
    %le3A_955 = arith.constant 0.000000e+00 : f32
    %le3A_956 = vector.broadcast %le3A_955 : f32 to vector<256x512xf32>
    %le3A_957 = arith.cmpf ole, %add3A_825, %le3A_956 : vector<256x512xf32>
    %and3A_958 = arith.andi %and3A_954, %le3A_957 : vector<256x512xi1>
    %ge3A_959 = arith.constant 0.000000e+00 : f32
    %ge3A_960 = vector.broadcast %ge3A_959 : f32 to vector<256x512xf32>
    %ge3A_961 = arith.cmpf oge, %add3A_858, %ge3A_960 : vector<256x512xf32>
    %le3A_962 = arith.cmpf ole, %add3A_850, %add3A_858 : vector<256x512xf32>
    %and3A_963 = arith.andi %ge3A_961, %le3A_962 : vector<256x512xi1>
    %le3A_964 = arith.constant 0.000000e+00 : f32
    %le3A_965 = vector.broadcast %le3A_964 : f32 to vector<256x512xf32>
    %le3A_966 = arith.cmpf ole, %sub3A_864, %le3A_965 : vector<256x512xf32>
    %ge3A_967 = arith.constant 0.000000e+00 : f32
    %ge3A_968 = vector.broadcast %ge3A_967 : f32 to vector<256x512xf32>
    %ge3A_969 = arith.cmpf oge, %add3A_808, %ge3A_968 : vector<256x512xf32>
    %and3A_970 = arith.andi %le3A_966, %ge3A_969 : vector<256x512xi1>
    %le3A_971 = arith.constant 0.000000e+00 : f32
    %le3A_972 = vector.broadcast %le3A_971 : f32 to vector<256x512xf32>
    %le3A_973 = arith.cmpf ole, %add3A_858, %le3A_972 : vector<256x512xf32>
    %and3A_974 = arith.andi %and3A_970, %le3A_973 : vector<256x512xi1>
    %le3A_975 = arith.constant 0.000000e+00 : f32
    %le3A_976 = vector.broadcast %le3A_975 : f32 to vector<256x512xf32>
    %le3A_977 = arith.cmpf ole, %sub3A_867, %le3A_976 : vector<256x512xf32>
    %sub3A_978 = arith.subf %add3A_833, %add3A_825 : vector<256x512xf32>
    %ge3A_979 = arith.constant 0.000000e+00 : f32
    %ge3A_980 = vector.broadcast %ge3A_979 : f32 to vector<256x512xf32>
    %ge3A_981 = arith.cmpf oge, %sub3A_978, %ge3A_980 : vector<256x512xf32>
    %and3A_982 = arith.andi %le3A_977, %ge3A_981 : vector<256x512xi1>
    %sub3A_983 = arith.subf %add3A_850, %add3A_858 : vector<256x512xf32>
    %ge3A_984 = arith.constant 0.000000e+00 : f32
    %ge3A_985 = vector.broadcast %ge3A_984 : f32 to vector<256x512xf32>
    %ge3A_986 = arith.cmpf oge, %sub3A_983, %ge3A_985 : vector<256x512xf32>
    %and3A_987 = arith.andi %and3A_982, %ge3A_986 : vector<256x512xi1>
    %sub3A_988 = arith.constant 1.000000e+00 : f32
    %sub3A_989 = vector.broadcast %sub3A_988 : f32 to vector<256x512xf32>
    %sub3A_990 = arith.subf %sub3A_989, %mul3A_934 : vector<256x512xf32>
    %sub3A_991 = arith.subf %sub3A_990, %mul3A_935 : vector<256x512xf32>
    %broadcast_in_dim3A_992 = arith.constant 0.000000e+00 : f32
    %broadcast_in_dim3A_993 = vector.broadcast %broadcast_in_dim3A_992 : f32 to vector<256x512xf32>
    %broadcast_in_dim3A_994 = arith.constant 1.000000e+00 : f32
    %broadcast_in_dim3A_995 = vector.broadcast %broadcast_in_dim3A_994 : f32 to vector<256x512xf32>
    %select_n3A_996 = arith.select %and3A_987, %broadcast_in_dim3A_993, %sub3A_991 : vector<256x512xi1>, vector<256x512xf32>
    %sub3A_997 = arith.constant 1.000000e+00 : f32
    %sub3A_998 = vector.broadcast %sub3A_997 : f32 to vector<256x512xf32>
    %sub3A_999 = arith.subf %sub3A_998, %div3A_915 : vector<256x512xf32>
    %select_n3A_1000 = arith.select %and3A_987, %sub3A_999, %mul3A_934 : vector<256x512xi1>, vector<256x512xf32>
    %select_n3A_1001 = arith.select %and3A_987, %div3A_915, %mul3A_935 : vector<256x512xi1>, vector<256x512xf32>
    %sub3A_1002 = arith.constant 1.000000e+00 : f32
    %sub3A_1003 = vector.broadcast %sub3A_1002 : f32 to vector<256x512xf32>
    %sub3A_1004 = arith.subf %sub3A_1003, %div3A_897 : vector<256x512xf32>
    %select_n3A_1005 = arith.select %and3A_974, %sub3A_1004, %select_n3A_996 : vector<256x512xi1>, vector<256x512xf32>
    %select_n3A_1006 = arith.select %and3A_974, %broadcast_in_dim3A_993, %select_n3A_1000 : vector<256x512xi1>, vector<256x512xf32>
    %select_n3A_1007 = arith.select %and3A_974, %div3A_897, %select_n3A_1001 : vector<256x512xi1>, vector<256x512xf32>
    %select_n3A_1008 = arith.select %and3A_963, %broadcast_in_dim3A_993, %select_n3A_1005 : vector<256x512xi1>, vector<256x512xf32>
    %select_n3A_1009 = arith.select %and3A_963, %broadcast_in_dim3A_993, %select_n3A_1006 : vector<256x512xi1>, vector<256x512xf32>
    %select_n3A_1010 = arith.select %and3A_963, %broadcast_in_dim3A_995, %select_n3A_1007 : vector<256x512xi1>, vector<256x512xf32>
    %sub3A_1011 = arith.constant 1.000000e+00 : f32
    %sub3A_1012 = vector.broadcast %sub3A_1011 : f32 to vector<256x512xf32>
    %sub3A_1013 = arith.subf %sub3A_1012, %div3A_882 : vector<256x512xf32>
    %select_n3A_1014 = arith.select %and3A_958, %sub3A_1013, %select_n3A_1008 : vector<256x512xi1>, vector<256x512xf32>
    %select_n3A_1015 = arith.select %and3A_958, %div3A_882, %select_n3A_1009 : vector<256x512xi1>, vector<256x512xf32>
    %select_n3A_1016 = arith.select %and3A_958, %broadcast_in_dim3A_993, %select_n3A_1010 : vector<256x512xi1>, vector<256x512xf32>
    %select_n3A_1017 = arith.select %and3A_947, %broadcast_in_dim3A_993, %select_n3A_1014 : vector<256x512xi1>, vector<256x512xf32>
    %select_n3A_1018 = arith.select %and3A_947, %broadcast_in_dim3A_995, %select_n3A_1015 : vector<256x512xi1>, vector<256x512xf32>
    %select_n3A_1019 = arith.select %and3A_947, %broadcast_in_dim3A_993, %select_n3A_1016 : vector<256x512xi1>, vector<256x512xf32>
    %select_n3A_1020 = arith.select %and3A_942, %broadcast_in_dim3A_995, %select_n3A_1017 : vector<256x512xi1>, vector<256x512xf32>
    %select_n3A_1021 = arith.select %and3A_942, %broadcast_in_dim3A_993, %select_n3A_1018 : vector<256x512xi1>, vector<256x512xf32>
    %select_n3A_1022 = arith.select %and3A_942, %broadcast_in_dim3A_993, %select_n3A_1019 : vector<256x512xi1>, vector<256x512xf32>
    %mul3A_1023 = vector.broadcast %get3A_753 : vector<1x512xf32> to vector<256x512xf32>
    %mul3A_1024 = arith.mulf %select_n3A_1020, %mul3A_1023 : vector<256x512xf32>
    %mul3A_1025 = vector.broadcast %get3A_762 : vector<1x512xf32> to vector<256x512xf32>
    %mul3A_1026 = arith.mulf %select_n3A_1021, %mul3A_1025 : vector<256x512xf32>
    %add3A_1027 = arith.addf %mul3A_1024, %mul3A_1026 : vector<256x512xf32>
    %mul3A_1028 = vector.broadcast %get3A_771 : vector<1x512xf32> to vector<256x512xf32>
    %mul3A_1029 = arith.mulf %select_n3A_1022, %mul3A_1028 : vector<256x512xf32>
    %add3A_1030 = arith.addf %add3A_1027, %mul3A_1029 : vector<256x512xf32>
    %mul3A_1031 = vector.broadcast %get3A_756 : vector<1x512xf32> to vector<256x512xf32>
    %mul3A_1032 = arith.mulf %select_n3A_1020, %mul3A_1031 : vector<256x512xf32>
    %mul3A_1033 = vector.broadcast %get3A_765 : vector<1x512xf32> to vector<256x512xf32>
    %mul3A_1034 = arith.mulf %select_n3A_1021, %mul3A_1033 : vector<256x512xf32>
    %add3A_1035 = arith.addf %mul3A_1032, %mul3A_1034 : vector<256x512xf32>
    %mul3A_1036 = vector.broadcast %get3A_774 : vector<1x512xf32> to vector<256x512xf32>
    %mul3A_1037 = arith.mulf %select_n3A_1022, %mul3A_1036 : vector<256x512xf32>
    %add3A_1038 = arith.addf %add3A_1035, %mul3A_1037 : vector<256x512xf32>
    %mul3A_1039 = vector.broadcast %get3A_759 : vector<1x512xf32> to vector<256x512xf32>
    %mul3A_1040 = arith.mulf %select_n3A_1020, %mul3A_1039 : vector<256x512xf32>
    %mul3A_1041 = vector.broadcast %get3A_768 : vector<1x512xf32> to vector<256x512xf32>
    %mul3A_1042 = arith.mulf %select_n3A_1021, %mul3A_1041 : vector<256x512xf32>
    %add3A_1043 = arith.addf %mul3A_1040, %mul3A_1042 : vector<256x512xf32>
    %mul3A_1044 = vector.broadcast %get3A_777 : vector<1x512xf32> to vector<256x512xf32>
    %mul3A_1045 = arith.mulf %select_n3A_1022, %mul3A_1044 : vector<256x512xf32>
    %add3A_1046 = arith.addf %add3A_1043, %mul3A_1045 : vector<256x512xf32>
    %sub3A_1047 = vector.broadcast %get3A_1 : vector<256x1xf32> to vector<256x512xf32>
    %sub3A_1048 = arith.subf %sub3A_1047, %add3A_1030 : vector<256x512xf32>
    %sub3A_1049 = vector.broadcast %get3A_4 : vector<256x1xf32> to vector<256x512xf32>
    %sub3A_1050 = arith.subf %sub3A_1049, %add3A_1038 : vector<256x512xf32>
    %sub3A_1051 = vector.broadcast %get3A_7 : vector<256x1xf32> to vector<256x512xf32>
    %sub3A_1052 = arith.subf %sub3A_1051, %add3A_1046 : vector<256x512xf32>
    %mul3A_1053 = arith.mulf %sub3A_1048, %sub3A_1048 : vector<256x512xf32>
    %mul3A_1054 = arith.mulf %sub3A_1050, %sub3A_1050 : vector<256x512xf32>
    %add3A_1055 = arith.addf %mul3A_1053, %mul3A_1054 : vector<256x512xf32>
    %mul3A_1056 = arith.mulf %sub3A_1052, %sub3A_1052 : vector<256x512xf32>
    %add3A_1057 = arith.addf %add3A_1055, %mul3A_1056 : vector<256x512xf32>
    %reduce_min3A_1058 = arith.constant dense<0x7F800000> : vector<256xf32>
    %reduce_min3A_1059 = vector.multi_reduction <minimumf>, %add3A_1057, %reduce_min3A_1058 [1] : vector<256x512xf32> to vector<256xf32>
    %broadcast_in_dim3A_1060 = vector.shape_cast %reduce_min3A_1059 : vector<256xf32> to vector<256x1xf32>
    %eq3A_1061 = vector.broadcast %broadcast_in_dim3A_1060 : vector<256x1xf32> to vector<256x512xf32>
    %eq3A_1062 = arith.cmpf oeq, %add3A_1057, %eq3A_1061 : vector<256x512xf32>
    %jit3A_1063 = arith.constant 2147483647 : i32
    %broadcast_in_dim3A_1064 = vector.shape_cast %iota3A : vector<1x512xi32> to vector<1x512xi32>
    %broadcast_in_dim3A_1065 = vector.broadcast %broadcast_in_dim3A_1064 : vector<1x512xi32> to vector<256x512xi32>
    %broadcast_in_dim3A_1066 = vector.broadcast %jit3A_1063 : i32 to vector<256x512xi32>
    %select_n3A_1067 = arith.select %eq3A_1062, %broadcast_in_dim3A_1065, %broadcast_in_dim3A_1066 : vector<256x512xi1>, vector<256x512xi32>
    %reduce_min3A_1068 = arith.constant dense<2147483647> : vector<256xi32>
    %reduce_min3A_1069 = vector.multi_reduction <minsi>, %select_n3A_1067, %reduce_min3A_1068 [1] : vector<256x512xi32> to vector<256xi32>
    %broadcast_in_dim3A_1070 = vector.shape_cast %reduce_min3A_1069 : vector<256xi32> to vector<256x1xi32>
    %eq3A_1071 = vector.broadcast %iota3A : vector<1x512xi32> to vector<256x512xi32>
    %eq3A_1072 = vector.broadcast %broadcast_in_dim3A_1070 : vector<256x1xi32> to vector<256x512xi32>
    %eq3A_1073 = arith.cmpi eq, %eq3A_1071, %eq3A_1072 : vector<256x512xi32>
    %jit3A_1074 = arith.constant 0.000000e+00 : f32
    %broadcast_in_dim3A_1075 = vector.broadcast %jit3A_1074 : f32 to vector<256x512xf32>
    %select_n3A_1076 = arith.select %eq3A_1073, %select_n3A_1020, %broadcast_in_dim3A_1075 : vector<256x512xi1>, vector<256x512xf32>
    %reduce_sum3A_1077 = arith.constant dense<0.000000e+00> : vector<256xf32>
    %reduce_sum3A_1078 = vector.multi_reduction <add>, %select_n3A_1076, %reduce_sum3A_1077 [1] : vector<256x512xf32> to vector<256xf32>
    %broadcast_in_dim3A_1079 = vector.shape_cast %reduce_sum3A_1078 : vector<256xf32> to vector<256x1xf32>
    %jit3A_1080 = arith.constant 0.000000e+00 : f32
    %broadcast_in_dim3A_1081 = vector.broadcast %jit3A_1080 : f32 to vector<256x512xf32>
    %select_n3A_1082 = arith.select %eq3A_1073, %select_n3A_1021, %broadcast_in_dim3A_1081 : vector<256x512xi1>, vector<256x512xf32>
    %reduce_sum3A_1083 = arith.constant dense<0.000000e+00> : vector<256xf32>
    %reduce_sum3A_1084 = vector.multi_reduction <add>, %select_n3A_1082, %reduce_sum3A_1083 [1] : vector<256x512xf32> to vector<256xf32>
    %broadcast_in_dim3A_1085 = vector.shape_cast %reduce_sum3A_1084 : vector<256xf32> to vector<256x1xf32>
    %jit3A_1086 = arith.constant 0.000000e+00 : f32
    %broadcast_in_dim3A_1087 = vector.broadcast %jit3A_1086 : f32 to vector<256x512xf32>
    %select_n3A_1088 = arith.select %eq3A_1073, %select_n3A_1022, %broadcast_in_dim3A_1087 : vector<256x512xi1>, vector<256x512xf32>
    %reduce_sum3A_1089 = arith.constant dense<0.000000e+00> : vector<256xf32>
    %reduce_sum3A_1090 = vector.multi_reduction <add>, %select_n3A_1088, %reduce_sum3A_1089 [1] : vector<256x512xf32> to vector<256xf32>
    %broadcast_in_dim3A_1091 = vector.shape_cast %reduce_sum3A_1090 : vector<256xf32> to vector<256x1xf32>
    %jit3A_1092 = arith.constant 0.000000e+00 : f32
    %broadcast_in_dim3A_1093 = vector.broadcast %jit3A_1092 : f32 to vector<256x512xf32>
    %select_n3A_1094 = arith.select %eq3A_1073, %add3A_1030, %broadcast_in_dim3A_1093 : vector<256x512xi1>, vector<256x512xf32>
    %reduce_sum3A_1095 = arith.constant dense<0.000000e+00> : vector<256xf32>
    %reduce_sum3A_1096 = vector.multi_reduction <add>, %select_n3A_1094, %reduce_sum3A_1095 [1] : vector<256x512xf32> to vector<256xf32>
    %broadcast_in_dim3A_1097 = vector.shape_cast %reduce_sum3A_1096 : vector<256xf32> to vector<256x1xf32>
    %jit3A_1098 = arith.constant 0.000000e+00 : f32
    %broadcast_in_dim3A_1099 = vector.broadcast %jit3A_1098 : f32 to vector<256x512xf32>
    %select_n3A_1100 = arith.select %eq3A_1073, %add3A_1038, %broadcast_in_dim3A_1099 : vector<256x512xi1>, vector<256x512xf32>
    %reduce_sum3A_1101 = arith.constant dense<0.000000e+00> : vector<256xf32>
    %reduce_sum3A_1102 = vector.multi_reduction <add>, %select_n3A_1100, %reduce_sum3A_1101 [1] : vector<256x512xf32> to vector<256xf32>
    %broadcast_in_dim3A_1103 = vector.shape_cast %reduce_sum3A_1102 : vector<256xf32> to vector<256x1xf32>
    %jit3A_1104 = arith.constant 0.000000e+00 : f32
    %broadcast_in_dim3A_1105 = vector.broadcast %jit3A_1104 : f32 to vector<256x512xf32>
    %select_n3A_1106 = arith.select %eq3A_1073, %add3A_1046, %broadcast_in_dim3A_1105 : vector<256x512xi1>, vector<256x512xf32>
    %reduce_sum3A_1107 = arith.constant dense<0.000000e+00> : vector<256xf32>
    %reduce_sum3A_1108 = vector.multi_reduction <add>, %select_n3A_1106, %reduce_sum3A_1107 [1] : vector<256x512xf32> to vector<256xf32>
    %broadcast_in_dim3A_1109 = vector.shape_cast %reduce_sum3A_1108 : vector<256xf32> to vector<256x1xf32>
    %lt3A_1110 = arith.cmpf olt, %broadcast_in_dim3A_1060, %select_n3A_740 : vector<256x1xf32>
    %select_n3A_1111 = arith.select %lt3A_1110, %broadcast_in_dim3A_1060, %select_n3A_740 : vector<256x1xi1>, vector<256x1xf32>
    %add3A_1112 = arith.constant 1024 : i32
    %add3A_1113 = vector.broadcast %add3A_1112 : i32 to vector<256x1xi32>
    %add3A_1114 = arith.addi %broadcast_in_dim3A_1070, %add3A_1113 : vector<256x1xi32>
    %select_n3A_1115 = arith.select %lt3A_1110, %add3A_1114, %select_n3A_744 : vector<256x1xi1>, vector<256x1xi32>
    %select_n3A_1116 = arith.select %lt3A_1110, %broadcast_in_dim3A_1079, %select_n3A_745 : vector<256x1xi1>, vector<256x1xf32>
    %select_n3A_1117 = arith.select %lt3A_1110, %broadcast_in_dim3A_1085, %select_n3A_746 : vector<256x1xi1>, vector<256x1xf32>
    %select_n3A_1118 = arith.select %lt3A_1110, %broadcast_in_dim3A_1091, %select_n3A_747 : vector<256x1xi1>, vector<256x1xf32>
    %select_n3A_1119 = arith.select %lt3A_1110, %broadcast_in_dim3A_1097, %select_n3A_748 : vector<256x1xi1>, vector<256x1xf32>
    %select_n3A_1120 = arith.select %lt3A_1110, %broadcast_in_dim3A_1103, %select_n3A_749 : vector<256x1xi1>, vector<256x1xf32>
    %select_n3A_1121 = arith.select %lt3A_1110, %broadcast_in_dim3A_1109, %select_n3A_750 : vector<256x1xi1>, vector<256x1xf32>
    %get3A_1122 = arith.constant 0 : index
    %get3A_1123 = arith.constant 1536 : index
    %get3A_1124 = vector.load %arg1[%get3A_1122, %get3A_1123] : memref<9x4096xf32, #tpu.memory_space<vmem>>, vector<1x512xf32>
    %get3A_1125 = arith.constant 1 : index
    %get3A_1126 = arith.constant 1536 : index
    %get3A_1127 = vector.load %arg1[%get3A_1125, %get3A_1126] : memref<9x4096xf32, #tpu.memory_space<vmem>>, vector<1x512xf32>
    %get3A_1128 = arith.constant 2 : index
    %get3A_1129 = arith.constant 1536 : index
    %get3A_1130 = vector.load %arg1[%get3A_1128, %get3A_1129] : memref<9x4096xf32, #tpu.memory_space<vmem>>, vector<1x512xf32>
    %get3A_1131 = arith.constant 3 : index
    %get3A_1132 = arith.constant 1536 : index
    %get3A_1133 = vector.load %arg1[%get3A_1131, %get3A_1132] : memref<9x4096xf32, #tpu.memory_space<vmem>>, vector<1x512xf32>
    %get3A_1134 = arith.constant 4 : index
    %get3A_1135 = arith.constant 1536 : index
    %get3A_1136 = vector.load %arg1[%get3A_1134, %get3A_1135] : memref<9x4096xf32, #tpu.memory_space<vmem>>, vector<1x512xf32>
    %get3A_1137 = arith.constant 5 : index
    %get3A_1138 = arith.constant 1536 : index
    %get3A_1139 = vector.load %arg1[%get3A_1137, %get3A_1138] : memref<9x4096xf32, #tpu.memory_space<vmem>>, vector<1x512xf32>
    %get3A_1140 = arith.constant 6 : index
    %get3A_1141 = arith.constant 1536 : index
    %get3A_1142 = vector.load %arg1[%get3A_1140, %get3A_1141] : memref<9x4096xf32, #tpu.memory_space<vmem>>, vector<1x512xf32>
    %get3A_1143 = arith.constant 7 : index
    %get3A_1144 = arith.constant 1536 : index
    %get3A_1145 = vector.load %arg1[%get3A_1143, %get3A_1144] : memref<9x4096xf32, #tpu.memory_space<vmem>>, vector<1x512xf32>
    %get3A_1146 = arith.constant 8 : index
    %get3A_1147 = arith.constant 1536 : index
    %get3A_1148 = vector.load %arg1[%get3A_1146, %get3A_1147] : memref<9x4096xf32, #tpu.memory_space<vmem>>, vector<1x512xf32>
    %sub3A_1149 = arith.subf %get3A_1133, %get3A_1124 : vector<1x512xf32>
    %sub3A_1150 = arith.subf %get3A_1136, %get3A_1127 : vector<1x512xf32>
    %sub3A_1151 = arith.subf %get3A_1139, %get3A_1130 : vector<1x512xf32>
    %sub3A_1152 = arith.subf %get3A_1142, %get3A_1124 : vector<1x512xf32>
    %sub3A_1153 = arith.subf %get3A_1145, %get3A_1127 : vector<1x512xf32>
    %sub3A_1154 = arith.subf %get3A_1148, %get3A_1130 : vector<1x512xf32>
    %sub3A_1155 = vector.broadcast %get3A_1 : vector<256x1xf32> to vector<256x512xf32>
    %sub3A_1156 = vector.broadcast %get3A_1124 : vector<1x512xf32> to vector<256x512xf32>
    %sub3A_1157 = arith.subf %sub3A_1155, %sub3A_1156 : vector<256x512xf32>
    %sub3A_1158 = vector.broadcast %get3A_4 : vector<256x1xf32> to vector<256x512xf32>
    %sub3A_1159 = vector.broadcast %get3A_1127 : vector<1x512xf32> to vector<256x512xf32>
    %sub3A_1160 = arith.subf %sub3A_1158, %sub3A_1159 : vector<256x512xf32>
    %sub3A_1161 = vector.broadcast %get3A_7 : vector<256x1xf32> to vector<256x512xf32>
    %sub3A_1162 = vector.broadcast %get3A_1130 : vector<1x512xf32> to vector<256x512xf32>
    %sub3A_1163 = arith.subf %sub3A_1161, %sub3A_1162 : vector<256x512xf32>
    %mul3A_1164 = vector.broadcast %sub3A_1149 : vector<1x512xf32> to vector<256x512xf32>
    %mul3A_1165 = arith.mulf %mul3A_1164, %sub3A_1157 : vector<256x512xf32>
    %mul3A_1166 = vector.broadcast %sub3A_1150 : vector<1x512xf32> to vector<256x512xf32>
    %mul3A_1167 = arith.mulf %mul3A_1166, %sub3A_1160 : vector<256x512xf32>
    %add3A_1168 = arith.addf %mul3A_1165, %mul3A_1167 : vector<256x512xf32>
    %mul3A_1169 = vector.broadcast %sub3A_1151 : vector<1x512xf32> to vector<256x512xf32>
    %mul3A_1170 = arith.mulf %mul3A_1169, %sub3A_1163 : vector<256x512xf32>
    %add3A_1171 = arith.addf %add3A_1168, %mul3A_1170 : vector<256x512xf32>
    %mul3A_1172 = vector.broadcast %sub3A_1152 : vector<1x512xf32> to vector<256x512xf32>
    %mul3A_1173 = arith.mulf %mul3A_1172, %sub3A_1157 : vector<256x512xf32>
    %mul3A_1174 = vector.broadcast %sub3A_1153 : vector<1x512xf32> to vector<256x512xf32>
    %mul3A_1175 = arith.mulf %mul3A_1174, %sub3A_1160 : vector<256x512xf32>
    %add3A_1176 = arith.addf %mul3A_1173, %mul3A_1175 : vector<256x512xf32>
    %mul3A_1177 = vector.broadcast %sub3A_1154 : vector<1x512xf32> to vector<256x512xf32>
    %mul3A_1178 = arith.mulf %mul3A_1177, %sub3A_1163 : vector<256x512xf32>
    %add3A_1179 = arith.addf %add3A_1176, %mul3A_1178 : vector<256x512xf32>
    %sub3A_1180 = vector.broadcast %get3A_1 : vector<256x1xf32> to vector<256x512xf32>
    %sub3A_1181 = vector.broadcast %get3A_1133 : vector<1x512xf32> to vector<256x512xf32>
    %sub3A_1182 = arith.subf %sub3A_1180, %sub3A_1181 : vector<256x512xf32>
    %sub3A_1183 = vector.broadcast %get3A_4 : vector<256x1xf32> to vector<256x512xf32>
    %sub3A_1184 = vector.broadcast %get3A_1136 : vector<1x512xf32> to vector<256x512xf32>
    %sub3A_1185 = arith.subf %sub3A_1183, %sub3A_1184 : vector<256x512xf32>
    %sub3A_1186 = vector.broadcast %get3A_7 : vector<256x1xf32> to vector<256x512xf32>
    %sub3A_1187 = vector.broadcast %get3A_1139 : vector<1x512xf32> to vector<256x512xf32>
    %sub3A_1188 = arith.subf %sub3A_1186, %sub3A_1187 : vector<256x512xf32>
    %mul3A_1189 = vector.broadcast %sub3A_1149 : vector<1x512xf32> to vector<256x512xf32>
    %mul3A_1190 = arith.mulf %mul3A_1189, %sub3A_1182 : vector<256x512xf32>
    %mul3A_1191 = vector.broadcast %sub3A_1150 : vector<1x512xf32> to vector<256x512xf32>
    %mul3A_1192 = arith.mulf %mul3A_1191, %sub3A_1185 : vector<256x512xf32>
    %add3A_1193 = arith.addf %mul3A_1190, %mul3A_1192 : vector<256x512xf32>
    %mul3A_1194 = vector.broadcast %sub3A_1151 : vector<1x512xf32> to vector<256x512xf32>
    %mul3A_1195 = arith.mulf %mul3A_1194, %sub3A_1188 : vector<256x512xf32>
    %add3A_1196 = arith.addf %add3A_1193, %mul3A_1195 : vector<256x512xf32>
    %mul3A_1197 = vector.broadcast %sub3A_1152 : vector<1x512xf32> to vector<256x512xf32>
    %mul3A_1198 = arith.mulf %mul3A_1197, %sub3A_1182 : vector<256x512xf32>
    %mul3A_1199 = vector.broadcast %sub3A_1153 : vector<1x512xf32> to vector<256x512xf32>
    %mul3A_1200 = arith.mulf %mul3A_1199, %sub3A_1185 : vector<256x512xf32>
    %add3A_1201 = arith.addf %mul3A_1198, %mul3A_1200 : vector<256x512xf32>
    %mul3A_1202 = vector.broadcast %sub3A_1154 : vector<1x512xf32> to vector<256x512xf32>
    %mul3A_1203 = arith.mulf %mul3A_1202, %sub3A_1188 : vector<256x512xf32>
    %add3A_1204 = arith.addf %add3A_1201, %mul3A_1203 : vector<256x512xf32>
    %sub3A_1205 = vector.broadcast %get3A_1 : vector<256x1xf32> to vector<256x512xf32>
    %sub3A_1206 = vector.broadcast %get3A_1142 : vector<1x512xf32> to vector<256x512xf32>
    %sub3A_1207 = arith.subf %sub3A_1205, %sub3A_1206 : vector<256x512xf32>
    %sub3A_1208 = vector.broadcast %get3A_4 : vector<256x1xf32> to vector<256x512xf32>
    %sub3A_1209 = vector.broadcast %get3A_1145 : vector<1x512xf32> to vector<256x512xf32>
    %sub3A_1210 = arith.subf %sub3A_1208, %sub3A_1209 : vector<256x512xf32>
    %sub3A_1211 = vector.broadcast %get3A_7 : vector<256x1xf32> to vector<256x512xf32>
    %sub3A_1212 = vector.broadcast %get3A_1148 : vector<1x512xf32> to vector<256x512xf32>
    %sub3A_1213 = arith.subf %sub3A_1211, %sub3A_1212 : vector<256x512xf32>
    %mul3A_1214 = vector.broadcast %sub3A_1149 : vector<1x512xf32> to vector<256x512xf32>
    %mul3A_1215 = arith.mulf %mul3A_1214, %sub3A_1207 : vector<256x512xf32>
    %mul3A_1216 = vector.broadcast %sub3A_1150 : vector<1x512xf32> to vector<256x512xf32>
    %mul3A_1217 = arith.mulf %mul3A_1216, %sub3A_1210 : vector<256x512xf32>
    %add3A_1218 = arith.addf %mul3A_1215, %mul3A_1217 : vector<256x512xf32>
    %mul3A_1219 = vector.broadcast %sub3A_1151 : vector<1x512xf32> to vector<256x512xf32>
    %mul3A_1220 = arith.mulf %mul3A_1219, %sub3A_1213 : vector<256x512xf32>
    %add3A_1221 = arith.addf %add3A_1218, %mul3A_1220 : vector<256x512xf32>
    %mul3A_1222 = vector.broadcast %sub3A_1152 : vector<1x512xf32> to vector<256x512xf32>
    %mul3A_1223 = arith.mulf %mul3A_1222, %sub3A_1207 : vector<256x512xf32>
    %mul3A_1224 = vector.broadcast %sub3A_1153 : vector<1x512xf32> to vector<256x512xf32>
    %mul3A_1225 = arith.mulf %mul3A_1224, %sub3A_1210 : vector<256x512xf32>
    %add3A_1226 = arith.addf %mul3A_1223, %mul3A_1225 : vector<256x512xf32>
    %mul3A_1227 = vector.broadcast %sub3A_1154 : vector<1x512xf32> to vector<256x512xf32>
    %mul3A_1228 = arith.mulf %mul3A_1227, %sub3A_1213 : vector<256x512xf32>
    %add3A_1229 = arith.addf %add3A_1226, %mul3A_1228 : vector<256x512xf32>
    %mul3A_1230 = arith.mulf %add3A_1171, %add3A_1204 : vector<256x512xf32>
    %mul3A_1231 = arith.mulf %add3A_1196, %add3A_1179 : vector<256x512xf32>
    %sub3A_1232 = arith.subf %mul3A_1230, %mul3A_1231 : vector<256x512xf32>
    %mul3A_1233 = arith.mulf %add3A_1221, %add3A_1179 : vector<256x512xf32>
    %mul3A_1234 = arith.mulf %add3A_1171, %add3A_1229 : vector<256x512xf32>
    %sub3A_1235 = arith.subf %mul3A_1233, %mul3A_1234 : vector<256x512xf32>
    %mul3A_1236 = arith.mulf %add3A_1196, %add3A_1229 : vector<256x512xf32>
    %mul3A_1237 = arith.mulf %add3A_1221, %add3A_1204 : vector<256x512xf32>
    %sub3A_1238 = arith.subf %mul3A_1236, %mul3A_1237 : vector<256x512xf32>
    %sub3A_1239 = arith.subf %add3A_1171, %add3A_1196 : vector<256x512xf32>
    %abs3A_1240 = math.absf %sub3A_1239 : vector<256x512xf32>
    %lt3A_1241 = arith.constant 9.99999996E-13 : f32
    %lt3A_1242 = vector.broadcast %lt3A_1241 : f32 to vector<256x512xf32>
    %lt3A_1243 = arith.cmpf olt, %abs3A_1240, %lt3A_1242 : vector<256x512xf32>
    %lt3A_1244 = arith.constant 0.000000e+00 : f32
    %lt3A_1245 = vector.broadcast %lt3A_1244 : f32 to vector<256x512xf32>
    %lt3A_1246 = arith.cmpf olt, %sub3A_1239, %lt3A_1245 : vector<256x512xf32>
    %jit3A_1247 = arith.constant -9.99999996E-13 : f32
    %jit3A_1248 = arith.constant 9.99999996E-13 : f32
    %broadcast_in_dim3A_1249 = vector.broadcast %jit3A_1247 : f32 to vector<256x512xf32>
    %broadcast_in_dim3A_1250 = vector.broadcast %jit3A_1248 : f32 to vector<256x512xf32>
    %select_n3A_1251 = arith.select %lt3A_1246, %broadcast_in_dim3A_1249, %broadcast_in_dim3A_1250 : vector<256x512xi1>, vector<256x512xf32>
    %select_n3A_1252 = arith.select %lt3A_1243, %select_n3A_1251, %sub3A_1239 : vector<256x512xi1>, vector<256x512xf32>
    %div3A_1253 = arith.divf %add3A_1171, %select_n3A_1252 : vector<256x512xf32>
    %sub3A_1254 = arith.subf %add3A_1179, %add3A_1229 : vector<256x512xf32>
    %abs3A_1255 = math.absf %sub3A_1254 : vector<256x512xf32>
    %lt3A_1256 = arith.constant 9.99999996E-13 : f32
    %lt3A_1257 = vector.broadcast %lt3A_1256 : f32 to vector<256x512xf32>
    %lt3A_1258 = arith.cmpf olt, %abs3A_1255, %lt3A_1257 : vector<256x512xf32>
    %lt3A_1259 = arith.constant 0.000000e+00 : f32
    %lt3A_1260 = vector.broadcast %lt3A_1259 : f32 to vector<256x512xf32>
    %lt3A_1261 = arith.cmpf olt, %sub3A_1254, %lt3A_1260 : vector<256x512xf32>
    %jit3A_1262 = arith.constant -9.99999996E-13 : f32
    %jit3A_1263 = arith.constant 9.99999996E-13 : f32
    %broadcast_in_dim3A_1264 = vector.broadcast %jit3A_1262 : f32 to vector<256x512xf32>
    %broadcast_in_dim3A_1265 = vector.broadcast %jit3A_1263 : f32 to vector<256x512xf32>
    %select_n3A_1266 = arith.select %lt3A_1261, %broadcast_in_dim3A_1264, %broadcast_in_dim3A_1265 : vector<256x512xi1>, vector<256x512xf32>
    %select_n3A_1267 = arith.select %lt3A_1258, %select_n3A_1266, %sub3A_1254 : vector<256x512xi1>, vector<256x512xf32>
    %div3A_1268 = arith.divf %add3A_1179, %select_n3A_1267 : vector<256x512xf32>
    %sub3A_1269 = arith.subf %add3A_1204, %add3A_1196 : vector<256x512xf32>
    %sub3A_1270 = arith.subf %add3A_1204, %add3A_1196 : vector<256x512xf32>
    %sub3A_1271 = arith.subf %add3A_1221, %add3A_1229 : vector<256x512xf32>
    %add3A_1272 = arith.addf %sub3A_1270, %sub3A_1271 : vector<256x512xf32>
    %abs3A_1273 = math.absf %add3A_1272 : vector<256x512xf32>
    %lt3A_1274 = arith.constant 9.99999996E-13 : f32
    %lt3A_1275 = vector.broadcast %lt3A_1274 : f32 to vector<256x512xf32>
    %lt3A_1276 = arith.cmpf olt, %abs3A_1273, %lt3A_1275 : vector<256x512xf32>
    %lt3A_1277 = arith.constant 0.000000e+00 : f32
    %lt3A_1278 = vector.broadcast %lt3A_1277 : f32 to vector<256x512xf32>
    %lt3A_1279 = arith.cmpf olt, %add3A_1272, %lt3A_1278 : vector<256x512xf32>
    %jit3A_1280 = arith.constant -9.99999996E-13 : f32
    %jit3A_1281 = arith.constant 9.99999996E-13 : f32
    %broadcast_in_dim3A_1282 = vector.broadcast %jit3A_1280 : f32 to vector<256x512xf32>
    %broadcast_in_dim3A_1283 = vector.broadcast %jit3A_1281 : f32 to vector<256x512xf32>
    %select_n3A_1284 = arith.select %lt3A_1279, %broadcast_in_dim3A_1282, %broadcast_in_dim3A_1283 : vector<256x512xi1>, vector<256x512xf32>
    %select_n3A_1285 = arith.select %lt3A_1276, %select_n3A_1284, %add3A_1272 : vector<256x512xi1>, vector<256x512xf32>
    %div3A_1286 = arith.divf %sub3A_1269, %select_n3A_1285 : vector<256x512xf32>
    %broadcast_in_dim3A_1287 = arith.constant 1.000000e+00 : f32
    %broadcast_in_dim3A_1288 = vector.broadcast %broadcast_in_dim3A_1287 : f32 to vector<256x512xf32>
    %add3A_1289 = arith.addf %sub3A_1238, %sub3A_1235 : vector<256x512xf32>
    %add3A_1290 = arith.addf %add3A_1289, %sub3A_1232 : vector<256x512xf32>
    %abs3A_1291 = math.absf %add3A_1290 : vector<256x512xf32>
    %lt3A_1292 = arith.constant 9.99999996E-13 : f32
    %lt3A_1293 = vector.broadcast %lt3A_1292 : f32 to vector<256x512xf32>
    %lt3A_1294 = arith.cmpf olt, %abs3A_1291, %lt3A_1293 : vector<256x512xf32>
    %lt3A_1295 = arith.constant 0.000000e+00 : f32
    %lt3A_1296 = vector.broadcast %lt3A_1295 : f32 to vector<256x512xf32>
    %lt3A_1297 = arith.cmpf olt, %add3A_1290, %lt3A_1296 : vector<256x512xf32>
    %jit3A_1298 = arith.constant -9.99999996E-13 : f32
    %jit3A_1299 = arith.constant 9.99999996E-13 : f32
    %broadcast_in_dim3A_1300 = vector.broadcast %jit3A_1298 : f32 to vector<256x512xf32>
    %broadcast_in_dim3A_1301 = vector.broadcast %jit3A_1299 : f32 to vector<256x512xf32>
    %select_n3A_1302 = arith.select %lt3A_1297, %broadcast_in_dim3A_1300, %broadcast_in_dim3A_1301 : vector<256x512xi1>, vector<256x512xf32>
    %select_n3A_1303 = arith.select %lt3A_1294, %select_n3A_1302, %add3A_1290 : vector<256x512xi1>, vector<256x512xf32>
    %div3A_1304 = arith.divf %broadcast_in_dim3A_1288, %select_n3A_1303 : vector<256x512xf32>
    %mul3A_1305 = arith.mulf %sub3A_1235, %div3A_1304 : vector<256x512xf32>
    %mul3A_1306 = arith.mulf %sub3A_1232, %div3A_1304 : vector<256x512xf32>
    %le3A_1307 = arith.constant 0.000000e+00 : f32
    %le3A_1308 = vector.broadcast %le3A_1307 : f32 to vector<256x512xf32>
    %le3A_1309 = arith.cmpf ole, %add3A_1171, %le3A_1308 : vector<256x512xf32>
    %le3A_1310 = arith.constant 0.000000e+00 : f32
    %le3A_1311 = vector.broadcast %le3A_1310 : f32 to vector<256x512xf32>
    %le3A_1312 = arith.cmpf ole, %add3A_1179, %le3A_1311 : vector<256x512xf32>
    %and3A_1313 = arith.andi %le3A_1309, %le3A_1312 : vector<256x512xi1>
    %ge3A_1314 = arith.constant 0.000000e+00 : f32
    %ge3A_1315 = vector.broadcast %ge3A_1314 : f32 to vector<256x512xf32>
    %ge3A_1316 = arith.cmpf oge, %add3A_1196, %ge3A_1315 : vector<256x512xf32>
    %le3A_1317 = arith.cmpf ole, %add3A_1204, %add3A_1196 : vector<256x512xf32>
    %and3A_1318 = arith.andi %ge3A_1316, %le3A_1317 : vector<256x512xi1>
    %le3A_1319 = arith.constant 0.000000e+00 : f32
    %le3A_1320 = vector.broadcast %le3A_1319 : f32 to vector<256x512xf32>
    %le3A_1321 = arith.cmpf ole, %sub3A_1232, %le3A_1320 : vector<256x512xf32>
    %ge3A_1322 = arith.constant 0.000000e+00 : f32
    %ge3A_1323 = vector.broadcast %ge3A_1322 : f32 to vector<256x512xf32>
    %ge3A_1324 = arith.cmpf oge, %add3A_1171, %ge3A_1323 : vector<256x512xf32>
    %and3A_1325 = arith.andi %le3A_1321, %ge3A_1324 : vector<256x512xi1>
    %le3A_1326 = arith.constant 0.000000e+00 : f32
    %le3A_1327 = vector.broadcast %le3A_1326 : f32 to vector<256x512xf32>
    %le3A_1328 = arith.cmpf ole, %add3A_1196, %le3A_1327 : vector<256x512xf32>
    %and3A_1329 = arith.andi %and3A_1325, %le3A_1328 : vector<256x512xi1>
    %ge3A_1330 = arith.constant 0.000000e+00 : f32
    %ge3A_1331 = vector.broadcast %ge3A_1330 : f32 to vector<256x512xf32>
    %ge3A_1332 = arith.cmpf oge, %add3A_1229, %ge3A_1331 : vector<256x512xf32>
    %le3A_1333 = arith.cmpf ole, %add3A_1221, %add3A_1229 : vector<256x512xf32>
    %and3A_1334 = arith.andi %ge3A_1332, %le3A_1333 : vector<256x512xi1>
    %le3A_1335 = arith.constant 0.000000e+00 : f32
    %le3A_1336 = vector.broadcast %le3A_1335 : f32 to vector<256x512xf32>
    %le3A_1337 = arith.cmpf ole, %sub3A_1235, %le3A_1336 : vector<256x512xf32>
    %ge3A_1338 = arith.constant 0.000000e+00 : f32
    %ge3A_1339 = vector.broadcast %ge3A_1338 : f32 to vector<256x512xf32>
    %ge3A_1340 = arith.cmpf oge, %add3A_1179, %ge3A_1339 : vector<256x512xf32>
    %and3A_1341 = arith.andi %le3A_1337, %ge3A_1340 : vector<256x512xi1>
    %le3A_1342 = arith.constant 0.000000e+00 : f32
    %le3A_1343 = vector.broadcast %le3A_1342 : f32 to vector<256x512xf32>
    %le3A_1344 = arith.cmpf ole, %add3A_1229, %le3A_1343 : vector<256x512xf32>
    %and3A_1345 = arith.andi %and3A_1341, %le3A_1344 : vector<256x512xi1>
    %le3A_1346 = arith.constant 0.000000e+00 : f32
    %le3A_1347 = vector.broadcast %le3A_1346 : f32 to vector<256x512xf32>
    %le3A_1348 = arith.cmpf ole, %sub3A_1238, %le3A_1347 : vector<256x512xf32>
    %sub3A_1349 = arith.subf %add3A_1204, %add3A_1196 : vector<256x512xf32>
    %ge3A_1350 = arith.constant 0.000000e+00 : f32
    %ge3A_1351 = vector.broadcast %ge3A_1350 : f32 to vector<256x512xf32>
    %ge3A_1352 = arith.cmpf oge, %sub3A_1349, %ge3A_1351 : vector<256x512xf32>
    %and3A_1353 = arith.andi %le3A_1348, %ge3A_1352 : vector<256x512xi1>
    %sub3A_1354 = arith.subf %add3A_1221, %add3A_1229 : vector<256x512xf32>
    %ge3A_1355 = arith.constant 0.000000e+00 : f32
    %ge3A_1356 = vector.broadcast %ge3A_1355 : f32 to vector<256x512xf32>
    %ge3A_1357 = arith.cmpf oge, %sub3A_1354, %ge3A_1356 : vector<256x512xf32>
    %and3A_1358 = arith.andi %and3A_1353, %ge3A_1357 : vector<256x512xi1>
    %sub3A_1359 = arith.constant 1.000000e+00 : f32
    %sub3A_1360 = vector.broadcast %sub3A_1359 : f32 to vector<256x512xf32>
    %sub3A_1361 = arith.subf %sub3A_1360, %mul3A_1305 : vector<256x512xf32>
    %sub3A_1362 = arith.subf %sub3A_1361, %mul3A_1306 : vector<256x512xf32>
    %broadcast_in_dim3A_1363 = arith.constant 0.000000e+00 : f32
    %broadcast_in_dim3A_1364 = vector.broadcast %broadcast_in_dim3A_1363 : f32 to vector<256x512xf32>
    %broadcast_in_dim3A_1365 = arith.constant 1.000000e+00 : f32
    %broadcast_in_dim3A_1366 = vector.broadcast %broadcast_in_dim3A_1365 : f32 to vector<256x512xf32>
    %select_n3A_1367 = arith.select %and3A_1358, %broadcast_in_dim3A_1364, %sub3A_1362 : vector<256x512xi1>, vector<256x512xf32>
    %sub3A_1368 = arith.constant 1.000000e+00 : f32
    %sub3A_1369 = vector.broadcast %sub3A_1368 : f32 to vector<256x512xf32>
    %sub3A_1370 = arith.subf %sub3A_1369, %div3A_1286 : vector<256x512xf32>
    %select_n3A_1371 = arith.select %and3A_1358, %sub3A_1370, %mul3A_1305 : vector<256x512xi1>, vector<256x512xf32>
    %select_n3A_1372 = arith.select %and3A_1358, %div3A_1286, %mul3A_1306 : vector<256x512xi1>, vector<256x512xf32>
    %sub3A_1373 = arith.constant 1.000000e+00 : f32
    %sub3A_1374 = vector.broadcast %sub3A_1373 : f32 to vector<256x512xf32>
    %sub3A_1375 = arith.subf %sub3A_1374, %div3A_1268 : vector<256x512xf32>
    %select_n3A_1376 = arith.select %and3A_1345, %sub3A_1375, %select_n3A_1367 : vector<256x512xi1>, vector<256x512xf32>
    %select_n3A_1377 = arith.select %and3A_1345, %broadcast_in_dim3A_1364, %select_n3A_1371 : vector<256x512xi1>, vector<256x512xf32>
    %select_n3A_1378 = arith.select %and3A_1345, %div3A_1268, %select_n3A_1372 : vector<256x512xi1>, vector<256x512xf32>
    %select_n3A_1379 = arith.select %and3A_1334, %broadcast_in_dim3A_1364, %select_n3A_1376 : vector<256x512xi1>, vector<256x512xf32>
    %select_n3A_1380 = arith.select %and3A_1334, %broadcast_in_dim3A_1364, %select_n3A_1377 : vector<256x512xi1>, vector<256x512xf32>
    %select_n3A_1381 = arith.select %and3A_1334, %broadcast_in_dim3A_1366, %select_n3A_1378 : vector<256x512xi1>, vector<256x512xf32>
    %sub3A_1382 = arith.constant 1.000000e+00 : f32
    %sub3A_1383 = vector.broadcast %sub3A_1382 : f32 to vector<256x512xf32>
    %sub3A_1384 = arith.subf %sub3A_1383, %div3A_1253 : vector<256x512xf32>
    %select_n3A_1385 = arith.select %and3A_1329, %sub3A_1384, %select_n3A_1379 : vector<256x512xi1>, vector<256x512xf32>
    %select_n3A_1386 = arith.select %and3A_1329, %div3A_1253, %select_n3A_1380 : vector<256x512xi1>, vector<256x512xf32>
    %select_n3A_1387 = arith.select %and3A_1329, %broadcast_in_dim3A_1364, %select_n3A_1381 : vector<256x512xi1>, vector<256x512xf32>
    %select_n3A_1388 = arith.select %and3A_1318, %broadcast_in_dim3A_1364, %select_n3A_1385 : vector<256x512xi1>, vector<256x512xf32>
    %select_n3A_1389 = arith.select %and3A_1318, %broadcast_in_dim3A_1366, %select_n3A_1386 : vector<256x512xi1>, vector<256x512xf32>
    %select_n3A_1390 = arith.select %and3A_1318, %broadcast_in_dim3A_1364, %select_n3A_1387 : vector<256x512xi1>, vector<256x512xf32>
    %select_n3A_1391 = arith.select %and3A_1313, %broadcast_in_dim3A_1366, %select_n3A_1388 : vector<256x512xi1>, vector<256x512xf32>
    %select_n3A_1392 = arith.select %and3A_1313, %broadcast_in_dim3A_1364, %select_n3A_1389 : vector<256x512xi1>, vector<256x512xf32>
    %select_n3A_1393 = arith.select %and3A_1313, %broadcast_in_dim3A_1364, %select_n3A_1390 : vector<256x512xi1>, vector<256x512xf32>
    %mul3A_1394 = vector.broadcast %get3A_1124 : vector<1x512xf32> to vector<256x512xf32>
    %mul3A_1395 = arith.mulf %select_n3A_1391, %mul3A_1394 : vector<256x512xf32>
    %mul3A_1396 = vector.broadcast %get3A_1133 : vector<1x512xf32> to vector<256x512xf32>
    %mul3A_1397 = arith.mulf %select_n3A_1392, %mul3A_1396 : vector<256x512xf32>
    %add3A_1398 = arith.addf %mul3A_1395, %mul3A_1397 : vector<256x512xf32>
    %mul3A_1399 = vector.broadcast %get3A_1142 : vector<1x512xf32> to vector<256x512xf32>
    %mul3A_1400 = arith.mulf %select_n3A_1393, %mul3A_1399 : vector<256x512xf32>
    %add3A_1401 = arith.addf %add3A_1398, %mul3A_1400 : vector<256x512xf32>
    %mul3A_1402 = vector.broadcast %get3A_1127 : vector<1x512xf32> to vector<256x512xf32>
    %mul3A_1403 = arith.mulf %select_n3A_1391, %mul3A_1402 : vector<256x512xf32>
    %mul3A_1404 = vector.broadcast %get3A_1136 : vector<1x512xf32> to vector<256x512xf32>
    %mul3A_1405 = arith.mulf %select_n3A_1392, %mul3A_1404 : vector<256x512xf32>
    %add3A_1406 = arith.addf %mul3A_1403, %mul3A_1405 : vector<256x512xf32>
    %mul3A_1407 = vector.broadcast %get3A_1145 : vector<1x512xf32> to vector<256x512xf32>
    %mul3A_1408 = arith.mulf %select_n3A_1393, %mul3A_1407 : vector<256x512xf32>
    %add3A_1409 = arith.addf %add3A_1406, %mul3A_1408 : vector<256x512xf32>
    %mul3A_1410 = vector.broadcast %get3A_1130 : vector<1x512xf32> to vector<256x512xf32>
    %mul3A_1411 = arith.mulf %select_n3A_1391, %mul3A_1410 : vector<256x512xf32>
    %mul3A_1412 = vector.broadcast %get3A_1139 : vector<1x512xf32> to vector<256x512xf32>
    %mul3A_1413 = arith.mulf %select_n3A_1392, %mul3A_1412 : vector<256x512xf32>
    %add3A_1414 = arith.addf %mul3A_1411, %mul3A_1413 : vector<256x512xf32>
    %mul3A_1415 = vector.broadcast %get3A_1148 : vector<1x512xf32> to vector<256x512xf32>
    %mul3A_1416 = arith.mulf %select_n3A_1393, %mul3A_1415 : vector<256x512xf32>
    %add3A_1417 = arith.addf %add3A_1414, %mul3A_1416 : vector<256x512xf32>
    %sub3A_1418 = vector.broadcast %get3A_1 : vector<256x1xf32> to vector<256x512xf32>
    %sub3A_1419 = arith.subf %sub3A_1418, %add3A_1401 : vector<256x512xf32>
    %sub3A_1420 = vector.broadcast %get3A_4 : vector<256x1xf32> to vector<256x512xf32>
    %sub3A_1421 = arith.subf %sub3A_1420, %add3A_1409 : vector<256x512xf32>
    %sub3A_1422 = vector.broadcast %get3A_7 : vector<256x1xf32> to vector<256x512xf32>
    %sub3A_1423 = arith.subf %sub3A_1422, %add3A_1417 : vector<256x512xf32>
    %mul3A_1424 = arith.mulf %sub3A_1419, %sub3A_1419 : vector<256x512xf32>
    %mul3A_1425 = arith.mulf %sub3A_1421, %sub3A_1421 : vector<256x512xf32>
    %add3A_1426 = arith.addf %mul3A_1424, %mul3A_1425 : vector<256x512xf32>
    %mul3A_1427 = arith.mulf %sub3A_1423, %sub3A_1423 : vector<256x512xf32>
    %add3A_1428 = arith.addf %add3A_1426, %mul3A_1427 : vector<256x512xf32>
    %reduce_min3A_1429 = arith.constant dense<0x7F800000> : vector<256xf32>
    %reduce_min3A_1430 = vector.multi_reduction <minimumf>, %add3A_1428, %reduce_min3A_1429 [1] : vector<256x512xf32> to vector<256xf32>
    %broadcast_in_dim3A_1431 = vector.shape_cast %reduce_min3A_1430 : vector<256xf32> to vector<256x1xf32>
    %eq3A_1432 = vector.broadcast %broadcast_in_dim3A_1431 : vector<256x1xf32> to vector<256x512xf32>
    %eq3A_1433 = arith.cmpf oeq, %add3A_1428, %eq3A_1432 : vector<256x512xf32>
    %jit3A_1434 = arith.constant 2147483647 : i32
    %broadcast_in_dim3A_1435 = vector.shape_cast %iota3A : vector<1x512xi32> to vector<1x512xi32>
    %broadcast_in_dim3A_1436 = vector.broadcast %broadcast_in_dim3A_1435 : vector<1x512xi32> to vector<256x512xi32>
    %broadcast_in_dim3A_1437 = vector.broadcast %jit3A_1434 : i32 to vector<256x512xi32>
    %select_n3A_1438 = arith.select %eq3A_1433, %broadcast_in_dim3A_1436, %broadcast_in_dim3A_1437 : vector<256x512xi1>, vector<256x512xi32>
    %reduce_min3A_1439 = arith.constant dense<2147483647> : vector<256xi32>
    %reduce_min3A_1440 = vector.multi_reduction <minsi>, %select_n3A_1438, %reduce_min3A_1439 [1] : vector<256x512xi32> to vector<256xi32>
    %broadcast_in_dim3A_1441 = vector.shape_cast %reduce_min3A_1440 : vector<256xi32> to vector<256x1xi32>
    %eq3A_1442 = vector.broadcast %iota3A : vector<1x512xi32> to vector<256x512xi32>
    %eq3A_1443 = vector.broadcast %broadcast_in_dim3A_1441 : vector<256x1xi32> to vector<256x512xi32>
    %eq3A_1444 = arith.cmpi eq, %eq3A_1442, %eq3A_1443 : vector<256x512xi32>
    %jit3A_1445 = arith.constant 0.000000e+00 : f32
    %broadcast_in_dim3A_1446 = vector.broadcast %jit3A_1445 : f32 to vector<256x512xf32>
    %select_n3A_1447 = arith.select %eq3A_1444, %select_n3A_1391, %broadcast_in_dim3A_1446 : vector<256x512xi1>, vector<256x512xf32>
    %reduce_sum3A_1448 = arith.constant dense<0.000000e+00> : vector<256xf32>
    %reduce_sum3A_1449 = vector.multi_reduction <add>, %select_n3A_1447, %reduce_sum3A_1448 [1] : vector<256x512xf32> to vector<256xf32>
    %broadcast_in_dim3A_1450 = vector.shape_cast %reduce_sum3A_1449 : vector<256xf32> to vector<256x1xf32>
    %jit3A_1451 = arith.constant 0.000000e+00 : f32
    %broadcast_in_dim3A_1452 = vector.broadcast %jit3A_1451 : f32 to vector<256x512xf32>
    %select_n3A_1453 = arith.select %eq3A_1444, %select_n3A_1392, %broadcast_in_dim3A_1452 : vector<256x512xi1>, vector<256x512xf32>
    %reduce_sum3A_1454 = arith.constant dense<0.000000e+00> : vector<256xf32>
    %reduce_sum3A_1455 = vector.multi_reduction <add>, %select_n3A_1453, %reduce_sum3A_1454 [1] : vector<256x512xf32> to vector<256xf32>
    %broadcast_in_dim3A_1456 = vector.shape_cast %reduce_sum3A_1455 : vector<256xf32> to vector<256x1xf32>
    %jit3A_1457 = arith.constant 0.000000e+00 : f32
    %broadcast_in_dim3A_1458 = vector.broadcast %jit3A_1457 : f32 to vector<256x512xf32>
    %select_n3A_1459 = arith.select %eq3A_1444, %select_n3A_1393, %broadcast_in_dim3A_1458 : vector<256x512xi1>, vector<256x512xf32>
    %reduce_sum3A_1460 = arith.constant dense<0.000000e+00> : vector<256xf32>
    %reduce_sum3A_1461 = vector.multi_reduction <add>, %select_n3A_1459, %reduce_sum3A_1460 [1] : vector<256x512xf32> to vector<256xf32>
    %broadcast_in_dim3A_1462 = vector.shape_cast %reduce_sum3A_1461 : vector<256xf32> to vector<256x1xf32>
    %jit3A_1463 = arith.constant 0.000000e+00 : f32
    %broadcast_in_dim3A_1464 = vector.broadcast %jit3A_1463 : f32 to vector<256x512xf32>
    %select_n3A_1465 = arith.select %eq3A_1444, %add3A_1401, %broadcast_in_dim3A_1464 : vector<256x512xi1>, vector<256x512xf32>
    %reduce_sum3A_1466 = arith.constant dense<0.000000e+00> : vector<256xf32>
    %reduce_sum3A_1467 = vector.multi_reduction <add>, %select_n3A_1465, %reduce_sum3A_1466 [1] : vector<256x512xf32> to vector<256xf32>
    %broadcast_in_dim3A_1468 = vector.shape_cast %reduce_sum3A_1467 : vector<256xf32> to vector<256x1xf32>
    %jit3A_1469 = arith.constant 0.000000e+00 : f32
    %broadcast_in_dim3A_1470 = vector.broadcast %jit3A_1469 : f32 to vector<256x512xf32>
    %select_n3A_1471 = arith.select %eq3A_1444, %add3A_1409, %broadcast_in_dim3A_1470 : vector<256x512xi1>, vector<256x512xf32>
    %reduce_sum3A_1472 = arith.constant dense<0.000000e+00> : vector<256xf32>
    %reduce_sum3A_1473 = vector.multi_reduction <add>, %select_n3A_1471, %reduce_sum3A_1472 [1] : vector<256x512xf32> to vector<256xf32>
    %broadcast_in_dim3A_1474 = vector.shape_cast %reduce_sum3A_1473 : vector<256xf32> to vector<256x1xf32>
    %jit3A_1475 = arith.constant 0.000000e+00 : f32
    %broadcast_in_dim3A_1476 = vector.broadcast %jit3A_1475 : f32 to vector<256x512xf32>
    %select_n3A_1477 = arith.select %eq3A_1444, %add3A_1417, %broadcast_in_dim3A_1476 : vector<256x512xi1>, vector<256x512xf32>
    %reduce_sum3A_1478 = arith.constant dense<0.000000e+00> : vector<256xf32>
    %reduce_sum3A_1479 = vector.multi_reduction <add>, %select_n3A_1477, %reduce_sum3A_1478 [1] : vector<256x512xf32> to vector<256xf32>
    %broadcast_in_dim3A_1480 = vector.shape_cast %reduce_sum3A_1479 : vector<256xf32> to vector<256x1xf32>
    %lt3A_1481 = arith.cmpf olt, %broadcast_in_dim3A_1431, %select_n3A_1111 : vector<256x1xf32>
    %select_n3A_1482 = arith.select %lt3A_1481, %broadcast_in_dim3A_1431, %select_n3A_1111 : vector<256x1xi1>, vector<256x1xf32>
    %add3A_1483 = arith.constant 1536 : i32
    %add3A_1484 = vector.broadcast %add3A_1483 : i32 to vector<256x1xi32>
    %add3A_1485 = arith.addi %broadcast_in_dim3A_1441, %add3A_1484 : vector<256x1xi32>
    %select_n3A_1486 = arith.select %lt3A_1481, %add3A_1485, %select_n3A_1115 : vector<256x1xi1>, vector<256x1xi32>
    %select_n3A_1487 = arith.select %lt3A_1481, %broadcast_in_dim3A_1450, %select_n3A_1116 : vector<256x1xi1>, vector<256x1xf32>
    %select_n3A_1488 = arith.select %lt3A_1481, %broadcast_in_dim3A_1456, %select_n3A_1117 : vector<256x1xi1>, vector<256x1xf32>
    %select_n3A_1489 = arith.select %lt3A_1481, %broadcast_in_dim3A_1462, %select_n3A_1118 : vector<256x1xi1>, vector<256x1xf32>
    %select_n3A_1490 = arith.select %lt3A_1481, %broadcast_in_dim3A_1468, %select_n3A_1119 : vector<256x1xi1>, vector<256x1xf32>
    %select_n3A_1491 = arith.select %lt3A_1481, %broadcast_in_dim3A_1474, %select_n3A_1120 : vector<256x1xi1>, vector<256x1xf32>
    %select_n3A_1492 = arith.select %lt3A_1481, %broadcast_in_dim3A_1480, %select_n3A_1121 : vector<256x1xi1>, vector<256x1xf32>
    %get3A_1493 = arith.constant 0 : index
    %get3A_1494 = arith.constant 2048 : index
    %get3A_1495 = vector.load %arg1[%get3A_1493, %get3A_1494] : memref<9x4096xf32, #tpu.memory_space<vmem>>, vector<1x512xf32>
    %get3A_1496 = arith.constant 1 : index
    %get3A_1497 = arith.constant 2048 : index
    %get3A_1498 = vector.load %arg1[%get3A_1496, %get3A_1497] : memref<9x4096xf32, #tpu.memory_space<vmem>>, vector<1x512xf32>
    %get3A_1499 = arith.constant 2 : index
    %get3A_1500 = arith.constant 2048 : index
    %get3A_1501 = vector.load %arg1[%get3A_1499, %get3A_1500] : memref<9x4096xf32, #tpu.memory_space<vmem>>, vector<1x512xf32>
    %get3A_1502 = arith.constant 3 : index
    %get3A_1503 = arith.constant 2048 : index
    %get3A_1504 = vector.load %arg1[%get3A_1502, %get3A_1503] : memref<9x4096xf32, #tpu.memory_space<vmem>>, vector<1x512xf32>
    %get3A_1505 = arith.constant 4 : index
    %get3A_1506 = arith.constant 2048 : index
    %get3A_1507 = vector.load %arg1[%get3A_1505, %get3A_1506] : memref<9x4096xf32, #tpu.memory_space<vmem>>, vector<1x512xf32>
    %get3A_1508 = arith.constant 5 : index
    %get3A_1509 = arith.constant 2048 : index
    %get3A_1510 = vector.load %arg1[%get3A_1508, %get3A_1509] : memref<9x4096xf32, #tpu.memory_space<vmem>>, vector<1x512xf32>
    %get3A_1511 = arith.constant 6 : index
    %get3A_1512 = arith.constant 2048 : index
    %get3A_1513 = vector.load %arg1[%get3A_1511, %get3A_1512] : memref<9x4096xf32, #tpu.memory_space<vmem>>, vector<1x512xf32>
    %get3A_1514 = arith.constant 7 : index
    %get3A_1515 = arith.constant 2048 : index
    %get3A_1516 = vector.load %arg1[%get3A_1514, %get3A_1515] : memref<9x4096xf32, #tpu.memory_space<vmem>>, vector<1x512xf32>
    %get3A_1517 = arith.constant 8 : index
    %get3A_1518 = arith.constant 2048 : index
    %get3A_1519 = vector.load %arg1[%get3A_1517, %get3A_1518] : memref<9x4096xf32, #tpu.memory_space<vmem>>, vector<1x512xf32>
    %sub3A_1520 = arith.subf %get3A_1504, %get3A_1495 : vector<1x512xf32>
    %sub3A_1521 = arith.subf %get3A_1507, %get3A_1498 : vector<1x512xf32>
    %sub3A_1522 = arith.subf %get3A_1510, %get3A_1501 : vector<1x512xf32>
    %sub3A_1523 = arith.subf %get3A_1513, %get3A_1495 : vector<1x512xf32>
    %sub3A_1524 = arith.subf %get3A_1516, %get3A_1498 : vector<1x512xf32>
    %sub3A_1525 = arith.subf %get3A_1519, %get3A_1501 : vector<1x512xf32>
    %sub3A_1526 = vector.broadcast %get3A_1 : vector<256x1xf32> to vector<256x512xf32>
    %sub3A_1527 = vector.broadcast %get3A_1495 : vector<1x512xf32> to vector<256x512xf32>
    %sub3A_1528 = arith.subf %sub3A_1526, %sub3A_1527 : vector<256x512xf32>
    %sub3A_1529 = vector.broadcast %get3A_4 : vector<256x1xf32> to vector<256x512xf32>
    %sub3A_1530 = vector.broadcast %get3A_1498 : vector<1x512xf32> to vector<256x512xf32>
    %sub3A_1531 = arith.subf %sub3A_1529, %sub3A_1530 : vector<256x512xf32>
    %sub3A_1532 = vector.broadcast %get3A_7 : vector<256x1xf32> to vector<256x512xf32>
    %sub3A_1533 = vector.broadcast %get3A_1501 : vector<1x512xf32> to vector<256x512xf32>
    %sub3A_1534 = arith.subf %sub3A_1532, %sub3A_1533 : vector<256x512xf32>
    %mul3A_1535 = vector.broadcast %sub3A_1520 : vector<1x512xf32> to vector<256x512xf32>
    %mul3A_1536 = arith.mulf %mul3A_1535, %sub3A_1528 : vector<256x512xf32>
    %mul3A_1537 = vector.broadcast %sub3A_1521 : vector<1x512xf32> to vector<256x512xf32>
    %mul3A_1538 = arith.mulf %mul3A_1537, %sub3A_1531 : vector<256x512xf32>
    %add3A_1539 = arith.addf %mul3A_1536, %mul3A_1538 : vector<256x512xf32>
    %mul3A_1540 = vector.broadcast %sub3A_1522 : vector<1x512xf32> to vector<256x512xf32>
    %mul3A_1541 = arith.mulf %mul3A_1540, %sub3A_1534 : vector<256x512xf32>
    %add3A_1542 = arith.addf %add3A_1539, %mul3A_1541 : vector<256x512xf32>
    %mul3A_1543 = vector.broadcast %sub3A_1523 : vector<1x512xf32> to vector<256x512xf32>
    %mul3A_1544 = arith.mulf %mul3A_1543, %sub3A_1528 : vector<256x512xf32>
    %mul3A_1545 = vector.broadcast %sub3A_1524 : vector<1x512xf32> to vector<256x512xf32>
    %mul3A_1546 = arith.mulf %mul3A_1545, %sub3A_1531 : vector<256x512xf32>
    %add3A_1547 = arith.addf %mul3A_1544, %mul3A_1546 : vector<256x512xf32>
    %mul3A_1548 = vector.broadcast %sub3A_1525 : vector<1x512xf32> to vector<256x512xf32>
    %mul3A_1549 = arith.mulf %mul3A_1548, %sub3A_1534 : vector<256x512xf32>
    %add3A_1550 = arith.addf %add3A_1547, %mul3A_1549 : vector<256x512xf32>
    %sub3A_1551 = vector.broadcast %get3A_1 : vector<256x1xf32> to vector<256x512xf32>
    %sub3A_1552 = vector.broadcast %get3A_1504 : vector<1x512xf32> to vector<256x512xf32>
    %sub3A_1553 = arith.subf %sub3A_1551, %sub3A_1552 : vector<256x512xf32>
    %sub3A_1554 = vector.broadcast %get3A_4 : vector<256x1xf32> to vector<256x512xf32>
    %sub3A_1555 = vector.broadcast %get3A_1507 : vector<1x512xf32> to vector<256x512xf32>
    %sub3A_1556 = arith.subf %sub3A_1554, %sub3A_1555 : vector<256x512xf32>
    %sub3A_1557 = vector.broadcast %get3A_7 : vector<256x1xf32> to vector<256x512xf32>
    %sub3A_1558 = vector.broadcast %get3A_1510 : vector<1x512xf32> to vector<256x512xf32>
    %sub3A_1559 = arith.subf %sub3A_1557, %sub3A_1558 : vector<256x512xf32>
    %mul3A_1560 = vector.broadcast %sub3A_1520 : vector<1x512xf32> to vector<256x512xf32>
    %mul3A_1561 = arith.mulf %mul3A_1560, %sub3A_1553 : vector<256x512xf32>
    %mul3A_1562 = vector.broadcast %sub3A_1521 : vector<1x512xf32> to vector<256x512xf32>
    %mul3A_1563 = arith.mulf %mul3A_1562, %sub3A_1556 : vector<256x512xf32>
    %add3A_1564 = arith.addf %mul3A_1561, %mul3A_1563 : vector<256x512xf32>
    %mul3A_1565 = vector.broadcast %sub3A_1522 : vector<1x512xf32> to vector<256x512xf32>
    %mul3A_1566 = arith.mulf %mul3A_1565, %sub3A_1559 : vector<256x512xf32>
    %add3A_1567 = arith.addf %add3A_1564, %mul3A_1566 : vector<256x512xf32>
    %mul3A_1568 = vector.broadcast %sub3A_1523 : vector<1x512xf32> to vector<256x512xf32>
    %mul3A_1569 = arith.mulf %mul3A_1568, %sub3A_1553 : vector<256x512xf32>
    %mul3A_1570 = vector.broadcast %sub3A_1524 : vector<1x512xf32> to vector<256x512xf32>
    %mul3A_1571 = arith.mulf %mul3A_1570, %sub3A_1556 : vector<256x512xf32>
    %add3A_1572 = arith.addf %mul3A_1569, %mul3A_1571 : vector<256x512xf32>
    %mul3A_1573 = vector.broadcast %sub3A_1525 : vector<1x512xf32> to vector<256x512xf32>
    %mul3A_1574 = arith.mulf %mul3A_1573, %sub3A_1559 : vector<256x512xf32>
    %add3A_1575 = arith.addf %add3A_1572, %mul3A_1574 : vector<256x512xf32>
    %sub3A_1576 = vector.broadcast %get3A_1 : vector<256x1xf32> to vector<256x512xf32>
    %sub3A_1577 = vector.broadcast %get3A_1513 : vector<1x512xf32> to vector<256x512xf32>
    %sub3A_1578 = arith.subf %sub3A_1576, %sub3A_1577 : vector<256x512xf32>
    %sub3A_1579 = vector.broadcast %get3A_4 : vector<256x1xf32> to vector<256x512xf32>
    %sub3A_1580 = vector.broadcast %get3A_1516 : vector<1x512xf32> to vector<256x512xf32>
    %sub3A_1581 = arith.subf %sub3A_1579, %sub3A_1580 : vector<256x512xf32>
    %sub3A_1582 = vector.broadcast %get3A_7 : vector<256x1xf32> to vector<256x512xf32>
    %sub3A_1583 = vector.broadcast %get3A_1519 : vector<1x512xf32> to vector<256x512xf32>
    %sub3A_1584 = arith.subf %sub3A_1582, %sub3A_1583 : vector<256x512xf32>
    %mul3A_1585 = vector.broadcast %sub3A_1520 : vector<1x512xf32> to vector<256x512xf32>
    %mul3A_1586 = arith.mulf %mul3A_1585, %sub3A_1578 : vector<256x512xf32>
    %mul3A_1587 = vector.broadcast %sub3A_1521 : vector<1x512xf32> to vector<256x512xf32>
    %mul3A_1588 = arith.mulf %mul3A_1587, %sub3A_1581 : vector<256x512xf32>
    %add3A_1589 = arith.addf %mul3A_1586, %mul3A_1588 : vector<256x512xf32>
    %mul3A_1590 = vector.broadcast %sub3A_1522 : vector<1x512xf32> to vector<256x512xf32>
    %mul3A_1591 = arith.mulf %mul3A_1590, %sub3A_1584 : vector<256x512xf32>
    %add3A_1592 = arith.addf %add3A_1589, %mul3A_1591 : vector<256x512xf32>
    %mul3A_1593 = vector.broadcast %sub3A_1523 : vector<1x512xf32> to vector<256x512xf32>
    %mul3A_1594 = arith.mulf %mul3A_1593, %sub3A_1578 : vector<256x512xf32>
    %mul3A_1595 = vector.broadcast %sub3A_1524 : vector<1x512xf32> to vector<256x512xf32>
    %mul3A_1596 = arith.mulf %mul3A_1595, %sub3A_1581 : vector<256x512xf32>
    %add3A_1597 = arith.addf %mul3A_1594, %mul3A_1596 : vector<256x512xf32>
    %mul3A_1598 = vector.broadcast %sub3A_1525 : vector<1x512xf32> to vector<256x512xf32>
    %mul3A_1599 = arith.mulf %mul3A_1598, %sub3A_1584 : vector<256x512xf32>
    %add3A_1600 = arith.addf %add3A_1597, %mul3A_1599 : vector<256x512xf32>
    %mul3A_1601 = arith.mulf %add3A_1542, %add3A_1575 : vector<256x512xf32>
    %mul3A_1602 = arith.mulf %add3A_1567, %add3A_1550 : vector<256x512xf32>
    %sub3A_1603 = arith.subf %mul3A_1601, %mul3A_1602 : vector<256x512xf32>
    %mul3A_1604 = arith.mulf %add3A_1592, %add3A_1550 : vector<256x512xf32>
    %mul3A_1605 = arith.mulf %add3A_1542, %add3A_1600 : vector<256x512xf32>
    %sub3A_1606 = arith.subf %mul3A_1604, %mul3A_1605 : vector<256x512xf32>
    %mul3A_1607 = arith.mulf %add3A_1567, %add3A_1600 : vector<256x512xf32>
    %mul3A_1608 = arith.mulf %add3A_1592, %add3A_1575 : vector<256x512xf32>
    %sub3A_1609 = arith.subf %mul3A_1607, %mul3A_1608 : vector<256x512xf32>
    %sub3A_1610 = arith.subf %add3A_1542, %add3A_1567 : vector<256x512xf32>
    %abs3A_1611 = math.absf %sub3A_1610 : vector<256x512xf32>
    %lt3A_1612 = arith.constant 9.99999996E-13 : f32
    %lt3A_1613 = vector.broadcast %lt3A_1612 : f32 to vector<256x512xf32>
    %lt3A_1614 = arith.cmpf olt, %abs3A_1611, %lt3A_1613 : vector<256x512xf32>
    %lt3A_1615 = arith.constant 0.000000e+00 : f32
    %lt3A_1616 = vector.broadcast %lt3A_1615 : f32 to vector<256x512xf32>
    %lt3A_1617 = arith.cmpf olt, %sub3A_1610, %lt3A_1616 : vector<256x512xf32>
    %jit3A_1618 = arith.constant -9.99999996E-13 : f32
    %jit3A_1619 = arith.constant 9.99999996E-13 : f32
    %broadcast_in_dim3A_1620 = vector.broadcast %jit3A_1618 : f32 to vector<256x512xf32>
    %broadcast_in_dim3A_1621 = vector.broadcast %jit3A_1619 : f32 to vector<256x512xf32>
    %select_n3A_1622 = arith.select %lt3A_1617, %broadcast_in_dim3A_1620, %broadcast_in_dim3A_1621 : vector<256x512xi1>, vector<256x512xf32>
    %select_n3A_1623 = arith.select %lt3A_1614, %select_n3A_1622, %sub3A_1610 : vector<256x512xi1>, vector<256x512xf32>
    %div3A_1624 = arith.divf %add3A_1542, %select_n3A_1623 : vector<256x512xf32>
    %sub3A_1625 = arith.subf %add3A_1550, %add3A_1600 : vector<256x512xf32>
    %abs3A_1626 = math.absf %sub3A_1625 : vector<256x512xf32>
    %lt3A_1627 = arith.constant 9.99999996E-13 : f32
    %lt3A_1628 = vector.broadcast %lt3A_1627 : f32 to vector<256x512xf32>
    %lt3A_1629 = arith.cmpf olt, %abs3A_1626, %lt3A_1628 : vector<256x512xf32>
    %lt3A_1630 = arith.constant 0.000000e+00 : f32
    %lt3A_1631 = vector.broadcast %lt3A_1630 : f32 to vector<256x512xf32>
    %lt3A_1632 = arith.cmpf olt, %sub3A_1625, %lt3A_1631 : vector<256x512xf32>
    %jit3A_1633 = arith.constant -9.99999996E-13 : f32
    %jit3A_1634 = arith.constant 9.99999996E-13 : f32
    %broadcast_in_dim3A_1635 = vector.broadcast %jit3A_1633 : f32 to vector<256x512xf32>
    %broadcast_in_dim3A_1636 = vector.broadcast %jit3A_1634 : f32 to vector<256x512xf32>
    %select_n3A_1637 = arith.select %lt3A_1632, %broadcast_in_dim3A_1635, %broadcast_in_dim3A_1636 : vector<256x512xi1>, vector<256x512xf32>
    %select_n3A_1638 = arith.select %lt3A_1629, %select_n3A_1637, %sub3A_1625 : vector<256x512xi1>, vector<256x512xf32>
    %div3A_1639 = arith.divf %add3A_1550, %select_n3A_1638 : vector<256x512xf32>
    %sub3A_1640 = arith.subf %add3A_1575, %add3A_1567 : vector<256x512xf32>
    %sub3A_1641 = arith.subf %add3A_1575, %add3A_1567 : vector<256x512xf32>
    %sub3A_1642 = arith.subf %add3A_1592, %add3A_1600 : vector<256x512xf32>
    %add3A_1643 = arith.addf %sub3A_1641, %sub3A_1642 : vector<256x512xf32>
    %abs3A_1644 = math.absf %add3A_1643 : vector<256x512xf32>
    %lt3A_1645 = arith.constant 9.99999996E-13 : f32
    %lt3A_1646 = vector.broadcast %lt3A_1645 : f32 to vector<256x512xf32>
    %lt3A_1647 = arith.cmpf olt, %abs3A_1644, %lt3A_1646 : vector<256x512xf32>
    %lt3A_1648 = arith.constant 0.000000e+00 : f32
    %lt3A_1649 = vector.broadcast %lt3A_1648 : f32 to vector<256x512xf32>
    %lt3A_1650 = arith.cmpf olt, %add3A_1643, %lt3A_1649 : vector<256x512xf32>
    %jit3A_1651 = arith.constant -9.99999996E-13 : f32
    %jit3A_1652 = arith.constant 9.99999996E-13 : f32
    %broadcast_in_dim3A_1653 = vector.broadcast %jit3A_1651 : f32 to vector<256x512xf32>
    %broadcast_in_dim3A_1654 = vector.broadcast %jit3A_1652 : f32 to vector<256x512xf32>
    %select_n3A_1655 = arith.select %lt3A_1650, %broadcast_in_dim3A_1653, %broadcast_in_dim3A_1654 : vector<256x512xi1>, vector<256x512xf32>
    %select_n3A_1656 = arith.select %lt3A_1647, %select_n3A_1655, %add3A_1643 : vector<256x512xi1>, vector<256x512xf32>
    %div3A_1657 = arith.divf %sub3A_1640, %select_n3A_1656 : vector<256x512xf32>
    %broadcast_in_dim3A_1658 = arith.constant 1.000000e+00 : f32
    %broadcast_in_dim3A_1659 = vector.broadcast %broadcast_in_dim3A_1658 : f32 to vector<256x512xf32>
    %add3A_1660 = arith.addf %sub3A_1609, %sub3A_1606 : vector<256x512xf32>
    %add3A_1661 = arith.addf %add3A_1660, %sub3A_1603 : vector<256x512xf32>
    %abs3A_1662 = math.absf %add3A_1661 : vector<256x512xf32>
    %lt3A_1663 = arith.constant 9.99999996E-13 : f32
    %lt3A_1664 = vector.broadcast %lt3A_1663 : f32 to vector<256x512xf32>
    %lt3A_1665 = arith.cmpf olt, %abs3A_1662, %lt3A_1664 : vector<256x512xf32>
    %lt3A_1666 = arith.constant 0.000000e+00 : f32
    %lt3A_1667 = vector.broadcast %lt3A_1666 : f32 to vector<256x512xf32>
    %lt3A_1668 = arith.cmpf olt, %add3A_1661, %lt3A_1667 : vector<256x512xf32>
    %jit3A_1669 = arith.constant -9.99999996E-13 : f32
    %jit3A_1670 = arith.constant 9.99999996E-13 : f32
    %broadcast_in_dim3A_1671 = vector.broadcast %jit3A_1669 : f32 to vector<256x512xf32>
    %broadcast_in_dim3A_1672 = vector.broadcast %jit3A_1670 : f32 to vector<256x512xf32>
    %select_n3A_1673 = arith.select %lt3A_1668, %broadcast_in_dim3A_1671, %broadcast_in_dim3A_1672 : vector<256x512xi1>, vector<256x512xf32>
    %select_n3A_1674 = arith.select %lt3A_1665, %select_n3A_1673, %add3A_1661 : vector<256x512xi1>, vector<256x512xf32>
    %div3A_1675 = arith.divf %broadcast_in_dim3A_1659, %select_n3A_1674 : vector<256x512xf32>
    %mul3A_1676 = arith.mulf %sub3A_1606, %div3A_1675 : vector<256x512xf32>
    %mul3A_1677 = arith.mulf %sub3A_1603, %div3A_1675 : vector<256x512xf32>
    %le3A_1678 = arith.constant 0.000000e+00 : f32
    %le3A_1679 = vector.broadcast %le3A_1678 : f32 to vector<256x512xf32>
    %le3A_1680 = arith.cmpf ole, %add3A_1542, %le3A_1679 : vector<256x512xf32>
    %le3A_1681 = arith.constant 0.000000e+00 : f32
    %le3A_1682 = vector.broadcast %le3A_1681 : f32 to vector<256x512xf32>
    %le3A_1683 = arith.cmpf ole, %add3A_1550, %le3A_1682 : vector<256x512xf32>
    %and3A_1684 = arith.andi %le3A_1680, %le3A_1683 : vector<256x512xi1>
    %ge3A_1685 = arith.constant 0.000000e+00 : f32
    %ge3A_1686 = vector.broadcast %ge3A_1685 : f32 to vector<256x512xf32>
    %ge3A_1687 = arith.cmpf oge, %add3A_1567, %ge3A_1686 : vector<256x512xf32>
    %le3A_1688 = arith.cmpf ole, %add3A_1575, %add3A_1567 : vector<256x512xf32>
    %and3A_1689 = arith.andi %ge3A_1687, %le3A_1688 : vector<256x512xi1>
    %le3A_1690 = arith.constant 0.000000e+00 : f32
    %le3A_1691 = vector.broadcast %le3A_1690 : f32 to vector<256x512xf32>
    %le3A_1692 = arith.cmpf ole, %sub3A_1603, %le3A_1691 : vector<256x512xf32>
    %ge3A_1693 = arith.constant 0.000000e+00 : f32
    %ge3A_1694 = vector.broadcast %ge3A_1693 : f32 to vector<256x512xf32>
    %ge3A_1695 = arith.cmpf oge, %add3A_1542, %ge3A_1694 : vector<256x512xf32>
    %and3A_1696 = arith.andi %le3A_1692, %ge3A_1695 : vector<256x512xi1>
    %le3A_1697 = arith.constant 0.000000e+00 : f32
    %le3A_1698 = vector.broadcast %le3A_1697 : f32 to vector<256x512xf32>
    %le3A_1699 = arith.cmpf ole, %add3A_1567, %le3A_1698 : vector<256x512xf32>
    %and3A_1700 = arith.andi %and3A_1696, %le3A_1699 : vector<256x512xi1>
    %ge3A_1701 = arith.constant 0.000000e+00 : f32
    %ge3A_1702 = vector.broadcast %ge3A_1701 : f32 to vector<256x512xf32>
    %ge3A_1703 = arith.cmpf oge, %add3A_1600, %ge3A_1702 : vector<256x512xf32>
    %le3A_1704 = arith.cmpf ole, %add3A_1592, %add3A_1600 : vector<256x512xf32>
    %and3A_1705 = arith.andi %ge3A_1703, %le3A_1704 : vector<256x512xi1>
    %le3A_1706 = arith.constant 0.000000e+00 : f32
    %le3A_1707 = vector.broadcast %le3A_1706 : f32 to vector<256x512xf32>
    %le3A_1708 = arith.cmpf ole, %sub3A_1606, %le3A_1707 : vector<256x512xf32>
    %ge3A_1709 = arith.constant 0.000000e+00 : f32
    %ge3A_1710 = vector.broadcast %ge3A_1709 : f32 to vector<256x512xf32>
    %ge3A_1711 = arith.cmpf oge, %add3A_1550, %ge3A_1710 : vector<256x512xf32>
    %and3A_1712 = arith.andi %le3A_1708, %ge3A_1711 : vector<256x512xi1>
    %le3A_1713 = arith.constant 0.000000e+00 : f32
    %le3A_1714 = vector.broadcast %le3A_1713 : f32 to vector<256x512xf32>
    %le3A_1715 = arith.cmpf ole, %add3A_1600, %le3A_1714 : vector<256x512xf32>
    %and3A_1716 = arith.andi %and3A_1712, %le3A_1715 : vector<256x512xi1>
    %le3A_1717 = arith.constant 0.000000e+00 : f32
    %le3A_1718 = vector.broadcast %le3A_1717 : f32 to vector<256x512xf32>
    %le3A_1719 = arith.cmpf ole, %sub3A_1609, %le3A_1718 : vector<256x512xf32>
    %sub3A_1720 = arith.subf %add3A_1575, %add3A_1567 : vector<256x512xf32>
    %ge3A_1721 = arith.constant 0.000000e+00 : f32
    %ge3A_1722 = vector.broadcast %ge3A_1721 : f32 to vector<256x512xf32>
    %ge3A_1723 = arith.cmpf oge, %sub3A_1720, %ge3A_1722 : vector<256x512xf32>
    %and3A_1724 = arith.andi %le3A_1719, %ge3A_1723 : vector<256x512xi1>
    %sub3A_1725 = arith.subf %add3A_1592, %add3A_1600 : vector<256x512xf32>
    %ge3A_1726 = arith.constant 0.000000e+00 : f32
    %ge3A_1727 = vector.broadcast %ge3A_1726 : f32 to vector<256x512xf32>
    %ge3A_1728 = arith.cmpf oge, %sub3A_1725, %ge3A_1727 : vector<256x512xf32>
    %and3A_1729 = arith.andi %and3A_1724, %ge3A_1728 : vector<256x512xi1>
    %sub3A_1730 = arith.constant 1.000000e+00 : f32
    %sub3A_1731 = vector.broadcast %sub3A_1730 : f32 to vector<256x512xf32>
    %sub3A_1732 = arith.subf %sub3A_1731, %mul3A_1676 : vector<256x512xf32>
    %sub3A_1733 = arith.subf %sub3A_1732, %mul3A_1677 : vector<256x512xf32>
    %broadcast_in_dim3A_1734 = arith.constant 0.000000e+00 : f32
    %broadcast_in_dim3A_1735 = vector.broadcast %broadcast_in_dim3A_1734 : f32 to vector<256x512xf32>
    %broadcast_in_dim3A_1736 = arith.constant 1.000000e+00 : f32
    %broadcast_in_dim3A_1737 = vector.broadcast %broadcast_in_dim3A_1736 : f32 to vector<256x512xf32>
    %select_n3A_1738 = arith.select %and3A_1729, %broadcast_in_dim3A_1735, %sub3A_1733 : vector<256x512xi1>, vector<256x512xf32>
    %sub3A_1739 = arith.constant 1.000000e+00 : f32
    %sub3A_1740 = vector.broadcast %sub3A_1739 : f32 to vector<256x512xf32>
    %sub3A_1741 = arith.subf %sub3A_1740, %div3A_1657 : vector<256x512xf32>
    %select_n3A_1742 = arith.select %and3A_1729, %sub3A_1741, %mul3A_1676 : vector<256x512xi1>, vector<256x512xf32>
    %select_n3A_1743 = arith.select %and3A_1729, %div3A_1657, %mul3A_1677 : vector<256x512xi1>, vector<256x512xf32>
    %sub3A_1744 = arith.constant 1.000000e+00 : f32
    %sub3A_1745 = vector.broadcast %sub3A_1744 : f32 to vector<256x512xf32>
    %sub3A_1746 = arith.subf %sub3A_1745, %div3A_1639 : vector<256x512xf32>
    %select_n3A_1747 = arith.select %and3A_1716, %sub3A_1746, %select_n3A_1738 : vector<256x512xi1>, vector<256x512xf32>
    %select_n3A_1748 = arith.select %and3A_1716, %broadcast_in_dim3A_1735, %select_n3A_1742 : vector<256x512xi1>, vector<256x512xf32>
    %select_n3A_1749 = arith.select %and3A_1716, %div3A_1639, %select_n3A_1743 : vector<256x512xi1>, vector<256x512xf32>
    %select_n3A_1750 = arith.select %and3A_1705, %broadcast_in_dim3A_1735, %select_n3A_1747 : vector<256x512xi1>, vector<256x512xf32>
    %select_n3A_1751 = arith.select %and3A_1705, %broadcast_in_dim3A_1735, %select_n3A_1748 : vector<256x512xi1>, vector<256x512xf32>
    %select_n3A_1752 = arith.select %and3A_1705, %broadcast_in_dim3A_1737, %select_n3A_1749 : vector<256x512xi1>, vector<256x512xf32>
    %sub3A_1753 = arith.constant 1.000000e+00 : f32
    %sub3A_1754 = vector.broadcast %sub3A_1753 : f32 to vector<256x512xf32>
    %sub3A_1755 = arith.subf %sub3A_1754, %div3A_1624 : vector<256x512xf32>
    %select_n3A_1756 = arith.select %and3A_1700, %sub3A_1755, %select_n3A_1750 : vector<256x512xi1>, vector<256x512xf32>
    %select_n3A_1757 = arith.select %and3A_1700, %div3A_1624, %select_n3A_1751 : vector<256x512xi1>, vector<256x512xf32>
    %select_n3A_1758 = arith.select %and3A_1700, %broadcast_in_dim3A_1735, %select_n3A_1752 : vector<256x512xi1>, vector<256x512xf32>
    %select_n3A_1759 = arith.select %and3A_1689, %broadcast_in_dim3A_1735, %select_n3A_1756 : vector<256x512xi1>, vector<256x512xf32>
    %select_n3A_1760 = arith.select %and3A_1689, %broadcast_in_dim3A_1737, %select_n3A_1757 : vector<256x512xi1>, vector<256x512xf32>
    %select_n3A_1761 = arith.select %and3A_1689, %broadcast_in_dim3A_1735, %select_n3A_1758 : vector<256x512xi1>, vector<256x512xf32>
    %select_n3A_1762 = arith.select %and3A_1684, %broadcast_in_dim3A_1737, %select_n3A_1759 : vector<256x512xi1>, vector<256x512xf32>
    %select_n3A_1763 = arith.select %and3A_1684, %broadcast_in_dim3A_1735, %select_n3A_1760 : vector<256x512xi1>, vector<256x512xf32>
    %select_n3A_1764 = arith.select %and3A_1684, %broadcast_in_dim3A_1735, %select_n3A_1761 : vector<256x512xi1>, vector<256x512xf32>
    %mul3A_1765 = vector.broadcast %get3A_1495 : vector<1x512xf32> to vector<256x512xf32>
    %mul3A_1766 = arith.mulf %select_n3A_1762, %mul3A_1765 : vector<256x512xf32>
    %mul3A_1767 = vector.broadcast %get3A_1504 : vector<1x512xf32> to vector<256x512xf32>
    %mul3A_1768 = arith.mulf %select_n3A_1763, %mul3A_1767 : vector<256x512xf32>
    %add3A_1769 = arith.addf %mul3A_1766, %mul3A_1768 : vector<256x512xf32>
    %mul3A_1770 = vector.broadcast %get3A_1513 : vector<1x512xf32> to vector<256x512xf32>
    %mul3A_1771 = arith.mulf %select_n3A_1764, %mul3A_1770 : vector<256x512xf32>
    %add3A_1772 = arith.addf %add3A_1769, %mul3A_1771 : vector<256x512xf32>
    %mul3A_1773 = vector.broadcast %get3A_1498 : vector<1x512xf32> to vector<256x512xf32>
    %mul3A_1774 = arith.mulf %select_n3A_1762, %mul3A_1773 : vector<256x512xf32>
    %mul3A_1775 = vector.broadcast %get3A_1507 : vector<1x512xf32> to vector<256x512xf32>
    %mul3A_1776 = arith.mulf %select_n3A_1763, %mul3A_1775 : vector<256x512xf32>
    %add3A_1777 = arith.addf %mul3A_1774, %mul3A_1776 : vector<256x512xf32>
    %mul3A_1778 = vector.broadcast %get3A_1516 : vector<1x512xf32> to vector<256x512xf32>
    %mul3A_1779 = arith.mulf %select_n3A_1764, %mul3A_1778 : vector<256x512xf32>
    %add3A_1780 = arith.addf %add3A_1777, %mul3A_1779 : vector<256x512xf32>
    %mul3A_1781 = vector.broadcast %get3A_1501 : vector<1x512xf32> to vector<256x512xf32>
    %mul3A_1782 = arith.mulf %select_n3A_1762, %mul3A_1781 : vector<256x512xf32>
    %mul3A_1783 = vector.broadcast %get3A_1510 : vector<1x512xf32> to vector<256x512xf32>
    %mul3A_1784 = arith.mulf %select_n3A_1763, %mul3A_1783 : vector<256x512xf32>
    %add3A_1785 = arith.addf %mul3A_1782, %mul3A_1784 : vector<256x512xf32>
    %mul3A_1786 = vector.broadcast %get3A_1519 : vector<1x512xf32> to vector<256x512xf32>
    %mul3A_1787 = arith.mulf %select_n3A_1764, %mul3A_1786 : vector<256x512xf32>
    %add3A_1788 = arith.addf %add3A_1785, %mul3A_1787 : vector<256x512xf32>
    %sub3A_1789 = vector.broadcast %get3A_1 : vector<256x1xf32> to vector<256x512xf32>
    %sub3A_1790 = arith.subf %sub3A_1789, %add3A_1772 : vector<256x512xf32>
    %sub3A_1791 = vector.broadcast %get3A_4 : vector<256x1xf32> to vector<256x512xf32>
    %sub3A_1792 = arith.subf %sub3A_1791, %add3A_1780 : vector<256x512xf32>
    %sub3A_1793 = vector.broadcast %get3A_7 : vector<256x1xf32> to vector<256x512xf32>
    %sub3A_1794 = arith.subf %sub3A_1793, %add3A_1788 : vector<256x512xf32>
    %mul3A_1795 = arith.mulf %sub3A_1790, %sub3A_1790 : vector<256x512xf32>
    %mul3A_1796 = arith.mulf %sub3A_1792, %sub3A_1792 : vector<256x512xf32>
    %add3A_1797 = arith.addf %mul3A_1795, %mul3A_1796 : vector<256x512xf32>
    %mul3A_1798 = arith.mulf %sub3A_1794, %sub3A_1794 : vector<256x512xf32>
    %add3A_1799 = arith.addf %add3A_1797, %mul3A_1798 : vector<256x512xf32>
    %reduce_min3A_1800 = arith.constant dense<0x7F800000> : vector<256xf32>
    %reduce_min3A_1801 = vector.multi_reduction <minimumf>, %add3A_1799, %reduce_min3A_1800 [1] : vector<256x512xf32> to vector<256xf32>
    %broadcast_in_dim3A_1802 = vector.shape_cast %reduce_min3A_1801 : vector<256xf32> to vector<256x1xf32>
    %eq3A_1803 = vector.broadcast %broadcast_in_dim3A_1802 : vector<256x1xf32> to vector<256x512xf32>
    %eq3A_1804 = arith.cmpf oeq, %add3A_1799, %eq3A_1803 : vector<256x512xf32>
    %jit3A_1805 = arith.constant 2147483647 : i32
    %broadcast_in_dim3A_1806 = vector.shape_cast %iota3A : vector<1x512xi32> to vector<1x512xi32>
    %broadcast_in_dim3A_1807 = vector.broadcast %broadcast_in_dim3A_1806 : vector<1x512xi32> to vector<256x512xi32>
    %broadcast_in_dim3A_1808 = vector.broadcast %jit3A_1805 : i32 to vector<256x512xi32>
    %select_n3A_1809 = arith.select %eq3A_1804, %broadcast_in_dim3A_1807, %broadcast_in_dim3A_1808 : vector<256x512xi1>, vector<256x512xi32>
    %reduce_min3A_1810 = arith.constant dense<2147483647> : vector<256xi32>
    %reduce_min3A_1811 = vector.multi_reduction <minsi>, %select_n3A_1809, %reduce_min3A_1810 [1] : vector<256x512xi32> to vector<256xi32>
    %broadcast_in_dim3A_1812 = vector.shape_cast %reduce_min3A_1811 : vector<256xi32> to vector<256x1xi32>
    %eq3A_1813 = vector.broadcast %iota3A : vector<1x512xi32> to vector<256x512xi32>
    %eq3A_1814 = vector.broadcast %broadcast_in_dim3A_1812 : vector<256x1xi32> to vector<256x512xi32>
    %eq3A_1815 = arith.cmpi eq, %eq3A_1813, %eq3A_1814 : vector<256x512xi32>
    %jit3A_1816 = arith.constant 0.000000e+00 : f32
    %broadcast_in_dim3A_1817 = vector.broadcast %jit3A_1816 : f32 to vector<256x512xf32>
    %select_n3A_1818 = arith.select %eq3A_1815, %select_n3A_1762, %broadcast_in_dim3A_1817 : vector<256x512xi1>, vector<256x512xf32>
    %reduce_sum3A_1819 = arith.constant dense<0.000000e+00> : vector<256xf32>
    %reduce_sum3A_1820 = vector.multi_reduction <add>, %select_n3A_1818, %reduce_sum3A_1819 [1] : vector<256x512xf32> to vector<256xf32>
    %broadcast_in_dim3A_1821 = vector.shape_cast %reduce_sum3A_1820 : vector<256xf32> to vector<256x1xf32>
    %jit3A_1822 = arith.constant 0.000000e+00 : f32
    %broadcast_in_dim3A_1823 = vector.broadcast %jit3A_1822 : f32 to vector<256x512xf32>
    %select_n3A_1824 = arith.select %eq3A_1815, %select_n3A_1763, %broadcast_in_dim3A_1823 : vector<256x512xi1>, vector<256x512xf32>
    %reduce_sum3A_1825 = arith.constant dense<0.000000e+00> : vector<256xf32>
    %reduce_sum3A_1826 = vector.multi_reduction <add>, %select_n3A_1824, %reduce_sum3A_1825 [1] : vector<256x512xf32> to vector<256xf32>
    %broadcast_in_dim3A_1827 = vector.shape_cast %reduce_sum3A_1826 : vector<256xf32> to vector<256x1xf32>
    %jit3A_1828 = arith.constant 0.000000e+00 : f32
    %broadcast_in_dim3A_1829 = vector.broadcast %jit3A_1828 : f32 to vector<256x512xf32>
    %select_n3A_1830 = arith.select %eq3A_1815, %select_n3A_1764, %broadcast_in_dim3A_1829 : vector<256x512xi1>, vector<256x512xf32>
    %reduce_sum3A_1831 = arith.constant dense<0.000000e+00> : vector<256xf32>
    %reduce_sum3A_1832 = vector.multi_reduction <add>, %select_n3A_1830, %reduce_sum3A_1831 [1] : vector<256x512xf32> to vector<256xf32>
    %broadcast_in_dim3A_1833 = vector.shape_cast %reduce_sum3A_1832 : vector<256xf32> to vector<256x1xf32>
    %jit3A_1834 = arith.constant 0.000000e+00 : f32
    %broadcast_in_dim3A_1835 = vector.broadcast %jit3A_1834 : f32 to vector<256x512xf32>
    %select_n3A_1836 = arith.select %eq3A_1815, %add3A_1772, %broadcast_in_dim3A_1835 : vector<256x512xi1>, vector<256x512xf32>
    %reduce_sum3A_1837 = arith.constant dense<0.000000e+00> : vector<256xf32>
    %reduce_sum3A_1838 = vector.multi_reduction <add>, %select_n3A_1836, %reduce_sum3A_1837 [1] : vector<256x512xf32> to vector<256xf32>
    %broadcast_in_dim3A_1839 = vector.shape_cast %reduce_sum3A_1838 : vector<256xf32> to vector<256x1xf32>
    %jit3A_1840 = arith.constant 0.000000e+00 : f32
    %broadcast_in_dim3A_1841 = vector.broadcast %jit3A_1840 : f32 to vector<256x512xf32>
    %select_n3A_1842 = arith.select %eq3A_1815, %add3A_1780, %broadcast_in_dim3A_1841 : vector<256x512xi1>, vector<256x512xf32>
    %reduce_sum3A_1843 = arith.constant dense<0.000000e+00> : vector<256xf32>
    %reduce_sum3A_1844 = vector.multi_reduction <add>, %select_n3A_1842, %reduce_sum3A_1843 [1] : vector<256x512xf32> to vector<256xf32>
    %broadcast_in_dim3A_1845 = vector.shape_cast %reduce_sum3A_1844 : vector<256xf32> to vector<256x1xf32>
    %jit3A_1846 = arith.constant 0.000000e+00 : f32
    %broadcast_in_dim3A_1847 = vector.broadcast %jit3A_1846 : f32 to vector<256x512xf32>
    %select_n3A_1848 = arith.select %eq3A_1815, %add3A_1788, %broadcast_in_dim3A_1847 : vector<256x512xi1>, vector<256x512xf32>
    %reduce_sum3A_1849 = arith.constant dense<0.000000e+00> : vector<256xf32>
    %reduce_sum3A_1850 = vector.multi_reduction <add>, %select_n3A_1848, %reduce_sum3A_1849 [1] : vector<256x512xf32> to vector<256xf32>
    %broadcast_in_dim3A_1851 = vector.shape_cast %reduce_sum3A_1850 : vector<256xf32> to vector<256x1xf32>
    %lt3A_1852 = arith.cmpf olt, %broadcast_in_dim3A_1802, %select_n3A_1482 : vector<256x1xf32>
    %select_n3A_1853 = arith.select %lt3A_1852, %broadcast_in_dim3A_1802, %select_n3A_1482 : vector<256x1xi1>, vector<256x1xf32>
    %add3A_1854 = arith.constant 2048 : i32
    %add3A_1855 = vector.broadcast %add3A_1854 : i32 to vector<256x1xi32>
    %add3A_1856 = arith.addi %broadcast_in_dim3A_1812, %add3A_1855 : vector<256x1xi32>
    %select_n3A_1857 = arith.select %lt3A_1852, %add3A_1856, %select_n3A_1486 : vector<256x1xi1>, vector<256x1xi32>
    %select_n3A_1858 = arith.select %lt3A_1852, %broadcast_in_dim3A_1821, %select_n3A_1487 : vector<256x1xi1>, vector<256x1xf32>
    %select_n3A_1859 = arith.select %lt3A_1852, %broadcast_in_dim3A_1827, %select_n3A_1488 : vector<256x1xi1>, vector<256x1xf32>
    %select_n3A_1860 = arith.select %lt3A_1852, %broadcast_in_dim3A_1833, %select_n3A_1489 : vector<256x1xi1>, vector<256x1xf32>
    %select_n3A_1861 = arith.select %lt3A_1852, %broadcast_in_dim3A_1839, %select_n3A_1490 : vector<256x1xi1>, vector<256x1xf32>
    %select_n3A_1862 = arith.select %lt3A_1852, %broadcast_in_dim3A_1845, %select_n3A_1491 : vector<256x1xi1>, vector<256x1xf32>
    %select_n3A_1863 = arith.select %lt3A_1852, %broadcast_in_dim3A_1851, %select_n3A_1492 : vector<256x1xi1>, vector<256x1xf32>
    %get3A_1864 = arith.constant 0 : index
    %get3A_1865 = arith.constant 2560 : index
    %get3A_1866 = vector.load %arg1[%get3A_1864, %get3A_1865] : memref<9x4096xf32, #tpu.memory_space<vmem>>, vector<1x512xf32>
    %get3A_1867 = arith.constant 1 : index
    %get3A_1868 = arith.constant 2560 : index
    %get3A_1869 = vector.load %arg1[%get3A_1867, %get3A_1868] : memref<9x4096xf32, #tpu.memory_space<vmem>>, vector<1x512xf32>
    %get3A_1870 = arith.constant 2 : index
    %get3A_1871 = arith.constant 2560 : index
    %get3A_1872 = vector.load %arg1[%get3A_1870, %get3A_1871] : memref<9x4096xf32, #tpu.memory_space<vmem>>, vector<1x512xf32>
    %get3A_1873 = arith.constant 3 : index
    %get3A_1874 = arith.constant 2560 : index
    %get3A_1875 = vector.load %arg1[%get3A_1873, %get3A_1874] : memref<9x4096xf32, #tpu.memory_space<vmem>>, vector<1x512xf32>
    %get3A_1876 = arith.constant 4 : index
    %get3A_1877 = arith.constant 2560 : index
    %get3A_1878 = vector.load %arg1[%get3A_1876, %get3A_1877] : memref<9x4096xf32, #tpu.memory_space<vmem>>, vector<1x512xf32>
    %get3A_1879 = arith.constant 5 : index
    %get3A_1880 = arith.constant 2560 : index
    %get3A_1881 = vector.load %arg1[%get3A_1879, %get3A_1880] : memref<9x4096xf32, #tpu.memory_space<vmem>>, vector<1x512xf32>
    %get3A_1882 = arith.constant 6 : index
    %get3A_1883 = arith.constant 2560 : index
    %get3A_1884 = vector.load %arg1[%get3A_1882, %get3A_1883] : memref<9x4096xf32, #tpu.memory_space<vmem>>, vector<1x512xf32>
    %get3A_1885 = arith.constant 7 : index
    %get3A_1886 = arith.constant 2560 : index
    %get3A_1887 = vector.load %arg1[%get3A_1885, %get3A_1886] : memref<9x4096xf32, #tpu.memory_space<vmem>>, vector<1x512xf32>
    %get3A_1888 = arith.constant 8 : index
    %get3A_1889 = arith.constant 2560 : index
    %get3A_1890 = vector.load %arg1[%get3A_1888, %get3A_1889] : memref<9x4096xf32, #tpu.memory_space<vmem>>, vector<1x512xf32>
    %sub3A_1891 = arith.subf %get3A_1875, %get3A_1866 : vector<1x512xf32>
    %sub3A_1892 = arith.subf %get3A_1878, %get3A_1869 : vector<1x512xf32>
    %sub3A_1893 = arith.subf %get3A_1881, %get3A_1872 : vector<1x512xf32>
    %sub3A_1894 = arith.subf %get3A_1884, %get3A_1866 : vector<1x512xf32>
    %sub3A_1895 = arith.subf %get3A_1887, %get3A_1869 : vector<1x512xf32>
    %sub3A_1896 = arith.subf %get3A_1890, %get3A_1872 : vector<1x512xf32>
    %sub3A_1897 = vector.broadcast %get3A_1 : vector<256x1xf32> to vector<256x512xf32>
    %sub3A_1898 = vector.broadcast %get3A_1866 : vector<1x512xf32> to vector<256x512xf32>
    %sub3A_1899 = arith.subf %sub3A_1897, %sub3A_1898 : vector<256x512xf32>
    %sub3A_1900 = vector.broadcast %get3A_4 : vector<256x1xf32> to vector<256x512xf32>
    %sub3A_1901 = vector.broadcast %get3A_1869 : vector<1x512xf32> to vector<256x512xf32>
    %sub3A_1902 = arith.subf %sub3A_1900, %sub3A_1901 : vector<256x512xf32>
    %sub3A_1903 = vector.broadcast %get3A_7 : vector<256x1xf32> to vector<256x512xf32>
    %sub3A_1904 = vector.broadcast %get3A_1872 : vector<1x512xf32> to vector<256x512xf32>
    %sub3A_1905 = arith.subf %sub3A_1903, %sub3A_1904 : vector<256x512xf32>
    %mul3A_1906 = vector.broadcast %sub3A_1891 : vector<1x512xf32> to vector<256x512xf32>
    %mul3A_1907 = arith.mulf %mul3A_1906, %sub3A_1899 : vector<256x512xf32>
    %mul3A_1908 = vector.broadcast %sub3A_1892 : vector<1x512xf32> to vector<256x512xf32>
    %mul3A_1909 = arith.mulf %mul3A_1908, %sub3A_1902 : vector<256x512xf32>
    %add3A_1910 = arith.addf %mul3A_1907, %mul3A_1909 : vector<256x512xf32>
    %mul3A_1911 = vector.broadcast %sub3A_1893 : vector<1x512xf32> to vector<256x512xf32>
    %mul3A_1912 = arith.mulf %mul3A_1911, %sub3A_1905 : vector<256x512xf32>
    %add3A_1913 = arith.addf %add3A_1910, %mul3A_1912 : vector<256x512xf32>
    %mul3A_1914 = vector.broadcast %sub3A_1894 : vector<1x512xf32> to vector<256x512xf32>
    %mul3A_1915 = arith.mulf %mul3A_1914, %sub3A_1899 : vector<256x512xf32>
    %mul3A_1916 = vector.broadcast %sub3A_1895 : vector<1x512xf32> to vector<256x512xf32>
    %mul3A_1917 = arith.mulf %mul3A_1916, %sub3A_1902 : vector<256x512xf32>
    %add3A_1918 = arith.addf %mul3A_1915, %mul3A_1917 : vector<256x512xf32>
    %mul3A_1919 = vector.broadcast %sub3A_1896 : vector<1x512xf32> to vector<256x512xf32>
    %mul3A_1920 = arith.mulf %mul3A_1919, %sub3A_1905 : vector<256x512xf32>
    %add3A_1921 = arith.addf %add3A_1918, %mul3A_1920 : vector<256x512xf32>
    %sub3A_1922 = vector.broadcast %get3A_1 : vector<256x1xf32> to vector<256x512xf32>
    %sub3A_1923 = vector.broadcast %get3A_1875 : vector<1x512xf32> to vector<256x512xf32>
    %sub3A_1924 = arith.subf %sub3A_1922, %sub3A_1923 : vector<256x512xf32>
    %sub3A_1925 = vector.broadcast %get3A_4 : vector<256x1xf32> to vector<256x512xf32>
    %sub3A_1926 = vector.broadcast %get3A_1878 : vector<1x512xf32> to vector<256x512xf32>
    %sub3A_1927 = arith.subf %sub3A_1925, %sub3A_1926 : vector<256x512xf32>
    %sub3A_1928 = vector.broadcast %get3A_7 : vector<256x1xf32> to vector<256x512xf32>
    %sub3A_1929 = vector.broadcast %get3A_1881 : vector<1x512xf32> to vector<256x512xf32>
    %sub3A_1930 = arith.subf %sub3A_1928, %sub3A_1929 : vector<256x512xf32>
    %mul3A_1931 = vector.broadcast %sub3A_1891 : vector<1x512xf32> to vector<256x512xf32>
    %mul3A_1932 = arith.mulf %mul3A_1931, %sub3A_1924 : vector<256x512xf32>
    %mul3A_1933 = vector.broadcast %sub3A_1892 : vector<1x512xf32> to vector<256x512xf32>
    %mul3A_1934 = arith.mulf %mul3A_1933, %sub3A_1927 : vector<256x512xf32>
    %add3A_1935 = arith.addf %mul3A_1932, %mul3A_1934 : vector<256x512xf32>
    %mul3A_1936 = vector.broadcast %sub3A_1893 : vector<1x512xf32> to vector<256x512xf32>
    %mul3A_1937 = arith.mulf %mul3A_1936, %sub3A_1930 : vector<256x512xf32>
    %add3A_1938 = arith.addf %add3A_1935, %mul3A_1937 : vector<256x512xf32>
    %mul3A_1939 = vector.broadcast %sub3A_1894 : vector<1x512xf32> to vector<256x512xf32>
    %mul3A_1940 = arith.mulf %mul3A_1939, %sub3A_1924 : vector<256x512xf32>
    %mul3A_1941 = vector.broadcast %sub3A_1895 : vector<1x512xf32> to vector<256x512xf32>
    %mul3A_1942 = arith.mulf %mul3A_1941, %sub3A_1927 : vector<256x512xf32>
    %add3A_1943 = arith.addf %mul3A_1940, %mul3A_1942 : vector<256x512xf32>
    %mul3A_1944 = vector.broadcast %sub3A_1896 : vector<1x512xf32> to vector<256x512xf32>
    %mul3A_1945 = arith.mulf %mul3A_1944, %sub3A_1930 : vector<256x512xf32>
    %add3A_1946 = arith.addf %add3A_1943, %mul3A_1945 : vector<256x512xf32>
    %sub3A_1947 = vector.broadcast %get3A_1 : vector<256x1xf32> to vector<256x512xf32>
    %sub3A_1948 = vector.broadcast %get3A_1884 : vector<1x512xf32> to vector<256x512xf32>
    %sub3A_1949 = arith.subf %sub3A_1947, %sub3A_1948 : vector<256x512xf32>
    %sub3A_1950 = vector.broadcast %get3A_4 : vector<256x1xf32> to vector<256x512xf32>
    %sub3A_1951 = vector.broadcast %get3A_1887 : vector<1x512xf32> to vector<256x512xf32>
    %sub3A_1952 = arith.subf %sub3A_1950, %sub3A_1951 : vector<256x512xf32>
    %sub3A_1953 = vector.broadcast %get3A_7 : vector<256x1xf32> to vector<256x512xf32>
    %sub3A_1954 = vector.broadcast %get3A_1890 : vector<1x512xf32> to vector<256x512xf32>
    %sub3A_1955 = arith.subf %sub3A_1953, %sub3A_1954 : vector<256x512xf32>
    %mul3A_1956 = vector.broadcast %sub3A_1891 : vector<1x512xf32> to vector<256x512xf32>
    %mul3A_1957 = arith.mulf %mul3A_1956, %sub3A_1949 : vector<256x512xf32>
    %mul3A_1958 = vector.broadcast %sub3A_1892 : vector<1x512xf32> to vector<256x512xf32>
    %mul3A_1959 = arith.mulf %mul3A_1958, %sub3A_1952 : vector<256x512xf32>
    %add3A_1960 = arith.addf %mul3A_1957, %mul3A_1959 : vector<256x512xf32>
    %mul3A_1961 = vector.broadcast %sub3A_1893 : vector<1x512xf32> to vector<256x512xf32>
    %mul3A_1962 = arith.mulf %mul3A_1961, %sub3A_1955 : vector<256x512xf32>
    %add3A_1963 = arith.addf %add3A_1960, %mul3A_1962 : vector<256x512xf32>
    %mul3A_1964 = vector.broadcast %sub3A_1894 : vector<1x512xf32> to vector<256x512xf32>
    %mul3A_1965 = arith.mulf %mul3A_1964, %sub3A_1949 : vector<256x512xf32>
    %mul3A_1966 = vector.broadcast %sub3A_1895 : vector<1x512xf32> to vector<256x512xf32>
    %mul3A_1967 = arith.mulf %mul3A_1966, %sub3A_1952 : vector<256x512xf32>
    %add3A_1968 = arith.addf %mul3A_1965, %mul3A_1967 : vector<256x512xf32>
    %mul3A_1969 = vector.broadcast %sub3A_1896 : vector<1x512xf32> to vector<256x512xf32>
    %mul3A_1970 = arith.mulf %mul3A_1969, %sub3A_1955 : vector<256x512xf32>
    %add3A_1971 = arith.addf %add3A_1968, %mul3A_1970 : vector<256x512xf32>
    %mul3A_1972 = arith.mulf %add3A_1913, %add3A_1946 : vector<256x512xf32>
    %mul3A_1973 = arith.mulf %add3A_1938, %add3A_1921 : vector<256x512xf32>
    %sub3A_1974 = arith.subf %mul3A_1972, %mul3A_1973 : vector<256x512xf32>
    %mul3A_1975 = arith.mulf %add3A_1963, %add3A_1921 : vector<256x512xf32>
    %mul3A_1976 = arith.mulf %add3A_1913, %add3A_1971 : vector<256x512xf32>
    %sub3A_1977 = arith.subf %mul3A_1975, %mul3A_1976 : vector<256x512xf32>
    %mul3A_1978 = arith.mulf %add3A_1938, %add3A_1971 : vector<256x512xf32>
    %mul3A_1979 = arith.mulf %add3A_1963, %add3A_1946 : vector<256x512xf32>
    %sub3A_1980 = arith.subf %mul3A_1978, %mul3A_1979 : vector<256x512xf32>
    %sub3A_1981 = arith.subf %add3A_1913, %add3A_1938 : vector<256x512xf32>
    %abs3A_1982 = math.absf %sub3A_1981 : vector<256x512xf32>
    %lt3A_1983 = arith.constant 9.99999996E-13 : f32
    %lt3A_1984 = vector.broadcast %lt3A_1983 : f32 to vector<256x512xf32>
    %lt3A_1985 = arith.cmpf olt, %abs3A_1982, %lt3A_1984 : vector<256x512xf32>
    %lt3A_1986 = arith.constant 0.000000e+00 : f32
    %lt3A_1987 = vector.broadcast %lt3A_1986 : f32 to vector<256x512xf32>
    %lt3A_1988 = arith.cmpf olt, %sub3A_1981, %lt3A_1987 : vector<256x512xf32>
    %jit3A_1989 = arith.constant -9.99999996E-13 : f32
    %jit3A_1990 = arith.constant 9.99999996E-13 : f32
    %broadcast_in_dim3A_1991 = vector.broadcast %jit3A_1989 : f32 to vector<256x512xf32>
    %broadcast_in_dim3A_1992 = vector.broadcast %jit3A_1990 : f32 to vector<256x512xf32>
    %select_n3A_1993 = arith.select %lt3A_1988, %broadcast_in_dim3A_1991, %broadcast_in_dim3A_1992 : vector<256x512xi1>, vector<256x512xf32>
    %select_n3A_1994 = arith.select %lt3A_1985, %select_n3A_1993, %sub3A_1981 : vector<256x512xi1>, vector<256x512xf32>
    %div3A_1995 = arith.divf %add3A_1913, %select_n3A_1994 : vector<256x512xf32>
    %sub3A_1996 = arith.subf %add3A_1921, %add3A_1971 : vector<256x512xf32>
    %abs3A_1997 = math.absf %sub3A_1996 : vector<256x512xf32>
    %lt3A_1998 = arith.constant 9.99999996E-13 : f32
    %lt3A_1999 = vector.broadcast %lt3A_1998 : f32 to vector<256x512xf32>
    %lt3A_2000 = arith.cmpf olt, %abs3A_1997, %lt3A_1999 : vector<256x512xf32>
    %lt3A_2001 = arith.constant 0.000000e+00 : f32
    %lt3A_2002 = vector.broadcast %lt3A_2001 : f32 to vector<256x512xf32>
    %lt3A_2003 = arith.cmpf olt, %sub3A_1996, %lt3A_2002 : vector<256x512xf32>
    %jit3A_2004 = arith.constant -9.99999996E-13 : f32
    %jit3A_2005 = arith.constant 9.99999996E-13 : f32
    %broadcast_in_dim3A_2006 = vector.broadcast %jit3A_2004 : f32 to vector<256x512xf32>
    %broadcast_in_dim3A_2007 = vector.broadcast %jit3A_2005 : f32 to vector<256x512xf32>
    %select_n3A_2008 = arith.select %lt3A_2003, %broadcast_in_dim3A_2006, %broadcast_in_dim3A_2007 : vector<256x512xi1>, vector<256x512xf32>
    %select_n3A_2009 = arith.select %lt3A_2000, %select_n3A_2008, %sub3A_1996 : vector<256x512xi1>, vector<256x512xf32>
    %div3A_2010 = arith.divf %add3A_1921, %select_n3A_2009 : vector<256x512xf32>
    %sub3A_2011 = arith.subf %add3A_1946, %add3A_1938 : vector<256x512xf32>
    %sub3A_2012 = arith.subf %add3A_1946, %add3A_1938 : vector<256x512xf32>
    %sub3A_2013 = arith.subf %add3A_1963, %add3A_1971 : vector<256x512xf32>
    %add3A_2014 = arith.addf %sub3A_2012, %sub3A_2013 : vector<256x512xf32>
    %abs3A_2015 = math.absf %add3A_2014 : vector<256x512xf32>
    %lt3A_2016 = arith.constant 9.99999996E-13 : f32
    %lt3A_2017 = vector.broadcast %lt3A_2016 : f32 to vector<256x512xf32>
    %lt3A_2018 = arith.cmpf olt, %abs3A_2015, %lt3A_2017 : vector<256x512xf32>
    %lt3A_2019 = arith.constant 0.000000e+00 : f32
    %lt3A_2020 = vector.broadcast %lt3A_2019 : f32 to vector<256x512xf32>
    %lt3A_2021 = arith.cmpf olt, %add3A_2014, %lt3A_2020 : vector<256x512xf32>
    %jit3A_2022 = arith.constant -9.99999996E-13 : f32
    %jit3A_2023 = arith.constant 9.99999996E-13 : f32
    %broadcast_in_dim3A_2024 = vector.broadcast %jit3A_2022 : f32 to vector<256x512xf32>
    %broadcast_in_dim3A_2025 = vector.broadcast %jit3A_2023 : f32 to vector<256x512xf32>
    %select_n3A_2026 = arith.select %lt3A_2021, %broadcast_in_dim3A_2024, %broadcast_in_dim3A_2025 : vector<256x512xi1>, vector<256x512xf32>
    %select_n3A_2027 = arith.select %lt3A_2018, %select_n3A_2026, %add3A_2014 : vector<256x512xi1>, vector<256x512xf32>
    %div3A_2028 = arith.divf %sub3A_2011, %select_n3A_2027 : vector<256x512xf32>
    %broadcast_in_dim3A_2029 = arith.constant 1.000000e+00 : f32
    %broadcast_in_dim3A_2030 = vector.broadcast %broadcast_in_dim3A_2029 : f32 to vector<256x512xf32>
    %add3A_2031 = arith.addf %sub3A_1980, %sub3A_1977 : vector<256x512xf32>
    %add3A_2032 = arith.addf %add3A_2031, %sub3A_1974 : vector<256x512xf32>
    %abs3A_2033 = math.absf %add3A_2032 : vector<256x512xf32>
    %lt3A_2034 = arith.constant 9.99999996E-13 : f32
    %lt3A_2035 = vector.broadcast %lt3A_2034 : f32 to vector<256x512xf32>
    %lt3A_2036 = arith.cmpf olt, %abs3A_2033, %lt3A_2035 : vector<256x512xf32>
    %lt3A_2037 = arith.constant 0.000000e+00 : f32
    %lt3A_2038 = vector.broadcast %lt3A_2037 : f32 to vector<256x512xf32>
    %lt3A_2039 = arith.cmpf olt, %add3A_2032, %lt3A_2038 : vector<256x512xf32>
    %jit3A_2040 = arith.constant -9.99999996E-13 : f32
    %jit3A_2041 = arith.constant 9.99999996E-13 : f32
    %broadcast_in_dim3A_2042 = vector.broadcast %jit3A_2040 : f32 to vector<256x512xf32>
    %broadcast_in_dim3A_2043 = vector.broadcast %jit3A_2041 : f32 to vector<256x512xf32>
    %select_n3A_2044 = arith.select %lt3A_2039, %broadcast_in_dim3A_2042, %broadcast_in_dim3A_2043 : vector<256x512xi1>, vector<256x512xf32>
    %select_n3A_2045 = arith.select %lt3A_2036, %select_n3A_2044, %add3A_2032 : vector<256x512xi1>, vector<256x512xf32>
    %div3A_2046 = arith.divf %broadcast_in_dim3A_2030, %select_n3A_2045 : vector<256x512xf32>
    %mul3A_2047 = arith.mulf %sub3A_1977, %div3A_2046 : vector<256x512xf32>
    %mul3A_2048 = arith.mulf %sub3A_1974, %div3A_2046 : vector<256x512xf32>
    %le3A_2049 = arith.constant 0.000000e+00 : f32
    %le3A_2050 = vector.broadcast %le3A_2049 : f32 to vector<256x512xf32>
    %le3A_2051 = arith.cmpf ole, %add3A_1913, %le3A_2050 : vector<256x512xf32>
    %le3A_2052 = arith.constant 0.000000e+00 : f32
    %le3A_2053 = vector.broadcast %le3A_2052 : f32 to vector<256x512xf32>
    %le3A_2054 = arith.cmpf ole, %add3A_1921, %le3A_2053 : vector<256x512xf32>
    %and3A_2055 = arith.andi %le3A_2051, %le3A_2054 : vector<256x512xi1>
    %ge3A_2056 = arith.constant 0.000000e+00 : f32
    %ge3A_2057 = vector.broadcast %ge3A_2056 : f32 to vector<256x512xf32>
    %ge3A_2058 = arith.cmpf oge, %add3A_1938, %ge3A_2057 : vector<256x512xf32>
    %le3A_2059 = arith.cmpf ole, %add3A_1946, %add3A_1938 : vector<256x512xf32>
    %and3A_2060 = arith.andi %ge3A_2058, %le3A_2059 : vector<256x512xi1>
    %le3A_2061 = arith.constant 0.000000e+00 : f32
    %le3A_2062 = vector.broadcast %le3A_2061 : f32 to vector<256x512xf32>
    %le3A_2063 = arith.cmpf ole, %sub3A_1974, %le3A_2062 : vector<256x512xf32>
    %ge3A_2064 = arith.constant 0.000000e+00 : f32
    %ge3A_2065 = vector.broadcast %ge3A_2064 : f32 to vector<256x512xf32>
    %ge3A_2066 = arith.cmpf oge, %add3A_1913, %ge3A_2065 : vector<256x512xf32>
    %and3A_2067 = arith.andi %le3A_2063, %ge3A_2066 : vector<256x512xi1>
    %le3A_2068 = arith.constant 0.000000e+00 : f32
    %le3A_2069 = vector.broadcast %le3A_2068 : f32 to vector<256x512xf32>
    %le3A_2070 = arith.cmpf ole, %add3A_1938, %le3A_2069 : vector<256x512xf32>
    %and3A_2071 = arith.andi %and3A_2067, %le3A_2070 : vector<256x512xi1>
    %ge3A_2072 = arith.constant 0.000000e+00 : f32
    %ge3A_2073 = vector.broadcast %ge3A_2072 : f32 to vector<256x512xf32>
    %ge3A_2074 = arith.cmpf oge, %add3A_1971, %ge3A_2073 : vector<256x512xf32>
    %le3A_2075 = arith.cmpf ole, %add3A_1963, %add3A_1971 : vector<256x512xf32>
    %and3A_2076 = arith.andi %ge3A_2074, %le3A_2075 : vector<256x512xi1>
    %le3A_2077 = arith.constant 0.000000e+00 : f32
    %le3A_2078 = vector.broadcast %le3A_2077 : f32 to vector<256x512xf32>
    %le3A_2079 = arith.cmpf ole, %sub3A_1977, %le3A_2078 : vector<256x512xf32>
    %ge3A_2080 = arith.constant 0.000000e+00 : f32
    %ge3A_2081 = vector.broadcast %ge3A_2080 : f32 to vector<256x512xf32>
    %ge3A_2082 = arith.cmpf oge, %add3A_1921, %ge3A_2081 : vector<256x512xf32>
    %and3A_2083 = arith.andi %le3A_2079, %ge3A_2082 : vector<256x512xi1>
    %le3A_2084 = arith.constant 0.000000e+00 : f32
    %le3A_2085 = vector.broadcast %le3A_2084 : f32 to vector<256x512xf32>
    %le3A_2086 = arith.cmpf ole, %add3A_1971, %le3A_2085 : vector<256x512xf32>
    %and3A_2087 = arith.andi %and3A_2083, %le3A_2086 : vector<256x512xi1>
    %le3A_2088 = arith.constant 0.000000e+00 : f32
    %le3A_2089 = vector.broadcast %le3A_2088 : f32 to vector<256x512xf32>
    %le3A_2090 = arith.cmpf ole, %sub3A_1980, %le3A_2089 : vector<256x512xf32>
    %sub3A_2091 = arith.subf %add3A_1946, %add3A_1938 : vector<256x512xf32>
    %ge3A_2092 = arith.constant 0.000000e+00 : f32
    %ge3A_2093 = vector.broadcast %ge3A_2092 : f32 to vector<256x512xf32>
    %ge3A_2094 = arith.cmpf oge, %sub3A_2091, %ge3A_2093 : vector<256x512xf32>
    %and3A_2095 = arith.andi %le3A_2090, %ge3A_2094 : vector<256x512xi1>
    %sub3A_2096 = arith.subf %add3A_1963, %add3A_1971 : vector<256x512xf32>
    %ge3A_2097 = arith.constant 0.000000e+00 : f32
    %ge3A_2098 = vector.broadcast %ge3A_2097 : f32 to vector<256x512xf32>
    %ge3A_2099 = arith.cmpf oge, %sub3A_2096, %ge3A_2098 : vector<256x512xf32>
    %and3A_2100 = arith.andi %and3A_2095, %ge3A_2099 : vector<256x512xi1>
    %sub3A_2101 = arith.constant 1.000000e+00 : f32
    %sub3A_2102 = vector.broadcast %sub3A_2101 : f32 to vector<256x512xf32>
    %sub3A_2103 = arith.subf %sub3A_2102, %mul3A_2047 : vector<256x512xf32>
    %sub3A_2104 = arith.subf %sub3A_2103, %mul3A_2048 : vector<256x512xf32>
    %broadcast_in_dim3A_2105 = arith.constant 0.000000e+00 : f32
    %broadcast_in_dim3A_2106 = vector.broadcast %broadcast_in_dim3A_2105 : f32 to vector<256x512xf32>
    %broadcast_in_dim3A_2107 = arith.constant 1.000000e+00 : f32
    %broadcast_in_dim3A_2108 = vector.broadcast %broadcast_in_dim3A_2107 : f32 to vector<256x512xf32>
    %select_n3A_2109 = arith.select %and3A_2100, %broadcast_in_dim3A_2106, %sub3A_2104 : vector<256x512xi1>, vector<256x512xf32>
    %sub3A_2110 = arith.constant 1.000000e+00 : f32
    %sub3A_2111 = vector.broadcast %sub3A_2110 : f32 to vector<256x512xf32>
    %sub3A_2112 = arith.subf %sub3A_2111, %div3A_2028 : vector<256x512xf32>
    %select_n3A_2113 = arith.select %and3A_2100, %sub3A_2112, %mul3A_2047 : vector<256x512xi1>, vector<256x512xf32>
    %select_n3A_2114 = arith.select %and3A_2100, %div3A_2028, %mul3A_2048 : vector<256x512xi1>, vector<256x512xf32>
    %sub3A_2115 = arith.constant 1.000000e+00 : f32
    %sub3A_2116 = vector.broadcast %sub3A_2115 : f32 to vector<256x512xf32>
    %sub3A_2117 = arith.subf %sub3A_2116, %div3A_2010 : vector<256x512xf32>
    %select_n3A_2118 = arith.select %and3A_2087, %sub3A_2117, %select_n3A_2109 : vector<256x512xi1>, vector<256x512xf32>
    %select_n3A_2119 = arith.select %and3A_2087, %broadcast_in_dim3A_2106, %select_n3A_2113 : vector<256x512xi1>, vector<256x512xf32>
    %select_n3A_2120 = arith.select %and3A_2087, %div3A_2010, %select_n3A_2114 : vector<256x512xi1>, vector<256x512xf32>
    %select_n3A_2121 = arith.select %and3A_2076, %broadcast_in_dim3A_2106, %select_n3A_2118 : vector<256x512xi1>, vector<256x512xf32>
    %select_n3A_2122 = arith.select %and3A_2076, %broadcast_in_dim3A_2106, %select_n3A_2119 : vector<256x512xi1>, vector<256x512xf32>
    %select_n3A_2123 = arith.select %and3A_2076, %broadcast_in_dim3A_2108, %select_n3A_2120 : vector<256x512xi1>, vector<256x512xf32>
    %sub3A_2124 = arith.constant 1.000000e+00 : f32
    %sub3A_2125 = vector.broadcast %sub3A_2124 : f32 to vector<256x512xf32>
    %sub3A_2126 = arith.subf %sub3A_2125, %div3A_1995 : vector<256x512xf32>
    %select_n3A_2127 = arith.select %and3A_2071, %sub3A_2126, %select_n3A_2121 : vector<256x512xi1>, vector<256x512xf32>
    %select_n3A_2128 = arith.select %and3A_2071, %div3A_1995, %select_n3A_2122 : vector<256x512xi1>, vector<256x512xf32>
    %select_n3A_2129 = arith.select %and3A_2071, %broadcast_in_dim3A_2106, %select_n3A_2123 : vector<256x512xi1>, vector<256x512xf32>
    %select_n3A_2130 = arith.select %and3A_2060, %broadcast_in_dim3A_2106, %select_n3A_2127 : vector<256x512xi1>, vector<256x512xf32>
    %select_n3A_2131 = arith.select %and3A_2060, %broadcast_in_dim3A_2108, %select_n3A_2128 : vector<256x512xi1>, vector<256x512xf32>
    %select_n3A_2132 = arith.select %and3A_2060, %broadcast_in_dim3A_2106, %select_n3A_2129 : vector<256x512xi1>, vector<256x512xf32>
    %select_n3A_2133 = arith.select %and3A_2055, %broadcast_in_dim3A_2108, %select_n3A_2130 : vector<256x512xi1>, vector<256x512xf32>
    %select_n3A_2134 = arith.select %and3A_2055, %broadcast_in_dim3A_2106, %select_n3A_2131 : vector<256x512xi1>, vector<256x512xf32>
    %select_n3A_2135 = arith.select %and3A_2055, %broadcast_in_dim3A_2106, %select_n3A_2132 : vector<256x512xi1>, vector<256x512xf32>
    %mul3A_2136 = vector.broadcast %get3A_1866 : vector<1x512xf32> to vector<256x512xf32>
    %mul3A_2137 = arith.mulf %select_n3A_2133, %mul3A_2136 : vector<256x512xf32>
    %mul3A_2138 = vector.broadcast %get3A_1875 : vector<1x512xf32> to vector<256x512xf32>
    %mul3A_2139 = arith.mulf %select_n3A_2134, %mul3A_2138 : vector<256x512xf32>
    %add3A_2140 = arith.addf %mul3A_2137, %mul3A_2139 : vector<256x512xf32>
    %mul3A_2141 = vector.broadcast %get3A_1884 : vector<1x512xf32> to vector<256x512xf32>
    %mul3A_2142 = arith.mulf %select_n3A_2135, %mul3A_2141 : vector<256x512xf32>
    %add3A_2143 = arith.addf %add3A_2140, %mul3A_2142 : vector<256x512xf32>
    %mul3A_2144 = vector.broadcast %get3A_1869 : vector<1x512xf32> to vector<256x512xf32>
    %mul3A_2145 = arith.mulf %select_n3A_2133, %mul3A_2144 : vector<256x512xf32>
    %mul3A_2146 = vector.broadcast %get3A_1878 : vector<1x512xf32> to vector<256x512xf32>
    %mul3A_2147 = arith.mulf %select_n3A_2134, %mul3A_2146 : vector<256x512xf32>
    %add3A_2148 = arith.addf %mul3A_2145, %mul3A_2147 : vector<256x512xf32>
    %mul3A_2149 = vector.broadcast %get3A_1887 : vector<1x512xf32> to vector<256x512xf32>
    %mul3A_2150 = arith.mulf %select_n3A_2135, %mul3A_2149 : vector<256x512xf32>
    %add3A_2151 = arith.addf %add3A_2148, %mul3A_2150 : vector<256x512xf32>
    %mul3A_2152 = vector.broadcast %get3A_1872 : vector<1x512xf32> to vector<256x512xf32>
    %mul3A_2153 = arith.mulf %select_n3A_2133, %mul3A_2152 : vector<256x512xf32>
    %mul3A_2154 = vector.broadcast %get3A_1881 : vector<1x512xf32> to vector<256x512xf32>
    %mul3A_2155 = arith.mulf %select_n3A_2134, %mul3A_2154 : vector<256x512xf32>
    %add3A_2156 = arith.addf %mul3A_2153, %mul3A_2155 : vector<256x512xf32>
    %mul3A_2157 = vector.broadcast %get3A_1890 : vector<1x512xf32> to vector<256x512xf32>
    %mul3A_2158 = arith.mulf %select_n3A_2135, %mul3A_2157 : vector<256x512xf32>
    %add3A_2159 = arith.addf %add3A_2156, %mul3A_2158 : vector<256x512xf32>
    %sub3A_2160 = vector.broadcast %get3A_1 : vector<256x1xf32> to vector<256x512xf32>
    %sub3A_2161 = arith.subf %sub3A_2160, %add3A_2143 : vector<256x512xf32>
    %sub3A_2162 = vector.broadcast %get3A_4 : vector<256x1xf32> to vector<256x512xf32>
    %sub3A_2163 = arith.subf %sub3A_2162, %add3A_2151 : vector<256x512xf32>
    %sub3A_2164 = vector.broadcast %get3A_7 : vector<256x1xf32> to vector<256x512xf32>
    %sub3A_2165 = arith.subf %sub3A_2164, %add3A_2159 : vector<256x512xf32>
    %mul3A_2166 = arith.mulf %sub3A_2161, %sub3A_2161 : vector<256x512xf32>
    %mul3A_2167 = arith.mulf %sub3A_2163, %sub3A_2163 : vector<256x512xf32>
    %add3A_2168 = arith.addf %mul3A_2166, %mul3A_2167 : vector<256x512xf32>
    %mul3A_2169 = arith.mulf %sub3A_2165, %sub3A_2165 : vector<256x512xf32>
    %add3A_2170 = arith.addf %add3A_2168, %mul3A_2169 : vector<256x512xf32>
    %reduce_min3A_2171 = arith.constant dense<0x7F800000> : vector<256xf32>
    %reduce_min3A_2172 = vector.multi_reduction <minimumf>, %add3A_2170, %reduce_min3A_2171 [1] : vector<256x512xf32> to vector<256xf32>
    %broadcast_in_dim3A_2173 = vector.shape_cast %reduce_min3A_2172 : vector<256xf32> to vector<256x1xf32>
    %eq3A_2174 = vector.broadcast %broadcast_in_dim3A_2173 : vector<256x1xf32> to vector<256x512xf32>
    %eq3A_2175 = arith.cmpf oeq, %add3A_2170, %eq3A_2174 : vector<256x512xf32>
    %jit3A_2176 = arith.constant 2147483647 : i32
    %broadcast_in_dim3A_2177 = vector.shape_cast %iota3A : vector<1x512xi32> to vector<1x512xi32>
    %broadcast_in_dim3A_2178 = vector.broadcast %broadcast_in_dim3A_2177 : vector<1x512xi32> to vector<256x512xi32>
    %broadcast_in_dim3A_2179 = vector.broadcast %jit3A_2176 : i32 to vector<256x512xi32>
    %select_n3A_2180 = arith.select %eq3A_2175, %broadcast_in_dim3A_2178, %broadcast_in_dim3A_2179 : vector<256x512xi1>, vector<256x512xi32>
    %reduce_min3A_2181 = arith.constant dense<2147483647> : vector<256xi32>
    %reduce_min3A_2182 = vector.multi_reduction <minsi>, %select_n3A_2180, %reduce_min3A_2181 [1] : vector<256x512xi32> to vector<256xi32>
    %broadcast_in_dim3A_2183 = vector.shape_cast %reduce_min3A_2182 : vector<256xi32> to vector<256x1xi32>
    %eq3A_2184 = vector.broadcast %iota3A : vector<1x512xi32> to vector<256x512xi32>
    %eq3A_2185 = vector.broadcast %broadcast_in_dim3A_2183 : vector<256x1xi32> to vector<256x512xi32>
    %eq3A_2186 = arith.cmpi eq, %eq3A_2184, %eq3A_2185 : vector<256x512xi32>
    %jit3A_2187 = arith.constant 0.000000e+00 : f32
    %broadcast_in_dim3A_2188 = vector.broadcast %jit3A_2187 : f32 to vector<256x512xf32>
    %select_n3A_2189 = arith.select %eq3A_2186, %select_n3A_2133, %broadcast_in_dim3A_2188 : vector<256x512xi1>, vector<256x512xf32>
    %reduce_sum3A_2190 = arith.constant dense<0.000000e+00> : vector<256xf32>
    %reduce_sum3A_2191 = vector.multi_reduction <add>, %select_n3A_2189, %reduce_sum3A_2190 [1] : vector<256x512xf32> to vector<256xf32>
    %broadcast_in_dim3A_2192 = vector.shape_cast %reduce_sum3A_2191 : vector<256xf32> to vector<256x1xf32>
    %jit3A_2193 = arith.constant 0.000000e+00 : f32
    %broadcast_in_dim3A_2194 = vector.broadcast %jit3A_2193 : f32 to vector<256x512xf32>
    %select_n3A_2195 = arith.select %eq3A_2186, %select_n3A_2134, %broadcast_in_dim3A_2194 : vector<256x512xi1>, vector<256x512xf32>
    %reduce_sum3A_2196 = arith.constant dense<0.000000e+00> : vector<256xf32>
    %reduce_sum3A_2197 = vector.multi_reduction <add>, %select_n3A_2195, %reduce_sum3A_2196 [1] : vector<256x512xf32> to vector<256xf32>
    %broadcast_in_dim3A_2198 = vector.shape_cast %reduce_sum3A_2197 : vector<256xf32> to vector<256x1xf32>
    %jit3A_2199 = arith.constant 0.000000e+00 : f32
    %broadcast_in_dim3A_2200 = vector.broadcast %jit3A_2199 : f32 to vector<256x512xf32>
    %select_n3A_2201 = arith.select %eq3A_2186, %select_n3A_2135, %broadcast_in_dim3A_2200 : vector<256x512xi1>, vector<256x512xf32>
    %reduce_sum3A_2202 = arith.constant dense<0.000000e+00> : vector<256xf32>
    %reduce_sum3A_2203 = vector.multi_reduction <add>, %select_n3A_2201, %reduce_sum3A_2202 [1] : vector<256x512xf32> to vector<256xf32>
    %broadcast_in_dim3A_2204 = vector.shape_cast %reduce_sum3A_2203 : vector<256xf32> to vector<256x1xf32>
    %jit3A_2205 = arith.constant 0.000000e+00 : f32
    %broadcast_in_dim3A_2206 = vector.broadcast %jit3A_2205 : f32 to vector<256x512xf32>
    %select_n3A_2207 = arith.select %eq3A_2186, %add3A_2143, %broadcast_in_dim3A_2206 : vector<256x512xi1>, vector<256x512xf32>
    %reduce_sum3A_2208 = arith.constant dense<0.000000e+00> : vector<256xf32>
    %reduce_sum3A_2209 = vector.multi_reduction <add>, %select_n3A_2207, %reduce_sum3A_2208 [1] : vector<256x512xf32> to vector<256xf32>
    %broadcast_in_dim3A_2210 = vector.shape_cast %reduce_sum3A_2209 : vector<256xf32> to vector<256x1xf32>
    %jit3A_2211 = arith.constant 0.000000e+00 : f32
    %broadcast_in_dim3A_2212 = vector.broadcast %jit3A_2211 : f32 to vector<256x512xf32>
    %select_n3A_2213 = arith.select %eq3A_2186, %add3A_2151, %broadcast_in_dim3A_2212 : vector<256x512xi1>, vector<256x512xf32>
    %reduce_sum3A_2214 = arith.constant dense<0.000000e+00> : vector<256xf32>
    %reduce_sum3A_2215 = vector.multi_reduction <add>, %select_n3A_2213, %reduce_sum3A_2214 [1] : vector<256x512xf32> to vector<256xf32>
    %broadcast_in_dim3A_2216 = vector.shape_cast %reduce_sum3A_2215 : vector<256xf32> to vector<256x1xf32>
    %jit3A_2217 = arith.constant 0.000000e+00 : f32
    %broadcast_in_dim3A_2218 = vector.broadcast %jit3A_2217 : f32 to vector<256x512xf32>
    %select_n3A_2219 = arith.select %eq3A_2186, %add3A_2159, %broadcast_in_dim3A_2218 : vector<256x512xi1>, vector<256x512xf32>
    %reduce_sum3A_2220 = arith.constant dense<0.000000e+00> : vector<256xf32>
    %reduce_sum3A_2221 = vector.multi_reduction <add>, %select_n3A_2219, %reduce_sum3A_2220 [1] : vector<256x512xf32> to vector<256xf32>
    %broadcast_in_dim3A_2222 = vector.shape_cast %reduce_sum3A_2221 : vector<256xf32> to vector<256x1xf32>
    %lt3A_2223 = arith.cmpf olt, %broadcast_in_dim3A_2173, %select_n3A_1853 : vector<256x1xf32>
    %select_n3A_2224 = arith.select %lt3A_2223, %broadcast_in_dim3A_2173, %select_n3A_1853 : vector<256x1xi1>, vector<256x1xf32>
    %add3A_2225 = arith.constant 2560 : i32
    %add3A_2226 = vector.broadcast %add3A_2225 : i32 to vector<256x1xi32>
    %add3A_2227 = arith.addi %broadcast_in_dim3A_2183, %add3A_2226 : vector<256x1xi32>
    %select_n3A_2228 = arith.select %lt3A_2223, %add3A_2227, %select_n3A_1857 : vector<256x1xi1>, vector<256x1xi32>
    %select_n3A_2229 = arith.select %lt3A_2223, %broadcast_in_dim3A_2192, %select_n3A_1858 : vector<256x1xi1>, vector<256x1xf32>
    %select_n3A_2230 = arith.select %lt3A_2223, %broadcast_in_dim3A_2198, %select_n3A_1859 : vector<256x1xi1>, vector<256x1xf32>
    %select_n3A_2231 = arith.select %lt3A_2223, %broadcast_in_dim3A_2204, %select_n3A_1860 : vector<256x1xi1>, vector<256x1xf32>
    %select_n3A_2232 = arith.select %lt3A_2223, %broadcast_in_dim3A_2210, %select_n3A_1861 : vector<256x1xi1>, vector<256x1xf32>
    %select_n3A_2233 = arith.select %lt3A_2223, %broadcast_in_dim3A_2216, %select_n3A_1862 : vector<256x1xi1>, vector<256x1xf32>
    %select_n3A_2234 = arith.select %lt3A_2223, %broadcast_in_dim3A_2222, %select_n3A_1863 : vector<256x1xi1>, vector<256x1xf32>
    %get3A_2235 = arith.constant 0 : index
    %get3A_2236 = arith.constant 3072 : index
    %get3A_2237 = vector.load %arg1[%get3A_2235, %get3A_2236] : memref<9x4096xf32, #tpu.memory_space<vmem>>, vector<1x512xf32>
    %get3A_2238 = arith.constant 1 : index
    %get3A_2239 = arith.constant 3072 : index
    %get3A_2240 = vector.load %arg1[%get3A_2238, %get3A_2239] : memref<9x4096xf32, #tpu.memory_space<vmem>>, vector<1x512xf32>
    %get3A_2241 = arith.constant 2 : index
    %get3A_2242 = arith.constant 3072 : index
    %get3A_2243 = vector.load %arg1[%get3A_2241, %get3A_2242] : memref<9x4096xf32, #tpu.memory_space<vmem>>, vector<1x512xf32>
    %get3A_2244 = arith.constant 3 : index
    %get3A_2245 = arith.constant 3072 : index
    %get3A_2246 = vector.load %arg1[%get3A_2244, %get3A_2245] : memref<9x4096xf32, #tpu.memory_space<vmem>>, vector<1x512xf32>
    %get3A_2247 = arith.constant 4 : index
    %get3A_2248 = arith.constant 3072 : index
    %get3A_2249 = vector.load %arg1[%get3A_2247, %get3A_2248] : memref<9x4096xf32, #tpu.memory_space<vmem>>, vector<1x512xf32>
    %get3A_2250 = arith.constant 5 : index
    %get3A_2251 = arith.constant 3072 : index
    %get3A_2252 = vector.load %arg1[%get3A_2250, %get3A_2251] : memref<9x4096xf32, #tpu.memory_space<vmem>>, vector<1x512xf32>
    %get3A_2253 = arith.constant 6 : index
    %get3A_2254 = arith.constant 3072 : index
    %get3A_2255 = vector.load %arg1[%get3A_2253, %get3A_2254] : memref<9x4096xf32, #tpu.memory_space<vmem>>, vector<1x512xf32>
    %get3A_2256 = arith.constant 7 : index
    %get3A_2257 = arith.constant 3072 : index
    %get3A_2258 = vector.load %arg1[%get3A_2256, %get3A_2257] : memref<9x4096xf32, #tpu.memory_space<vmem>>, vector<1x512xf32>
    %get3A_2259 = arith.constant 8 : index
    %get3A_2260 = arith.constant 3072 : index
    %get3A_2261 = vector.load %arg1[%get3A_2259, %get3A_2260] : memref<9x4096xf32, #tpu.memory_space<vmem>>, vector<1x512xf32>
    %sub3A_2262 = arith.subf %get3A_2246, %get3A_2237 : vector<1x512xf32>
    %sub3A_2263 = arith.subf %get3A_2249, %get3A_2240 : vector<1x512xf32>
    %sub3A_2264 = arith.subf %get3A_2252, %get3A_2243 : vector<1x512xf32>
    %sub3A_2265 = arith.subf %get3A_2255, %get3A_2237 : vector<1x512xf32>
    %sub3A_2266 = arith.subf %get3A_2258, %get3A_2240 : vector<1x512xf32>
    %sub3A_2267 = arith.subf %get3A_2261, %get3A_2243 : vector<1x512xf32>
    %sub3A_2268 = vector.broadcast %get3A_1 : vector<256x1xf32> to vector<256x512xf32>
    %sub3A_2269 = vector.broadcast %get3A_2237 : vector<1x512xf32> to vector<256x512xf32>
    %sub3A_2270 = arith.subf %sub3A_2268, %sub3A_2269 : vector<256x512xf32>
    %sub3A_2271 = vector.broadcast %get3A_4 : vector<256x1xf32> to vector<256x512xf32>
    %sub3A_2272 = vector.broadcast %get3A_2240 : vector<1x512xf32> to vector<256x512xf32>
    %sub3A_2273 = arith.subf %sub3A_2271, %sub3A_2272 : vector<256x512xf32>
    %sub3A_2274 = vector.broadcast %get3A_7 : vector<256x1xf32> to vector<256x512xf32>
    %sub3A_2275 = vector.broadcast %get3A_2243 : vector<1x512xf32> to vector<256x512xf32>
    %sub3A_2276 = arith.subf %sub3A_2274, %sub3A_2275 : vector<256x512xf32>
    %mul3A_2277 = vector.broadcast %sub3A_2262 : vector<1x512xf32> to vector<256x512xf32>
    %mul3A_2278 = arith.mulf %mul3A_2277, %sub3A_2270 : vector<256x512xf32>
    %mul3A_2279 = vector.broadcast %sub3A_2263 : vector<1x512xf32> to vector<256x512xf32>
    %mul3A_2280 = arith.mulf %mul3A_2279, %sub3A_2273 : vector<256x512xf32>
    %add3A_2281 = arith.addf %mul3A_2278, %mul3A_2280 : vector<256x512xf32>
    %mul3A_2282 = vector.broadcast %sub3A_2264 : vector<1x512xf32> to vector<256x512xf32>
    %mul3A_2283 = arith.mulf %mul3A_2282, %sub3A_2276 : vector<256x512xf32>
    %add3A_2284 = arith.addf %add3A_2281, %mul3A_2283 : vector<256x512xf32>
    %mul3A_2285 = vector.broadcast %sub3A_2265 : vector<1x512xf32> to vector<256x512xf32>
    %mul3A_2286 = arith.mulf %mul3A_2285, %sub3A_2270 : vector<256x512xf32>
    %mul3A_2287 = vector.broadcast %sub3A_2266 : vector<1x512xf32> to vector<256x512xf32>
    %mul3A_2288 = arith.mulf %mul3A_2287, %sub3A_2273 : vector<256x512xf32>
    %add3A_2289 = arith.addf %mul3A_2286, %mul3A_2288 : vector<256x512xf32>
    %mul3A_2290 = vector.broadcast %sub3A_2267 : vector<1x512xf32> to vector<256x512xf32>
    %mul3A_2291 = arith.mulf %mul3A_2290, %sub3A_2276 : vector<256x512xf32>
    %add3A_2292 = arith.addf %add3A_2289, %mul3A_2291 : vector<256x512xf32>
    %sub3A_2293 = vector.broadcast %get3A_1 : vector<256x1xf32> to vector<256x512xf32>
    %sub3A_2294 = vector.broadcast %get3A_2246 : vector<1x512xf32> to vector<256x512xf32>
    %sub3A_2295 = arith.subf %sub3A_2293, %sub3A_2294 : vector<256x512xf32>
    %sub3A_2296 = vector.broadcast %get3A_4 : vector<256x1xf32> to vector<256x512xf32>
    %sub3A_2297 = vector.broadcast %get3A_2249 : vector<1x512xf32> to vector<256x512xf32>
    %sub3A_2298 = arith.subf %sub3A_2296, %sub3A_2297 : vector<256x512xf32>
    %sub3A_2299 = vector.broadcast %get3A_7 : vector<256x1xf32> to vector<256x512xf32>
    %sub3A_2300 = vector.broadcast %get3A_2252 : vector<1x512xf32> to vector<256x512xf32>
    %sub3A_2301 = arith.subf %sub3A_2299, %sub3A_2300 : vector<256x512xf32>
    %mul3A_2302 = vector.broadcast %sub3A_2262 : vector<1x512xf32> to vector<256x512xf32>
    %mul3A_2303 = arith.mulf %mul3A_2302, %sub3A_2295 : vector<256x512xf32>
    %mul3A_2304 = vector.broadcast %sub3A_2263 : vector<1x512xf32> to vector<256x512xf32>
    %mul3A_2305 = arith.mulf %mul3A_2304, %sub3A_2298 : vector<256x512xf32>
    %add3A_2306 = arith.addf %mul3A_2303, %mul3A_2305 : vector<256x512xf32>
    %mul3A_2307 = vector.broadcast %sub3A_2264 : vector<1x512xf32> to vector<256x512xf32>
    %mul3A_2308 = arith.mulf %mul3A_2307, %sub3A_2301 : vector<256x512xf32>
    %add3A_2309 = arith.addf %add3A_2306, %mul3A_2308 : vector<256x512xf32>
    %mul3A_2310 = vector.broadcast %sub3A_2265 : vector<1x512xf32> to vector<256x512xf32>
    %mul3A_2311 = arith.mulf %mul3A_2310, %sub3A_2295 : vector<256x512xf32>
    %mul3A_2312 = vector.broadcast %sub3A_2266 : vector<1x512xf32> to vector<256x512xf32>
    %mul3A_2313 = arith.mulf %mul3A_2312, %sub3A_2298 : vector<256x512xf32>
    %add3A_2314 = arith.addf %mul3A_2311, %mul3A_2313 : vector<256x512xf32>
    %mul3A_2315 = vector.broadcast %sub3A_2267 : vector<1x512xf32> to vector<256x512xf32>
    %mul3A_2316 = arith.mulf %mul3A_2315, %sub3A_2301 : vector<256x512xf32>
    %add3A_2317 = arith.addf %add3A_2314, %mul3A_2316 : vector<256x512xf32>
    %sub3A_2318 = vector.broadcast %get3A_1 : vector<256x1xf32> to vector<256x512xf32>
    %sub3A_2319 = vector.broadcast %get3A_2255 : vector<1x512xf32> to vector<256x512xf32>
    %sub3A_2320 = arith.subf %sub3A_2318, %sub3A_2319 : vector<256x512xf32>
    %sub3A_2321 = vector.broadcast %get3A_4 : vector<256x1xf32> to vector<256x512xf32>
    %sub3A_2322 = vector.broadcast %get3A_2258 : vector<1x512xf32> to vector<256x512xf32>
    %sub3A_2323 = arith.subf %sub3A_2321, %sub3A_2322 : vector<256x512xf32>
    %sub3A_2324 = vector.broadcast %get3A_7 : vector<256x1xf32> to vector<256x512xf32>
    %sub3A_2325 = vector.broadcast %get3A_2261 : vector<1x512xf32> to vector<256x512xf32>
    %sub3A_2326 = arith.subf %sub3A_2324, %sub3A_2325 : vector<256x512xf32>
    %mul3A_2327 = vector.broadcast %sub3A_2262 : vector<1x512xf32> to vector<256x512xf32>
    %mul3A_2328 = arith.mulf %mul3A_2327, %sub3A_2320 : vector<256x512xf32>
    %mul3A_2329 = vector.broadcast %sub3A_2263 : vector<1x512xf32> to vector<256x512xf32>
    %mul3A_2330 = arith.mulf %mul3A_2329, %sub3A_2323 : vector<256x512xf32>
    %add3A_2331 = arith.addf %mul3A_2328, %mul3A_2330 : vector<256x512xf32>
    %mul3A_2332 = vector.broadcast %sub3A_2264 : vector<1x512xf32> to vector<256x512xf32>
    %mul3A_2333 = arith.mulf %mul3A_2332, %sub3A_2326 : vector<256x512xf32>
    %add3A_2334 = arith.addf %add3A_2331, %mul3A_2333 : vector<256x512xf32>
    %mul3A_2335 = vector.broadcast %sub3A_2265 : vector<1x512xf32> to vector<256x512xf32>
    %mul3A_2336 = arith.mulf %mul3A_2335, %sub3A_2320 : vector<256x512xf32>
    %mul3A_2337 = vector.broadcast %sub3A_2266 : vector<1x512xf32> to vector<256x512xf32>
    %mul3A_2338 = arith.mulf %mul3A_2337, %sub3A_2323 : vector<256x512xf32>
    %add3A_2339 = arith.addf %mul3A_2336, %mul3A_2338 : vector<256x512xf32>
    %mul3A_2340 = vector.broadcast %sub3A_2267 : vector<1x512xf32> to vector<256x512xf32>
    %mul3A_2341 = arith.mulf %mul3A_2340, %sub3A_2326 : vector<256x512xf32>
    %add3A_2342 = arith.addf %add3A_2339, %mul3A_2341 : vector<256x512xf32>
    %mul3A_2343 = arith.mulf %add3A_2284, %add3A_2317 : vector<256x512xf32>
    %mul3A_2344 = arith.mulf %add3A_2309, %add3A_2292 : vector<256x512xf32>
    %sub3A_2345 = arith.subf %mul3A_2343, %mul3A_2344 : vector<256x512xf32>
    %mul3A_2346 = arith.mulf %add3A_2334, %add3A_2292 : vector<256x512xf32>
    %mul3A_2347 = arith.mulf %add3A_2284, %add3A_2342 : vector<256x512xf32>
    %sub3A_2348 = arith.subf %mul3A_2346, %mul3A_2347 : vector<256x512xf32>
    %mul3A_2349 = arith.mulf %add3A_2309, %add3A_2342 : vector<256x512xf32>
    %mul3A_2350 = arith.mulf %add3A_2334, %add3A_2317 : vector<256x512xf32>
    %sub3A_2351 = arith.subf %mul3A_2349, %mul3A_2350 : vector<256x512xf32>
    %sub3A_2352 = arith.subf %add3A_2284, %add3A_2309 : vector<256x512xf32>
    %abs3A_2353 = math.absf %sub3A_2352 : vector<256x512xf32>
    %lt3A_2354 = arith.constant 9.99999996E-13 : f32
    %lt3A_2355 = vector.broadcast %lt3A_2354 : f32 to vector<256x512xf32>
    %lt3A_2356 = arith.cmpf olt, %abs3A_2353, %lt3A_2355 : vector<256x512xf32>
    %lt3A_2357 = arith.constant 0.000000e+00 : f32
    %lt3A_2358 = vector.broadcast %lt3A_2357 : f32 to vector<256x512xf32>
    %lt3A_2359 = arith.cmpf olt, %sub3A_2352, %lt3A_2358 : vector<256x512xf32>
    %jit3A_2360 = arith.constant -9.99999996E-13 : f32
    %jit3A_2361 = arith.constant 9.99999996E-13 : f32
    %broadcast_in_dim3A_2362 = vector.broadcast %jit3A_2360 : f32 to vector<256x512xf32>
    %broadcast_in_dim3A_2363 = vector.broadcast %jit3A_2361 : f32 to vector<256x512xf32>
    %select_n3A_2364 = arith.select %lt3A_2359, %broadcast_in_dim3A_2362, %broadcast_in_dim3A_2363 : vector<256x512xi1>, vector<256x512xf32>
    %select_n3A_2365 = arith.select %lt3A_2356, %select_n3A_2364, %sub3A_2352 : vector<256x512xi1>, vector<256x512xf32>
    %div3A_2366 = arith.divf %add3A_2284, %select_n3A_2365 : vector<256x512xf32>
    %sub3A_2367 = arith.subf %add3A_2292, %add3A_2342 : vector<256x512xf32>
    %abs3A_2368 = math.absf %sub3A_2367 : vector<256x512xf32>
    %lt3A_2369 = arith.constant 9.99999996E-13 : f32
    %lt3A_2370 = vector.broadcast %lt3A_2369 : f32 to vector<256x512xf32>
    %lt3A_2371 = arith.cmpf olt, %abs3A_2368, %lt3A_2370 : vector<256x512xf32>
    %lt3A_2372 = arith.constant 0.000000e+00 : f32
    %lt3A_2373 = vector.broadcast %lt3A_2372 : f32 to vector<256x512xf32>
    %lt3A_2374 = arith.cmpf olt, %sub3A_2367, %lt3A_2373 : vector<256x512xf32>
    %jit3A_2375 = arith.constant -9.99999996E-13 : f32
    %jit3A_2376 = arith.constant 9.99999996E-13 : f32
    %broadcast_in_dim3A_2377 = vector.broadcast %jit3A_2375 : f32 to vector<256x512xf32>
    %broadcast_in_dim3A_2378 = vector.broadcast %jit3A_2376 : f32 to vector<256x512xf32>
    %select_n3A_2379 = arith.select %lt3A_2374, %broadcast_in_dim3A_2377, %broadcast_in_dim3A_2378 : vector<256x512xi1>, vector<256x512xf32>
    %select_n3A_2380 = arith.select %lt3A_2371, %select_n3A_2379, %sub3A_2367 : vector<256x512xi1>, vector<256x512xf32>
    %div3A_2381 = arith.divf %add3A_2292, %select_n3A_2380 : vector<256x512xf32>
    %sub3A_2382 = arith.subf %add3A_2317, %add3A_2309 : vector<256x512xf32>
    %sub3A_2383 = arith.subf %add3A_2317, %add3A_2309 : vector<256x512xf32>
    %sub3A_2384 = arith.subf %add3A_2334, %add3A_2342 : vector<256x512xf32>
    %add3A_2385 = arith.addf %sub3A_2383, %sub3A_2384 : vector<256x512xf32>
    %abs3A_2386 = math.absf %add3A_2385 : vector<256x512xf32>
    %lt3A_2387 = arith.constant 9.99999996E-13 : f32
    %lt3A_2388 = vector.broadcast %lt3A_2387 : f32 to vector<256x512xf32>
    %lt3A_2389 = arith.cmpf olt, %abs3A_2386, %lt3A_2388 : vector<256x512xf32>
    %lt3A_2390 = arith.constant 0.000000e+00 : f32
    %lt3A_2391 = vector.broadcast %lt3A_2390 : f32 to vector<256x512xf32>
    %lt3A_2392 = arith.cmpf olt, %add3A_2385, %lt3A_2391 : vector<256x512xf32>
    %jit3A_2393 = arith.constant -9.99999996E-13 : f32
    %jit3A_2394 = arith.constant 9.99999996E-13 : f32
    %broadcast_in_dim3A_2395 = vector.broadcast %jit3A_2393 : f32 to vector<256x512xf32>
    %broadcast_in_dim3A_2396 = vector.broadcast %jit3A_2394 : f32 to vector<256x512xf32>
    %select_n3A_2397 = arith.select %lt3A_2392, %broadcast_in_dim3A_2395, %broadcast_in_dim3A_2396 : vector<256x512xi1>, vector<256x512xf32>
    %select_n3A_2398 = arith.select %lt3A_2389, %select_n3A_2397, %add3A_2385 : vector<256x512xi1>, vector<256x512xf32>
    %div3A_2399 = arith.divf %sub3A_2382, %select_n3A_2398 : vector<256x512xf32>
    %broadcast_in_dim3A_2400 = arith.constant 1.000000e+00 : f32
    %broadcast_in_dim3A_2401 = vector.broadcast %broadcast_in_dim3A_2400 : f32 to vector<256x512xf32>
    %add3A_2402 = arith.addf %sub3A_2351, %sub3A_2348 : vector<256x512xf32>
    %add3A_2403 = arith.addf %add3A_2402, %sub3A_2345 : vector<256x512xf32>
    %abs3A_2404 = math.absf %add3A_2403 : vector<256x512xf32>
    %lt3A_2405 = arith.constant 9.99999996E-13 : f32
    %lt3A_2406 = vector.broadcast %lt3A_2405 : f32 to vector<256x512xf32>
    %lt3A_2407 = arith.cmpf olt, %abs3A_2404, %lt3A_2406 : vector<256x512xf32>
    %lt3A_2408 = arith.constant 0.000000e+00 : f32
    %lt3A_2409 = vector.broadcast %lt3A_2408 : f32 to vector<256x512xf32>
    %lt3A_2410 = arith.cmpf olt, %add3A_2403, %lt3A_2409 : vector<256x512xf32>
    %jit3A_2411 = arith.constant -9.99999996E-13 : f32
    %jit3A_2412 = arith.constant 9.99999996E-13 : f32
    %broadcast_in_dim3A_2413 = vector.broadcast %jit3A_2411 : f32 to vector<256x512xf32>
    %broadcast_in_dim3A_2414 = vector.broadcast %jit3A_2412 : f32 to vector<256x512xf32>
    %select_n3A_2415 = arith.select %lt3A_2410, %broadcast_in_dim3A_2413, %broadcast_in_dim3A_2414 : vector<256x512xi1>, vector<256x512xf32>
    %select_n3A_2416 = arith.select %lt3A_2407, %select_n3A_2415, %add3A_2403 : vector<256x512xi1>, vector<256x512xf32>
    %div3A_2417 = arith.divf %broadcast_in_dim3A_2401, %select_n3A_2416 : vector<256x512xf32>
    %mul3A_2418 = arith.mulf %sub3A_2348, %div3A_2417 : vector<256x512xf32>
    %mul3A_2419 = arith.mulf %sub3A_2345, %div3A_2417 : vector<256x512xf32>
    %le3A_2420 = arith.constant 0.000000e+00 : f32
    %le3A_2421 = vector.broadcast %le3A_2420 : f32 to vector<256x512xf32>
    %le3A_2422 = arith.cmpf ole, %add3A_2284, %le3A_2421 : vector<256x512xf32>
    %le3A_2423 = arith.constant 0.000000e+00 : f32
    %le3A_2424 = vector.broadcast %le3A_2423 : f32 to vector<256x512xf32>
    %le3A_2425 = arith.cmpf ole, %add3A_2292, %le3A_2424 : vector<256x512xf32>
    %and3A_2426 = arith.andi %le3A_2422, %le3A_2425 : vector<256x512xi1>
    %ge3A_2427 = arith.constant 0.000000e+00 : f32
    %ge3A_2428 = vector.broadcast %ge3A_2427 : f32 to vector<256x512xf32>
    %ge3A_2429 = arith.cmpf oge, %add3A_2309, %ge3A_2428 : vector<256x512xf32>
    %le3A_2430 = arith.cmpf ole, %add3A_2317, %add3A_2309 : vector<256x512xf32>
    %and3A_2431 = arith.andi %ge3A_2429, %le3A_2430 : vector<256x512xi1>
    %le3A_2432 = arith.constant 0.000000e+00 : f32
    %le3A_2433 = vector.broadcast %le3A_2432 : f32 to vector<256x512xf32>
    %le3A_2434 = arith.cmpf ole, %sub3A_2345, %le3A_2433 : vector<256x512xf32>
    %ge3A_2435 = arith.constant 0.000000e+00 : f32
    %ge3A_2436 = vector.broadcast %ge3A_2435 : f32 to vector<256x512xf32>
    %ge3A_2437 = arith.cmpf oge, %add3A_2284, %ge3A_2436 : vector<256x512xf32>
    %and3A_2438 = arith.andi %le3A_2434, %ge3A_2437 : vector<256x512xi1>
    %le3A_2439 = arith.constant 0.000000e+00 : f32
    %le3A_2440 = vector.broadcast %le3A_2439 : f32 to vector<256x512xf32>
    %le3A_2441 = arith.cmpf ole, %add3A_2309, %le3A_2440 : vector<256x512xf32>
    %and3A_2442 = arith.andi %and3A_2438, %le3A_2441 : vector<256x512xi1>
    %ge3A_2443 = arith.constant 0.000000e+00 : f32
    %ge3A_2444 = vector.broadcast %ge3A_2443 : f32 to vector<256x512xf32>
    %ge3A_2445 = arith.cmpf oge, %add3A_2342, %ge3A_2444 : vector<256x512xf32>
    %le3A_2446 = arith.cmpf ole, %add3A_2334, %add3A_2342 : vector<256x512xf32>
    %and3A_2447 = arith.andi %ge3A_2445, %le3A_2446 : vector<256x512xi1>
    %le3A_2448 = arith.constant 0.000000e+00 : f32
    %le3A_2449 = vector.broadcast %le3A_2448 : f32 to vector<256x512xf32>
    %le3A_2450 = arith.cmpf ole, %sub3A_2348, %le3A_2449 : vector<256x512xf32>
    %ge3A_2451 = arith.constant 0.000000e+00 : f32
    %ge3A_2452 = vector.broadcast %ge3A_2451 : f32 to vector<256x512xf32>
    %ge3A_2453 = arith.cmpf oge, %add3A_2292, %ge3A_2452 : vector<256x512xf32>
    %and3A_2454 = arith.andi %le3A_2450, %ge3A_2453 : vector<256x512xi1>
    %le3A_2455 = arith.constant 0.000000e+00 : f32
    %le3A_2456 = vector.broadcast %le3A_2455 : f32 to vector<256x512xf32>
    %le3A_2457 = arith.cmpf ole, %add3A_2342, %le3A_2456 : vector<256x512xf32>
    %and3A_2458 = arith.andi %and3A_2454, %le3A_2457 : vector<256x512xi1>
    %le3A_2459 = arith.constant 0.000000e+00 : f32
    %le3A_2460 = vector.broadcast %le3A_2459 : f32 to vector<256x512xf32>
    %le3A_2461 = arith.cmpf ole, %sub3A_2351, %le3A_2460 : vector<256x512xf32>
    %sub3A_2462 = arith.subf %add3A_2317, %add3A_2309 : vector<256x512xf32>
    %ge3A_2463 = arith.constant 0.000000e+00 : f32
    %ge3A_2464 = vector.broadcast %ge3A_2463 : f32 to vector<256x512xf32>
    %ge3A_2465 = arith.cmpf oge, %sub3A_2462, %ge3A_2464 : vector<256x512xf32>
    %and3A_2466 = arith.andi %le3A_2461, %ge3A_2465 : vector<256x512xi1>
    %sub3A_2467 = arith.subf %add3A_2334, %add3A_2342 : vector<256x512xf32>
    %ge3A_2468 = arith.constant 0.000000e+00 : f32
    %ge3A_2469 = vector.broadcast %ge3A_2468 : f32 to vector<256x512xf32>
    %ge3A_2470 = arith.cmpf oge, %sub3A_2467, %ge3A_2469 : vector<256x512xf32>
    %and3A_2471 = arith.andi %and3A_2466, %ge3A_2470 : vector<256x512xi1>
    %sub3A_2472 = arith.constant 1.000000e+00 : f32
    %sub3A_2473 = vector.broadcast %sub3A_2472 : f32 to vector<256x512xf32>
    %sub3A_2474 = arith.subf %sub3A_2473, %mul3A_2418 : vector<256x512xf32>
    %sub3A_2475 = arith.subf %sub3A_2474, %mul3A_2419 : vector<256x512xf32>
    %broadcast_in_dim3A_2476 = arith.constant 0.000000e+00 : f32
    %broadcast_in_dim3A_2477 = vector.broadcast %broadcast_in_dim3A_2476 : f32 to vector<256x512xf32>
    %broadcast_in_dim3A_2478 = arith.constant 1.000000e+00 : f32
    %broadcast_in_dim3A_2479 = vector.broadcast %broadcast_in_dim3A_2478 : f32 to vector<256x512xf32>
    %select_n3A_2480 = arith.select %and3A_2471, %broadcast_in_dim3A_2477, %sub3A_2475 : vector<256x512xi1>, vector<256x512xf32>
    %sub3A_2481 = arith.constant 1.000000e+00 : f32
    %sub3A_2482 = vector.broadcast %sub3A_2481 : f32 to vector<256x512xf32>
    %sub3A_2483 = arith.subf %sub3A_2482, %div3A_2399 : vector<256x512xf32>
    %select_n3A_2484 = arith.select %and3A_2471, %sub3A_2483, %mul3A_2418 : vector<256x512xi1>, vector<256x512xf32>
    %select_n3A_2485 = arith.select %and3A_2471, %div3A_2399, %mul3A_2419 : vector<256x512xi1>, vector<256x512xf32>
    %sub3A_2486 = arith.constant 1.000000e+00 : f32
    %sub3A_2487 = vector.broadcast %sub3A_2486 : f32 to vector<256x512xf32>
    %sub3A_2488 = arith.subf %sub3A_2487, %div3A_2381 : vector<256x512xf32>
    %select_n3A_2489 = arith.select %and3A_2458, %sub3A_2488, %select_n3A_2480 : vector<256x512xi1>, vector<256x512xf32>
    %select_n3A_2490 = arith.select %and3A_2458, %broadcast_in_dim3A_2477, %select_n3A_2484 : vector<256x512xi1>, vector<256x512xf32>
    %select_n3A_2491 = arith.select %and3A_2458, %div3A_2381, %select_n3A_2485 : vector<256x512xi1>, vector<256x512xf32>
    %select_n3A_2492 = arith.select %and3A_2447, %broadcast_in_dim3A_2477, %select_n3A_2489 : vector<256x512xi1>, vector<256x512xf32>
    %select_n3A_2493 = arith.select %and3A_2447, %broadcast_in_dim3A_2477, %select_n3A_2490 : vector<256x512xi1>, vector<256x512xf32>
    %select_n3A_2494 = arith.select %and3A_2447, %broadcast_in_dim3A_2479, %select_n3A_2491 : vector<256x512xi1>, vector<256x512xf32>
    %sub3A_2495 = arith.constant 1.000000e+00 : f32
    %sub3A_2496 = vector.broadcast %sub3A_2495 : f32 to vector<256x512xf32>
    %sub3A_2497 = arith.subf %sub3A_2496, %div3A_2366 : vector<256x512xf32>
    %select_n3A_2498 = arith.select %and3A_2442, %sub3A_2497, %select_n3A_2492 : vector<256x512xi1>, vector<256x512xf32>
    %select_n3A_2499 = arith.select %and3A_2442, %div3A_2366, %select_n3A_2493 : vector<256x512xi1>, vector<256x512xf32>
    %select_n3A_2500 = arith.select %and3A_2442, %broadcast_in_dim3A_2477, %select_n3A_2494 : vector<256x512xi1>, vector<256x512xf32>
    %select_n3A_2501 = arith.select %and3A_2431, %broadcast_in_dim3A_2477, %select_n3A_2498 : vector<256x512xi1>, vector<256x512xf32>
    %select_n3A_2502 = arith.select %and3A_2431, %broadcast_in_dim3A_2479, %select_n3A_2499 : vector<256x512xi1>, vector<256x512xf32>
    %select_n3A_2503 = arith.select %and3A_2431, %broadcast_in_dim3A_2477, %select_n3A_2500 : vector<256x512xi1>, vector<256x512xf32>
    %select_n3A_2504 = arith.select %and3A_2426, %broadcast_in_dim3A_2479, %select_n3A_2501 : vector<256x512xi1>, vector<256x512xf32>
    %select_n3A_2505 = arith.select %and3A_2426, %broadcast_in_dim3A_2477, %select_n3A_2502 : vector<256x512xi1>, vector<256x512xf32>
    %select_n3A_2506 = arith.select %and3A_2426, %broadcast_in_dim3A_2477, %select_n3A_2503 : vector<256x512xi1>, vector<256x512xf32>
    %mul3A_2507 = vector.broadcast %get3A_2237 : vector<1x512xf32> to vector<256x512xf32>
    %mul3A_2508 = arith.mulf %select_n3A_2504, %mul3A_2507 : vector<256x512xf32>
    %mul3A_2509 = vector.broadcast %get3A_2246 : vector<1x512xf32> to vector<256x512xf32>
    %mul3A_2510 = arith.mulf %select_n3A_2505, %mul3A_2509 : vector<256x512xf32>
    %add3A_2511 = arith.addf %mul3A_2508, %mul3A_2510 : vector<256x512xf32>
    %mul3A_2512 = vector.broadcast %get3A_2255 : vector<1x512xf32> to vector<256x512xf32>
    %mul3A_2513 = arith.mulf %select_n3A_2506, %mul3A_2512 : vector<256x512xf32>
    %add3A_2514 = arith.addf %add3A_2511, %mul3A_2513 : vector<256x512xf32>
    %mul3A_2515 = vector.broadcast %get3A_2240 : vector<1x512xf32> to vector<256x512xf32>
    %mul3A_2516 = arith.mulf %select_n3A_2504, %mul3A_2515 : vector<256x512xf32>
    %mul3A_2517 = vector.broadcast %get3A_2249 : vector<1x512xf32> to vector<256x512xf32>
    %mul3A_2518 = arith.mulf %select_n3A_2505, %mul3A_2517 : vector<256x512xf32>
    %add3A_2519 = arith.addf %mul3A_2516, %mul3A_2518 : vector<256x512xf32>
    %mul3A_2520 = vector.broadcast %get3A_2258 : vector<1x512xf32> to vector<256x512xf32>
    %mul3A_2521 = arith.mulf %select_n3A_2506, %mul3A_2520 : vector<256x512xf32>
    %add3A_2522 = arith.addf %add3A_2519, %mul3A_2521 : vector<256x512xf32>
    %mul3A_2523 = vector.broadcast %get3A_2243 : vector<1x512xf32> to vector<256x512xf32>
    %mul3A_2524 = arith.mulf %select_n3A_2504, %mul3A_2523 : vector<256x512xf32>
    %mul3A_2525 = vector.broadcast %get3A_2252 : vector<1x512xf32> to vector<256x512xf32>
    %mul3A_2526 = arith.mulf %select_n3A_2505, %mul3A_2525 : vector<256x512xf32>
    %add3A_2527 = arith.addf %mul3A_2524, %mul3A_2526 : vector<256x512xf32>
    %mul3A_2528 = vector.broadcast %get3A_2261 : vector<1x512xf32> to vector<256x512xf32>
    %mul3A_2529 = arith.mulf %select_n3A_2506, %mul3A_2528 : vector<256x512xf32>
    %add3A_2530 = arith.addf %add3A_2527, %mul3A_2529 : vector<256x512xf32>
    %sub3A_2531 = vector.broadcast %get3A_1 : vector<256x1xf32> to vector<256x512xf32>
    %sub3A_2532 = arith.subf %sub3A_2531, %add3A_2514 : vector<256x512xf32>
    %sub3A_2533 = vector.broadcast %get3A_4 : vector<256x1xf32> to vector<256x512xf32>
    %sub3A_2534 = arith.subf %sub3A_2533, %add3A_2522 : vector<256x512xf32>
    %sub3A_2535 = vector.broadcast %get3A_7 : vector<256x1xf32> to vector<256x512xf32>
    %sub3A_2536 = arith.subf %sub3A_2535, %add3A_2530 : vector<256x512xf32>
    %mul3A_2537 = arith.mulf %sub3A_2532, %sub3A_2532 : vector<256x512xf32>
    %mul3A_2538 = arith.mulf %sub3A_2534, %sub3A_2534 : vector<256x512xf32>
    %add3A_2539 = arith.addf %mul3A_2537, %mul3A_2538 : vector<256x512xf32>
    %mul3A_2540 = arith.mulf %sub3A_2536, %sub3A_2536 : vector<256x512xf32>
    %add3A_2541 = arith.addf %add3A_2539, %mul3A_2540 : vector<256x512xf32>
    %reduce_min3A_2542 = arith.constant dense<0x7F800000> : vector<256xf32>
    %reduce_min3A_2543 = vector.multi_reduction <minimumf>, %add3A_2541, %reduce_min3A_2542 [1] : vector<256x512xf32> to vector<256xf32>
    %broadcast_in_dim3A_2544 = vector.shape_cast %reduce_min3A_2543 : vector<256xf32> to vector<256x1xf32>
    %eq3A_2545 = vector.broadcast %broadcast_in_dim3A_2544 : vector<256x1xf32> to vector<256x512xf32>
    %eq3A_2546 = arith.cmpf oeq, %add3A_2541, %eq3A_2545 : vector<256x512xf32>
    %jit3A_2547 = arith.constant 2147483647 : i32
    %broadcast_in_dim3A_2548 = vector.shape_cast %iota3A : vector<1x512xi32> to vector<1x512xi32>
    %broadcast_in_dim3A_2549 = vector.broadcast %broadcast_in_dim3A_2548 : vector<1x512xi32> to vector<256x512xi32>
    %broadcast_in_dim3A_2550 = vector.broadcast %jit3A_2547 : i32 to vector<256x512xi32>
    %select_n3A_2551 = arith.select %eq3A_2546, %broadcast_in_dim3A_2549, %broadcast_in_dim3A_2550 : vector<256x512xi1>, vector<256x512xi32>
    %reduce_min3A_2552 = arith.constant dense<2147483647> : vector<256xi32>
    %reduce_min3A_2553 = vector.multi_reduction <minsi>, %select_n3A_2551, %reduce_min3A_2552 [1] : vector<256x512xi32> to vector<256xi32>
    %broadcast_in_dim3A_2554 = vector.shape_cast %reduce_min3A_2553 : vector<256xi32> to vector<256x1xi32>
    %eq3A_2555 = vector.broadcast %iota3A : vector<1x512xi32> to vector<256x512xi32>
    %eq3A_2556 = vector.broadcast %broadcast_in_dim3A_2554 : vector<256x1xi32> to vector<256x512xi32>
    %eq3A_2557 = arith.cmpi eq, %eq3A_2555, %eq3A_2556 : vector<256x512xi32>
    %jit3A_2558 = arith.constant 0.000000e+00 : f32
    %broadcast_in_dim3A_2559 = vector.broadcast %jit3A_2558 : f32 to vector<256x512xf32>
    %select_n3A_2560 = arith.select %eq3A_2557, %select_n3A_2504, %broadcast_in_dim3A_2559 : vector<256x512xi1>, vector<256x512xf32>
    %reduce_sum3A_2561 = arith.constant dense<0.000000e+00> : vector<256xf32>
    %reduce_sum3A_2562 = vector.multi_reduction <add>, %select_n3A_2560, %reduce_sum3A_2561 [1] : vector<256x512xf32> to vector<256xf32>
    %broadcast_in_dim3A_2563 = vector.shape_cast %reduce_sum3A_2562 : vector<256xf32> to vector<256x1xf32>
    %jit3A_2564 = arith.constant 0.000000e+00 : f32
    %broadcast_in_dim3A_2565 = vector.broadcast %jit3A_2564 : f32 to vector<256x512xf32>
    %select_n3A_2566 = arith.select %eq3A_2557, %select_n3A_2505, %broadcast_in_dim3A_2565 : vector<256x512xi1>, vector<256x512xf32>
    %reduce_sum3A_2567 = arith.constant dense<0.000000e+00> : vector<256xf32>
    %reduce_sum3A_2568 = vector.multi_reduction <add>, %select_n3A_2566, %reduce_sum3A_2567 [1] : vector<256x512xf32> to vector<256xf32>
    %broadcast_in_dim3A_2569 = vector.shape_cast %reduce_sum3A_2568 : vector<256xf32> to vector<256x1xf32>
    %jit3A_2570 = arith.constant 0.000000e+00 : f32
    %broadcast_in_dim3A_2571 = vector.broadcast %jit3A_2570 : f32 to vector<256x512xf32>
    %select_n3A_2572 = arith.select %eq3A_2557, %select_n3A_2506, %broadcast_in_dim3A_2571 : vector<256x512xi1>, vector<256x512xf32>
    %reduce_sum3A_2573 = arith.constant dense<0.000000e+00> : vector<256xf32>
    %reduce_sum3A_2574 = vector.multi_reduction <add>, %select_n3A_2572, %reduce_sum3A_2573 [1] : vector<256x512xf32> to vector<256xf32>
    %broadcast_in_dim3A_2575 = vector.shape_cast %reduce_sum3A_2574 : vector<256xf32> to vector<256x1xf32>
    %jit3A_2576 = arith.constant 0.000000e+00 : f32
    %broadcast_in_dim3A_2577 = vector.broadcast %jit3A_2576 : f32 to vector<256x512xf32>
    %select_n3A_2578 = arith.select %eq3A_2557, %add3A_2514, %broadcast_in_dim3A_2577 : vector<256x512xi1>, vector<256x512xf32>
    %reduce_sum3A_2579 = arith.constant dense<0.000000e+00> : vector<256xf32>
    %reduce_sum3A_2580 = vector.multi_reduction <add>, %select_n3A_2578, %reduce_sum3A_2579 [1] : vector<256x512xf32> to vector<256xf32>
    %broadcast_in_dim3A_2581 = vector.shape_cast %reduce_sum3A_2580 : vector<256xf32> to vector<256x1xf32>
    %jit3A_2582 = arith.constant 0.000000e+00 : f32
    %broadcast_in_dim3A_2583 = vector.broadcast %jit3A_2582 : f32 to vector<256x512xf32>
    %select_n3A_2584 = arith.select %eq3A_2557, %add3A_2522, %broadcast_in_dim3A_2583 : vector<256x512xi1>, vector<256x512xf32>
    %reduce_sum3A_2585 = arith.constant dense<0.000000e+00> : vector<256xf32>
    %reduce_sum3A_2586 = vector.multi_reduction <add>, %select_n3A_2584, %reduce_sum3A_2585 [1] : vector<256x512xf32> to vector<256xf32>
    %broadcast_in_dim3A_2587 = vector.shape_cast %reduce_sum3A_2586 : vector<256xf32> to vector<256x1xf32>
    %jit3A_2588 = arith.constant 0.000000e+00 : f32
    %broadcast_in_dim3A_2589 = vector.broadcast %jit3A_2588 : f32 to vector<256x512xf32>
    %select_n3A_2590 = arith.select %eq3A_2557, %add3A_2530, %broadcast_in_dim3A_2589 : vector<256x512xi1>, vector<256x512xf32>
    %reduce_sum3A_2591 = arith.constant dense<0.000000e+00> : vector<256xf32>
    %reduce_sum3A_2592 = vector.multi_reduction <add>, %select_n3A_2590, %reduce_sum3A_2591 [1] : vector<256x512xf32> to vector<256xf32>
    %broadcast_in_dim3A_2593 = vector.shape_cast %reduce_sum3A_2592 : vector<256xf32> to vector<256x1xf32>
    %lt3A_2594 = arith.cmpf olt, %broadcast_in_dim3A_2544, %select_n3A_2224 : vector<256x1xf32>
    %select_n3A_2595 = arith.select %lt3A_2594, %broadcast_in_dim3A_2544, %select_n3A_2224 : vector<256x1xi1>, vector<256x1xf32>
    %add3A_2596 = arith.constant 3072 : i32
    %add3A_2597 = vector.broadcast %add3A_2596 : i32 to vector<256x1xi32>
    %add3A_2598 = arith.addi %broadcast_in_dim3A_2554, %add3A_2597 : vector<256x1xi32>
    %select_n3A_2599 = arith.select %lt3A_2594, %add3A_2598, %select_n3A_2228 : vector<256x1xi1>, vector<256x1xi32>
    %select_n3A_2600 = arith.select %lt3A_2594, %broadcast_in_dim3A_2563, %select_n3A_2229 : vector<256x1xi1>, vector<256x1xf32>
    %select_n3A_2601 = arith.select %lt3A_2594, %broadcast_in_dim3A_2569, %select_n3A_2230 : vector<256x1xi1>, vector<256x1xf32>
    %select_n3A_2602 = arith.select %lt3A_2594, %broadcast_in_dim3A_2575, %select_n3A_2231 : vector<256x1xi1>, vector<256x1xf32>
    %select_n3A_2603 = arith.select %lt3A_2594, %broadcast_in_dim3A_2581, %select_n3A_2232 : vector<256x1xi1>, vector<256x1xf32>
    %select_n3A_2604 = arith.select %lt3A_2594, %broadcast_in_dim3A_2587, %select_n3A_2233 : vector<256x1xi1>, vector<256x1xf32>
    %select_n3A_2605 = arith.select %lt3A_2594, %broadcast_in_dim3A_2593, %select_n3A_2234 : vector<256x1xi1>, vector<256x1xf32>
    %get3A_2606 = arith.constant 0 : index
    %get3A_2607 = arith.constant 3584 : index
    %get3A_2608 = vector.load %arg1[%get3A_2606, %get3A_2607] : memref<9x4096xf32, #tpu.memory_space<vmem>>, vector<1x512xf32>
    %get3A_2609 = arith.constant 1 : index
    %get3A_2610 = arith.constant 3584 : index
    %get3A_2611 = vector.load %arg1[%get3A_2609, %get3A_2610] : memref<9x4096xf32, #tpu.memory_space<vmem>>, vector<1x512xf32>
    %get3A_2612 = arith.constant 2 : index
    %get3A_2613 = arith.constant 3584 : index
    %get3A_2614 = vector.load %arg1[%get3A_2612, %get3A_2613] : memref<9x4096xf32, #tpu.memory_space<vmem>>, vector<1x512xf32>
    %get3A_2615 = arith.constant 3 : index
    %get3A_2616 = arith.constant 3584 : index
    %get3A_2617 = vector.load %arg1[%get3A_2615, %get3A_2616] : memref<9x4096xf32, #tpu.memory_space<vmem>>, vector<1x512xf32>
    %get3A_2618 = arith.constant 4 : index
    %get3A_2619 = arith.constant 3584 : index
    %get3A_2620 = vector.load %arg1[%get3A_2618, %get3A_2619] : memref<9x4096xf32, #tpu.memory_space<vmem>>, vector<1x512xf32>
    %get3A_2621 = arith.constant 5 : index
    %get3A_2622 = arith.constant 3584 : index
    %get3A_2623 = vector.load %arg1[%get3A_2621, %get3A_2622] : memref<9x4096xf32, #tpu.memory_space<vmem>>, vector<1x512xf32>
    %get3A_2624 = arith.constant 6 : index
    %get3A_2625 = arith.constant 3584 : index
    %get3A_2626 = vector.load %arg1[%get3A_2624, %get3A_2625] : memref<9x4096xf32, #tpu.memory_space<vmem>>, vector<1x512xf32>
    %get3A_2627 = arith.constant 7 : index
    %get3A_2628 = arith.constant 3584 : index
    %get3A_2629 = vector.load %arg1[%get3A_2627, %get3A_2628] : memref<9x4096xf32, #tpu.memory_space<vmem>>, vector<1x512xf32>
    %get3A_2630 = arith.constant 8 : index
    %get3A_2631 = arith.constant 3584 : index
    %get3A_2632 = vector.load %arg1[%get3A_2630, %get3A_2631] : memref<9x4096xf32, #tpu.memory_space<vmem>>, vector<1x512xf32>
    %sub3A_2633 = arith.subf %get3A_2617, %get3A_2608 : vector<1x512xf32>
    %sub3A_2634 = arith.subf %get3A_2620, %get3A_2611 : vector<1x512xf32>
    %sub3A_2635 = arith.subf %get3A_2623, %get3A_2614 : vector<1x512xf32>
    %sub3A_2636 = arith.subf %get3A_2626, %get3A_2608 : vector<1x512xf32>
    %sub3A_2637 = arith.subf %get3A_2629, %get3A_2611 : vector<1x512xf32>
    %sub3A_2638 = arith.subf %get3A_2632, %get3A_2614 : vector<1x512xf32>
    %sub3A_2639 = vector.broadcast %get3A_1 : vector<256x1xf32> to vector<256x512xf32>
    %sub3A_2640 = vector.broadcast %get3A_2608 : vector<1x512xf32> to vector<256x512xf32>
    %sub3A_2641 = arith.subf %sub3A_2639, %sub3A_2640 : vector<256x512xf32>
    %sub3A_2642 = vector.broadcast %get3A_4 : vector<256x1xf32> to vector<256x512xf32>
    %sub3A_2643 = vector.broadcast %get3A_2611 : vector<1x512xf32> to vector<256x512xf32>
    %sub3A_2644 = arith.subf %sub3A_2642, %sub3A_2643 : vector<256x512xf32>
    %sub3A_2645 = vector.broadcast %get3A_7 : vector<256x1xf32> to vector<256x512xf32>
    %sub3A_2646 = vector.broadcast %get3A_2614 : vector<1x512xf32> to vector<256x512xf32>
    %sub3A_2647 = arith.subf %sub3A_2645, %sub3A_2646 : vector<256x512xf32>
    %mul3A_2648 = vector.broadcast %sub3A_2633 : vector<1x512xf32> to vector<256x512xf32>
    %mul3A_2649 = arith.mulf %mul3A_2648, %sub3A_2641 : vector<256x512xf32>
    %mul3A_2650 = vector.broadcast %sub3A_2634 : vector<1x512xf32> to vector<256x512xf32>
    %mul3A_2651 = arith.mulf %mul3A_2650, %sub3A_2644 : vector<256x512xf32>
    %add3A_2652 = arith.addf %mul3A_2649, %mul3A_2651 : vector<256x512xf32>
    %mul3A_2653 = vector.broadcast %sub3A_2635 : vector<1x512xf32> to vector<256x512xf32>
    %mul3A_2654 = arith.mulf %mul3A_2653, %sub3A_2647 : vector<256x512xf32>
    %add3A_2655 = arith.addf %add3A_2652, %mul3A_2654 : vector<256x512xf32>
    %mul3A_2656 = vector.broadcast %sub3A_2636 : vector<1x512xf32> to vector<256x512xf32>
    %mul3A_2657 = arith.mulf %mul3A_2656, %sub3A_2641 : vector<256x512xf32>
    %mul3A_2658 = vector.broadcast %sub3A_2637 : vector<1x512xf32> to vector<256x512xf32>
    %mul3A_2659 = arith.mulf %mul3A_2658, %sub3A_2644 : vector<256x512xf32>
    %add3A_2660 = arith.addf %mul3A_2657, %mul3A_2659 : vector<256x512xf32>
    %mul3A_2661 = vector.broadcast %sub3A_2638 : vector<1x512xf32> to vector<256x512xf32>
    %mul3A_2662 = arith.mulf %mul3A_2661, %sub3A_2647 : vector<256x512xf32>
    %add3A_2663 = arith.addf %add3A_2660, %mul3A_2662 : vector<256x512xf32>
    %sub3A_2664 = vector.broadcast %get3A_1 : vector<256x1xf32> to vector<256x512xf32>
    %sub3A_2665 = vector.broadcast %get3A_2617 : vector<1x512xf32> to vector<256x512xf32>
    %sub3A_2666 = arith.subf %sub3A_2664, %sub3A_2665 : vector<256x512xf32>
    %sub3A_2667 = vector.broadcast %get3A_4 : vector<256x1xf32> to vector<256x512xf32>
    %sub3A_2668 = vector.broadcast %get3A_2620 : vector<1x512xf32> to vector<256x512xf32>
    %sub3A_2669 = arith.subf %sub3A_2667, %sub3A_2668 : vector<256x512xf32>
    %sub3A_2670 = vector.broadcast %get3A_7 : vector<256x1xf32> to vector<256x512xf32>
    %sub3A_2671 = vector.broadcast %get3A_2623 : vector<1x512xf32> to vector<256x512xf32>
    %sub3A_2672 = arith.subf %sub3A_2670, %sub3A_2671 : vector<256x512xf32>
    %mul3A_2673 = vector.broadcast %sub3A_2633 : vector<1x512xf32> to vector<256x512xf32>
    %mul3A_2674 = arith.mulf %mul3A_2673, %sub3A_2666 : vector<256x512xf32>
    %mul3A_2675 = vector.broadcast %sub3A_2634 : vector<1x512xf32> to vector<256x512xf32>
    %mul3A_2676 = arith.mulf %mul3A_2675, %sub3A_2669 : vector<256x512xf32>
    %add3A_2677 = arith.addf %mul3A_2674, %mul3A_2676 : vector<256x512xf32>
    %mul3A_2678 = vector.broadcast %sub3A_2635 : vector<1x512xf32> to vector<256x512xf32>
    %mul3A_2679 = arith.mulf %mul3A_2678, %sub3A_2672 : vector<256x512xf32>
    %add3A_2680 = arith.addf %add3A_2677, %mul3A_2679 : vector<256x512xf32>
    %mul3A_2681 = vector.broadcast %sub3A_2636 : vector<1x512xf32> to vector<256x512xf32>
    %mul3A_2682 = arith.mulf %mul3A_2681, %sub3A_2666 : vector<256x512xf32>
    %mul3A_2683 = vector.broadcast %sub3A_2637 : vector<1x512xf32> to vector<256x512xf32>
    %mul3A_2684 = arith.mulf %mul3A_2683, %sub3A_2669 : vector<256x512xf32>
    %add3A_2685 = arith.addf %mul3A_2682, %mul3A_2684 : vector<256x512xf32>
    %mul3A_2686 = vector.broadcast %sub3A_2638 : vector<1x512xf32> to vector<256x512xf32>
    %mul3A_2687 = arith.mulf %mul3A_2686, %sub3A_2672 : vector<256x512xf32>
    %add3A_2688 = arith.addf %add3A_2685, %mul3A_2687 : vector<256x512xf32>
    %sub3A_2689 = vector.broadcast %get3A_1 : vector<256x1xf32> to vector<256x512xf32>
    %sub3A_2690 = vector.broadcast %get3A_2626 : vector<1x512xf32> to vector<256x512xf32>
    %sub3A_2691 = arith.subf %sub3A_2689, %sub3A_2690 : vector<256x512xf32>
    %sub3A_2692 = vector.broadcast %get3A_4 : vector<256x1xf32> to vector<256x512xf32>
    %sub3A_2693 = vector.broadcast %get3A_2629 : vector<1x512xf32> to vector<256x512xf32>
    %sub3A_2694 = arith.subf %sub3A_2692, %sub3A_2693 : vector<256x512xf32>
    %sub3A_2695 = vector.broadcast %get3A_7 : vector<256x1xf32> to vector<256x512xf32>
    %sub3A_2696 = vector.broadcast %get3A_2632 : vector<1x512xf32> to vector<256x512xf32>
    %sub3A_2697 = arith.subf %sub3A_2695, %sub3A_2696 : vector<256x512xf32>
    %mul3A_2698 = vector.broadcast %sub3A_2633 : vector<1x512xf32> to vector<256x512xf32>
    %mul3A_2699 = arith.mulf %mul3A_2698, %sub3A_2691 : vector<256x512xf32>
    %mul3A_2700 = vector.broadcast %sub3A_2634 : vector<1x512xf32> to vector<256x512xf32>
    %mul3A_2701 = arith.mulf %mul3A_2700, %sub3A_2694 : vector<256x512xf32>
    %add3A_2702 = arith.addf %mul3A_2699, %mul3A_2701 : vector<256x512xf32>
    %mul3A_2703 = vector.broadcast %sub3A_2635 : vector<1x512xf32> to vector<256x512xf32>
    %mul3A_2704 = arith.mulf %mul3A_2703, %sub3A_2697 : vector<256x512xf32>
    %add3A_2705 = arith.addf %add3A_2702, %mul3A_2704 : vector<256x512xf32>
    %mul3A_2706 = vector.broadcast %sub3A_2636 : vector<1x512xf32> to vector<256x512xf32>
    %mul3A_2707 = arith.mulf %mul3A_2706, %sub3A_2691 : vector<256x512xf32>
    %mul3A_2708 = vector.broadcast %sub3A_2637 : vector<1x512xf32> to vector<256x512xf32>
    %mul3A_2709 = arith.mulf %mul3A_2708, %sub3A_2694 : vector<256x512xf32>
    %add3A_2710 = arith.addf %mul3A_2707, %mul3A_2709 : vector<256x512xf32>
    %mul3A_2711 = vector.broadcast %sub3A_2638 : vector<1x512xf32> to vector<256x512xf32>
    %mul3A_2712 = arith.mulf %mul3A_2711, %sub3A_2697 : vector<256x512xf32>
    %add3A_2713 = arith.addf %add3A_2710, %mul3A_2712 : vector<256x512xf32>
    %mul3A_2714 = arith.mulf %add3A_2655, %add3A_2688 : vector<256x512xf32>
    %mul3A_2715 = arith.mulf %add3A_2680, %add3A_2663 : vector<256x512xf32>
    %sub3A_2716 = arith.subf %mul3A_2714, %mul3A_2715 : vector<256x512xf32>
    %mul3A_2717 = arith.mulf %add3A_2705, %add3A_2663 : vector<256x512xf32>
    %mul3A_2718 = arith.mulf %add3A_2655, %add3A_2713 : vector<256x512xf32>
    %sub3A_2719 = arith.subf %mul3A_2717, %mul3A_2718 : vector<256x512xf32>
    %mul3A_2720 = arith.mulf %add3A_2680, %add3A_2713 : vector<256x512xf32>
    %mul3A_2721 = arith.mulf %add3A_2705, %add3A_2688 : vector<256x512xf32>
    %sub3A_2722 = arith.subf %mul3A_2720, %mul3A_2721 : vector<256x512xf32>
    %sub3A_2723 = arith.subf %add3A_2655, %add3A_2680 : vector<256x512xf32>
    %abs3A_2724 = math.absf %sub3A_2723 : vector<256x512xf32>
    %lt3A_2725 = arith.constant 9.99999996E-13 : f32
    %lt3A_2726 = vector.broadcast %lt3A_2725 : f32 to vector<256x512xf32>
    %lt3A_2727 = arith.cmpf olt, %abs3A_2724, %lt3A_2726 : vector<256x512xf32>
    %lt3A_2728 = arith.constant 0.000000e+00 : f32
    %lt3A_2729 = vector.broadcast %lt3A_2728 : f32 to vector<256x512xf32>
    %lt3A_2730 = arith.cmpf olt, %sub3A_2723, %lt3A_2729 : vector<256x512xf32>
    %jit3A_2731 = arith.constant -9.99999996E-13 : f32
    %jit3A_2732 = arith.constant 9.99999996E-13 : f32
    %broadcast_in_dim3A_2733 = vector.broadcast %jit3A_2731 : f32 to vector<256x512xf32>
    %broadcast_in_dim3A_2734 = vector.broadcast %jit3A_2732 : f32 to vector<256x512xf32>
    %select_n3A_2735 = arith.select %lt3A_2730, %broadcast_in_dim3A_2733, %broadcast_in_dim3A_2734 : vector<256x512xi1>, vector<256x512xf32>
    %select_n3A_2736 = arith.select %lt3A_2727, %select_n3A_2735, %sub3A_2723 : vector<256x512xi1>, vector<256x512xf32>
    %div3A_2737 = arith.divf %add3A_2655, %select_n3A_2736 : vector<256x512xf32>
    %sub3A_2738 = arith.subf %add3A_2663, %add3A_2713 : vector<256x512xf32>
    %abs3A_2739 = math.absf %sub3A_2738 : vector<256x512xf32>
    %lt3A_2740 = arith.constant 9.99999996E-13 : f32
    %lt3A_2741 = vector.broadcast %lt3A_2740 : f32 to vector<256x512xf32>
    %lt3A_2742 = arith.cmpf olt, %abs3A_2739, %lt3A_2741 : vector<256x512xf32>
    %lt3A_2743 = arith.constant 0.000000e+00 : f32
    %lt3A_2744 = vector.broadcast %lt3A_2743 : f32 to vector<256x512xf32>
    %lt3A_2745 = arith.cmpf olt, %sub3A_2738, %lt3A_2744 : vector<256x512xf32>
    %jit3A_2746 = arith.constant -9.99999996E-13 : f32
    %jit3A_2747 = arith.constant 9.99999996E-13 : f32
    %broadcast_in_dim3A_2748 = vector.broadcast %jit3A_2746 : f32 to vector<256x512xf32>
    %broadcast_in_dim3A_2749 = vector.broadcast %jit3A_2747 : f32 to vector<256x512xf32>
    %select_n3A_2750 = arith.select %lt3A_2745, %broadcast_in_dim3A_2748, %broadcast_in_dim3A_2749 : vector<256x512xi1>, vector<256x512xf32>
    %select_n3A_2751 = arith.select %lt3A_2742, %select_n3A_2750, %sub3A_2738 : vector<256x512xi1>, vector<256x512xf32>
    %div3A_2752 = arith.divf %add3A_2663, %select_n3A_2751 : vector<256x512xf32>
    %sub3A_2753 = arith.subf %add3A_2688, %add3A_2680 : vector<256x512xf32>
    %sub3A_2754 = arith.subf %add3A_2688, %add3A_2680 : vector<256x512xf32>
    %sub3A_2755 = arith.subf %add3A_2705, %add3A_2713 : vector<256x512xf32>
    %add3A_2756 = arith.addf %sub3A_2754, %sub3A_2755 : vector<256x512xf32>
    %abs3A_2757 = math.absf %add3A_2756 : vector<256x512xf32>
    %lt3A_2758 = arith.constant 9.99999996E-13 : f32
    %lt3A_2759 = vector.broadcast %lt3A_2758 : f32 to vector<256x512xf32>
    %lt3A_2760 = arith.cmpf olt, %abs3A_2757, %lt3A_2759 : vector<256x512xf32>
    %lt3A_2761 = arith.constant 0.000000e+00 : f32
    %lt3A_2762 = vector.broadcast %lt3A_2761 : f32 to vector<256x512xf32>
    %lt3A_2763 = arith.cmpf olt, %add3A_2756, %lt3A_2762 : vector<256x512xf32>
    %jit3A_2764 = arith.constant -9.99999996E-13 : f32
    %jit3A_2765 = arith.constant 9.99999996E-13 : f32
    %broadcast_in_dim3A_2766 = vector.broadcast %jit3A_2764 : f32 to vector<256x512xf32>
    %broadcast_in_dim3A_2767 = vector.broadcast %jit3A_2765 : f32 to vector<256x512xf32>
    %select_n3A_2768 = arith.select %lt3A_2763, %broadcast_in_dim3A_2766, %broadcast_in_dim3A_2767 : vector<256x512xi1>, vector<256x512xf32>
    %select_n3A_2769 = arith.select %lt3A_2760, %select_n3A_2768, %add3A_2756 : vector<256x512xi1>, vector<256x512xf32>
    %div3A_2770 = arith.divf %sub3A_2753, %select_n3A_2769 : vector<256x512xf32>
    %broadcast_in_dim3A_2771 = arith.constant 1.000000e+00 : f32
    %broadcast_in_dim3A_2772 = vector.broadcast %broadcast_in_dim3A_2771 : f32 to vector<256x512xf32>
    %add3A_2773 = arith.addf %sub3A_2722, %sub3A_2719 : vector<256x512xf32>
    %add3A_2774 = arith.addf %add3A_2773, %sub3A_2716 : vector<256x512xf32>
    %abs3A_2775 = math.absf %add3A_2774 : vector<256x512xf32>
    %lt3A_2776 = arith.constant 9.99999996E-13 : f32
    %lt3A_2777 = vector.broadcast %lt3A_2776 : f32 to vector<256x512xf32>
    %lt3A_2778 = arith.cmpf olt, %abs3A_2775, %lt3A_2777 : vector<256x512xf32>
    %lt3A_2779 = arith.constant 0.000000e+00 : f32
    %lt3A_2780 = vector.broadcast %lt3A_2779 : f32 to vector<256x512xf32>
    %lt3A_2781 = arith.cmpf olt, %add3A_2774, %lt3A_2780 : vector<256x512xf32>
    %jit3A_2782 = arith.constant -9.99999996E-13 : f32
    %jit3A_2783 = arith.constant 9.99999996E-13 : f32
    %broadcast_in_dim3A_2784 = vector.broadcast %jit3A_2782 : f32 to vector<256x512xf32>
    %broadcast_in_dim3A_2785 = vector.broadcast %jit3A_2783 : f32 to vector<256x512xf32>
    %select_n3A_2786 = arith.select %lt3A_2781, %broadcast_in_dim3A_2784, %broadcast_in_dim3A_2785 : vector<256x512xi1>, vector<256x512xf32>
    %select_n3A_2787 = arith.select %lt3A_2778, %select_n3A_2786, %add3A_2774 : vector<256x512xi1>, vector<256x512xf32>
    %div3A_2788 = arith.divf %broadcast_in_dim3A_2772, %select_n3A_2787 : vector<256x512xf32>
    %mul3A_2789 = arith.mulf %sub3A_2719, %div3A_2788 : vector<256x512xf32>
    %mul3A_2790 = arith.mulf %sub3A_2716, %div3A_2788 : vector<256x512xf32>
    %le3A_2791 = arith.constant 0.000000e+00 : f32
    %le3A_2792 = vector.broadcast %le3A_2791 : f32 to vector<256x512xf32>
    %le3A_2793 = arith.cmpf ole, %add3A_2655, %le3A_2792 : vector<256x512xf32>
    %le3A_2794 = arith.constant 0.000000e+00 : f32
    %le3A_2795 = vector.broadcast %le3A_2794 : f32 to vector<256x512xf32>
    %le3A_2796 = arith.cmpf ole, %add3A_2663, %le3A_2795 : vector<256x512xf32>
    %and3A_2797 = arith.andi %le3A_2793, %le3A_2796 : vector<256x512xi1>
    %ge3A_2798 = arith.constant 0.000000e+00 : f32
    %ge3A_2799 = vector.broadcast %ge3A_2798 : f32 to vector<256x512xf32>
    %ge3A_2800 = arith.cmpf oge, %add3A_2680, %ge3A_2799 : vector<256x512xf32>
    %le3A_2801 = arith.cmpf ole, %add3A_2688, %add3A_2680 : vector<256x512xf32>
    %and3A_2802 = arith.andi %ge3A_2800, %le3A_2801 : vector<256x512xi1>
    %le3A_2803 = arith.constant 0.000000e+00 : f32
    %le3A_2804 = vector.broadcast %le3A_2803 : f32 to vector<256x512xf32>
    %le3A_2805 = arith.cmpf ole, %sub3A_2716, %le3A_2804 : vector<256x512xf32>
    %ge3A_2806 = arith.constant 0.000000e+00 : f32
    %ge3A_2807 = vector.broadcast %ge3A_2806 : f32 to vector<256x512xf32>
    %ge3A_2808 = arith.cmpf oge, %add3A_2655, %ge3A_2807 : vector<256x512xf32>
    %and3A_2809 = arith.andi %le3A_2805, %ge3A_2808 : vector<256x512xi1>
    %le3A_2810 = arith.constant 0.000000e+00 : f32
    %le3A_2811 = vector.broadcast %le3A_2810 : f32 to vector<256x512xf32>
    %le3A_2812 = arith.cmpf ole, %add3A_2680, %le3A_2811 : vector<256x512xf32>
    %and3A_2813 = arith.andi %and3A_2809, %le3A_2812 : vector<256x512xi1>
    %ge3A_2814 = arith.constant 0.000000e+00 : f32
    %ge3A_2815 = vector.broadcast %ge3A_2814 : f32 to vector<256x512xf32>
    %ge3A_2816 = arith.cmpf oge, %add3A_2713, %ge3A_2815 : vector<256x512xf32>
    %le3A_2817 = arith.cmpf ole, %add3A_2705, %add3A_2713 : vector<256x512xf32>
    %and3A_2818 = arith.andi %ge3A_2816, %le3A_2817 : vector<256x512xi1>
    %le3A_2819 = arith.constant 0.000000e+00 : f32
    %le3A_2820 = vector.broadcast %le3A_2819 : f32 to vector<256x512xf32>
    %le3A_2821 = arith.cmpf ole, %sub3A_2719, %le3A_2820 : vector<256x512xf32>
    %ge3A_2822 = arith.constant 0.000000e+00 : f32
    %ge3A_2823 = vector.broadcast %ge3A_2822 : f32 to vector<256x512xf32>
    %ge3A_2824 = arith.cmpf oge, %add3A_2663, %ge3A_2823 : vector<256x512xf32>
    %and3A_2825 = arith.andi %le3A_2821, %ge3A_2824 : vector<256x512xi1>
    %le3A_2826 = arith.constant 0.000000e+00 : f32
    %le3A_2827 = vector.broadcast %le3A_2826 : f32 to vector<256x512xf32>
    %le3A_2828 = arith.cmpf ole, %add3A_2713, %le3A_2827 : vector<256x512xf32>
    %and3A_2829 = arith.andi %and3A_2825, %le3A_2828 : vector<256x512xi1>
    %le3A_2830 = arith.constant 0.000000e+00 : f32
    %le3A_2831 = vector.broadcast %le3A_2830 : f32 to vector<256x512xf32>
    %le3A_2832 = arith.cmpf ole, %sub3A_2722, %le3A_2831 : vector<256x512xf32>
    %sub3A_2833 = arith.subf %add3A_2688, %add3A_2680 : vector<256x512xf32>
    %ge3A_2834 = arith.constant 0.000000e+00 : f32
    %ge3A_2835 = vector.broadcast %ge3A_2834 : f32 to vector<256x512xf32>
    %ge3A_2836 = arith.cmpf oge, %sub3A_2833, %ge3A_2835 : vector<256x512xf32>
    %and3A_2837 = arith.andi %le3A_2832, %ge3A_2836 : vector<256x512xi1>
    %sub3A_2838 = arith.subf %add3A_2705, %add3A_2713 : vector<256x512xf32>
    %ge3A_2839 = arith.constant 0.000000e+00 : f32
    %ge3A_2840 = vector.broadcast %ge3A_2839 : f32 to vector<256x512xf32>
    %ge3A_2841 = arith.cmpf oge, %sub3A_2838, %ge3A_2840 : vector<256x512xf32>
    %and3A_2842 = arith.andi %and3A_2837, %ge3A_2841 : vector<256x512xi1>
    %sub3A_2843 = arith.constant 1.000000e+00 : f32
    %sub3A_2844 = vector.broadcast %sub3A_2843 : f32 to vector<256x512xf32>
    %sub3A_2845 = arith.subf %sub3A_2844, %mul3A_2789 : vector<256x512xf32>
    %sub3A_2846 = arith.subf %sub3A_2845, %mul3A_2790 : vector<256x512xf32>
    %broadcast_in_dim3A_2847 = arith.constant 0.000000e+00 : f32
    %broadcast_in_dim3A_2848 = vector.broadcast %broadcast_in_dim3A_2847 : f32 to vector<256x512xf32>
    %broadcast_in_dim3A_2849 = arith.constant 1.000000e+00 : f32
    %broadcast_in_dim3A_2850 = vector.broadcast %broadcast_in_dim3A_2849 : f32 to vector<256x512xf32>
    %select_n3A_2851 = arith.select %and3A_2842, %broadcast_in_dim3A_2848, %sub3A_2846 : vector<256x512xi1>, vector<256x512xf32>
    %sub3A_2852 = arith.constant 1.000000e+00 : f32
    %sub3A_2853 = vector.broadcast %sub3A_2852 : f32 to vector<256x512xf32>
    %sub3A_2854 = arith.subf %sub3A_2853, %div3A_2770 : vector<256x512xf32>
    %select_n3A_2855 = arith.select %and3A_2842, %sub3A_2854, %mul3A_2789 : vector<256x512xi1>, vector<256x512xf32>
    %select_n3A_2856 = arith.select %and3A_2842, %div3A_2770, %mul3A_2790 : vector<256x512xi1>, vector<256x512xf32>
    %sub3A_2857 = arith.constant 1.000000e+00 : f32
    %sub3A_2858 = vector.broadcast %sub3A_2857 : f32 to vector<256x512xf32>
    %sub3A_2859 = arith.subf %sub3A_2858, %div3A_2752 : vector<256x512xf32>
    %select_n3A_2860 = arith.select %and3A_2829, %sub3A_2859, %select_n3A_2851 : vector<256x512xi1>, vector<256x512xf32>
    %select_n3A_2861 = arith.select %and3A_2829, %broadcast_in_dim3A_2848, %select_n3A_2855 : vector<256x512xi1>, vector<256x512xf32>
    %select_n3A_2862 = arith.select %and3A_2829, %div3A_2752, %select_n3A_2856 : vector<256x512xi1>, vector<256x512xf32>
    %select_n3A_2863 = arith.select %and3A_2818, %broadcast_in_dim3A_2848, %select_n3A_2860 : vector<256x512xi1>, vector<256x512xf32>
    %select_n3A_2864 = arith.select %and3A_2818, %broadcast_in_dim3A_2848, %select_n3A_2861 : vector<256x512xi1>, vector<256x512xf32>
    %select_n3A_2865 = arith.select %and3A_2818, %broadcast_in_dim3A_2850, %select_n3A_2862 : vector<256x512xi1>, vector<256x512xf32>
    %sub3A_2866 = arith.constant 1.000000e+00 : f32
    %sub3A_2867 = vector.broadcast %sub3A_2866 : f32 to vector<256x512xf32>
    %sub3A_2868 = arith.subf %sub3A_2867, %div3A_2737 : vector<256x512xf32>
    %select_n3A_2869 = arith.select %and3A_2813, %sub3A_2868, %select_n3A_2863 : vector<256x512xi1>, vector<256x512xf32>
    %select_n3A_2870 = arith.select %and3A_2813, %div3A_2737, %select_n3A_2864 : vector<256x512xi1>, vector<256x512xf32>
    %select_n3A_2871 = arith.select %and3A_2813, %broadcast_in_dim3A_2848, %select_n3A_2865 : vector<256x512xi1>, vector<256x512xf32>
    %select_n3A_2872 = arith.select %and3A_2802, %broadcast_in_dim3A_2848, %select_n3A_2869 : vector<256x512xi1>, vector<256x512xf32>
    %select_n3A_2873 = arith.select %and3A_2802, %broadcast_in_dim3A_2850, %select_n3A_2870 : vector<256x512xi1>, vector<256x512xf32>
    %select_n3A_2874 = arith.select %and3A_2802, %broadcast_in_dim3A_2848, %select_n3A_2871 : vector<256x512xi1>, vector<256x512xf32>
    %select_n3A_2875 = arith.select %and3A_2797, %broadcast_in_dim3A_2850, %select_n3A_2872 : vector<256x512xi1>, vector<256x512xf32>
    %select_n3A_2876 = arith.select %and3A_2797, %broadcast_in_dim3A_2848, %select_n3A_2873 : vector<256x512xi1>, vector<256x512xf32>
    %select_n3A_2877 = arith.select %and3A_2797, %broadcast_in_dim3A_2848, %select_n3A_2874 : vector<256x512xi1>, vector<256x512xf32>
    %mul3A_2878 = vector.broadcast %get3A_2608 : vector<1x512xf32> to vector<256x512xf32>
    %mul3A_2879 = arith.mulf %select_n3A_2875, %mul3A_2878 : vector<256x512xf32>
    %mul3A_2880 = vector.broadcast %get3A_2617 : vector<1x512xf32> to vector<256x512xf32>
    %mul3A_2881 = arith.mulf %select_n3A_2876, %mul3A_2880 : vector<256x512xf32>
    %add3A_2882 = arith.addf %mul3A_2879, %mul3A_2881 : vector<256x512xf32>
    %mul3A_2883 = vector.broadcast %get3A_2626 : vector<1x512xf32> to vector<256x512xf32>
    %mul3A_2884 = arith.mulf %select_n3A_2877, %mul3A_2883 : vector<256x512xf32>
    %add3A_2885 = arith.addf %add3A_2882, %mul3A_2884 : vector<256x512xf32>
    %mul3A_2886 = vector.broadcast %get3A_2611 : vector<1x512xf32> to vector<256x512xf32>
    %mul3A_2887 = arith.mulf %select_n3A_2875, %mul3A_2886 : vector<256x512xf32>
    %mul3A_2888 = vector.broadcast %get3A_2620 : vector<1x512xf32> to vector<256x512xf32>
    %mul3A_2889 = arith.mulf %select_n3A_2876, %mul3A_2888 : vector<256x512xf32>
    %add3A_2890 = arith.addf %mul3A_2887, %mul3A_2889 : vector<256x512xf32>
    %mul3A_2891 = vector.broadcast %get3A_2629 : vector<1x512xf32> to vector<256x512xf32>
    %mul3A_2892 = arith.mulf %select_n3A_2877, %mul3A_2891 : vector<256x512xf32>
    %add3A_2893 = arith.addf %add3A_2890, %mul3A_2892 : vector<256x512xf32>
    %mul3A_2894 = vector.broadcast %get3A_2614 : vector<1x512xf32> to vector<256x512xf32>
    %mul3A_2895 = arith.mulf %select_n3A_2875, %mul3A_2894 : vector<256x512xf32>
    %mul3A_2896 = vector.broadcast %get3A_2623 : vector<1x512xf32> to vector<256x512xf32>
    %mul3A_2897 = arith.mulf %select_n3A_2876, %mul3A_2896 : vector<256x512xf32>
    %add3A_2898 = arith.addf %mul3A_2895, %mul3A_2897 : vector<256x512xf32>
    %mul3A_2899 = vector.broadcast %get3A_2632 : vector<1x512xf32> to vector<256x512xf32>
    %mul3A_2900 = arith.mulf %select_n3A_2877, %mul3A_2899 : vector<256x512xf32>
    %add3A_2901 = arith.addf %add3A_2898, %mul3A_2900 : vector<256x512xf32>
    %sub3A_2902 = vector.broadcast %get3A_1 : vector<256x1xf32> to vector<256x512xf32>
    %sub3A_2903 = arith.subf %sub3A_2902, %add3A_2885 : vector<256x512xf32>
    %sub3A_2904 = vector.broadcast %get3A_4 : vector<256x1xf32> to vector<256x512xf32>
    %sub3A_2905 = arith.subf %sub3A_2904, %add3A_2893 : vector<256x512xf32>
    %sub3A_2906 = vector.broadcast %get3A_7 : vector<256x1xf32> to vector<256x512xf32>
    %sub3A_2907 = arith.subf %sub3A_2906, %add3A_2901 : vector<256x512xf32>
    %mul3A_2908 = arith.mulf %sub3A_2903, %sub3A_2903 : vector<256x512xf32>
    %mul3A_2909 = arith.mulf %sub3A_2905, %sub3A_2905 : vector<256x512xf32>
    %add3A_2910 = arith.addf %mul3A_2908, %mul3A_2909 : vector<256x512xf32>
    %mul3A_2911 = arith.mulf %sub3A_2907, %sub3A_2907 : vector<256x512xf32>
    %add3A_2912 = arith.addf %add3A_2910, %mul3A_2911 : vector<256x512xf32>
    %reduce_min3A_2913 = arith.constant dense<0x7F800000> : vector<256xf32>
    %reduce_min3A_2914 = vector.multi_reduction <minimumf>, %add3A_2912, %reduce_min3A_2913 [1] : vector<256x512xf32> to vector<256xf32>
    %broadcast_in_dim3A_2915 = vector.shape_cast %reduce_min3A_2914 : vector<256xf32> to vector<256x1xf32>
    %eq3A_2916 = vector.broadcast %broadcast_in_dim3A_2915 : vector<256x1xf32> to vector<256x512xf32>
    %eq3A_2917 = arith.cmpf oeq, %add3A_2912, %eq3A_2916 : vector<256x512xf32>
    %jit3A_2918 = arith.constant 2147483647 : i32
    %broadcast_in_dim3A_2919 = vector.shape_cast %iota3A : vector<1x512xi32> to vector<1x512xi32>
    %broadcast_in_dim3A_2920 = vector.broadcast %broadcast_in_dim3A_2919 : vector<1x512xi32> to vector<256x512xi32>
    %broadcast_in_dim3A_2921 = vector.broadcast %jit3A_2918 : i32 to vector<256x512xi32>
    %select_n3A_2922 = arith.select %eq3A_2917, %broadcast_in_dim3A_2920, %broadcast_in_dim3A_2921 : vector<256x512xi1>, vector<256x512xi32>
    %reduce_min3A_2923 = arith.constant dense<2147483647> : vector<256xi32>
    %reduce_min3A_2924 = vector.multi_reduction <minsi>, %select_n3A_2922, %reduce_min3A_2923 [1] : vector<256x512xi32> to vector<256xi32>
    %broadcast_in_dim3A_2925 = vector.shape_cast %reduce_min3A_2924 : vector<256xi32> to vector<256x1xi32>
    %eq3A_2926 = vector.broadcast %iota3A : vector<1x512xi32> to vector<256x512xi32>
    %eq3A_2927 = vector.broadcast %broadcast_in_dim3A_2925 : vector<256x1xi32> to vector<256x512xi32>
    %eq3A_2928 = arith.cmpi eq, %eq3A_2926, %eq3A_2927 : vector<256x512xi32>
    %jit3A_2929 = arith.constant 0.000000e+00 : f32
    %broadcast_in_dim3A_2930 = vector.broadcast %jit3A_2929 : f32 to vector<256x512xf32>
    %select_n3A_2931 = arith.select %eq3A_2928, %select_n3A_2875, %broadcast_in_dim3A_2930 : vector<256x512xi1>, vector<256x512xf32>
    %reduce_sum3A_2932 = arith.constant dense<0.000000e+00> : vector<256xf32>
    %reduce_sum3A_2933 = vector.multi_reduction <add>, %select_n3A_2931, %reduce_sum3A_2932 [1] : vector<256x512xf32> to vector<256xf32>
    %broadcast_in_dim3A_2934 = vector.shape_cast %reduce_sum3A_2933 : vector<256xf32> to vector<256x1xf32>
    %jit3A_2935 = arith.constant 0.000000e+00 : f32
    %broadcast_in_dim3A_2936 = vector.broadcast %jit3A_2935 : f32 to vector<256x512xf32>
    %select_n3A_2937 = arith.select %eq3A_2928, %select_n3A_2876, %broadcast_in_dim3A_2936 : vector<256x512xi1>, vector<256x512xf32>
    %reduce_sum3A_2938 = arith.constant dense<0.000000e+00> : vector<256xf32>
    %reduce_sum3A_2939 = vector.multi_reduction <add>, %select_n3A_2937, %reduce_sum3A_2938 [1] : vector<256x512xf32> to vector<256xf32>
    %broadcast_in_dim3A_2940 = vector.shape_cast %reduce_sum3A_2939 : vector<256xf32> to vector<256x1xf32>
    %jit3A_2941 = arith.constant 0.000000e+00 : f32
    %broadcast_in_dim3A_2942 = vector.broadcast %jit3A_2941 : f32 to vector<256x512xf32>
    %select_n3A_2943 = arith.select %eq3A_2928, %select_n3A_2877, %broadcast_in_dim3A_2942 : vector<256x512xi1>, vector<256x512xf32>
    %reduce_sum3A_2944 = arith.constant dense<0.000000e+00> : vector<256xf32>
    %reduce_sum3A_2945 = vector.multi_reduction <add>, %select_n3A_2943, %reduce_sum3A_2944 [1] : vector<256x512xf32> to vector<256xf32>
    %broadcast_in_dim3A_2946 = vector.shape_cast %reduce_sum3A_2945 : vector<256xf32> to vector<256x1xf32>
    %jit3A_2947 = arith.constant 0.000000e+00 : f32
    %broadcast_in_dim3A_2948 = vector.broadcast %jit3A_2947 : f32 to vector<256x512xf32>
    %select_n3A_2949 = arith.select %eq3A_2928, %add3A_2885, %broadcast_in_dim3A_2948 : vector<256x512xi1>, vector<256x512xf32>
    %reduce_sum3A_2950 = arith.constant dense<0.000000e+00> : vector<256xf32>
    %reduce_sum3A_2951 = vector.multi_reduction <add>, %select_n3A_2949, %reduce_sum3A_2950 [1] : vector<256x512xf32> to vector<256xf32>
    %broadcast_in_dim3A_2952 = vector.shape_cast %reduce_sum3A_2951 : vector<256xf32> to vector<256x1xf32>
    %jit3A_2953 = arith.constant 0.000000e+00 : f32
    %broadcast_in_dim3A_2954 = vector.broadcast %jit3A_2953 : f32 to vector<256x512xf32>
    %select_n3A_2955 = arith.select %eq3A_2928, %add3A_2893, %broadcast_in_dim3A_2954 : vector<256x512xi1>, vector<256x512xf32>
    %reduce_sum3A_2956 = arith.constant dense<0.000000e+00> : vector<256xf32>
    %reduce_sum3A_2957 = vector.multi_reduction <add>, %select_n3A_2955, %reduce_sum3A_2956 [1] : vector<256x512xf32> to vector<256xf32>
    %broadcast_in_dim3A_2958 = vector.shape_cast %reduce_sum3A_2957 : vector<256xf32> to vector<256x1xf32>
    %jit3A_2959 = arith.constant 0.000000e+00 : f32
    %broadcast_in_dim3A_2960 = vector.broadcast %jit3A_2959 : f32 to vector<256x512xf32>
    %select_n3A_2961 = arith.select %eq3A_2928, %add3A_2901, %broadcast_in_dim3A_2960 : vector<256x512xi1>, vector<256x512xf32>
    %reduce_sum3A_2962 = arith.constant dense<0.000000e+00> : vector<256xf32>
    %reduce_sum3A_2963 = vector.multi_reduction <add>, %select_n3A_2961, %reduce_sum3A_2962 [1] : vector<256x512xf32> to vector<256xf32>
    %broadcast_in_dim3A_2964 = vector.shape_cast %reduce_sum3A_2963 : vector<256xf32> to vector<256x1xf32>
    %lt3A_2965 = arith.cmpf olt, %broadcast_in_dim3A_2915, %select_n3A_2595 : vector<256x1xf32>
    %select_n3A_2966 = arith.select %lt3A_2965, %broadcast_in_dim3A_2915, %select_n3A_2595 : vector<256x1xi1>, vector<256x1xf32>
    %add3A_2967 = arith.constant 3584 : i32
    %add3A_2968 = vector.broadcast %add3A_2967 : i32 to vector<256x1xi32>
    %add3A_2969 = arith.addi %broadcast_in_dim3A_2925, %add3A_2968 : vector<256x1xi32>
    %select_n3A_2970 = arith.select %lt3A_2965, %add3A_2969, %select_n3A_2599 : vector<256x1xi1>, vector<256x1xi32>
    %select_n3A_2971 = arith.select %lt3A_2965, %broadcast_in_dim3A_2934, %select_n3A_2600 : vector<256x1xi1>, vector<256x1xf32>
    %select_n3A_2972 = arith.select %lt3A_2965, %broadcast_in_dim3A_2940, %select_n3A_2601 : vector<256x1xi1>, vector<256x1xf32>
    %select_n3A_2973 = arith.select %lt3A_2965, %broadcast_in_dim3A_2946, %select_n3A_2602 : vector<256x1xi1>, vector<256x1xf32>
    %select_n3A_2974 = arith.select %lt3A_2965, %broadcast_in_dim3A_2952, %select_n3A_2603 : vector<256x1xi1>, vector<256x1xf32>
    %select_n3A_2975 = arith.select %lt3A_2965, %broadcast_in_dim3A_2958, %select_n3A_2604 : vector<256x1xi1>, vector<256x1xf32>
    %select_n3A_2976 = arith.select %lt3A_2965, %broadcast_in_dim3A_2964, %select_n3A_2605 : vector<256x1xi1>, vector<256x1xf32>
    %swap3A = arith.constant 0 : index
    %swap3A_2977 = arith.constant 0 : index
    %swap3A_2978 = vector.load %arg3[%swap3A, %swap3A_2977] : memref<256x1xf32, #tpu.memory_space<vmem>>, vector<256x1xf32>
    tpu.vector_store %arg3[%swap3A, %swap3A_2977], %select_n3A_2966 {strides = array<i32>} : memref<256x1xf32, #tpu.memory_space<vmem>>, vector<256x1xf32>,
    %swap3A_2979 = arith.constant 0 : index
    %swap3A_2980 = arith.constant 0 : index
    %swap3A_2981 = vector.load %arg5[%swap3A_2979, %swap3A_2980] : memref<256x1xi32, #tpu.memory_space<vmem>>, vector<256x1xi32>
    tpu.vector_store %arg5[%swap3A_2979, %swap3A_2980], %select_n3A_2970 {strides = array<i32>} : memref<256x1xi32, #tpu.memory_space<vmem>>, vector<256x1xi32>,
    %concatenate3A = tpu.concatenate %select_n3A_2974, %select_n3A_2975, %select_n3A_2976 in 1 : vector<256x1xf32>, vector<256x1xf32>, vector<256x1xf32> -> vector<256x3xf32>
    %swap3A_2982 = arith.constant 0 : index
    %swap3A_2983 = arith.constant 0 : index
    %swap3A_2984 = vector.load %arg4[%swap3A_2982, %swap3A_2983] : memref<256x3xf32, #tpu.memory_space<vmem>>, vector<256x3xf32>
    tpu.vector_store %arg4[%swap3A_2982, %swap3A_2983], %concatenate3A {strides = array<i32>} : memref<256x3xf32, #tpu.memory_space<vmem>>, vector<256x3xf32>,
    %concatenate3A_2985 = tpu.concatenate %select_n3A_2971, %select_n3A_2972, %select_n3A_2973 in 1 : vector<256x1xf32>, vector<256x1xf32>, vector<256x1xf32> -> vector<256x3xf32>
    %swap3A_2986 = arith.constant 0 : index
    %swap3A_2987 = arith.constant 0 : index
    %swap3A_2988 = vector.load %arg6[%swap3A_2986, %swap3A_2987] : memref<256x3xf32, #tpu.memory_space<vmem>>, vector<256x3xf32>
    tpu.vector_store %arg6[%swap3A_2986, %swap3A_2987], %concatenate3A_2985 {strides = array<i32>} : memref<256x3xf32, #tpu.memory_space<vmem>>, vector<256x3xf32>,
    return
  }
  func.func @transform_0(%arg0: i32) -> (i32, i32) {
    %c0_i32 = arith.constant 0 : i32
    %c0_i32_0 = arith.constant 0 : i32
    %c0_i32_1 = arith.constant 0 : i32
    return %c0_i32, %c0_i32_0 : i32, i32
  }
  func.func @transform_1(%arg0: i32) -> (i32, i32) {
    %c0_i32 = arith.constant 0 : i32
    %c0_i32_0 = arith.constant 0 : i32
    return %arg0, %c0_i32 : i32, i32
  }
  func.func @transform_2(%arg0: i32) -> (i32, i32) {
    %c0_i32 = arith.constant 0 : i32
    %c0_i32_0 = arith.constant 0 : i32
    return %arg0, %c0_i32 : i32, i32
  }
  func.func @transform_3(%arg0: i32) -> (i32, i32) {
    %c0_i32 = arith.constant 0 : i32
    %c0_i32_0 = arith.constant 0 : i32
    return %arg0, %c0_i32 : i32, i32
  }
  func.func @transform_4(%arg0: i32) -> (i32, i32) {
    %c0_i32 = arith.constant 0 : i32
    %c0_i32_0 = arith.constant 0 : i32
    return %arg0, %c0_i32 : i32, i32
  }
  func.func @transform_5(%arg0: i32) -> (i32, i32) {
    %c0_i32 = arith.constant 0 : i32
    %c0_i32_0 = arith.constant 0 : i32
    return %arg0, %c0_i32 : i32, i32
  }
}

</mosaic_0001>

<sc_bundles>
// kernel: kernel.4.cloned.1.call-start
scs
__scs_entry_jumppad:
0x0: {  	(pc) =	sbr.rel $0x88, $3  }
0x1: {  	(tag) =	ssettag $0x0;
	lr =	simm.s32 $0x1  }
0x2: {  	[smem:$0x3F9F] =	sst lr;
	_ =	strace $0xD0000000  }
0x3: {  	_ = 	snop  }
0x4: {  	_ = 	snop  }
0x5: {  	_ = 	snop  }
0x6: {  	_ = 	snop  }
0x7: {  	_ = 	snop  }
__scs_overlays_trampoline_lowered:
0x8: {  	[smem:$0x3FAE] =	sst s0  }
0x9: {  	[smem:$0x3FAF] =	sst s1  }
0xa: {  	[smem:$0x3FB0] =	sst s2  }
0xb: {  	[smem:$0x3FB1] =	sst s3  }
0xc: {  	[smem:$0x3FB2] =	sst s4  }
0xd: {  	[smem:$0x3FB3] =	sst s5  }
0xe: {  	[smem:$0x3FB4] =	sst s6  }
0xf: {  	[smem:$0x3FB5] =	sst s7  }
0x10: {  	[smem:$0x3FB6] =	sst s8  }
0x11: {  	[smem:$0x3FB7] =	sst s9;
	s0 =	simm.s32 @!p0 $0x0  }
0x12: {  	s1 =	sld [smem:$0x3F9D];
	s0 =	simm.s32 @p0 $0x1  }
0x13: {  	[smem:$0x3FB8] =	sst s0;
	s0 =	simm.s32 @!p1 $0x0  }
0x14: {  	s2 =	sld [smem:$0x3F9C];
	s0 =	simm.s32 @p1 $0x1  }
0x15: {  	[smem:$0x3FB9] =	sst s0;
	s0 =	simm.s32 @!p2 $0x0  }
0x16: {  	s3 =	sld [smem:$0x3FDB];
	s0 =	simm.s32 @p2 $0x1  }
0x17: {  	s4 =	simm.s32 $0x1BF5;
	[smem:$0x3FBB] =	sst s0  }
0x18: {  	s0 =	sld [smem:$0x3F9E];
	_ =	swait.ge [sflag:s4], $0x0  }
0x19: {  	s7 =	sld [smem:$0x3F9F]  }
0x1a: {  	s8 =	sadd.s32 $0xFFFFE003, lr  }
0x1b: {  	s9 =	sadd.s32 $0xFFFFFEF7, lr;
	s5 =	simm.s32 $0xFFFFFFFF;
	p2 =	slt.u32 s8, $0xFFFFF086  }
0x1c: {  	p1 =	slt.u32 s9, $0xF7A;
	s5 =	simm.s32 @!p2 $0x0  }
0x1d: {  	s5 =	simm.s32 @p1 $0x1;
	p0 =	seq.s32 s7, s2  }
0x1e: {  	s7 =	smul.u32 @!p0 $0xF7A, s2;
	p2 =	seq.s32 @!p0 s5, $0x0  }
0x1f: {  	s9 =	smul.u32 $0xF7A, s1;
	s8 =	simm.s32 @!p0 $0x1BF5;
	p2 =	por !p2, p0  }
0x20: {  	[sflag:s8] =	ssyncset.s32 @!p0 $0xFFFFF086;
	s6 =	sadd.s32 @!p0 s3, s7;
	s7 =	simm.s32 @!p0 $0x108  }
0x21: {  	s3 =	sadd.s32 s3, s9;
	s6 =	sadd.s32 @!p0 $0x88, s6;
	s7 =	simm.s32 @p2 $0x1082  }
0x22: {  	[simem:s7], [sflag:s8] =	dma.local @!p0 [hbm:s6], $0xF7A  }
0x23: {  	s9 =	sor.u32 $0xD0000000, s2;
	s6 =	simm.s32 $0x108;
	_ =	swait.ge @!p0 [sflag:s8], $0x0  }
0x24: {  	s3 =	sadd.s32 $0x88, s3;
	s6 =	simm.s32 @!p1 $0x1082;
	[sflag:s4] =	ssyncset.s32 $0xFFFFF086  }
0x25: {  	[simem:s6], [sflag:s4] =	dma.local [hbm:s3], $0xF7A  }
0x26: {  	[smem:$0x3F9F] =	sst s1;
	(tag) =	ssettag s2;
	_ =	strace s9  }
0x27: {  	s1 =	sld [smem:$0x3FAF]  }
0x28: {  	s2 =	sld [smem:$0x3FB0]  }
0x29: {  	s4 =	sld [smem:$0x3FB2]  }
0x2a: {  	p0 =	seq.s32 s5, $0x0;
	s5 =	sld [smem:$0x3FB3]  }
0x2b: {  	s6 =	sld [smem:$0x3FB4]  }
0x2c: {  	s7 =	sld [smem:$0x3FB5]  }
0x2d: {  	s3 =	simm.s32 $0x108;
	s8 =	sld [smem:$0x3FB6]  }
0x2e: {  	s3 =	simm.s32 @!p0 $0x1082;
	s9 =	sld [smem:$0x3FB7]  }
0x2f: {  	lr =	sadd.s32 s0, s3;
	s0 =	sld [smem:$0x3FAE]  }
0x30: {  	s3 =	sld [smem:$0x3FB1]  }
0x31: {  	[smem:$0x3FBA] =	sst s10  }
0x32: {  	s10 =	sld [smem:$0x3FB8];
	_ =	sdelay $0x3  }
0x33: {  	p0 =	seq.s32 s10, $0x1;
	s10 =	sld [smem:$0x3FBA];
	_ =	sdelay $0x3  }
0x34: {  	[smem:$0x3FBA] =	sst s10  }
0x35: {  	s10 =	sld [smem:$0x3FB9];
	_ =	sdelay $0x3  }
0x36: {  	p1 =	seq.s32 s10, $0x1;
	s10 =	sld [smem:$0x3FBA];
	_ =	sdelay $0x3  }
0x37: {  	[smem:$0x3FBA] =	sst s10  }
0x38: {  	s10 =	sld [smem:$0x3FBB]  }
0x39: {  	_ = 	snop;
	(pc) =	sbr.ind lr, $3  }
0x3a: {  	_ = 	snop  }
0x3b: {  	_ = 	snop  }
0x3c: {  	p2 =	seq.s32 s10, $0x1;
	s10 =	sld [smem:$0x3FBA]  }
0x3d: {  	_ =	shalt  }
0x3e: {  	_ =	shalt  }
0x3f: {  	_ =	shalt  }
0x40: {  	_ =	shalt  }
0x41: {  	_ =	shalt  }
0x42: {  	_ =	shalt  }
0x43: {  	_ =	shalt  }
0x44: {  	_ =	shalt  }
0x45: {  	_ =	shalt  }
0x46: {  	_ =	shalt  }
0x47: {  	_ =	shalt  }
0x48: {  	_ =	shalt  }
0x49: {  	_ =	shalt  }
0x4a: {  	_ =	shalt  }
0x4b: {  	_ =	shalt  }
0x4c: {  	_ =	shalt  }
0x4d: {  	_ =	shalt  }
0x4e: {  	_ =	shalt  }
0x4f: {  	_ =	shalt  }
0x50: {  	_ =	shalt  }
0x51: {  	_ =	shalt  }
0x52: {  	_ =	shalt  }
0x53: {  	_ =	shalt  }
0x54: {  	_ =	shalt  }
0x55: {  	_ =	shalt  }
0x56: {  	_ =	shalt  }
0x57: {  	_ =	shalt  }
0x58: {  	_ =	shalt  }
0x59: {  	_ =	shalt  }
0x5a: {  	_ =	shalt  }
0x5b: {  	_ =	shalt  }
0x5c: {  	_ =	shalt  }
0x5d: {  	_ =	shalt  }
0x5e: {  	_ =	shalt  }
0x5f: {  	_ =	shalt  }
0x60: {  	_ =	shalt  }
0x61: {  	_ =	shalt  }
0x62: {  	_ =	shalt  }
0x63: {  	_ =	shalt  }
0x64: {  	_ =	shalt  }
0x65: {  	_ =	shalt  }
0x66: {  	_ =	shalt  }
0x67: {  	_ =	shalt  }
0x68: {  	_ =	shalt  }
0x69: {  	_ =	shalt  }
0x6a: {  	_ =	shalt  }
0x6b: {  	_ =	shalt  }
0x6c: {  	_ =	shalt  }
0x6d: {  	_ =	shalt  }
0x6e: {  	_ =	shalt  }
0x6f: {  	_ =	shalt  }
0x70: {  	_ =	shalt  }
0x71: {  	_ =	shalt  }
0x72: {  	_ =	shalt  }
0x73: {  	_ =	shalt  }
0x74: {  	_ =	shalt  }
0x75: {  	_ =	shalt  }
0x76: {  	_ =	shalt  }
0x77: {  	_ =	shalt  }
0x78: {  	_ =	shalt  }
0x79: {  	_ =	shalt  }
0x7a: {  	_ =	shalt  }
0x7b: {  	_ =	shalt  }
0x7c: {  	_ =	shalt  }
0x7d: {  	_ =	shalt  }
0x7e: {  	_ =	shalt  }
0x7f: {  	_ =	shalt  }
0x80: {  	_ =	shalt  }
0x81: {  	_ =	shalt  }
0x82: {  	_ =	shalt  }
0x83: {  	_ =	shalt  }
0x84: {  	_ =	shalt  }
0x85: {  	_ =	shalt  }
0x86: {  	_ =	shalt  }
0x87: {  	_ =	shalt  }
.Lfunc_end0:
.L_simem_size_0:
called_computation_lowered:
.L_overlay_start_0:
0x88: {  	s2 =	sld [smem:$0x3FD9]  }
0x89: {  	s3 =	sld [smem:$0x3FFE];
	_ =	sdelay $0x1  }
0x8a: {  	s1 =	srdreg.scid  }
0x8b: {  	s0 =	sand.u32 $0x1, s1  }
0x8c: {  	s14 =	sshll.u32 s0, $0xA;
	s2 =	sadd.s32 s3, s2  }
0x8d: {  	s2 =	sadd.s32 s2, s14  }
0x8e: {  	[smem:$0x3FC6] =	sst s2  }
0x8f: {  	_ = 	snop  }
0x90: {  	s2 =	sld [smem:$0x3FD0];
	_ =	sdelay $0x2  }
0x91: {  	s15 =	simm.s32 $0xA;
	s4 =	simm.s32 $0x10  }
0x92: {  	[smem:s4], [sflag:s15] =	dma.local [hbm:s2], $0x1  }
0x93: {  	_ =	swait.eq [sflag:s15], $0x1  }
0x94: {  	s16 =	sld [smem:$0x10]  }
0x95: {  	s17 =	sld [smem:$0x11];
	[sflag:s15] =	ssyncset.done $0x0  }
0x96: {  	s5 =	sld [smem:$0x12];
	[sflag:s15] =	ssyncadd.s32 $0xFFFFFFFF  }
0x97: {  	s18 =	sld [smem:$0x13];
	(tm) =	ssettm $0x1  }
0x98: {  	s6 =	sld [smem:$0x3FFB];
	_ =	sdelay $0x3  }
0x99: {  	_ =	strace s6  }
0x9a: {  	s6 =	sld [smem:$0x3FFC];
	_ =	sdelay $0x3  }
0x9b: {  	_ =	strace s6  }
0x9c: {  	s6 =	sld [smem:$0x3FFD];
	_ =	sdelay $0x3  }
0x9d: {  	_ =	strace s6  }
0x9e: {  	_ =	strace $0x8FFFFFFF  }
0x9f: {  	s19 =	sld [smem:$0x3FDB];
	_ =	sdelay $0x1  }
0xa0: {  	s7 =	simm.s32 $_scs_section_size  }
0xa1: {  	s8 =	simm.s32 $_size__tile_overlayer_lowered;
	s9 =	simm.s32 $_tile_overlayer_lowered  }
0xa2: {  	s22 =	simm.s32 $0x1BFF;
	s21 =	sshll.u32 s9, $0x1;
	s6 =	sadd.s32 s7, s19  }
0xa3: {  	s10 =	simm.s32 $0x0;
	s20 =	sshll.u32 s8, $0x1;
	s8 =	sadd.s32 s21, s6  }
0xa4: {  	[timem:s10], [sflag:s22] =	dma.local [hbm:s8], s20  }
0xa5: {  	_ =	swait.ge [sflag:s22], s20  }
0xa6: {  	s7 =	ssub.s32 $0x0, s20;
	[sflag:s22] =	ssyncset.done $0x0  }
0xa7: {  	[sflag:s22] =	ssyncadd.s32 s7;
	_ =	sdelay $0x1  }
0xa8: {  	s23 =	simm.s32 $0x1B8B  }
0xa9: {  	_ =	swait.ge [sflag:s23], $0x1  }
0xaa: {  	[sflag:s23] =	ssyncset.done $0x0  }
0xab: {  	s25 =	simm.s32 $0x1B8E;
	s24 =	sld [smem:$0x3FFE];
	[sflag:s23] =	ssyncadd.s32 $0xFFFFFFFF  }
0xac: {  	s26 =	simm.s32 $execute0_lowered;
	[smem:$0x3FD2] =	sst s25  }
0xad: {  	s8 =	sshll.u32 s26, $0x1;
	_ =	strace $0x80000046;
	[dreg:$0x1] =	wrdreg $0xFFFFFFFF  }
0xae: {  	s28 =	simm.s32 $_size_execute0_lowered;
	s6 =	sadd.s32 s6, s8;
	[dreg:$0x0] =	wrdreg $0x0  }
0xaf: {  	s8 =	sshll.u32 s28, $0x1;
	[dreg:$0x2] =	wrdreg s6  }
0xb0: {  	[dreg:$0x3] =	wrdreg s8  }
0xb1: {  	[dreg:$0x4] =	wrdreg $0xC0  }
0xb2: {  	_ =	task [dreg:s10], $0x5FFFF  }
0xb3: {  	[dreg:$0x1] =	wrdreg $0xFFFFFFFF  }
0xb4: {  	[dreg:$0x0] =	wrdreg $0x60  }
0xb5: {  	[dreg:$0x2] =	wrdreg s24  }
0xb6: {  	[dreg:$0x3] =	wrdreg s18  }
0xb7: {  	[dreg:$0x4] =	wrdreg s16  }
0xb8: {  	[dreg:$0x5] =	wrdreg s5  }
0xb9: {  	[dreg:$0x6] =	wrdreg s17  }
0xba: {  	[dreg:$0x7] =	wrdreg $0x9  }
0xbb: {  	_ =	task.clear_ibuf [dreg:s10], $0x8FFFF;
	_ =	strace $0x90000046  }
0xbc: {  	s29 =	simm.s32 $0x9;
	_ =	strace $0x80000048  }
0xbd: {  	_ =	swait.ge [sflag:s29], $0x1  }
0xbe: {  	[sflag:s29] =	ssyncadd.s32 $0xFFFFFFFF  }
0xbf: {  	_ =	strace $0x90000048  }
0xc0: {  	_ =	sfence  }
0xc1: {  	s30 =	sld [smem:$0x0];
	_ =	sdelay $0x2  }
0xc2: {  	s31 =	sshll.u32 s1, $0xD;
	s1 =	sshrl.u32 s1, $0x2  }
0xc3: {  	s3 =	sand.u32 $0x4000, s31;
	s1 =	sadd.s32 s1, s30  }
0xc4: {  	s0 =	sor.u32 s3, s0;
	s1 =	sshll.u32 s1, $0x11  }
0xc5: {  	s0 =	sor.u32 s1, s0  }
0xc6: {  	s0 =	sadd.s32 $0x8F2B, s0  }
0xc7: {  	[sflag:s0] =	ssyncadd.remote.s32 $0x1  }
0xc8: {  	_ =	sfence.sel $0xFFFF  }
0xc9: {  	[dreg:$0x0] =	wrdreg $0xFFFFFFFF;
	(pc) =	sbr.abs _section_cstart, $3  }
0xca: {  	[dreg:$0x1] =	wrdreg $0xFFFFFFFF  }
0xcb: {  	_ =	task.clear_ibuf [dreg:s10], $0x2FFFF;
	_ =	strace $0x9FFFFFFF  }
0xcc: {  	(tm) =	ssettm $0x7FFFFFFF  }
0xcd: {  	_ =	shalt  }
tec
execute0_lowered:
.L_overlay_start_1:
0x0: {  	(tag) =	ssettag $0x1  }
0x1: {  	s5 =	rddreg [dreg:$0x0]  }
0x2: {  	s0 =	rddreg [dreg:$0x1]  }
0x3: {  	s3 =	rddreg [dreg:$0x2]  }
0x4: {  	s1 =	srdreg.scid;
	v0 =	vimm.s32 $0xFEDCBA98;
	s7 =	rddreg [dreg:$0x3]  }
0x5: {  	s2 =	stileid.u32;
	s9 =	rddreg [dreg:$0x4];
	v1 =	vimm.s32 $0x76543210;
	v2 =	vimm.s32 $0xBA98FEDC;
	v3 =	vimm.s32 $0x32107654  }
0x6: {  	v4 =	vimm.s32 $0xDCFE98BA;
	v5 =	vimm.s32 $0x54761032;
	s16 =	simm.s32 $0x1;
	s17 =	simm.s32 $0x9000;
	s18 =	simm.s32 $0x9080  }
0x7: {  	v6 =	vimm.s32 $0xEFCDAB89;
	s19 =	simm.s32 $0x9100;
	s20 =	simm.s32 $0x9180;
	s21 =	simm.s32 $0x9200  }
0x8: {  	v7 =	vimm.s32 $0x67452301;
	s22 =	simm.s32 $0x9280;
	s23 =	simm.s32 $0x9300;
	s24 =	simm.s32 $0x9380  }
0x9: {  	s25 =	simm.s32 $0x9400;
	s1 =	sand.u32 $0x1, s1;
	s2 =	sshll.u32 s2, $0x1;
	v0 =	vunpack.c.l.s4.s8 v0;
	v1 =	vunpack.c.l.s4.s8 v1;
	v2 =	vunpack.c.l.s4.s8 v2  }
0xa: {  	s26 =	simm.s32 $0x9480;
	s28 =	simm.s32 $0x9500;
	v3 =	vunpack.c.l.s4.s8 v3;
	v4 =	vunpack.c.l.s4.s8 v4;
	v5 =	vunpack.c.l.s4.s8 v5;
	s4 =	sor.u32 s1, s2  }
0xb: {  	v6 =	vunpack.c.l.s4.s8 v6;
	v7 =	vunpack.c.l.s4.s8 v7;
	s2 =	simm.s32 $0x0;
	s1 =	ssub.s32 $0x2, s1;
	s10 =	smul.u32 $0x9, s4;
	v0 =	vunpack.c.0.s8.s32 v0  }
0xc: {  	s29 =	simm.s32 $0x0;
	[smem:$0x7FF] =	sst s2;
	s31 =	sshrl.u32 s1, $0x1;
	v2 =	vunpack.c.0.s8.s32 v2;
	v3 =	vunpack.c.0.s8.s32 v3;
	v4 =	vunpack.c.0.s8.s32 v4  }
0xd: {  	v5 =	vunpack.c.0.s8.s32 v5;
	v6 =	vunpack.c.0.s8.s32 v6;
	v7 =	vunpack.c.0.s8.s32 v7;
	_ =	strace $0x80000047;
	s1 =	ssub.s32 s1, s31;
	s14 =	sadd.s32 s10, s5  }
0xe: {  	s5 =	sadd.s32 s0, s10;
	s6 =	sadd.s32 s3, s10;
	s7 =	sadd.s32 s7, s10;
	v3 =	vcombine.low v3, v2;
	v2 =	vunpack.c.0.s8.s32 v1  }
0xf: {  	s9 =	sadd.s32 s9, s10;
	s15 =	smax.u32 s1, $0x1;
	v8 =	vand.u32 $0xF, v0;
	v4 =	vcombine.low v5, v4;
	v5 =	vcombine.low v7, v6;
	s4 =	sadd.s32 $0x1C00, s14  }
0x10: {  	v0 =	vimm.f32 $9.999999960e-13;
	v1 =	vlaneseq.u32;
	s8 =	sadd.s32 $0x1E00, s14;
	s10 =	sadd.s32 $0x1800, s14;
	s11 =	sadd.s32 $0x1A00, s14;
	v2 =	vcombine.low v8, v2  }
0x11: {  	s12 =	sadd.s32 $0x1200, s14;
	s13 =	sadd.s32 $0x1400, s14;
	s14 =	sadd.s32 $0x1600, s14;
	v3 =	vand.u32 $0xF, v3;
	v4 =	vand.u32 $0xF, v4;
	v5 =	vand.u32 $0xF, v5  }
.LBB2_1:
0x12: {  	s0 =	rddreg [dreg:$0x0]  }
0x13: {  	[tilespmem:s2], [sflag:$0x1] =	stream.linear.gather [hbm4b:s0+s2], $0x9000, $0x38;
	[tilespmem:$0x9580] =	vst v63  }
0x14: {  	_ =	swait.ge [sflag:s16], $0x9000  }
0x15: {  	[sflag:s16] =	ssyncset.done $0x0  }
0x16: {  	[sflag:s16] =	ssyncadd.s32 $0xFFFF7000  }
0x17: {  	[tilespmem:s17], [sflag:$0x1] =	stream.linear.gather [hbm4b:s5+s2], $0x48, $0x38;
	[tilespmem:$0x9580] =	vst v63  }
0x18: {  	_ =	swait.ge [sflag:s16], $0x48  }
0x19: {  	[sflag:s16] =	ssyncset.done $0x0  }
0x1a: {  	[sflag:s16] =	ssyncadd.s32 $0xFFFFFFB8  }
0x1b: {  	[tilespmem:s18], [sflag:$0x1] =	stream.linear.gather [hbm4b:s6+s2], $0x48, $0x38;
	[tilespmem:$0x9580] =	vst v63  }
0x1c: {  	_ =	swait.ge [sflag:s16], $0x48  }
0x1d: {  	[sflag:s16] =	ssyncset.done $0x0  }
0x1e: {  	[sflag:s16] =	ssyncadd.s32 $0xFFFFFFB8  }
0x1f: {  	[tilespmem:s19], [sflag:$0x1] =	stream.linear.gather [hbm4b:s7+s2], $0x48, $0x38;
	[tilespmem:$0x9580] =	vst v63  }
0x20: {  	_ =	swait.ge [sflag:s16], $0x48  }
0x21: {  	[sflag:s16] =	ssyncset.done $0x0  }
0x22: {  	s30 =	simm.s32 $0x0;
	[sflag:s16] =	ssyncadd.s32 $0xFFFFFFB8  }
.LBB2_2:
0x23: {  	s0 =	simm.s32 $0x0  }
0x24: {  	s1 =	sand.u32 $0xFF0, s0;
	v18 =	vld [tilespmem:s0+$0x0]  }
0x25: {  	v15 =	vld [tilespmem:s1+$0x2000]  }
0x26: {  	v16 =	vld [tilespmem:s1+$0x5000]  }
0x27: {  	v14 =	vld [tilespmem:s1+$0x8000]  }
0x28: {  	v6 =	vmov s30;
	v20 =	vld [tilespmem:s1+$0x3000]  }
0x29: {  	v19 =	vld [tilespmem:s1+$0x1000]  }
0x2a: {  	v21 =	vld [tilespmem:s1+$0x4000]  }
0x2b: {  	v22 =	vld [tilespmem:s1+$0x6000]  }
0x2c: {  	v17 =	vld [tilespmem:s1+$0x7000]  }
0x2d: {  	v7 =	vld.idx.msk [tilespmem:v6+s19+$0x0], $0xffff  }
0x2e: {  	v8 =	vld.idx.msk [tilespmem:v6+s17+$0x0], $0xffff  }
0x2f: {  	v9 =	vld.idx.msk [tilespmem:v6+s18+$0x0], $0xffff;
	v11 =	vsub.f32 v16, v15  }
0x30: {  	v13 =	vsub.f32 v14, v15;
	v24 =	vsub.f32 v20, v18  }
0x31: {  	v25 =	vsub.f32 v21, v19;
	v26 =	vsub.f32 v22, v18  }
0x32: {  	v27 =	vsub.f32 v17, v19;
	v10 =	vsub.f32 v7, v15  }
0x33: {  	v23 =	vsub.f32 v7, v16;
	v12 =	vsub.f32 v8, v18  }
0x34: {  	v28 =	vsub.f32 v9, v19;
	v29 =	vmul.f32 v11, v10;
	v30 =	vmul.f32 v13, v10  }
0x35: {  	v33 =	vsub.f32 v9, v21;
	v31 =	vmul.f32 v24, v12;
	v32 =	vmul.f32 v23, v11  }
0x36: {  	v37 =	vsub.f32 v9, v17;
	v34 =	vmul.f32 v25, v28;
	v12 =	vmul.f32 v26, v12  }
0x37: {  	v10 =	vsub.f32 v8, v20;
	v28 =	vmul.f32 v27, v28;
	v38 =	vmul.f32 v33, v25  }
0x38: {  	v35 =	vsub.f32 v8, v22;
	v33 =	vmul.f32 v27, v33;
	v25 =	vmul.f32 v37, v25  }
0x39: {  	v27 =	vmul.f32 v37, v27;
	v36 =	vmul.f32 v10, v24  }
0x3a: {  	s31 =	simm.s32 $0x10;
	v40 =	vsub.f32 v7, v14;
	v39 =	vmul.f32 v26, v10;
	v24 =	vmul.f32 v35, v24  }
0x3b: {  	s3 =	sand.u32 $0xFF0, s31;
	v26 =	vmul.f32 v35, v26;
	v31 =	vadd.f32 v34, v31;
	v28 =	vadd.f32 v28, v12  }
0x3c: {  	v46 =	vmul.f32 v40, v11;
	v11 =	vld [tilespmem:s3+$0x8000];
	v45 =	vadd.f32 v38, v36;
	v33 =	vadd.f32 v33, v39  }
0x3d: {  	v10 =	vld [tilespmem:s3+$0x2000];
	v24 =	vadd.f32 v25, v24;
	v25 =	vadd.f32 v27, v26;
	v26 =	vmul.f32 v40, v13  }
0x3e: {  	v12 =	vld [tilespmem:s3+$0x5000];
	v27 =	vadd.f32 v29, v31;
	v30 =	vadd.f32 v30, v28;
	v13 =	vmul.f32 v13, v23  }
0x3f: {  	v23 =	vadd.f32 v46, v24;
	v24 =	vadd.f32 v26, v25  }
0x40: {  	v25 =	vadd.f32 v32, v45;
	v13 =	vadd.f32 v13, v33  }
0x41: {  	v26 =	vmul.f32 v30, v23;
	v31 =	vmul.f32 v24, v27  }
0x42: {  	vm13 =	vle.f32 v27, $0.0e+00;
	v32 =	vmul.f32 v24, v25;
	v33 =	vmul.f32 v13, v23  }
0x43: {  	v29 =	vsub.f32 v12, v10;
	v28 =	vsub.f32 v11, v10;
	v47 =	vmul.f32 v13, v27  }
0x44: {  	v49 =	vmul.f32 v30, v25;
	v26 =	vsub.f32 v26, v31;
	v31 =	vsub.f32 v32, v33  }
0x45: {  	vm14 =	vle.f32 v30, $0.0e+00;
	v48 =	vsub.f32 v27, v25;
	v50 =	vsub.f32 v30, v24  }
0x46: {  	vm4 =	vge.f32 v27, $0.0e+00;
	v34 =	vsub.f32 v47, v49;
	v33 =	vadd.f32 v26, v31  }
0x47: {  	vm8 =	vge.f32 v30, $0.0e+00;
	v51 =	vsub.f32 v13, v25;
	v53 =	vsub.f32 v23, v24  }
0x48: {  	v52 =	vand.u32 $0x7FFFFFFF, v48;
	vm0 =	vlt.f32 v48, $0.0e+00;
	v33 =	vadd.f32 v33, v34  }
0x49: {  	v54 =	vand.u32 $0x7FFFFFFF, v50;
	v56 =	vadd.f32 v53, v51;
	vm2 =	vlt.f32 v52, $9.999999960e-13  }
0x4a: {  	v55 =	vsel vm0, $0xAB8CBCCC, v0;
	v57 =	vand.u32 $0x7FFFFFFF, v33;
	vm3 =	vlt.f32 v33, $0.0e+00  }
0x4b: {  	v35 =	vsel vm2, v55, v48;
	vm10 =	vlt.f32 v57, $9.999999960e-13;
	v58 =	vsel vm3, $0xAB8CBCCC, v0  }
0x4c: {  	v59 =	vand.u32 $0x7FFFFFFF, v56;
	vm11 =	vlt.f32 v56, $0.0e+00;
	v33 =	vsel vm10, v58, v33  }
0x4d: {  	vm12 =	vlt.f32 v59, $9.999999960e-13;
	v60 =	vsel vm11, $0xAB8CBCCC, v0;
	(erf) = vrcp.f32 v33  }
0x4e: {  	vm1 =	vlt.f32 v50, $0.0e+00;
	v36 =	vsel vm12, v60, v56;
	(erf) = vrcp.f32 v35  }
0x4f: {  	vm9 =	vlt.f32 v54, $9.999999960e-13;
	v61 =	vsel vm1, $0xAB8CBCCC, v0;
	(erf) = vrcp.f32 v36  }
0x50: {  	v62 =	vsub.f32 v7, v10;
	vm15 =	vge.f32 v25, $0.0e+00;
	v32 =	vsel vm9, v61, v50  }
0x51: {  	vm5 =	vle.f32 v25, $0.0e+00;
	vm6 =	vge.f32 v24, $0.0e+00;
	(erf) = vrcp.f32 v32  }
0x52: {  	vm7 =	vle.f32 v23, v24;
	v43 =	vmul.f32 v29, v62;
	v40 =	vmul.f32 v28, v62  }
0x53: {  	vm0 =	vmand vm13, vm14;
	vm13 =	vge.f32 v51, $0.0e+00;
	vm14 =	vge.f32 v53, $0.0e+00  }
0x54: {  	vm9 =	vle.f32 v24, $0.0e+00;
	vm2 =	vmand vm6, vm7;
	vm12 =	vle.f32 v13, v25  }
0x55: {  	vm11 =	vle.f32 v26, $0.0e+00;
	vm1 =	vmand vm15, vm12;
	vm12 =	vle.f32 v31, $0.0e+00  }
0x56: {  	vm15 =	vmor vm0, vm1;
	vm3 =	vmand vm13, vm14;
	vm10 =	vle.f32 v34, $0.0e+00;
	v13 =	vpop (erf)  }
0x57: {  	vm13 =	vmand vm11, vm9;
	vm3 =	vmand vm3, vm12;
	vm5 =	vmand vm10, vm5;
	v24 =	vpop (erf)  }
0x58: {  	v33 =	vsub.f32 v7, v12;
	vm4 =	vmand vm5, vm4;
	v23 =	vmul.f32 v13, v26;
	v25 =	vpop (erf)  }
0x59: {  	vm5 =	vmand vm13, vm8;
	vm14 =	vmor vm15, vm4;
	v25 =	vmul.f32 v25, v51  }
0x5a: {  	v13 =	vmul.f32 v13, v34;
	v24 =	vmul.f32 v24, v27;
	v26 =	vsub.f32 $1.000000000e+00, v23;
	v31 =	vpop (erf)  }
0x5b: {  	vm15 =	vmor vm2, vm5;
	v27 =	vmul.f32 v31, v30;
	v30 =	vsub.f32 $1.000000000e+00, v25  }
0x5c: {  	v36 =	vor.u32 s0, v1;
	v63 =	vsub.f32 $1.000000000e+00, v24;
	v26 =	vsub.f32 v26, v13  }
0x5d: {  	v25 =	vsel vm3, v25, v13;
	v13 =	vld [tilespmem:s31+$0x0];
	v31 =	vsub.f32 $1.000000000e+00, v27;
	v23 =	vsel vm3, v30, v23  }
0x5e: {  	v25 =	vsel vm5, v27, v25;
	v26 =	vsel vm3, $0x0, v26;
	v23 =	vsel vm15, $0x0, v23  }
0x5f: {  	v27 =	vld [tilespmem:s3+$0x1000];
	v25 =	vsel vm2, $0x3F800000, v25;
	v30 =	vsel vm5, v31, v26;
	v23 =	vsel vm4, v24, v23  }
0x60: {  	v26 =	vld [tilespmem:s3+$0x3000];
	v31 =	vsel vm14, $0x0, v25;
	v30 =	vsel vm2, $0x0, v30;
	v23 =	vsel vm1, $0x3F800000, v23  }
0x61: {  	v22 =	vmul.f32 v31, v22;
	v24 =	vsel vm4, v63, v30;
	v32 =	vsel vm0, $0x0, v23  }
0x62: {  	v30 =	vld [tilespmem:s3+$0x4000];
	v42 =	vsub.f32 v8, v13;
	v24 =	vsel vm1, $0x0, v24;
	v20 =	vmul.f32 v32, v20  }
0x63: {  	v34 =	vsel vm0, $0x3F800000, v24;
	v23 =	vmul.f32 v32, v21;
	v16 =	vmul.f32 v32, v16  }
0x64: {  	v46 =	vsub.f32 v9, v27;
	v18 =	vmul.f32 v34, v18;
	v24 =	vmul.f32 v34, v19  }
0x65: {  	v41 =	vsub.f32 v26, v13;
	v15 =	vmul.f32 v34, v15;
	v48 =	vsub.f32 v8, v26  }
0x66: {  	v17 =	vmul.f32 v31, v17;
	v21 =	vld [tilespmem:s3+$0x6000];
	v18 =	vadd.f32 v18, v20;
	v20 =	vadd.f32 v24, v23  }
0x67: {  	v39 =	vsub.f32 v30, v27;
	v15 =	vadd.f32 v15, v16;
	v23 =	vmul.f32 v31, v14  }
0x68: {  	v25 =	vimm.f32 $0.0e+00;
	v19 =	vld [tilespmem:s3+$0x7000];
	v35 =	vadd.f32 v18, v22;
	v14 =	vadd.f32 v20, v17  }
0x69: {  	v16 =	vimm.f32 $+Inf;
	v47 =	vsub.f32 v9, v30;
	v15 =	vadd.f32 v15, v23  }
0x6a: {  	v24 =	vimm.f32 $0.0e+00;
	v20 =	vsub.f32 v8, v35;
	v22 =	vsub.f32 v9, v14  }
0x6b: {  	v44 =	vsub.f32 v21, v13;
	v17 =	vimm.s32 $0x0;
	v23 =	vsub.f32 v7, v15  }
0x6c: {  	v18 =	vimm.f32 $0.0e+00;
	v20 =	vmul.f32 v20, v20;
	v22 =	vmul.f32 v22, v22  }
0x6d: {  	v45 =	vsub.f32 v19, v27;
	v38 =	vmul.f32 v23, v23;
	v23 =	vimm.f32 $0.0e+00  }
0x6e: {  	s0 =	simm.s32 $0x20;
	s3 =	simm.s32 $0x10;
	v37 =	vadd.f32 v22, v20;
	v22 =	vimm.f32 $0.0e+00;
	v20 =	vimm.f32 $0.0e+00  }
.LBB2_3:
0x6f: {  	p0 =	sne.s32 s0, $0xFF0;
	v49 =	vmul.f32 v41, v42;
	v50 =	vmul.f32 v33, v29;
	v51 =	vsub.f32 v8, v21  }
0x70: {  	v52 =	vmul.f32 v39, v46;
	v42 =	vmul.f32 v44, v42;
	v37 =	vadd.f32 v37, v38  }
0x71: {  	v53 =	vsub.f32 v9, v19;
	v38 =	vmul.f32 v45, v46;
	v46 =	vmul.f32 v48, v41  }
0x72: {  	v54 =	vmul.f32 v47, v39;
	v48 =	vmul.f32 v44, v48;
	vm0 =	vlt.f32 v37, v16  }
0x73: {  	v47 =	vmul.f32 v45, v47;
	v41 =	vmul.f32 v51, v41;
	v16 =	vsel vm0, v37, v16  }
0x74: {  	v55 =	vsub.f32 v7, v11;
	v56 =	vmul.f32 v53, v39;
	v44 =	vmul.f32 v51, v44  }
0x75: {  	s1 =	sand.u32 $0xFF0, s0;
	v49 =	vadd.f32 v52, v49;
	v42 =	vadd.f32 v38, v42;
	v38 =	vmul.f32 v53, v45  }
0x76: {  	v29 =	vmul.f32 v55, v29;
	v45 =	vadd.f32 v54, v46;
	v46 =	vadd.f32 v47, v48;
	v39 =	vld [tilespmem:s1+$0x2000]  }
0x77: {  	v47 =	vmul.f32 v55, v28;
	v41 =	vadd.f32 v56, v41;
	v44 =	vadd.f32 v38, v44;
	v37 =	vld [tilespmem:s1+$0x5000]  }
0x78: {  	v28 =	vmul.f32 v28, v33;
	v43 =	vadd.f32 v43, v49;
	v42 =	vadd.f32 v40, v42;
	v38 =	vld [tilespmem:s1+$0x8000]  }
0x79: {  	v17 =	vsel vm0, v36, v17;
	v41 =	vadd.f32 v29, v41;
	v44 =	vadd.f32 v47, v44  }
0x7a: {  	v18 =	vsel vm0, v34, v18;
	v36 =	vadd.f32 v50, v45;
	v45 =	vadd.f32 v28, v46  }
0x7b: {  	v22 =	vsel vm0, v32, v22;
	v33 =	vmul.f32 v42, v41;
	v34 =	vmul.f32 v44, v43  }
0x7c: {  	v40 =	vmul.f32 v45, v41;
	v32 =	vmul.f32 v44, v36;
	v29 =	vsub.f32 v37, v39  }
0x7d: {  	v46 =	vmul.f32 v45, v43;
	v47 =	vsub.f32 v43, v36;
	v28 =	vsub.f32 v38, v39  }
0x7e: {  	v48 =	vmul.f32 v42, v36;
	v34 =	vsub.f32 v33, v34;
	v32 =	vsub.f32 v32, v40  }
0x7f: {  	v23 =	vsel vm0, v31, v23;
	v49 =	vsub.f32 v45, v36;
	v33 =	vsub.f32 v42, v44  }
0x80: {  	v24 =	vsel vm0, v35, v24;
	v31 =	vsub.f32 v46, v48;
	v40 =	vadd.f32 v34, v32  }
0x81: {  	v35 =	vand.u32 $0x7FFFFFFF, v47;
	vm1 =	vlt.f32 v47, $0.0e+00;
	v46 =	vsub.f32 v41, v44  }
0x82: {  	v48 =	vand.u32 $0x7FFFFFFF, v33;
	vm2 =	vlt.f32 v33, $0.0e+00;
	v40 =	vadd.f32 v40, v31  }
0x83: {  	vm3 =	vlt.f32 v35, $9.999999960e-13;
	v35 =	vsel vm1, $0xAB8CBCCC, v0;
	v50 =	vadd.f32 v46, v49  }
0x84: {  	vm1 =	vlt.f32 v48, $9.999999960e-13;
	v48 =	vand.u32 $0x7FFFFFFF, v40;
	vm4 =	vlt.f32 v40, $0.0e+00  }
0x85: {  	v35 =	vsel vm3, v35, v47;
	vm3 =	vlt.f32 v48, $9.999999960e-13;
	v47 =	vsel vm4, $0xAB8CBCCC, v0  }
0x86: {  	v48 =	vand.u32 $0x7FFFFFFF, v50;
	vm4 =	vlt.f32 v50, $0.0e+00;
	v40 =	vsel vm3, v47, v40  }
0x87: {  	vm3 =	vlt.f32 v48, $9.999999960e-13;
	v47 =	vsel vm4, $0xAB8CBCCC, v0;
	(erf) = vrcp.f32 v40  }
0x88: {  	v48 =	vsel vm2, $0xAB8CBCCC, v0;
	v47 =	vsel vm3, v47, v50;
	(erf) = vrcp.f32 v35  }
0x89: {  	v40 =	vsub.f32 v7, v39;
	v35 =	vsel vm1, v48, v33;
	(erf) = vrcp.f32 v47  }
0x8a: {  	v33 =	vsub.f32 v7, v37;
	vm1 =	vle.f32 v43, $0.0e+00;
	(erf) = vrcp.f32 v35  }
0x8b: {  	vm2 =	vle.f32 v42, $0.0e+00;
	vm4 =	vle.f32 v45, v36;
	vm3 =	vge.f32 v36, $0.0e+00  }
0x8c: {  	vm6 =	vge.f32 v43, $0.0e+00;
	vm7 =	vle.f32 v36, $0.0e+00;
	vm8 =	vge.f32 v44, $0.0e+00  }
0x8d: {  	vm5 =	vge.f32 v42, $0.0e+00;
	vm9 =	vle.f32 v41, v44;
	vm10 =	vle.f32 v44, $0.0e+00  }
0x8e: {  	vm1 =	vmand vm1, vm2;
	vm2 =	vmand vm3, vm4;
	vm3 =	vmand vm8, vm9  }
0x8f: {  	vm4 =	vge.f32 v49, $0.0e+00;
	vm8 =	vge.f32 v46, $0.0e+00;
	vm9 =	vmor vm1, vm2  }
0x90: {  	vm11 =	vle.f32 v31, $0.0e+00;
	vm12 =	vle.f32 v34, $0.0e+00;
	vm8 =	vmand vm4, vm8;
	v35 =	vpop (erf)  }
0x91: {  	vm4 =	vmand vm11, vm7;
	vm7 =	vle.f32 v32, $0.0e+00;
	v34 =	vmul.f32 v35, v34;
	v32 =	vpop (erf)  }
0x92: {  	vm4 =	vmand vm4, vm6;
	vm6 =	vmand vm12, vm10;
	vm7 =	vmand vm8, vm7;
	v36 =	vpop (erf)  }
0x93: {  	v31 =	vmul.f32 v35, v31;
	v36 =	vmul.f32 v36, v49;
	v35 =	vsub.f32 $1.000000000e+00, v34;
	v41 =	vpop (erf)  }
0x94: {  	vm5 =	vmand vm6, vm5;
	v32 =	vmul.f32 v32, v43;
	v41 =	vmul.f32 v41, v42  }
0x95: {  	vm6 =	vmor vm9, vm4;
	v35 =	vsub.f32 v35, v31;
	v42 =	vsub.f32 $1.000000000e+00, v36  }
0x96: {  	vm8 =	vmor vm3, vm5;
	v44 =	vsub.f32 $1.000000000e+00, v32;
	v43 =	vsub.f32 $1.000000000e+00, v41  }
0x97: {  	s31 =	sadd.s32 $0x10, s31;
	v31 =	vsel vm7, v36, v31;
	v35 =	vsel vm7, $0x0, v35;
	v34 =	vsel vm7, v42, v34  }
0x98: {  	v31 =	vsel vm5, v41, v31;
	v36 =	vld [tilespmem:s31+$0x0];
	v35 =	vsel vm5, v43, v35;
	v34 =	vsel vm8, $0x0, v34  }
0x99: {  	v31 =	vsel vm3, $0x3F800000, v31;
	v43 =	vld [tilespmem:s1+$0x3000];
	v35 =	vsel vm3, $0x0, v35;
	v32 =	vsel vm4, v32, v34  }
0x9a: {  	v31 =	vsel vm6, $0x0, v31;
	v45 =	vld [tilespmem:s1+$0x1000];
	v34 =	vsel vm4, v44, v35;
	v32 =	vsel vm2, $0x3F800000, v32  }
0x9b: {  	v35 =	vmul.f32 v31, v21;
	v46 =	vld [tilespmem:s1+$0x4000];
	v34 =	vsel vm2, $0x0, v34;
	v32 =	vsel vm1, $0x0, v32  }
0x9c: {  	v34 =	vsel vm1, $0x3F800000, v34;
	v26 =	vmul.f32 v32, v26;
	v30 =	vmul.f32 v32, v30  }
0x9d: {  	v21 =	vld [tilespmem:s1+$0x6000];
	v42 =	vsub.f32 v8, v36;
	v44 =	vmul.f32 v34, v13;
	v27 =	vmul.f32 v34, v27;
	v13 =	vmovc v36  }
0x9e: {  	v47 =	vmul.f32 v32, v12;
	v36 =	vmul.f32 v34, v10;
	v10 =	vmovc v39;
	v41 =	vsub.f32 v43, v13  }
0x9f: {  	v12 =	vmovc v37;
	v44 =	vadd.f32 v44, v26;
	v48 =	vadd.f32 v27, v30;
	v30 =	vmul.f32 v31, v19;
	v19 =	vld [tilespmem:s1+$0x7000]  }
0xa0: {  	v37 =	vmul.f32 v31, v11;
	v11 =	vmovc v38;
	v36 =	vadd.f32 v36, v47;
	v39 =	vsub.f32 v46, v45  }
0xa1: {  	v25 =	vsel vm0, v14, v25;
	v26 =	vmovc v43;
	v35 =	vadd.f32 v44, v35;
	v14 =	vadd.f32 v48, v30  }
0xa2: {  	v20 =	vsel vm0, v15, v20;
	v15 =	vadd.f32 v36, v37;
	v27 =	vmovc v45;
	v44 =	vsub.f32 v21, v13  }
.Ltmp0:
0xa3: {  	v37 =	vsub.f32 v8, v35;
	v38 =	vsub.f32 v9, v14;
	v30 =	vmov v46;
	(pc) =	sbr.rel @p0 .LBB2_3-.Ltmp0, $4  }
0xa4: {  	v36 =	vor.u32 s3, v1;
	s3 =	smov.u32 s0;
	v46 =	vsub.f32 v9, v27;
	v45 =	vsub.f32 v19, v27  }
0xa5: {  	v49 =	vsub.f32 v7, v15;
	v37 =	vmul.f32 v37, v37;
	v38 =	vmul.f32 v38, v38  }
0xa6: {  	v43 =	vmul.f32 v29, v40;
	v48 =	vsub.f32 v8, v26;
	v47 =	vsub.f32 v9, v30  }
0xa7: {  	v40 =	vmul.f32 v28, v40;
	s0 =	sadd.s32 $0x10, s0;
	v37 =	vadd.f32 v38, v37;
	v38 =	vmul.f32 v49, v49  }
0xa8: {  	v49 =	vmul.f32 v41, v42  }
0xa9: {  	v50 =	vmul.f32 v33, v29;
	v52 =	vmul.f32 v39, v46  }
0xaa: {  	v51 =	vsub.f32 v8, v21;
	v42 =	vmul.f32 v44, v42;
	v63 =	vmul.f32 v45, v46  }
0xab: {  	v53 =	vmul.f32 v48, v41;
	v48 =	vmul.f32 v44, v48;
	v54 =	vsub.f32 v9, v19  }
0xac: {  	v59 =	vmul.f32 v47, v39;
	v60 =	vmul.f32 v45, v47;
	v61 =	vsub.f32 v7, v11  }
0xad: {  	v57 =	vmul.f32 v51, v41;
	v58 =	vmul.f32 v51, v44;
	v49 =	vadd.f32 v52, v49  }
0xae: {  	v62 =	vmul.f32 v54, v39;
	v42 =	vadd.f32 v63, v42;
	v63 =	vmul.f32 v54, v45  }
0xaf: {  	v54 =	vadd.f32 v59, v53;
	v47 =	vadd.f32 v60, v48;
	v55 =	vmul.f32 v61, v29  }
0xb0: {  	v39 =	vadd.f32 v62, v57;
	v56 =	vadd.f32 v63, v58;
	v57 =	vmul.f32 v61, v28  }
0xb1: {  	v43 =	vadd.f32 v43, v49;
	v40 =	vadd.f32 v40, v42;
	v58 =	vmul.f32 v28, v33  }
0xb2: {  	v29 =	vadd.f32 v55, v39;
	v33 =	vadd.f32 v57, v56  }
0xb3: {  	v39 =	vadd.f32 v50, v54;
	v28 =	vadd.f32 v58, v47  }
0xb4: {  	v59 =	vmul.f32 v40, v29;
	v60 =	vmul.f32 v33, v43  }
0xb5: {  	v44 =	vmul.f32 v33, v39;
	v61 =	vmul.f32 v28, v29  }
0xb6: {  	v62 =	vmul.f32 v28, v43;
	v63 =	vsub.f32 v43, v39  }
0xb7: {  	v53 =	vmul.f32 v40, v39;
	v41 =	vsub.f32 v59, v60;
	v42 =	vsub.f32 v44, v61  }
0xb8: {  	v45 =	vsub.f32 v28, v39;
	v50 =	vsub.f32 v29, v33  }
0xb9: {  	v46 =	vsub.f32 v62, v53;
	v54 =	vadd.f32 v41, v42  }
0xba: {  	v44 =	vsub.f32 v40, v33;
	v55 =	vand.u32 $0x7FFFFFFF, v63;
	vm0 =	vlt.f32 v63, $0.0e+00  }
0xbb: {  	v58 =	vadd.f32 v50, v45;
	vm2 =	vlt.f32 v55, $9.999999960e-13;
	v48 =	vadd.f32 v54, v46  }
0xbc: {  	v57 =	vsel vm0, $0xAB8CBCCC, v0;
	v56 =	vand.u32 $0x7FFFFFFF, v44;
	vm1 =	vlt.f32 v44, $0.0e+00  }
0xbd: {  	v47 =	vsel vm2, v57, v63;
	v59 =	vand.u32 $0x7FFFFFFF, v48;
	vm9 =	vlt.f32 v48, $0.0e+00  }
0xbe: {  	v61 =	vand.u32 $0x7FFFFFFF, v58;
	vm3 =	vlt.f32 v59, $9.999999960e-13;
	v60 =	vsel vm9, $0xAB8CBCCC, v0  }
0xbf: {  	vm11 =	vlt.f32 v58, $0.0e+00;
	vm10 =	vlt.f32 v56, $9.999999960e-13;
	v48 =	vsel vm3, v60, v48  }
0xc0: {  	vm12 =	vlt.f32 v61, $9.999999960e-13;
	v62 =	vsel vm11, $0xAB8CBCCC, v0;
	(erf) = vrcp.f32 v48  }
0xc1: {  	v63 =	vsel vm1, $0xAB8CBCCC, v0;
	v49 =	vsel vm12, v62, v58;
	(erf) = vrcp.f32 v47  }
0xc2: {  	v44 =	vsel vm10, v63, v44;
	(erf) = vrcp.f32 v49  }
0xc3: {  	vm13 =	vle.f32 v43, $0.0e+00;
	(erf) = vrcp.f32 v44  }
0xc4: {  	vm14 =	vle.f32 v40, $0.0e+00;
	vm4 =	vge.f32 v43, $0.0e+00;
	vm8 =	vge.f32 v40, $0.0e+00  }
0xc5: {  	vm15 =	vge.f32 v39, $0.0e+00;
	vm5 =	vle.f32 v39, $0.0e+00;
	vm6 =	vge.f32 v33, $0.0e+00  }
0xc6: {  	vm7 =	vle.f32 v29, v33;
	vm0 =	vmand vm13, vm14;
	vm13 =	vge.f32 v45, $0.0e+00  }
0xc7: {  	vm14 =	vge.f32 v50, $0.0e+00;
	vm2 =	vmand vm6, vm7;
	vm12 =	vle.f32 v28, v39  }
0xc8: {  	vm11 =	vle.f32 v41, $0.0e+00;
	vm10 =	vle.f32 v46, $0.0e+00;
	vm1 =	vmand vm15, vm12  }
0xc9: {  	vm5 =	vmand vm10, vm5;
	vm10 =	vle.f32 v42, $0.0e+00;
	vm15 =	vmor vm0, vm1;
	v49 =	vpop (erf)  }
0xca: {  	vm4 =	vmand vm5, vm4;
	vm9 =	vle.f32 v33, $0.0e+00;
	v50 =	vmul.f32 v49, v41;
	v51 =	vpop (erf)  }
0xcb: {  	vm12 =	vmor vm15, vm4;
	vm3 =	vmand vm13, vm14;
	vm11 =	vmand vm11, vm9;
	v52 =	vpop (erf)  }
0xcc: {  	v28 =	vmul.f32 v49, v46;
	v39 =	vmul.f32 v52, v45;
	v41 =	vsub.f32 $1.000000000e+00, v50;
	v53 =	vpop (erf)  }
0xcd: {  	vm3 =	vmand vm3, vm10;
	v33 =	vmul.f32 v51, v43;
	v40 =	vmul.f32 v53, v40  }
0xce: {  	vm5 =	vmand vm11, vm8;
	v41 =	vsub.f32 v41, v28;
	v54 =	vsub.f32 $1.000000000e+00, v39  }
0xcf: {  	vm13 =	vmor vm2, vm5;
	v56 =	vsub.f32 $1.000000000e+00, v33;
	v55 =	vsub.f32 $1.000000000e+00, v40  }
0xd0: {  	v28 =	vsel vm3, v39, v28;
	v41 =	vsel vm3, $0x0, v41;
	v29 =	vsel vm3, v54, v50  }
0xd1: {  	v28 =	vsel vm5, v40, v28;
	v57 =	vsel vm5, v55, v41;
	v29 =	vsel vm13, $0x0, v29  }
0xd2: {  	v28 =	vsel vm2, $0x3F800000, v28;
	v39 =	vsel vm2, $0x0, v57;
	v29 =	vsel vm4, v33, v29  }
0xd3: {  	v28 =	vsel vm12, $0x0, v28;
	v58 =	vsel vm4, v56, v39;
	v29 =	vsel vm1, $0x3F800000, v29  }
0xd4: {  	v59 =	vmul.f32 v28, v21;
	v33 =	vsel vm1, $0x0, v58;
	v29 =	vsel vm0, $0x0, v29  }
0xd5: {  	v33 =	vsel vm0, $0x3F800000, v33;
	v26 =	vmul.f32 v29, v26;
	v30 =	vmul.f32 v29, v30  }
0xd6: {  	v13 =	vmul.f32 v33, v13;
	v27 =	vmul.f32 v33, v27  }
0xd7: {  	v12 =	vmul.f32 v29, v12;
	v10 =	vmul.f32 v33, v10  }
0xd8: {  	v61 =	vmul.f32 v28, v19;
	v13 =	vadd.f32 v13, v26;
	v60 =	vadd.f32 v27, v30  }
0xd9: {  	v62 =	vmul.f32 v28, v11;
	v10 =	vadd.f32 v10, v12  }
0xda: {  	v63 =	vadd.f32 v13, v59;
	v21 =	vadd.f32 v60, v61  }
0xdb: {  	v10 =	vadd.f32 v10, v62  }
0xdc: {  	v26 =	vsub.f32 v8, v63;
	v27 =	vsub.f32 v9, v21;
	_ =	sdelay $0x1  }
0xdd: {  	v7 =	vsub.f32 v7, v10;
	v8 =	vmul.f32 v26, v26;
	v9 =	vmul.f32 v27, v27  }
0xde: {  	v30 =	vadd.f32 v37, v38  }
0xdf: {  	v7 =	vmul.f32 v7, v7;
	v8 =	vadd.f32 v9, v8  }
0xe0: {  	v43 =	vor.u32 s3, v1;
	vm14 =	vlt.f32 v30, v16  }
0xe1: {  	v37 =	vsel vm14, v30, v16;
	v38 =	vsel vm14, v36, v17;
	v7 =	vadd.f32 v8, v7  }
0xe2: {  	v39 =	vsel vm14, v34, v18;
	v40 =	vsel vm14, v32, v22;
	v41 =	vsel vm14, v31, v23  }
0xe3: {  	v42 =	vsel vm14, v35, v24;
	v14 =	vsel vm14, v14, v25;
	vm15 =	vlt.f32 v7, v37  }
0xe4: {  	v15 =	vsel vm14, v15, v20;
	v7 =	vsel vm15, v7, v37;
	v44 =	vsel vm15, v43, v38  }
0xe5: {  	v45 =	vsel vm15, v33, v39;
	v8 =	vsel vm15, v29, v40;
	v46 =	vsel vm15, v28, v41  }
0xe6: {  	v12 =	vsel vm15, v63, v42;
	v47 =	vperm.xlane v7, v2;
	v48 =	vperm.xlane v44, v2  }
0xe7: {  	v13 =	vsel vm15, v21, v14;
	v10 =	vsel vm15, v10, v15;
	v49 =	vperm.xlane v45, v2  }
0xe8: {  	v50 =	vperm.xlane v8, v2;
	vm4 =	veq.f32 v47, v7;
	vm5 =	vlt.s32 v48, v44  }
0xe9: {  	v51 =	vperm.xlane v46, v2;
	vm6 =	vlt.f32 v47, v7;
	vm0 =	vmand vm4, vm5  }
0xea: {  	v52 =	vperm.xlane v12, v2;
	v53 =	vperm.xlane v13, v2;
	vm0 =	vmor vm6, vm0  }
0xeb: {  	v54 =	vperm.xlane v10, v2;
	v7 =	vsel vm0, v47, v7;
	v9 =	vsel vm0, v48, v44  }
0xec: {  	v11 =	vsel vm0, v49, v45;
	v8 =	vsel vm0, v50, v8;
	v55 =	vsel vm0, v51, v46  }
0xed: {  	v12 =	vsel vm0, v52, v12;
	v56 =	vperm.xlane v7, v3;
	v57 =	vperm.xlane v9, v3  }
0xee: {  	v13 =	vsel vm0, v53, v13;
	v10 =	vsel vm0, v54, v10;
	v58 =	vperm.xlane v11, v3  }
0xef: {  	v59 =	vperm.xlane v8, v3;
	vm7 =	veq.f32 v56, v7;
	vm8 =	vlt.s32 v57, v9  }
0xf0: {  	v19 =	vperm.xlane v55, v3;
	vm9 =	vlt.f32 v56, v7;
	vm0 =	vmand vm7, vm8  }
0xf1: {  	v20 =	vperm.xlane v12, v3;
	v21 =	vperm.xlane v13, v3;
	vm0 =	vmor vm9, vm0  }
0xf2: {  	v22 =	vperm.xlane v10, v3;
	v7 =	vsel vm0, v56, v7;
	v9 =	vsel vm0, v57, v9  }
0xf3: {  	v11 =	vsel vm0, v58, v11;
	v15 =	vperm.xlane v7, v4;
	v16 =	vperm.xlane v9, v4  }
0xf4: {  	v8 =	vsel vm0, v59, v8;
	v14 =	vsel vm0, v19, v55;
	v12 =	vsel vm0, v20, v12  }
0xf5: {  	v13 =	vsel vm0, v21, v13;
	vm10 =	veq.f32 v15, v7;
	vm11 =	vlt.s32 v16, v9  }
0xf6: {  	v17 =	vperm.xlane v11, v4;
	vm12 =	vlt.f32 v15, v7;
	vm1 =	vmand vm10, vm11  }
0xf7: {  	v18 =	vperm.xlane v8, v4;
	v19 =	vperm.xlane v14, v4;
	vm1 =	vmor vm12, vm1  }
0xf8: {  	v20 =	vperm.xlane v12, v4;
	v7 =	vsel vm1, v15, v7;
	v9 =	vsel vm1, v16, v9  }
0xf9: {  	v10 =	vsel vm0, v22, v10;
	v15 =	vperm.xlane v7, v5;
	v16 =	vperm.xlane v9, v5  }
0xfa: {  	v21 =	vperm.xlane v13, v4;
	v22 =	vperm.xlane v10, v4;
	v11 =	vsel vm1, v17, v11  }
0xfb: {  	v8 =	vsel vm1, v18, v8;
	vm13 =	veq.f32 v15, v7;
	vm14 =	vlt.s32 v16, v9  }
0xfc: {  	v14 =	vsel vm1, v19, v14;
	vm15 =	vlt.f32 v15, v7;
	vm0 =	vmand vm13, vm14  }
0xfd: {  	v12 =	vsel vm1, v20, v12;
	v13 =	vsel vm1, v21, v13;
	vm0 =	vmor vm15, vm0  }
0xfe: {  	v10 =	vsel vm1, v22, v10;
	v17 =	vperm.xlane v11, v5;
	v7 =	vsel vm0, v15, v7  }
0xff: {  	v60 =	vperm.xlane v8, v5;
	v9 =	vsel vm0, v16, v9;
	[tilespmem:v6+s20+$0x0] =	vst.idx.msk $0x1, v7  }
0x100: {  	s30 =	sadd.s32 $0x1, s30;
	v11 =	vsel vm0, v17, v11;
	v7 =	vperm.xlane v14, v5;
	[tilespmem:v6+s21+$0x0] =	vst.idx.msk $0x1, v9  }
0x101: {  	p0 =	sne.s32 s30, $0x48;
	v61 =	vperm.xlane v12, v5;
	v8 =	vsel vm0, v60, v8;
	[tilespmem:v6+s22+$0x0] =	vst.idx.msk $0x1, v11  }
.Ltmp1:
0x102: {  	v62 =	vperm.xlane v13, v5;
	v7 =	vsel vm0, v7, v14;
	[tilespmem:v6+s23+$0x0] =	vst.idx.msk $0x1, v8;
	(pc) =	sbr.rel @p0 .LBB2_2-.Ltmp1, $4  }
0x103: {  	v63 =	vperm.xlane v10, v5;
	v9 =	vsel vm0, v61, v12;
	[tilespmem:v6+s24+$0x0] =	vst.idx.msk $0x1, v7  }
0x104: {  	v7 =	vsel vm0, v62, v13;
	[tilespmem:v6+s25+$0x0] =	vst.idx.msk $0x1, v9  }
0x105: {  	v8 =	vsel vm0, v63, v10;
	[tilespmem:v6+s26+$0x0] =	vst.idx.msk $0x1, v7  }
0x106: {  	[tilespmem:v6+s28+$0x0] =	vst.idx.msk $0x1, v8  }
0x107: {  	[hbm4b:s4+s2] =	stream.linear.scatter [tilespmem:s20], [sflag:$0x1], $0x48, $0x38;
	[tilespmem:$0x9580] =	vst v63  }
0x108: {  	_ =	swait.ge [sflag:s16], $0x48  }
0x109: {  	[sflag:s16] =	ssyncset.done $0x0  }
0x10a: {  	[sflag:s16] =	ssyncadd.s32 $0xFFFFFFB8  }
0x10b: {  	[hbm4b:s8+s2] =	stream.linear.scatter [tilespmem:s21], [sflag:$0x1], $0x48, $0x38;
	[tilespmem:$0x9580] =	vst v63  }
0x10c: {  	_ =	swait.ge [sflag:s16], $0x48  }
0x10d: {  	[sflag:s16] =	ssyncset.done $0x0  }
0x10e: {  	[sflag:s16] =	ssyncadd.s32 $0xFFFFFFB8  }
0x10f: {  	[hbm4b:s9+s2] =	stream.linear.scatter [tilespmem:s22], [sflag:$0x1], $0x48, $0x38;
	[tilespmem:$0x9580] =	vst v63  }
0x110: {  	_ =	swait.ge [sflag:s16], $0x48  }
0x111: {  	[sflag:s16] =	ssyncset.done $0x0  }
0x112: {  	[sflag:s16] =	ssyncadd.s32 $0xFFFFFFB8  }
0x113: {  	[hbm4b:s10+s2] =	stream.linear.scatter [tilespmem:s23], [sflag:$0x1], $0x48, $0x38;
	[tilespmem:$0x9580] =	vst v63  }
0x114: {  	_ =	swait.ge [sflag:s16], $0x48  }
0x115: {  	[sflag:s16] =	ssyncset.done $0x0  }
0x116: {  	[sflag:s16] =	ssyncadd.s32 $0xFFFFFFB8  }
0x117: {  	[hbm4b:s11+s2] =	stream.linear.scatter [tilespmem:s24], [sflag:$0x1], $0x48, $0x38;
	[tilespmem:$0x9580] =	vst v63  }
0x118: {  	_ =	swait.ge [sflag:s16], $0x48  }
0x119: {  	[sflag:s16] =	ssyncset.done $0x0  }
0x11a: {  	[sflag:s16] =	ssyncadd.s32 $0xFFFFFFB8  }
0x11b: {  	[hbm4b:s12+s2] =	stream.linear.scatter [tilespmem:s25], [sflag:$0x1], $0x48, $0x38;
	[tilespmem:$0x9580] =	vst v63  }
0x11c: {  	_ =	swait.ge [sflag:s16], $0x48  }
0x11d: {  	[sflag:s16] =	ssyncset.done $0x0  }
0x11e: {  	[sflag:s16] =	ssyncadd.s32 $0xFFFFFFB8  }
0x11f: {  	[hbm4b:s13+s2] =	stream.linear.scatter [tilespmem:s26], [sflag:$0x1], $0x48, $0x38;
	[tilespmem:$0x9580] =	vst v63  }
0x120: {  	s29 =	sadd.s32 $0x1, s29;
	_ =	swait.ge [sflag:s16], $0x48  }
0x121: {  	p0 =	sne.s32 s29, s15;
	[sflag:s16] =	ssyncset.done $0x0  }
.Ltmp2:
0x122: {  	[sflag:s16] =	ssyncadd.s32 $0xFFFFFFB8;
	(pc) =	sbr.rel @p0 .LBB2_1-.Ltmp2, $4  }
0x123: {  	[hbm4b:s14+s2] =	stream.linear.scatter [tilespmem:s28], [sflag:$0x1], $0x48, $0x38;
	[tilespmem:$0x9580] =	vst v63  }
0x124: {  	_ =	swait.ge [sflag:s16], $0x48  }
0x125: {  	[sflag:s16] =	ssyncset.done $0x0  }
0x126: {  	[sflag:s16] =	ssyncadd.s32 $0xFFFFFFB8  }
0x127: {  	_ =	sfence.sel $0x180000  }
0x128: {  	[bflag:$0x0] =	sbarrier.arrive $0xFFFF  }
0x129: {  	_ =	strace $0x90000047  }
0x12a: {  	s0 =	stileid.u32;
	[bflag:$0x2] =	sbarrier.arrive $0xFFFF  }
0x12b: {  	p0 =	sne.s32 s0, $0x0;
	s0 =	rddreg [dreg:$0x5]  }
0x12c: {  	s0 =	sadd.s32 @!p0 $0x100000, s0  }
0x12d: {  	[sflag:s0] =	ssyncadd.tile.s32 @!p0 $0x1;
	_ =	shalt  }
.Lfunc_end2:
_tile_overlayer_lowered:
.L_overlay_start_2:
0x12e: {  	(tag) =	ssettag $0x2  }
0x12f: {  	s0 =	rddreg [dreg:$0x0];
	s2 =	stileid.u32  }
0x130: {  	s1 =	rddreg [dreg:$0x1];
	p0 =	sne.s32 s2, $0x0  }
0x131: {  	s3 =	rddreg [dreg:$0x2];
	[bflag:$0x3] =	sbarrier.arrive $0xFFFF;
	s2 =	simm.s32 @!p0 $0x1C01  }
0x132: {  	[timem:s3], [sflag:s2] =	dma.local @!p0 [hbm:s0], s1  }
0x133: {  	s0 =	simm.s32 @!p0 $0x1  }
0x134: {  	_ =	swait.ge @!p0 [sflag:s0], s1  }
0x135: {  	s1 =	ssub.s32 @!p0 $0x0, s1;
	[sflag:s0] =	ssyncset.done @!p0 $0x0  }
0x136: {  	[sflag:s0] =	ssyncadd.s32 @!p0 s1  }
0x137: {  	[bflag:$0x3] =	sbarrier.arrive $0xFFFF  }
0x138: {  	_ =	shalt  }

</sc_bundles>
